<compile_context>
chip_gen: v7x
topology: tpu7x:2x2x1
jax: 0.10.2.dev20260603
libtpu: 0.0.44.dev20260713+nightly
codegen_flags: <defaults>
</compile_context>

<pallas_src>
import functools

import jax
import jax.numpy as jnp
from jax import lax
from jax.experimental import pallas as pl
from jax.experimental.pallas import tpu as pltpu
from jax.experimental.pallas import tpu_sc as plsc

_DIM = 64
_GAMMA = 12.0
_C = 128
_L = 16
_U = 8


@functools.lru_cache(maxsize=4)
def _build_sc_call(B):
    info = plsc.get_sparse_core_info()
    nw = info.num_cores * info.num_subcores
    rows_w = B // nw
    n_chunks = rows_w // _C
    assert rows_w % _C == 0 and B % nw == 0

    mesh = plsc.VectorSubcoreMesh(core_axis_name="c", subcore_axis_name="s")

    @functools.partial(
        pl.kernel,
        mesh=mesh,
        out_type=jax.ShapeDtypeStruct((B,), jnp.float32),
        compiler_params=pltpu.CompilerParams(
            needs_layout_passes=False, use_tc_tiling_on_sc=True),
        scratch_types=(
            [pltpu.VMEM((rows_w,), jnp.int32) for _ in range(3)]
            + [pltpu.VMEM((2, _C, 2 * _DIM), jnp.float32) for _ in range(3)]
            + [pltpu.VMEM((_C,), jnp.float32),
               pltpu.SemaphoreType.DMA,
               pltpu.SemaphoreType.DMA]
        ),
    )
    def sc_call(i0_hbm, i1_hbm, i2_hbm, cat_hbm, rel_hbm, out_hbm,
                i0_v, i1_v, i2_v, a_v, b_v, r_v, out_v, sem0, sem1):
        wid = lax.axis_index("s") * info.num_cores + lax.axis_index("c")
        base_w = wid * rows_w
        sems = (sem0, sem1)

        pltpu.sync_copy(i0_hbm.at[pl.ds(base_w, rows_w)], i0_v)
        pltpu.sync_copy(i1_hbm.at[pl.ds(base_w, rows_w)], i1_v)
        pltpu.sync_copy(i2_hbm.at[pl.ds(base_w, rows_w)], i2_v)

        def fire(k, slot):
            sem = sems[slot]
            sl = pl.ds(k * _C, _C)
            return [
                pltpu.async_copy(cat_hbm.at[i0_v.at[sl]], a_v.at[slot], sem),
                pltpu.async_copy(cat_hbm.at[i2_v.at[sl]], b_v.at[slot], sem),
                pltpu.async_copy(rel_hbm.at[i1_v.at[sl]], r_v.at[slot], sem),
            ]

        def compute(slot, k):
            a_s, b_s, r_s = a_v.at[slot], b_v.at[slot], r_v.at[slot]

            def group(g, carry):
                rows = g * _L + lax.iota(jnp.int32, _L)
                zf = jnp.zeros((_L,), jnp.float32)
                zi = jnp.zeros((_L,), jnp.int32)

                def p1(j, c):
                    tph, tpt, rn, cols = c
                    for u in range(_U):
                        col = cols + u
                        colp = col + _DIM
                        tpv = plsc.load_gather(b_s, [rows, colp])
                        hv = plsc.load_gather(a_s, [rows, col])
                        tv = plsc.load_gather(b_s, [rows, col])
                        rv = plsc.load_gather(r_s, [rows, col])
                        tph = tph + tpv * hv
                        tpt = tpt + tpv * tv
                        rn = rn + rv * rv
                    return tph, tpt, rn, cols + _U
                tph, tpt, rn, _ = lax.fori_loop(
                    0, _DIM // _U, p1, (zf, zf, zf, zi))

                dtp = tph - tpt
                x = jnp.maximum(rn, 1.0)
                yi = jnp.int32(0x5F3759DF) - (plsc.bitcast(x, jnp.int32) >> 1)
                y = plsc.bitcast(yi, jnp.float32)
                for _ in range(3):
                    y = y * (1.5 - 0.5 * x * y * y)
                nrm = x * y
                rscale = jnp.where(rn > 1.0, 1.0 / (nrm + 1e-7), 1.0)

                def p2(j, c):
                    acc, cols = c
                    for u in range(_U):
                        col = cols + u
                        colp = col + _DIM
                        hpv = plsc.load_gather(a_s, [rows, colp])
                        hv = plsc.load_gather(a_s, [rows, col])
                        tv = plsc.load_gather(b_s, [rows, col])
                        rv = plsc.load_gather(r_s, [rows, col])
                        s = hpv * dtp + (hv - tv) + rv * rscale
                        acc = acc + jnp.abs(s)
                    return acc, cols + _U
                acc, _ = lax.fori_loop(0, _DIM // _U, p2, (zf, zi))

                out_v[pl.ds(g * _L, _L)] = acc - _GAMMA
                return carry
            lax.fori_loop(0, _C // _L, group, 0)
            pltpu.sync_copy(out_v, out_hbm.at[pl.ds(base_w + k * _C, _C)])

        pend = fire(0, 0)
        for k in range(n_chunks):
            nxt = fire(k + 1, (k + 1) % 2) if k + 1 < n_chunks else []
            for cp in pend:
                cp.wait()
            compute(k % 2, k)
            pend = nxt

    return sc_call


def kernel(pos_sample, ent_embd, rel_embd, ent_p):
    B = pos_sample.shape[0]
    idx = pos_sample.astype(jnp.int32)
    cat = jnp.concatenate([ent_embd, ent_p], axis=1)
    rel128 = jnp.concatenate([rel_embd, ent_embd], axis=1)
    sc_call = _build_sc_call(B)
    score = sc_call(idx[:, 0], idx[:, 1], idx[:, 2], cat, rel128)
    return score[:, None]

# --- scband reference (transcript-rebuilt; emitter-appended) ---
"""Pipeline reference for scband-trans-ij-55808805044392 (READ-ONLY COPY).

The authoritative reference and input builder live on the scoring server;
editing this copy changes nothing except your own understanding.
"""

import jax, jax.numpy as jnp
import numpy as np

ENT_NUM = 1000000
REL_NUM = 1000000
ENT_DIM = 64
REL_DIM = 64
GAMMA = 12.0
B = 16384


def _xavier_uniform(key, shape):
    a = float(np.sqrt(6.0 / (shape[0] + shape[1])))
    return jax.random.uniform(key, shape, minval=-a, maxval=a, dtype=jnp.float32)


def setup_inputs(seed: int = 0):
    key = jax.random.key(seed)
    k1, k2, k3, k4 = jax.random.split(key, 4)
    pos_sample = jax.random.randint(k1, (B, 3), 0, ENT_NUM)
    ent_embd = _xavier_uniform(k2, (ENT_NUM, ENT_DIM))
    rel_embd = _xavier_uniform(k3, (REL_NUM, REL_DIM))
    ent_p = _xavier_uniform(k4, (ENT_NUM, ENT_DIM))
    return {"pos_sample": pos_sample, "ent_embd": ent_embd, "rel_embd": rel_embd, "ent_p": ent_p}


def reference(pos_sample, ent_embd, rel_embd, ent_p):
    # h, r, t lookups (Model.get_pos_embd) plus projection lookups hp, tp (TransIJ.get_pos_embd)
    h = jnp.take(ent_embd, pos_sample[:, 0], axis=0)[:, None, :]
    # nn.Embedding(max_norm=1.0): renormalize looked-up rows whose L2 norm exceeds 1.0
    r_raw = jnp.take(rel_embd, pos_sample[:, 1], axis=0)
    nrm = jnp.linalg.norm(r_raw, axis=-1, keepdims=True)
    r = jnp.where(nrm > 1.0, r_raw * (1.0 / (nrm + 1e-7)), r_raw)[:, None, :]
    t = jnp.take(ent_embd, pos_sample[:, 2], axis=0)[:, None, :]
    hp = jnp.take(ent_p, pos_sample[:, 0], axis=0)[:, None, :]
    tp = jnp.take(ent_p, pos_sample[:, 2], axis=0)[:, None, :]
    tp_h = jnp.sum(tp * h, axis=-1, keepdims=True)
    hp_tp_h = tp_h * hp
    hp_tp_h_h = hp_tp_h + h
    tp_t = jnp.sum(tp * t, axis=-1, keepdims=True)
    hp_tp_t = tp_t * hp
    hp_tp_t_t = hp_tp_t + t
    score = hp_tp_h_h + r - hp_tp_t_t
    # torch.norm(score, p=1, dim=-1) - gamma
    score = jnp.sum(jnp.abs(score), axis=-1) - GAMMA
    return score

if __name__ == "__main__":
    import jax
    _d = setup_inputs()
    print(jax.jit(kernel)(*tuple(_d.values())))

</pallas_src>

<mosaic_0001>
#map = affine_map<(d0, d1) -> (0)>
#map1 = affine_map<(d0, d1) -> (0, 0)>
module attributes {stable_mosaic.version = 14 : i64} {
  func.func @sc_call(%arg0: i32, %arg1: i32, %arg2: memref<16384xi32, #tpu.memory_space<hbm>>, %arg3: memref<16384xi32, #tpu.memory_space<hbm>>, %arg4: memref<16384xi32, #tpu.memory_space<hbm>>, %arg5: memref<1000000x128xf32, #tpu.memory_space<hbm>>, %arg6: memref<1000000x128xf32, #tpu.memory_space<hbm>>, %arg7: memref<16384xf32, #tpu.memory_space<hbm>>, %arg8: memref<512xi32, #tpu.memory_space<vmem>>, %arg9: memref<512xi32, #tpu.memory_space<vmem>>, %arg10: memref<512xi32, #tpu.memory_space<vmem>>, %arg11: memref<2x128x128xf32, #tpu.memory_space<vmem>>, %arg12: memref<2x128x128xf32, #tpu.memory_space<vmem>>, %arg13: memref<2x128x128xf32, #tpu.memory_space<vmem>>, %arg14: memref<128xf32, #tpu.memory_space<vmem>>, %arg15: memref<!tpu.dma_semaphore, #tpu.memory_space<semaphore_mem>>, %arg16: memref<!tpu.dma_semaphore, #tpu.memory_space<semaphore_mem>>) attributes {dimension_semantics = [#tpu.dimension_semantics<core_parallel>, #tpu.dimension_semantics<subcore_parallel>], iteration_bounds = array<i64: 2, 16>, scalar_prefetch = 0 : i64, scratch_operands = 9 : i64, tpu.core_type = #tpu.core_type<sc_vector_subcore>, window_params = [{transform_indices = #map}, {transform_indices = #map}, {transform_indices = #map}, {transform_indices = #map1}, {transform_indices = #map1}, {transform_indices = #map}]} {
    %mul3A = arith.constant 2 : i32
    %mul3A_0 = arith.muli %arg1, %mul3A : i32
    %add3A = arith.addi %mul3A_0, %arg0 : i32
    %mul3A_1 = arith.constant 512 : i32
    %mul3A_2 = arith.muli %add3A, %mul3A_1 : i32
    "tpu.region"() ({
      %run_scoped3A = tpu.sem_alloc : memref<!tpu.dma_semaphore, #tpu.memory_space<semaphore_mem>>
      %dma_start3A_284 = tpu.memref_slice %arg2[%mul3A_2] : memref<16384xi32, #tpu.memory_space<hbm>> -> memref<512xi32, #tpu.memory_space<hbm>>
      %dma_start3A_285 = tpu.memref_slice %arg2[%mul3A_2] : memref<16384xi32, #tpu.memory_space<hbm>> -> memref<512xi32, #tpu.memory_space<hbm>>
      tpu.enqueue_dma source(%dma_start3A_285 : memref<512xi32, #tpu.memory_space<hbm>>) target(%arg8 : memref<512xi32, #tpu.memory_space<vmem>>) target_semaphore(%run_scoped3A : memref<!tpu.dma_semaphore, #tpu.memory_space<semaphore_mem>>)
      %dma_wait3A_286 = tpu.memref_slice %arg2[%mul3A_2] : memref<16384xi32, #tpu.memory_space<hbm>> -> memref<512xi32, #tpu.memory_space<hbm>>
      %dma_wait3A_287 = tpu.memref_slice %arg2[%mul3A_2] : memref<16384xi32, #tpu.memory_space<hbm>> -> memref<512xi32, #tpu.memory_space<hbm>>
      tpu.wait_dma2 semaphore(%run_scoped3A : memref<!tpu.dma_semaphore, #tpu.memory_space<semaphore_mem>>) src(%dma_wait3A_287 : memref<512xi32, #tpu.memory_space<hbm>>) dst(%arg8 : memref<512xi32, #tpu.memory_space<vmem>>)
      tpu.yield
    }) : () -> ()
    "tpu.region"() ({
      %run_scoped3A = tpu.sem_alloc : memref<!tpu.dma_semaphore, #tpu.memory_space<semaphore_mem>>
      %dma_start3A_284 = tpu.memref_slice %arg3[%mul3A_2] : memref<16384xi32, #tpu.memory_space<hbm>> -> memref<512xi32, #tpu.memory_space<hbm>>
      %dma_start3A_285 = tpu.memref_slice %arg3[%mul3A_2] : memref<16384xi32, #tpu.memory_space<hbm>> -> memref<512xi32, #tpu.memory_space<hbm>>
      tpu.enqueue_dma source(%dma_start3A_285 : memref<512xi32, #tpu.memory_space<hbm>>) target(%arg9 : memref<512xi32, #tpu.memory_space<vmem>>) target_semaphore(%run_scoped3A : memref<!tpu.dma_semaphore, #tpu.memory_space<semaphore_mem>>)
      %dma_wait3A_286 = tpu.memref_slice %arg3[%mul3A_2] : memref<16384xi32, #tpu.memory_space<hbm>> -> memref<512xi32, #tpu.memory_space<hbm>>
      %dma_wait3A_287 = tpu.memref_slice %arg3[%mul3A_2] : memref<16384xi32, #tpu.memory_space<hbm>> -> memref<512xi32, #tpu.memory_space<hbm>>
      tpu.wait_dma2 semaphore(%run_scoped3A : memref<!tpu.dma_semaphore, #tpu.memory_space<semaphore_mem>>) src(%dma_wait3A_287 : memref<512xi32, #tpu.memory_space<hbm>>) dst(%arg9 : memref<512xi32, #tpu.memory_space<vmem>>)
      tpu.yield
    }) : () -> ()
    "tpu.region"() ({
      %run_scoped3A = tpu.sem_alloc : memref<!tpu.dma_semaphore, #tpu.memory_space<semaphore_mem>>
      %dma_start3A_284 = tpu.memref_slice %arg4[%mul3A_2] : memref<16384xi32, #tpu.memory_space<hbm>> -> memref<512xi32, #tpu.memory_space<hbm>>
      %dma_start3A_285 = tpu.memref_slice %arg4[%mul3A_2] : memref<16384xi32, #tpu.memory_space<hbm>> -> memref<512xi32, #tpu.memory_space<hbm>>
      tpu.enqueue_dma source(%dma_start3A_285 : memref<512xi32, #tpu.memory_space<hbm>>) target(%arg10 : memref<512xi32, #tpu.memory_space<vmem>>) target_semaphore(%run_scoped3A : memref<!tpu.dma_semaphore, #tpu.memory_space<semaphore_mem>>)
      %dma_wait3A_286 = tpu.memref_slice %arg4[%mul3A_2] : memref<16384xi32, #tpu.memory_space<hbm>> -> memref<512xi32, #tpu.memory_space<hbm>>
      %dma_wait3A_287 = tpu.memref_slice %arg4[%mul3A_2] : memref<16384xi32, #tpu.memory_space<hbm>> -> memref<512xi32, #tpu.memory_space<hbm>>
      tpu.wait_dma2 semaphore(%run_scoped3A : memref<!tpu.dma_semaphore, #tpu.memory_space<semaphore_mem>>) src(%dma_wait3A_287 : memref<512xi32, #tpu.memory_space<hbm>>) dst(%arg10 : memref<512xi32, #tpu.memory_space<vmem>>)
      tpu.yield
    }) : () -> ()
    %dma_start3A = arith.constant 0 : i32
    %dma_start3A_3 = arith.constant 0 : i32
    %dma_start3A_4 = arith.constant 0 : i32
    %dma_start3A_5 = tpu.memref_slice %arg11[%dma_start3A, %dma_start3A_3, %dma_start3A_4] : memref<2x128x128xf32, #tpu.memory_space<vmem>> -> memref<1x128x128xf32, #tpu.memory_space<vmem>>
    %dma_start3A_6 = tpu.memref_squeeze %dma_start3A_5 : memref<1x128x128xf32, #tpu.memory_space<vmem>> -> memref<128x128xf32, #tpu.memory_space<vmem>>
    %dma_start3A_7 = arith.constant 0 : i32
    %dma_start3A_8 = tpu.memref_slice %arg8[%dma_start3A_7] : memref<512xi32, #tpu.memory_space<vmem>> -> memref<128xi32, #tpu.memory_space<vmem>>
    %dma_start3A_9 = arith.constant 0 : i32
    %dma_start3A_10 = arith.constant 0 : i32
    %dma_start3A_11 = tpu.memref_slice %arg5[%dma_start3A_9, %dma_start3A_10] : memref<1000000x128xf32, #tpu.memory_space<hbm>> -> memref<1000000x128xf32, #tpu.memory_space<hbm>>
    tpu.enqueue_indirect_dma source(%dma_start3A_11 : memref<1000000x128xf32, #tpu.memory_space<hbm>>) target(%dma_start3A_6 : memref<128x128xf32, #tpu.memory_space<vmem>>) offsets(%dma_start3A_8 : memref<128xi32, #tpu.memory_space<vmem>>) semaphore(%arg15 : memref<!tpu.dma_semaphore, #tpu.memory_space<semaphore_mem>>)
    %dma_start3A_12 = arith.constant 0 : i32
    %dma_start3A_13 = arith.constant 0 : i32
    %dma_start3A_14 = arith.constant 0 : i32
    %dma_start3A_15 = tpu.memref_slice %arg12[%dma_start3A_12, %dma_start3A_13, %dma_start3A_14] : memref<2x128x128xf32, #tpu.memory_space<vmem>> -> memref<1x128x128xf32, #tpu.memory_space<vmem>>
    %dma_start3A_16 = tpu.memref_squeeze %dma_start3A_15 : memref<1x128x128xf32, #tpu.memory_space<vmem>> -> memref<128x128xf32, #tpu.memory_space<vmem>>
    %dma_start3A_17 = arith.constant 0 : i32
    %dma_start3A_18 = tpu.memref_slice %arg10[%dma_start3A_17] : memref<512xi32, #tpu.memory_space<vmem>> -> memref<128xi32, #tpu.memory_space<vmem>>
    %dma_start3A_19 = arith.constant 0 : i32
    %dma_start3A_20 = arith.constant 0 : i32
    %dma_start3A_21 = tpu.memref_slice %arg5[%dma_start3A_19, %dma_start3A_20] : memref<1000000x128xf32, #tpu.memory_space<hbm>> -> memref<1000000x128xf32, #tpu.memory_space<hbm>>
    tpu.enqueue_indirect_dma source(%dma_start3A_21 : memref<1000000x128xf32, #tpu.memory_space<hbm>>) target(%dma_start3A_16 : memref<128x128xf32, #tpu.memory_space<vmem>>) offsets(%dma_start3A_18 : memref<128xi32, #tpu.memory_space<vmem>>) semaphore(%arg15 : memref<!tpu.dma_semaphore, #tpu.memory_space<semaphore_mem>>)
    %dma_start3A_22 = arith.constant 0 : i32
    %dma_start3A_23 = arith.constant 0 : i32
    %dma_start3A_24 = arith.constant 0 : i32
    %dma_start3A_25 = tpu.memref_slice %arg13[%dma_start3A_22, %dma_start3A_23, %dma_start3A_24] : memref<2x128x128xf32, #tpu.memory_space<vmem>> -> memref<1x128x128xf32, #tpu.memory_space<vmem>>
    %dma_start3A_26 = tpu.memref_squeeze %dma_start3A_25 : memref<1x128x128xf32, #tpu.memory_space<vmem>> -> memref<128x128xf32, #tpu.memory_space<vmem>>
    %dma_start3A_27 = arith.constant 0 : i32
    %dma_start3A_28 = tpu.memref_slice %arg9[%dma_start3A_27] : memref<512xi32, #tpu.memory_space<vmem>> -> memref<128xi32, #tpu.memory_space<vmem>>
    %dma_start3A_29 = arith.constant 0 : i32
    %dma_start3A_30 = arith.constant 0 : i32
    %dma_start3A_31 = tpu.memref_slice %arg6[%dma_start3A_29, %dma_start3A_30] : memref<1000000x128xf32, #tpu.memory_space<hbm>> -> memref<1000000x128xf32, #tpu.memory_space<hbm>>
    tpu.enqueue_indirect_dma source(%dma_start3A_31 : memref<1000000x128xf32, #tpu.memory_space<hbm>>) target(%dma_start3A_26 : memref<128x128xf32, #tpu.memory_space<vmem>>) offsets(%dma_start3A_28 : memref<128xi32, #tpu.memory_space<vmem>>) semaphore(%arg15 : memref<!tpu.dma_semaphore, #tpu.memory_space<semaphore_mem>>)
    %dma_start3A_32 = arith.constant 1 : i32
    %dma_start3A_33 = arith.constant 0 : i32
    %dma_start3A_34 = arith.constant 0 : i32
    %dma_start3A_35 = tpu.memref_slice %arg11[%dma_start3A_32, %dma_start3A_33, %dma_start3A_34] : memref<2x128x128xf32, #tpu.memory_space<vmem>> -> memref<1x128x128xf32, #tpu.memory_space<vmem>>
    %dma_start3A_36 = tpu.memref_squeeze %dma_start3A_35 : memref<1x128x128xf32, #tpu.memory_space<vmem>> -> memref<128x128xf32, #tpu.memory_space<vmem>>
    %dma_start3A_37 = arith.constant 128 : i32
    %dma_start3A_38 = tpu.memref_slice %arg8[%dma_start3A_37] : memref<512xi32, #tpu.memory_space<vmem>> -> memref<128xi32, #tpu.memory_space<vmem>>
    %dma_start3A_39 = arith.constant 0 : i32
    %dma_start3A_40 = arith.constant 0 : i32
    %dma_start3A_41 = tpu.memref_slice %arg5[%dma_start3A_39, %dma_start3A_40] : memref<1000000x128xf32, #tpu.memory_space<hbm>> -> memref<1000000x128xf32, #tpu.memory_space<hbm>>
    tpu.enqueue_indirect_dma source(%dma_start3A_41 : memref<1000000x128xf32, #tpu.memory_space<hbm>>) target(%dma_start3A_36 : memref<128x128xf32, #tpu.memory_space<vmem>>) offsets(%dma_start3A_38 : memref<128xi32, #tpu.memory_space<vmem>>) semaphore(%arg16 : memref<!tpu.dma_semaphore, #tpu.memory_space<semaphore_mem>>)
    %dma_start3A_42 = arith.constant 1 : i32
    %dma_start3A_43 = arith.constant 0 : i32
    %dma_start3A_44 = arith.constant 0 : i32
    %dma_start3A_45 = tpu.memref_slice %arg12[%dma_start3A_42, %dma_start3A_43, %dma_start3A_44] : memref<2x128x128xf32, #tpu.memory_space<vmem>> -> memref<1x128x128xf32, #tpu.memory_space<vmem>>
    %dma_start3A_46 = tpu.memref_squeeze %dma_start3A_45 : memref<1x128x128xf32, #tpu.memory_space<vmem>> -> memref<128x128xf32, #tpu.memory_space<vmem>>
    %dma_start3A_47 = arith.constant 128 : i32
    %dma_start3A_48 = tpu.memref_slice %arg10[%dma_start3A_47] : memref<512xi32, #tpu.memory_space<vmem>> -> memref<128xi32, #tpu.memory_space<vmem>>
    %dma_start3A_49 = arith.constant 0 : i32
    %dma_start3A_50 = arith.constant 0 : i32
    %dma_start3A_51 = tpu.memref_slice %arg5[%dma_start3A_49, %dma_start3A_50] : memref<1000000x128xf32, #tpu.memory_space<hbm>> -> memref<1000000x128xf32, #tpu.memory_space<hbm>>
    tpu.enqueue_indirect_dma source(%dma_start3A_51 : memref<1000000x128xf32, #tpu.memory_space<hbm>>) target(%dma_start3A_46 : memref<128x128xf32, #tpu.memory_space<vmem>>) offsets(%dma_start3A_48 : memref<128xi32, #tpu.memory_space<vmem>>) semaphore(%arg16 : memref<!tpu.dma_semaphore, #tpu.memory_space<semaphore_mem>>)
    %dma_start3A_52 = arith.constant 1 : i32
    %dma_start3A_53 = arith.constant 0 : i32
    %dma_start3A_54 = arith.constant 0 : i32
    %dma_start3A_55 = tpu.memref_slice %arg13[%dma_start3A_52, %dma_start3A_53, %dma_start3A_54] : memref<2x128x128xf32, #tpu.memory_space<vmem>> -> memref<1x128x128xf32, #tpu.memory_space<vmem>>
    %dma_start3A_56 = tpu.memref_squeeze %dma_start3A_55 : memref<1x128x128xf32, #tpu.memory_space<vmem>> -> memref<128x128xf32, #tpu.memory_space<vmem>>
    %dma_start3A_57 = arith.constant 128 : i32
    %dma_start3A_58 = tpu.memref_slice %arg9[%dma_start3A_57] : memref<512xi32, #tpu.memory_space<vmem>> -> memref<128xi32, #tpu.memory_space<vmem>>
    %dma_start3A_59 = arith.constant 0 : i32
    %dma_start3A_60 = arith.constant 0 : i32
    %dma_start3A_61 = tpu.memref_slice %arg6[%dma_start3A_59, %dma_start3A_60] : memref<1000000x128xf32, #tpu.memory_space<hbm>> -> memref<1000000x128xf32, #tpu.memory_space<hbm>>
    tpu.enqueue_indirect_dma source(%dma_start3A_61 : memref<1000000x128xf32, #tpu.memory_space<hbm>>) target(%dma_start3A_56 : memref<128x128xf32, #tpu.memory_space<vmem>>) offsets(%dma_start3A_58 : memref<128xi32, #tpu.memory_space<vmem>>) semaphore(%arg16 : memref<!tpu.dma_semaphore, #tpu.memory_space<semaphore_mem>>)
    %dma_wait3A = arith.constant 0 : i32
    %dma_wait3A_62 = arith.constant 0 : i32
    %dma_wait3A_63 = arith.constant 0 : i32
    %dma_wait3A_64 = tpu.memref_slice %arg11[%dma_wait3A, %dma_wait3A_62, %dma_wait3A_63] : memref<2x128x128xf32, #tpu.memory_space<vmem>> -> memref<1x128x128xf32, #tpu.memory_space<vmem>>
    %dma_wait3A_65 = tpu.memref_squeeze %dma_wait3A_64 : memref<1x128x128xf32, #tpu.memory_space<vmem>> -> memref<128x128xf32, #tpu.memory_space<vmem>>
    %dma_wait3A_66 = arith.constant 0 : i32
    %dma_wait3A_67 = tpu.memref_slice %arg8[%dma_wait3A_66] : memref<512xi32, #tpu.memory_space<vmem>> -> memref<128xi32, #tpu.memory_space<vmem>>
    %dma_wait3A_68 = arith.constant 0 : i32
    %dma_wait3A_69 = arith.constant 0 : i32
    %dma_wait3A_70 = tpu.memref_slice %arg5[%dma_wait3A_68, %dma_wait3A_69] : memref<1000000x128xf32, #tpu.memory_space<hbm>> -> memref<1000000x128xf32, #tpu.memory_space<hbm>>
    tpu.wait_indirect_dma semaphore(%arg15 : memref<!tpu.dma_semaphore, #tpu.memory_space<semaphore_mem>>) src(%dma_wait3A_70 : memref<1000000x128xf32, #tpu.memory_space<hbm>>) dst(%dma_wait3A_65 : memref<128x128xf32, #tpu.memory_space<vmem>>)
    %dma_wait3A_71 = arith.constant 0 : i32
    %dma_wait3A_72 = arith.constant 0 : i32
    %dma_wait3A_73 = arith.constant 0 : i32
    %dma_wait3A_74 = tpu.memref_slice %arg12[%dma_wait3A_71, %dma_wait3A_72, %dma_wait3A_73] : memref<2x128x128xf32, #tpu.memory_space<vmem>> -> memref<1x128x128xf32, #tpu.memory_space<vmem>>
    %dma_wait3A_75 = tpu.memref_squeeze %dma_wait3A_74 : memref<1x128x128xf32, #tpu.memory_space<vmem>> -> memref<128x128xf32, #tpu.memory_space<vmem>>
    %dma_wait3A_76 = arith.constant 0 : i32
    %dma_wait3A_77 = tpu.memref_slice %arg10[%dma_wait3A_76] : memref<512xi32, #tpu.memory_space<vmem>> -> memref<128xi32, #tpu.memory_space<vmem>>
    %dma_wait3A_78 = arith.constant 0 : i32
    %dma_wait3A_79 = arith.constant 0 : i32
    %dma_wait3A_80 = tpu.memref_slice %arg5[%dma_wait3A_78, %dma_wait3A_79] : memref<1000000x128xf32, #tpu.memory_space<hbm>> -> memref<1000000x128xf32, #tpu.memory_space<hbm>>
    tpu.wait_indirect_dma semaphore(%arg15 : memref<!tpu.dma_semaphore, #tpu.memory_space<semaphore_mem>>) src(%dma_wait3A_80 : memref<1000000x128xf32, #tpu.memory_space<hbm>>) dst(%dma_wait3A_75 : memref<128x128xf32, #tpu.memory_space<vmem>>)
    %dma_wait3A_81 = arith.constant 0 : i32
    %dma_wait3A_82 = arith.constant 0 : i32
    %dma_wait3A_83 = arith.constant 0 : i32
    %dma_wait3A_84 = tpu.memref_slice %arg13[%dma_wait3A_81, %dma_wait3A_82, %dma_wait3A_83] : memref<2x128x128xf32, #tpu.memory_space<vmem>> -> memref<1x128x128xf32, #tpu.memory_space<vmem>>
    %dma_wait3A_85 = tpu.memref_squeeze %dma_wait3A_84 : memref<1x128x128xf32, #tpu.memory_space<vmem>> -> memref<128x128xf32, #tpu.memory_space<vmem>>
    %dma_wait3A_86 = arith.constant 0 : i32
    %dma_wait3A_87 = tpu.memref_slice %arg9[%dma_wait3A_86] : memref<512xi32, #tpu.memory_space<vmem>> -> memref<128xi32, #tpu.memory_space<vmem>>
    %dma_wait3A_88 = arith.constant 0 : i32
    %dma_wait3A_89 = arith.constant 0 : i32
    %dma_wait3A_90 = tpu.memref_slice %arg6[%dma_wait3A_88, %dma_wait3A_89] : memref<1000000x128xf32, #tpu.memory_space<hbm>> -> memref<1000000x128xf32, #tpu.memory_space<hbm>>
    tpu.wait_indirect_dma semaphore(%arg15 : memref<!tpu.dma_semaphore, #tpu.memory_space<semaphore_mem>>) src(%dma_wait3A_90 : memref<1000000x128xf32, #tpu.memory_space<hbm>>) dst(%dma_wait3A_85 : memref<128x128xf32, #tpu.memory_space<vmem>>)
    %scan3A = arith.constant 0 : i32
    %scan3A_91 = arith.constant 0 : i32
    %scan3A_92 = arith.constant 0 : i32
    %scan3A_93 = arith.constant 0 : i32
    %scan3A_94 = arith.constant 0 : i32
    %scan3A_95 = arith.constant 8 : i32
    %scan3A_96 = arith.addi %scan3A_94, %scan3A_95 : i32
    %scan3A_97 = arith.constant 1 : i32
    scf.for %scan3A_284 = %scan3A_94 to %scan3A_96 step %scan3A_97  : i32 {
      %mul3A_285 = arith.constant 16 : i32
      %mul3A_286 = arith.muli %scan3A_284, %mul3A_285 : i32
      %iota3A = tpu.iota {dimensions = array<i32: 0>} : vector<16xi32>
      %add3A_287 = vector.broadcast %mul3A_286 : i32 to vector<16xi32>
      %add3A_288 = arith.addi %add3A_287, %iota3A : vector<16xi32>
      %broadcast_in_dim3A = arith.constant 0.000000e+00 : f32
      %broadcast_in_dim3A_289 = vector.broadcast %broadcast_in_dim3A : f32 to vector<16xf32>
      %broadcast_in_dim3A_290 = arith.constant 0 : i32
      %broadcast_in_dim3A_291 = vector.broadcast %broadcast_in_dim3A_290 : i32 to vector<16xi32>
      %scan3A_292 = arith.constant 0 : i32
      %scan3A_293 = arith.constant 8 : i32
      %scan3A_294 = arith.addi %scan3A_292, %scan3A_293 : i32
      %scan3A_295 = arith.constant 1 : i32
      %scan3A_296:4 = scf.for %scan3A_354 = %scan3A_292 to %scan3A_294 step %scan3A_295 iter_args(%scan3A_355 = %broadcast_in_dim3A_289, %scan3A_356 = %broadcast_in_dim3A_289, %scan3A_357 = %broadcast_in_dim3A_289, %scan3A_358 = %broadcast_in_dim3A_291) -> (vector<16xf32>, vector<16xf32>, vector<16xf32>, vector<16xi32>)  : i32 {
        %add3A_359 = arith.constant 0 : i32
        %add3A_360 = vector.broadcast %add3A_359 : i32 to vector<16xi32>
        %add3A_361 = arith.addi %scan3A_358, %add3A_360 : vector<16xi32>
        %add3A_362 = arith.constant 64 : i32
        %add3A_363 = vector.broadcast %add3A_362 : i32 to vector<16xi32>
        %add3A_364 = arith.addi %add3A_361, %add3A_363 : vector<16xi32>
        %gather3A = arith.constant 0 : i32
        %gather3A_365 = arith.constant 0 : i32
        %gather3A_366 = tpu.memref_slice %arg12[%scan3A_91, %gather3A, %gather3A_365] : memref<2x128x128xf32, #tpu.memory_space<vmem>> -> memref<1x128x128xf32, #tpu.memory_space<vmem>>
        %gather3A_367 = tpu.memref_squeeze %gather3A_366 : memref<1x128x128xf32, #tpu.memory_space<vmem>> -> memref<128x128xf32, #tpu.memory_space<vmem>>
        %gather3A_368 = tpu.vector_load_idx %gather3A_367[%add3A_288, %add3A_364] : memref<128x128xf32, #tpu.memory_space<vmem>>[vector<16xi32>, vector<16xi32>], vector<16xf32>,
        %gather3A_369 = arith.constant 0 : i32
        %gather3A_370 = arith.constant 0 : i32
        %gather3A_371 = tpu.memref_slice %arg11[%scan3A_92, %gather3A_369, %gather3A_370] : memref<2x128x128xf32, #tpu.memory_space<vmem>> -> memref<1x128x128xf32, #tpu.memory_space<vmem>>
        %gather3A_372 = tpu.memref_squeeze %gather3A_371 : memref<1x128x128xf32, #tpu.memory_space<vmem>> -> memref<128x128xf32, #tpu.memory_space<vmem>>
        %gather3A_373 = tpu.vector_load_idx %gather3A_372[%add3A_288, %add3A_361] : memref<128x128xf32, #tpu.memory_space<vmem>>[vector<16xi32>, vector<16xi32>], vector<16xf32>,
        %gather3A_374 = arith.constant 0 : i32
        %gather3A_375 = arith.constant 0 : i32
        %gather3A_376 = tpu.memref_slice %arg12[%scan3A_91, %gather3A_374, %gather3A_375] : memref<2x128x128xf32, #tpu.memory_space<vmem>> -> memref<1x128x128xf32, #tpu.memory_space<vmem>>
        %gather3A_377 = tpu.memref_squeeze %gather3A_376 : memref<1x128x128xf32, #tpu.memory_space<vmem>> -> memref<128x128xf32, #tpu.memory_space<vmem>>
        %gather3A_378 = tpu.vector_load_idx %gather3A_377[%add3A_288, %add3A_361] : memref<128x128xf32, #tpu.memory_space<vmem>>[vector<16xi32>, vector<16xi32>], vector<16xf32>,
        %gather3A_379 = arith.constant 0 : i32
        %gather3A_380 = arith.constant 0 : i32
        %gather3A_381 = tpu.memref_slice %arg13[%scan3A_93, %gather3A_379, %gather3A_380] : memref<2x128x128xf32, #tpu.memory_space<vmem>> -> memref<1x128x128xf32, #tpu.memory_space<vmem>>
        %gather3A_382 = tpu.memref_squeeze %gather3A_381 : memref<1x128x128xf32, #tpu.memory_space<vmem>> -> memref<128x128xf32, #tpu.memory_space<vmem>>
        %gather3A_383 = tpu.vector_load_idx %gather3A_382[%add3A_288, %add3A_361] : memref<128x128xf32, #tpu.memory_space<vmem>>[vector<16xi32>, vector<16xi32>], vector<16xf32>,
        %mul3A_384 = arith.mulf %gather3A_368, %gather3A_373 : vector<16xf32>
        %add3A_385 = arith.addf %scan3A_355, %mul3A_384 : vector<16xf32>
        %mul3A_386 = arith.mulf %gather3A_368, %gather3A_378 : vector<16xf32>
        %add3A_387 = arith.addf %scan3A_356, %mul3A_386 : vector<16xf32>
        %mul3A_388 = arith.mulf %gather3A_383, %gather3A_383 : vector<16xf32>
        %add3A_389 = arith.addf %scan3A_357, %mul3A_388 : vector<16xf32>
        %add3A_390 = arith.constant 1 : i32
        %add3A_391 = vector.broadcast %add3A_390 : i32 to vector<16xi32>
        %add3A_392 = arith.addi %scan3A_358, %add3A_391 : vector<16xi32>
        %add3A_393 = arith.constant 64 : i32
        %add3A_394 = vector.broadcast %add3A_393 : i32 to vector<16xi32>
        %add3A_395 = arith.addi %add3A_392, %add3A_394 : vector<16xi32>
        %gather3A_396 = arith.constant 0 : i32
        %gather3A_397 = arith.constant 0 : i32
        %gather3A_398 = tpu.memref_slice %arg12[%scan3A_91, %gather3A_396, %gather3A_397] : memref<2x128x128xf32, #tpu.memory_space<vmem>> -> memref<1x128x128xf32, #tpu.memory_space<vmem>>
        %gather3A_399 = tpu.memref_squeeze %gather3A_398 : memref<1x128x128xf32, #tpu.memory_space<vmem>> -> memref<128x128xf32, #tpu.memory_space<vmem>>
        %gather3A_400 = tpu.vector_load_idx %gather3A_399[%add3A_288, %add3A_395] : memref<128x128xf32, #tpu.memory_space<vmem>>[vector<16xi32>, vector<16xi32>], vector<16xf32>,
        %gather3A_401 = arith.constant 0 : i32
        %gather3A_402 = arith.constant 0 : i32
        %gather3A_403 = tpu.memref_slice %arg11[%scan3A_92, %gather3A_401, %gather3A_402] : memref<2x128x128xf32, #tpu.memory_space<vmem>> -> memref<1x128x128xf32, #tpu.memory_space<vmem>>
        %gather3A_404 = tpu.memref_squeeze %gather3A_403 : memref<1x128x128xf32, #tpu.memory_space<vmem>> -> memref<128x128xf32, #tpu.memory_space<vmem>>
        %gather3A_405 = tpu.vector_load_idx %gather3A_404[%add3A_288, %add3A_392] : memref<128x128xf32, #tpu.memory_space<vmem>>[vector<16xi32>, vector<16xi32>], vector<16xf32>,
        %gather3A_406 = arith.constant 0 : i32
        %gather3A_407 = arith.constant 0 : i32
        %gather3A_408 = tpu.memref_slice %arg12[%scan3A_91, %gather3A_406, %gather3A_407] : memref<2x128x128xf32, #tpu.memory_space<vmem>> -> memref<1x128x128xf32, #tpu.memory_space<vmem>>
        %gather3A_409 = tpu.memref_squeeze %gather3A_408 : memref<1x128x128xf32, #tpu.memory_space<vmem>> -> memref<128x128xf32, #tpu.memory_space<vmem>>
        %gather3A_410 = tpu.vector_load_idx %gather3A_409[%add3A_288, %add3A_392] : memref<128x128xf32, #tpu.memory_space<vmem>>[vector<16xi32>, vector<16xi32>], vector<16xf32>,
        %gather3A_411 = arith.constant 0 : i32
        %gather3A_412 = arith.constant 0 : i32
        %gather3A_413 = tpu.memref_slice %arg13[%scan3A_93, %gather3A_411, %gather3A_412] : memref<2x128x128xf32, #tpu.memory_space<vmem>> -> memref<1x128x128xf32, #tpu.memory_space<vmem>>
        %gather3A_414 = tpu.memref_squeeze %gather3A_413 : memref<1x128x128xf32, #tpu.memory_space<vmem>> -> memref<128x128xf32, #tpu.memory_space<vmem>>
        %gather3A_415 = tpu.vector_load_idx %gather3A_414[%add3A_288, %add3A_392] : memref<128x128xf32, #tpu.memory_space<vmem>>[vector<16xi32>, vector<16xi32>], vector<16xf32>,
        %mul3A_416 = arith.mulf %gather3A_400, %gather3A_405 : vector<16xf32>
        %add3A_417 = arith.addf %add3A_385, %mul3A_416 : vector<16xf32>
        %mul3A_418 = arith.mulf %gather3A_400, %gather3A_410 : vector<16xf32>
        %add3A_419 = arith.addf %add3A_387, %mul3A_418 : vector<16xf32>
        %mul3A_420 = arith.mulf %gather3A_415, %gather3A_415 : vector<16xf32>
        %add3A_421 = arith.addf %add3A_389, %mul3A_420 : vector<16xf32>
        %add3A_422 = arith.constant 2 : i32
        %add3A_423 = vector.broadcast %add3A_422 : i32 to vector<16xi32>
        %add3A_424 = arith.addi %scan3A_358, %add3A_423 : vector<16xi32>
        %add3A_425 = arith.constant 64 : i32
        %add3A_426 = vector.broadcast %add3A_425 : i32 to vector<16xi32>
        %add3A_427 = arith.addi %add3A_424, %add3A_426 : vector<16xi32>
        %gather3A_428 = arith.constant 0 : i32
        %gather3A_429 = arith.constant 0 : i32
        %gather3A_430 = tpu.memref_slice %arg12[%scan3A_91, %gather3A_428, %gather3A_429] : memref<2x128x128xf32, #tpu.memory_space<vmem>> -> memref<1x128x128xf32, #tpu.memory_space<vmem>>
        %gather3A_431 = tpu.memref_squeeze %gather3A_430 : memref<1x128x128xf32, #tpu.memory_space<vmem>> -> memref<128x128xf32, #tpu.memory_space<vmem>>
        %gather3A_432 = tpu.vector_load_idx %gather3A_431[%add3A_288, %add3A_427] : memref<128x128xf32, #tpu.memory_space<vmem>>[vector<16xi32>, vector<16xi32>], vector<16xf32>,
        %gather3A_433 = arith.constant 0 : i32
        %gather3A_434 = arith.constant 0 : i32
        %gather3A_435 = tpu.memref_slice %arg11[%scan3A_92, %gather3A_433, %gather3A_434] : memref<2x128x128xf32, #tpu.memory_space<vmem>> -> memref<1x128x128xf32, #tpu.memory_space<vmem>>
        %gather3A_436 = tpu.memref_squeeze %gather3A_435 : memref<1x128x128xf32, #tpu.memory_space<vmem>> -> memref<128x128xf32, #tpu.memory_space<vmem>>
        %gather3A_437 = tpu.vector_load_idx %gather3A_436[%add3A_288, %add3A_424] : memref<128x128xf32, #tpu.memory_space<vmem>>[vector<16xi32>, vector<16xi32>], vector<16xf32>,
        %gather3A_438 = arith.constant 0 : i32
        %gather3A_439 = arith.constant 0 : i32
        %gather3A_440 = tpu.memref_slice %arg12[%scan3A_91, %gather3A_438, %gather3A_439] : memref<2x128x128xf32, #tpu.memory_space<vmem>> -> memref<1x128x128xf32, #tpu.memory_space<vmem>>
        %gather3A_441 = tpu.memref_squeeze %gather3A_440 : memref<1x128x128xf32, #tpu.memory_space<vmem>> -> memref<128x128xf32, #tpu.memory_space<vmem>>
        %gather3A_442 = tpu.vector_load_idx %gather3A_441[%add3A_288, %add3A_424] : memref<128x128xf32, #tpu.memory_space<vmem>>[vector<16xi32>, vector<16xi32>], vector<16xf32>,
        %gather3A_443 = arith.constant 0 : i32
        %gather3A_444 = arith.constant 0 : i32
        %gather3A_445 = tpu.memref_slice %arg13[%scan3A_93, %gather3A_443, %gather3A_444] : memref<2x128x128xf32, #tpu.memory_space<vmem>> -> memref<1x128x128xf32, #tpu.memory_space<vmem>>
        %gather3A_446 = tpu.memref_squeeze %gather3A_445 : memref<1x128x128xf32, #tpu.memory_space<vmem>> -> memref<128x128xf32, #tpu.memory_space<vmem>>
        %gather3A_447 = tpu.vector_load_idx %gather3A_446[%add3A_288, %add3A_424] : memref<128x128xf32, #tpu.memory_space<vmem>>[vector<16xi32>, vector<16xi32>], vector<16xf32>,
        %mul3A_448 = arith.mulf %gather3A_432, %gather3A_437 : vector<16xf32>
        %add3A_449 = arith.addf %add3A_417, %mul3A_448 : vector<16xf32>
        %mul3A_450 = arith.mulf %gather3A_432, %gather3A_442 : vector<16xf32>
        %add3A_451 = arith.addf %add3A_419, %mul3A_450 : vector<16xf32>
        %mul3A_452 = arith.mulf %gather3A_447, %gather3A_447 : vector<16xf32>
        %add3A_453 = arith.addf %add3A_421, %mul3A_452 : vector<16xf32>
        %add3A_454 = arith.constant 3 : i32
        %add3A_455 = vector.broadcast %add3A_454 : i32 to vector<16xi32>
        %add3A_456 = arith.addi %scan3A_358, %add3A_455 : vector<16xi32>
        %add3A_457 = arith.constant 64 : i32
        %add3A_458 = vector.broadcast %add3A_457 : i32 to vector<16xi32>
        %add3A_459 = arith.addi %add3A_456, %add3A_458 : vector<16xi32>
        %gather3A_460 = arith.constant 0 : i32
        %gather3A_461 = arith.constant 0 : i32
        %gather3A_462 = tpu.memref_slice %arg12[%scan3A_91, %gather3A_460, %gather3A_461] : memref<2x128x128xf32, #tpu.memory_space<vmem>> -> memref<1x128x128xf32, #tpu.memory_space<vmem>>
        %gather3A_463 = tpu.memref_squeeze %gather3A_462 : memref<1x128x128xf32, #tpu.memory_space<vmem>> -> memref<128x128xf32, #tpu.memory_space<vmem>>
        %gather3A_464 = tpu.vector_load_idx %gather3A_463[%add3A_288, %add3A_459] : memref<128x128xf32, #tpu.memory_space<vmem>>[vector<16xi32>, vector<16xi32>], vector<16xf32>,
        %gather3A_465 = arith.constant 0 : i32
        %gather3A_466 = arith.constant 0 : i32
        %gather3A_467 = tpu.memref_slice %arg11[%scan3A_92, %gather3A_465, %gather3A_466] : memref<2x128x128xf32, #tpu.memory_space<vmem>> -> memref<1x128x128xf32, #tpu.memory_space<vmem>>
        %gather3A_468 = tpu.memref_squeeze %gather3A_467 : memref<1x128x128xf32, #tpu.memory_space<vmem>> -> memref<128x128xf32, #tpu.memory_space<vmem>>
        %gather3A_469 = tpu.vector_load_idx %gather3A_468[%add3A_288, %add3A_456] : memref<128x128xf32, #tpu.memory_space<vmem>>[vector<16xi32>, vector<16xi32>], vector<16xf32>,
        %gather3A_470 = arith.constant 0 : i32
        %gather3A_471 = arith.constant 0 : i32
        %gather3A_472 = tpu.memref_slice %arg12[%scan3A_91, %gather3A_470, %gather3A_471] : memref<2x128x128xf32, #tpu.memory_space<vmem>> -> memref<1x128x128xf32, #tpu.memory_space<vmem>>
        %gather3A_473 = tpu.memref_squeeze %gather3A_472 : memref<1x128x128xf32, #tpu.memory_space<vmem>> -> memref<128x128xf32, #tpu.memory_space<vmem>>
        %gather3A_474 = tpu.vector_load_idx %gather3A_473[%add3A_288, %add3A_456] : memref<128x128xf32, #tpu.memory_space<vmem>>[vector<16xi32>, vector<16xi32>], vector<16xf32>,
        %gather3A_475 = arith.constant 0 : i32
        %gather3A_476 = arith.constant 0 : i32
        %gather3A_477 = tpu.memref_slice %arg13[%scan3A_93, %gather3A_475, %gather3A_476] : memref<2x128x128xf32, #tpu.memory_space<vmem>> -> memref<1x128x128xf32, #tpu.memory_space<vmem>>
        %gather3A_478 = tpu.memref_squeeze %gather3A_477 : memref<1x128x128xf32, #tpu.memory_space<vmem>> -> memref<128x128xf32, #tpu.memory_space<vmem>>
        %gather3A_479 = tpu.vector_load_idx %gather3A_478[%add3A_288, %add3A_456] : memref<128x128xf32, #tpu.memory_space<vmem>>[vector<16xi32>, vector<16xi32>], vector<16xf32>,
        %mul3A_480 = arith.mulf %gather3A_464, %gather3A_469 : vector<16xf32>
        %add3A_481 = arith.addf %add3A_449, %mul3A_480 : vector<16xf32>
        %mul3A_482 = arith.mulf %gather3A_464, %gather3A_474 : vector<16xf32>
        %add3A_483 = arith.addf %add3A_451, %mul3A_482 : vector<16xf32>
        %mul3A_484 = arith.mulf %gather3A_479, %gather3A_479 : vector<16xf32>
        %add3A_485 = arith.addf %add3A_453, %mul3A_484 : vector<16xf32>
        %add3A_486 = arith.constant 4 : i32
        %add3A_487 = vector.broadcast %add3A_486 : i32 to vector<16xi32>
        %add3A_488 = arith.addi %scan3A_358, %add3A_487 : vector<16xi32>
        %add3A_489 = arith.constant 64 : i32
        %add3A_490 = vector.broadcast %add3A_489 : i32 to vector<16xi32>
        %add3A_491 = arith.addi %add3A_488, %add3A_490 : vector<16xi32>
        %gather3A_492 = arith.constant 0 : i32
        %gather3A_493 = arith.constant 0 : i32
        %gather3A_494 = tpu.memref_slice %arg12[%scan3A_91, %gather3A_492, %gather3A_493] : memref<2x128x128xf32, #tpu.memory_space<vmem>> -> memref<1x128x128xf32, #tpu.memory_space<vmem>>
        %gather3A_495 = tpu.memref_squeeze %gather3A_494 : memref<1x128x128xf32, #tpu.memory_space<vmem>> -> memref<128x128xf32, #tpu.memory_space<vmem>>
        %gather3A_496 = tpu.vector_load_idx %gather3A_495[%add3A_288, %add3A_491] : memref<128x128xf32, #tpu.memory_space<vmem>>[vector<16xi32>, vector<16xi32>], vector<16xf32>,
        %gather3A_497 = arith.constant 0 : i32
        %gather3A_498 = arith.constant 0 : i32
        %gather3A_499 = tpu.memref_slice %arg11[%scan3A_92, %gather3A_497, %gather3A_498] : memref<2x128x128xf32, #tpu.memory_space<vmem>> -> memref<1x128x128xf32, #tpu.memory_space<vmem>>
        %gather3A_500 = tpu.memref_squeeze %gather3A_499 : memref<1x128x128xf32, #tpu.memory_space<vmem>> -> memref<128x128xf32, #tpu.memory_space<vmem>>
        %gather3A_501 = tpu.vector_load_idx %gather3A_500[%add3A_288, %add3A_488] : memref<128x128xf32, #tpu.memory_space<vmem>>[vector<16xi32>, vector<16xi32>], vector<16xf32>,
        %gather3A_502 = arith.constant 0 : i32
        %gather3A_503 = arith.constant 0 : i32
        %gather3A_504 = tpu.memref_slice %arg12[%scan3A_91, %gather3A_502, %gather3A_503] : memref<2x128x128xf32, #tpu.memory_space<vmem>> -> memref<1x128x128xf32, #tpu.memory_space<vmem>>
        %gather3A_505 = tpu.memref_squeeze %gather3A_504 : memref<1x128x128xf32, #tpu.memory_space<vmem>> -> memref<128x128xf32, #tpu.memory_space<vmem>>
        %gather3A_506 = tpu.vector_load_idx %gather3A_505[%add3A_288, %add3A_488] : memref<128x128xf32, #tpu.memory_space<vmem>>[vector<16xi32>, vector<16xi32>], vector<16xf32>,
        %gather3A_507 = arith.constant 0 : i32
        %gather3A_508 = arith.constant 0 : i32
        %gather3A_509 = tpu.memref_slice %arg13[%scan3A_93, %gather3A_507, %gather3A_508] : memref<2x128x128xf32, #tpu.memory_space<vmem>> -> memref<1x128x128xf32, #tpu.memory_space<vmem>>
        %gather3A_510 = tpu.memref_squeeze %gather3A_509 : memref<1x128x128xf32, #tpu.memory_space<vmem>> -> memref<128x128xf32, #tpu.memory_space<vmem>>
        %gather3A_511 = tpu.vector_load_idx %gather3A_510[%add3A_288, %add3A_488] : memref<128x128xf32, #tpu.memory_space<vmem>>[vector<16xi32>, vector<16xi32>], vector<16xf32>,
        %mul3A_512 = arith.mulf %gather3A_496, %gather3A_501 : vector<16xf32>
        %add3A_513 = arith.addf %add3A_481, %mul3A_512 : vector<16xf32>
        %mul3A_514 = arith.mulf %gather3A_496, %gather3A_506 : vector<16xf32>
        %add3A_515 = arith.addf %add3A_483, %mul3A_514 : vector<16xf32>
        %mul3A_516 = arith.mulf %gather3A_511, %gather3A_511 : vector<16xf32>
        %add3A_517 = arith.addf %add3A_485, %mul3A_516 : vector<16xf32>
        %add3A_518 = arith.constant 5 : i32
        %add3A_519 = vector.broadcast %add3A_518 : i32 to vector<16xi32>
        %add3A_520 = arith.addi %scan3A_358, %add3A_519 : vector<16xi32>
        %add3A_521 = arith.constant 64 : i32
        %add3A_522 = vector.broadcast %add3A_521 : i32 to vector<16xi32>
        %add3A_523 = arith.addi %add3A_520, %add3A_522 : vector<16xi32>
        %gather3A_524 = arith.constant 0 : i32
        %gather3A_525 = arith.constant 0 : i32
        %gather3A_526 = tpu.memref_slice %arg12[%scan3A_91, %gather3A_524, %gather3A_525] : memref<2x128x128xf32, #tpu.memory_space<vmem>> -> memref<1x128x128xf32, #tpu.memory_space<vmem>>
        %gather3A_527 = tpu.memref_squeeze %gather3A_526 : memref<1x128x128xf32, #tpu.memory_space<vmem>> -> memref<128x128xf32, #tpu.memory_space<vmem>>
        %gather3A_528 = tpu.vector_load_idx %gather3A_527[%add3A_288, %add3A_523] : memref<128x128xf32, #tpu.memory_space<vmem>>[vector<16xi32>, vector<16xi32>], vector<16xf32>,
        %gather3A_529 = arith.constant 0 : i32
        %gather3A_530 = arith.constant 0 : i32
        %gather3A_531 = tpu.memref_slice %arg11[%scan3A_92, %gather3A_529, %gather3A_530] : memref<2x128x128xf32, #tpu.memory_space<vmem>> -> memref<1x128x128xf32, #tpu.memory_space<vmem>>
        %gather3A_532 = tpu.memref_squeeze %gather3A_531 : memref<1x128x128xf32, #tpu.memory_space<vmem>> -> memref<128x128xf32, #tpu.memory_space<vmem>>
        %gather3A_533 = tpu.vector_load_idx %gather3A_532[%add3A_288, %add3A_520] : memref<128x128xf32, #tpu.memory_space<vmem>>[vector<16xi32>, vector<16xi32>], vector<16xf32>,
        %gather3A_534 = arith.constant 0 : i32
        %gather3A_535 = arith.constant 0 : i32
        %gather3A_536 = tpu.memref_slice %arg12[%scan3A_91, %gather3A_534, %gather3A_535] : memref<2x128x128xf32, #tpu.memory_space<vmem>> -> memref<1x128x128xf32, #tpu.memory_space<vmem>>
        %gather3A_537 = tpu.memref_squeeze %gather3A_536 : memref<1x128x128xf32, #tpu.memory_space<vmem>> -> memref<128x128xf32, #tpu.memory_space<vmem>>
        %gather3A_538 = tpu.vector_load_idx %gather3A_537[%add3A_288, %add3A_520] : memref<128x128xf32, #tpu.memory_space<vmem>>[vector<16xi32>, vector<16xi32>], vector<16xf32>,
        %gather3A_539 = arith.constant 0 : i32
        %gather3A_540 = arith.constant 0 : i32
        %gather3A_541 = tpu.memref_slice %arg13[%scan3A_93, %gather3A_539, %gather3A_540] : memref<2x128x128xf32, #tpu.memory_space<vmem>> -> memref<1x128x128xf32, #tpu.memory_space<vmem>>
        %gather3A_542 = tpu.memref_squeeze %gather3A_541 : memref<1x128x128xf32, #tpu.memory_space<vmem>> -> memref<128x128xf32, #tpu.memory_space<vmem>>
        %gather3A_543 = tpu.vector_load_idx %gather3A_542[%add3A_288, %add3A_520] : memref<128x128xf32, #tpu.memory_space<vmem>>[vector<16xi32>, vector<16xi32>], vector<16xf32>,
        %mul3A_544 = arith.mulf %gather3A_528, %gather3A_533 : vector<16xf32>
        %add3A_545 = arith.addf %add3A_513, %mul3A_544 : vector<16xf32>
        %mul3A_546 = arith.mulf %gather3A_528, %gather3A_538 : vector<16xf32>
        %add3A_547 = arith.addf %add3A_515, %mul3A_546 : vector<16xf32>
        %mul3A_548 = arith.mulf %gather3A_543, %gather3A_543 : vector<16xf32>
        %add3A_549 = arith.addf %add3A_517, %mul3A_548 : vector<16xf32>
        %add3A_550 = arith.constant 6 : i32
        %add3A_551 = vector.broadcast %add3A_550 : i32 to vector<16xi32>
        %add3A_552 = arith.addi %scan3A_358, %add3A_551 : vector<16xi32>
        %add3A_553 = arith.constant 64 : i32
        %add3A_554 = vector.broadcast %add3A_553 : i32 to vector<16xi32>
        %add3A_555 = arith.addi %add3A_552, %add3A_554 : vector<16xi32>
        %gather3A_556 = arith.constant 0 : i32
        %gather3A_557 = arith.constant 0 : i32
        %gather3A_558 = tpu.memref_slice %arg12[%scan3A_91, %gather3A_556, %gather3A_557] : memref<2x128x128xf32, #tpu.memory_space<vmem>> -> memref<1x128x128xf32, #tpu.memory_space<vmem>>
        %gather3A_559 = tpu.memref_squeeze %gather3A_558 : memref<1x128x128xf32, #tpu.memory_space<vmem>> -> memref<128x128xf32, #tpu.memory_space<vmem>>
        %gather3A_560 = tpu.vector_load_idx %gather3A_559[%add3A_288, %add3A_555] : memref<128x128xf32, #tpu.memory_space<vmem>>[vector<16xi32>, vector<16xi32>], vector<16xf32>,
        %gather3A_561 = arith.constant 0 : i32
        %gather3A_562 = arith.constant 0 : i32
        %gather3A_563 = tpu.memref_slice %arg11[%scan3A_92, %gather3A_561, %gather3A_562] : memref<2x128x128xf32, #tpu.memory_space<vmem>> -> memref<1x128x128xf32, #tpu.memory_space<vmem>>
        %gather3A_564 = tpu.memref_squeeze %gather3A_563 : memref<1x128x128xf32, #tpu.memory_space<vmem>> -> memref<128x128xf32, #tpu.memory_space<vmem>>
        %gather3A_565 = tpu.vector_load_idx %gather3A_564[%add3A_288, %add3A_552] : memref<128x128xf32, #tpu.memory_space<vmem>>[vector<16xi32>, vector<16xi32>], vector<16xf32>,
        %gather3A_566 = arith.constant 0 : i32
        %gather3A_567 = arith.constant 0 : i32
        %gather3A_568 = tpu.memref_slice %arg12[%scan3A_91, %gather3A_566, %gather3A_567] : memref<2x128x128xf32, #tpu.memory_space<vmem>> -> memref<1x128x128xf32, #tpu.memory_space<vmem>>
        %gather3A_569 = tpu.memref_squeeze %gather3A_568 : memref<1x128x128xf32, #tpu.memory_space<vmem>> -> memref<128x128xf32, #tpu.memory_space<vmem>>
        %gather3A_570 = tpu.vector_load_idx %gather3A_569[%add3A_288, %add3A_552] : memref<128x128xf32, #tpu.memory_space<vmem>>[vector<16xi32>, vector<16xi32>], vector<16xf32>,
        %gather3A_571 = arith.constant 0 : i32
        %gather3A_572 = arith.constant 0 : i32
        %gather3A_573 = tpu.memref_slice %arg13[%scan3A_93, %gather3A_571, %gather3A_572] : memref<2x128x128xf32, #tpu.memory_space<vmem>> -> memref<1x128x128xf32, #tpu.memory_space<vmem>>
        %gather3A_574 = tpu.memref_squeeze %gather3A_573 : memref<1x128x128xf32, #tpu.memory_space<vmem>> -> memref<128x128xf32, #tpu.memory_space<vmem>>
        %gather3A_575 = tpu.vector_load_idx %gather3A_574[%add3A_288, %add3A_552] : memref<128x128xf32, #tpu.memory_space<vmem>>[vector<16xi32>, vector<16xi32>], vector<16xf32>,
        %mul3A_576 = arith.mulf %gather3A_560, %gather3A_565 : vector<16xf32>
        %add3A_577 = arith.addf %add3A_545, %mul3A_576 : vector<16xf32>
        %mul3A_578 = arith.mulf %gather3A_560, %gather3A_570 : vector<16xf32>
        %add3A_579 = arith.addf %add3A_547, %mul3A_578 : vector<16xf32>
        %mul3A_580 = arith.mulf %gather3A_575, %gather3A_575 : vector<16xf32>
        %add3A_581 = arith.addf %add3A_549, %mul3A_580 : vector<16xf32>
        %add3A_582 = arith.constant 7 : i32
        %add3A_583 = vector.broadcast %add3A_582 : i32 to vector<16xi32>
        %add3A_584 = arith.addi %scan3A_358, %add3A_583 : vector<16xi32>
        %add3A_585 = arith.constant 64 : i32
        %add3A_586 = vector.broadcast %add3A_585 : i32 to vector<16xi32>
        %add3A_587 = arith.addi %add3A_584, %add3A_586 : vector<16xi32>
        %gather3A_588 = arith.constant 0 : i32
        %gather3A_589 = arith.constant 0 : i32
        %gather3A_590 = tpu.memref_slice %arg12[%scan3A_91, %gather3A_588, %gather3A_589] : memref<2x128x128xf32, #tpu.memory_space<vmem>> -> memref<1x128x128xf32, #tpu.memory_space<vmem>>
        %gather3A_591 = tpu.memref_squeeze %gather3A_590 : memref<1x128x128xf32, #tpu.memory_space<vmem>> -> memref<128x128xf32, #tpu.memory_space<vmem>>
        %gather3A_592 = tpu.vector_load_idx %gather3A_591[%add3A_288, %add3A_587] : memref<128x128xf32, #tpu.memory_space<vmem>>[vector<16xi32>, vector<16xi32>], vector<16xf32>,
        %gather3A_593 = arith.constant 0 : i32
        %gather3A_594 = arith.constant 0 : i32
        %gather3A_595 = tpu.memref_slice %arg11[%scan3A_92, %gather3A_593, %gather3A_594] : memref<2x128x128xf32, #tpu.memory_space<vmem>> -> memref<1x128x128xf32, #tpu.memory_space<vmem>>
        %gather3A_596 = tpu.memref_squeeze %gather3A_595 : memref<1x128x128xf32, #tpu.memory_space<vmem>> -> memref<128x128xf32, #tpu.memory_space<vmem>>
        %gather3A_597 = tpu.vector_load_idx %gather3A_596[%add3A_288, %add3A_584] : memref<128x128xf32, #tpu.memory_space<vmem>>[vector<16xi32>, vector<16xi32>], vector<16xf32>,
        %gather3A_598 = arith.constant 0 : i32
        %gather3A_599 = arith.constant 0 : i32
        %gather3A_600 = tpu.memref_slice %arg12[%scan3A_91, %gather3A_598, %gather3A_599] : memref<2x128x128xf32, #tpu.memory_space<vmem>> -> memref<1x128x128xf32, #tpu.memory_space<vmem>>
        %gather3A_601 = tpu.memref_squeeze %gather3A_600 : memref<1x128x128xf32, #tpu.memory_space<vmem>> -> memref<128x128xf32, #tpu.memory_space<vmem>>
        %gather3A_602 = tpu.vector_load_idx %gather3A_601[%add3A_288, %add3A_584] : memref<128x128xf32, #tpu.memory_space<vmem>>[vector<16xi32>, vector<16xi32>], vector<16xf32>,
        %gather3A_603 = arith.constant 0 : i32
        %gather3A_604 = arith.constant 0 : i32
        %gather3A_605 = tpu.memref_slice %arg13[%scan3A_93, %gather3A_603, %gather3A_604] : memref<2x128x128xf32, #tpu.memory_space<vmem>> -> memref<1x128x128xf32, #tpu.memory_space<vmem>>
        %gather3A_606 = tpu.memref_squeeze %gather3A_605 : memref<1x128x128xf32, #tpu.memory_space<vmem>> -> memref<128x128xf32, #tpu.memory_space<vmem>>
        %gather3A_607 = tpu.vector_load_idx %gather3A_606[%add3A_288, %add3A_584] : memref<128x128xf32, #tpu.memory_space<vmem>>[vector<16xi32>, vector<16xi32>], vector<16xf32>,
        %mul3A_608 = arith.mulf %gather3A_592, %gather3A_597 : vector<16xf32>
        %add3A_609 = arith.addf %add3A_577, %mul3A_608 : vector<16xf32>
        %mul3A_610 = arith.mulf %gather3A_592, %gather3A_602 : vector<16xf32>
        %add3A_611 = arith.addf %add3A_579, %mul3A_610 : vector<16xf32>
        %mul3A_612 = arith.mulf %gather3A_607, %gather3A_607 : vector<16xf32>
        %add3A_613 = arith.addf %add3A_581, %mul3A_612 : vector<16xf32>
        %add3A_614 = arith.constant 8 : i32
        %add3A_615 = vector.broadcast %add3A_614 : i32 to vector<16xi32>
        %add3A_616 = arith.addi %scan3A_358, %add3A_615 : vector<16xi32>
        scf.yield %add3A_609, %add3A_611, %add3A_613, %add3A_616 : vector<16xf32>, vector<16xf32>, vector<16xf32>, vector<16xi32>
      }
      %scan3A_297 = arith.constant 8 : i32
      %sub3A = arith.subf %scan3A_296#0, %scan3A_296#1 : vector<16xf32>
      %max3A = arith.constant 1.000000e+00 : f32
      %max3A_298 = vector.broadcast %max3A : f32 to vector<16xf32>
      %max3A_299 = arith.maximumf %scan3A_296#2, %max3A_298 : vector<16xf32>
      %bitcast3A = vector.bitcast %max3A_299 : vector<16xf32> to vector<16xi32>
      %shift_right_arithmetic3A = arith.constant 1 : i32
      %shift_right_arithmetic3A_300 = vector.broadcast %shift_right_arithmetic3A : i32 to vector<16xi32>
      %shift_right_arithmetic3A_301 = arith.shrsi %bitcast3A, %shift_right_arithmetic3A_300 : vector<16xi32>
      %sub3A_302 = arith.constant 1597463007 : i32
      %sub3A_303 = vector.broadcast %sub3A_302 : i32 to vector<16xi32>
      %sub3A_304 = arith.subi %sub3A_303, %shift_right_arithmetic3A_301 : vector<16xi32>
      %bitcast3A_305 = vector.bitcast %sub3A_304 : vector<16xi32> to vector<16xf32>
      %mul3A_306 = arith.constant 5.000000e-01 : f32
      %mul3A_307 = vector.broadcast %mul3A_306 : f32 to vector<16xf32>
      %mul3A_308 = arith.mulf %mul3A_307, %max3A_299 : vector<16xf32>
      %mul3A_309 = arith.mulf %mul3A_308, %bitcast3A_305 : vector<16xf32>
      %mul3A_310 = arith.mulf %mul3A_309, %bitcast3A_305 : vector<16xf32>
      %sub3A_311 = arith.constant 1.500000e+00 : f32
      %sub3A_312 = vector.broadcast %sub3A_311 : f32 to vector<16xf32>
      %sub3A_313 = arith.subf %sub3A_312, %mul3A_310 : vector<16xf32>
      %mul3A_314 = arith.mulf %bitcast3A_305, %sub3A_313 : vector<16xf32>
      %mul3A_315 = arith.constant 5.000000e-01 : f32
      %mul3A_316 = vector.broadcast %mul3A_315 : f32 to vector<16xf32>
      %mul3A_317 = arith.mulf %mul3A_316, %max3A_299 : vector<16xf32>
      %mul3A_318 = arith.mulf %mul3A_317, %mul3A_314 : vector<16xf32>
      %mul3A_319 = arith.mulf %mul3A_318, %mul3A_314 : vector<16xf32>
      %sub3A_320 = arith.constant 1.500000e+00 : f32
      %sub3A_321 = vector.broadcast %sub3A_320 : f32 to vector<16xf32>
      %sub3A_322 = arith.subf %sub3A_321, %mul3A_319 : vector<16xf32>
      %mul3A_323 = arith.mulf %mul3A_314, %sub3A_322 : vector<16xf32>
      %mul3A_324 = arith.constant 5.000000e-01 : f32
      %mul3A_325 = vector.broadcast %mul3A_324 : f32 to vector<16xf32>
      %mul3A_326 = arith.mulf %mul3A_325, %max3A_299 : vector<16xf32>
      %mul3A_327 = arith.mulf %mul3A_326, %mul3A_323 : vector<16xf32>
      %mul3A_328 = arith.mulf %mul3A_327, %mul3A_323 : vector<16xf32>
      %sub3A_329 = arith.constant 1.500000e+00 : f32
      %sub3A_330 = vector.broadcast %sub3A_329 : f32 to vector<16xf32>
      %sub3A_331 = arith.subf %sub3A_330, %mul3A_328 : vector<16xf32>
      %mul3A_332 = arith.mulf %mul3A_323, %sub3A_331 : vector<16xf32>
      %mul3A_333 = arith.mulf %max3A_299, %mul3A_332 : vector<16xf32>
      %gt3A = arith.constant 1.000000e+00 : f32
      %gt3A_334 = vector.broadcast %gt3A : f32 to vector<16xf32>
      %gt3A_335 = arith.cmpf ogt, %scan3A_296#2, %gt3A_334 : vector<16xf32>
      %add3A_336 = arith.constant 1.000000e-07 : f32
      %add3A_337 = vector.broadcast %add3A_336 : f32 to vector<16xf32>
      %add3A_338 = arith.addf %mul3A_333, %add3A_337 : vector<16xf32>
      %div3A = arith.constant 1.000000e+00 : f32
      %div3A_339 = vector.broadcast %div3A : f32 to vector<16xf32>
      %div3A_340 = arith.divf %div3A_339, %add3A_338 : vector<16xf32>
      %jit3A = arith.constant 1.000000e+00 : f32
      %broadcast_in_dim3A_341 = vector.broadcast %jit3A : f32 to vector<16xf32>
      %select_n3A = arith.select %gt3A_335, %div3A_340, %broadcast_in_dim3A_341 : vector<16xi1>, vector<16xf32>
      %scan3A_342 = arith.constant 0 : i32
      %scan3A_343 = arith.constant 8 : i32
      %scan3A_344 = arith.addi %scan3A_342, %scan3A_343 : i32
      %scan3A_345 = arith.constant 1 : i32
      %scan3A_346:2 = scf.for %scan3A_354 = %scan3A_342 to %scan3A_344 step %scan3A_345 iter_args(%scan3A_355 = %broadcast_in_dim3A_289, %scan3A_356 = %broadcast_in_dim3A_291) -> (vector<16xf32>, vector<16xi32>)  : i32 {
        %add3A_357 = arith.constant 0 : i32
        %add3A_358 = vector.broadcast %add3A_357 : i32 to vector<16xi32>
        %add3A_359 = arith.addi %scan3A_356, %add3A_358 : vector<16xi32>
        %add3A_360 = arith.constant 64 : i32
        %add3A_361 = vector.broadcast %add3A_360 : i32 to vector<16xi32>
        %add3A_362 = arith.addi %add3A_359, %add3A_361 : vector<16xi32>
        %gather3A = arith.constant 0 : i32
        %gather3A_363 = arith.constant 0 : i32
        %gather3A_364 = tpu.memref_slice %arg11[%scan3A_92, %gather3A, %gather3A_363] : memref<2x128x128xf32, #tpu.memory_space<vmem>> -> memref<1x128x128xf32, #tpu.memory_space<vmem>>
        %gather3A_365 = tpu.memref_squeeze %gather3A_364 : memref<1x128x128xf32, #tpu.memory_space<vmem>> -> memref<128x128xf32, #tpu.memory_space<vmem>>
        %gather3A_366 = tpu.vector_load_idx %gather3A_365[%add3A_288, %add3A_362] : memref<128x128xf32, #tpu.memory_space<vmem>>[vector<16xi32>, vector<16xi32>], vector<16xf32>,
        %gather3A_367 = arith.constant 0 : i32
        %gather3A_368 = arith.constant 0 : i32
        %gather3A_369 = tpu.memref_slice %arg11[%scan3A_92, %gather3A_367, %gather3A_368] : memref<2x128x128xf32, #tpu.memory_space<vmem>> -> memref<1x128x128xf32, #tpu.memory_space<vmem>>
        %gather3A_370 = tpu.memref_squeeze %gather3A_369 : memref<1x128x128xf32, #tpu.memory_space<vmem>> -> memref<128x128xf32, #tpu.memory_space<vmem>>
        %gather3A_371 = tpu.vector_load_idx %gather3A_370[%add3A_288, %add3A_359] : memref<128x128xf32, #tpu.memory_space<vmem>>[vector<16xi32>, vector<16xi32>], vector<16xf32>,
        %gather3A_372 = arith.constant 0 : i32
        %gather3A_373 = arith.constant 0 : i32
        %gather3A_374 = tpu.memref_slice %arg12[%scan3A_91, %gather3A_372, %gather3A_373] : memref<2x128x128xf32, #tpu.memory_space<vmem>> -> memref<1x128x128xf32, #tpu.memory_space<vmem>>
        %gather3A_375 = tpu.memref_squeeze %gather3A_374 : memref<1x128x128xf32, #tpu.memory_space<vmem>> -> memref<128x128xf32, #tpu.memory_space<vmem>>
        %gather3A_376 = tpu.vector_load_idx %gather3A_375[%add3A_288, %add3A_359] : memref<128x128xf32, #tpu.memory_space<vmem>>[vector<16xi32>, vector<16xi32>], vector<16xf32>,
        %gather3A_377 = arith.constant 0 : i32
        %gather3A_378 = arith.constant 0 : i32
        %gather3A_379 = tpu.memref_slice %arg13[%scan3A_93, %gather3A_377, %gather3A_378] : memref<2x128x128xf32, #tpu.memory_space<vmem>> -> memref<1x128x128xf32, #tpu.memory_space<vmem>>
        %gather3A_380 = tpu.memref_squeeze %gather3A_379 : memref<1x128x128xf32, #tpu.memory_space<vmem>> -> memref<128x128xf32, #tpu.memory_space<vmem>>
        %gather3A_381 = tpu.vector_load_idx %gather3A_380[%add3A_288, %add3A_359] : memref<128x128xf32, #tpu.memory_space<vmem>>[vector<16xi32>, vector<16xi32>], vector<16xf32>,
        %mul3A_382 = arith.mulf %gather3A_366, %sub3A : vector<16xf32>
        %sub3A_383 = arith.subf %gather3A_371, %gather3A_376 : vector<16xf32>
        %add3A_384 = arith.addf %mul3A_382, %sub3A_383 : vector<16xf32>
        %mul3A_385 = arith.mulf %gather3A_381, %select_n3A : vector<16xf32>
        %add3A_386 = arith.addf %add3A_384, %mul3A_385 : vector<16xf32>
        %abs3A = math.absf %add3A_386 : vector<16xf32>
        %add3A_387 = arith.addf %scan3A_355, %abs3A : vector<16xf32>
        %add3A_388 = arith.constant 1 : i32
        %add3A_389 = vector.broadcast %add3A_388 : i32 to vector<16xi32>
        %add3A_390 = arith.addi %scan3A_356, %add3A_389 : vector<16xi32>
        %add3A_391 = arith.constant 64 : i32
        %add3A_392 = vector.broadcast %add3A_391 : i32 to vector<16xi32>
        %add3A_393 = arith.addi %add3A_390, %add3A_392 : vector<16xi32>
        %gather3A_394 = arith.constant 0 : i32
        %gather3A_395 = arith.constant 0 : i32
        %gather3A_396 = tpu.memref_slice %arg11[%scan3A_92, %gather3A_394, %gather3A_395] : memref<2x128x128xf32, #tpu.memory_space<vmem>> -> memref<1x128x128xf32, #tpu.memory_space<vmem>>
        %gather3A_397 = tpu.memref_squeeze %gather3A_396 : memref<1x128x128xf32, #tpu.memory_space<vmem>> -> memref<128x128xf32, #tpu.memory_space<vmem>>
        %gather3A_398 = tpu.vector_load_idx %gather3A_397[%add3A_288, %add3A_393] : memref<128x128xf32, #tpu.memory_space<vmem>>[vector<16xi32>, vector<16xi32>], vector<16xf32>,
        %gather3A_399 = arith.constant 0 : i32
        %gather3A_400 = arith.constant 0 : i32
        %gather3A_401 = tpu.memref_slice %arg11[%scan3A_92, %gather3A_399, %gather3A_400] : memref<2x128x128xf32, #tpu.memory_space<vmem>> -> memref<1x128x128xf32, #tpu.memory_space<vmem>>
        %gather3A_402 = tpu.memref_squeeze %gather3A_401 : memref<1x128x128xf32, #tpu.memory_space<vmem>> -> memref<128x128xf32, #tpu.memory_space<vmem>>
        %gather3A_403 = tpu.vector_load_idx %gather3A_402[%add3A_288, %add3A_390] : memref<128x128xf32, #tpu.memory_space<vmem>>[vector<16xi32>, vector<16xi32>], vector<16xf32>,
        %gather3A_404 = arith.constant 0 : i32
        %gather3A_405 = arith.constant 0 : i32
        %gather3A_406 = tpu.memref_slice %arg12[%scan3A_91, %gather3A_404, %gather3A_405] : memref<2x128x128xf32, #tpu.memory_space<vmem>> -> memref<1x128x128xf32, #tpu.memory_space<vmem>>
        %gather3A_407 = tpu.memref_squeeze %gather3A_406 : memref<1x128x128xf32, #tpu.memory_space<vmem>> -> memref<128x128xf32, #tpu.memory_space<vmem>>
        %gather3A_408 = tpu.vector_load_idx %gather3A_407[%add3A_288, %add3A_390] : memref<128x128xf32, #tpu.memory_space<vmem>>[vector<16xi32>, vector<16xi32>], vector<16xf32>,
        %gather3A_409 = arith.constant 0 : i32
        %gather3A_410 = arith.constant 0 : i32
        %gather3A_411 = tpu.memref_slice %arg13[%scan3A_93, %gather3A_409, %gather3A_410] : memref<2x128x128xf32, #tpu.memory_space<vmem>> -> memref<1x128x128xf32, #tpu.memory_space<vmem>>
        %gather3A_412 = tpu.memref_squeeze %gather3A_411 : memref<1x128x128xf32, #tpu.memory_space<vmem>> -> memref<128x128xf32, #tpu.memory_space<vmem>>
        %gather3A_413 = tpu.vector_load_idx %gather3A_412[%add3A_288, %add3A_390] : memref<128x128xf32, #tpu.memory_space<vmem>>[vector<16xi32>, vector<16xi32>], vector<16xf32>,
        %mul3A_414 = arith.mulf %gather3A_398, %sub3A : vector<16xf32>
        %sub3A_415 = arith.subf %gather3A_403, %gather3A_408 : vector<16xf32>
        %add3A_416 = arith.addf %mul3A_414, %sub3A_415 : vector<16xf32>
        %mul3A_417 = arith.mulf %gather3A_413, %select_n3A : vector<16xf32>
        %add3A_418 = arith.addf %add3A_416, %mul3A_417 : vector<16xf32>
        %abs3A_419 = math.absf %add3A_418 : vector<16xf32>
        %add3A_420 = arith.addf %add3A_387, %abs3A_419 : vector<16xf32>
        %add3A_421 = arith.constant 2 : i32
        %add3A_422 = vector.broadcast %add3A_421 : i32 to vector<16xi32>
        %add3A_423 = arith.addi %scan3A_356, %add3A_422 : vector<16xi32>
        %add3A_424 = arith.constant 64 : i32
        %add3A_425 = vector.broadcast %add3A_424 : i32 to vector<16xi32>
        %add3A_426 = arith.addi %add3A_423, %add3A_425 : vector<16xi32>
        %gather3A_427 = arith.constant 0 : i32
        %gather3A_428 = arith.constant 0 : i32
        %gather3A_429 = tpu.memref_slice %arg11[%scan3A_92, %gather3A_427, %gather3A_428] : memref<2x128x128xf32, #tpu.memory_space<vmem>> -> memref<1x128x128xf32, #tpu.memory_space<vmem>>
        %gather3A_430 = tpu.memref_squeeze %gather3A_429 : memref<1x128x128xf32, #tpu.memory_space<vmem>> -> memref<128x128xf32, #tpu.memory_space<vmem>>
        %gather3A_431 = tpu.vector_load_idx %gather3A_430[%add3A_288, %add3A_426] : memref<128x128xf32, #tpu.memory_space<vmem>>[vector<16xi32>, vector<16xi32>], vector<16xf32>,
        %gather3A_432 = arith.constant 0 : i32
        %gather3A_433 = arith.constant 0 : i32
        %gather3A_434 = tpu.memref_slice %arg11[%scan3A_92, %gather3A_432, %gather3A_433] : memref<2x128x128xf32, #tpu.memory_space<vmem>> -> memref<1x128x128xf32, #tpu.memory_space<vmem>>
        %gather3A_435 = tpu.memref_squeeze %gather3A_434 : memref<1x128x128xf32, #tpu.memory_space<vmem>> -> memref<128x128xf32, #tpu.memory_space<vmem>>
        %gather3A_436 = tpu.vector_load_idx %gather3A_435[%add3A_288, %add3A_423] : memref<128x128xf32, #tpu.memory_space<vmem>>[vector<16xi32>, vector<16xi32>], vector<16xf32>,
        %gather3A_437 = arith.constant 0 : i32
        %gather3A_438 = arith.constant 0 : i32
        %gather3A_439 = tpu.memref_slice %arg12[%scan3A_91, %gather3A_437, %gather3A_438] : memref<2x128x128xf32, #tpu.memory_space<vmem>> -> memref<1x128x128xf32, #tpu.memory_space<vmem>>
        %gather3A_440 = tpu.memref_squeeze %gather3A_439 : memref<1x128x128xf32, #tpu.memory_space<vmem>> -> memref<128x128xf32, #tpu.memory_space<vmem>>
        %gather3A_441 = tpu.vector_load_idx %gather3A_440[%add3A_288, %add3A_423] : memref<128x128xf32, #tpu.memory_space<vmem>>[vector<16xi32>, vector<16xi32>], vector<16xf32>,
        %gather3A_442 = arith.constant 0 : i32
        %gather3A_443 = arith.constant 0 : i32
        %gather3A_444 = tpu.memref_slice %arg13[%scan3A_93, %gather3A_442, %gather3A_443] : memref<2x128x128xf32, #tpu.memory_space<vmem>> -> memref<1x128x128xf32, #tpu.memory_space<vmem>>
        %gather3A_445 = tpu.memref_squeeze %gather3A_444 : memref<1x128x128xf32, #tpu.memory_space<vmem>> -> memref<128x128xf32, #tpu.memory_space<vmem>>
        %gather3A_446 = tpu.vector_load_idx %gather3A_445[%add3A_288, %add3A_423] : memref<128x128xf32, #tpu.memory_space<vmem>>[vector<16xi32>, vector<16xi32>], vector<16xf32>,
        %mul3A_447 = arith.mulf %gather3A_431, %sub3A : vector<16xf32>
        %sub3A_448 = arith.subf %gather3A_436, %gather3A_441 : vector<16xf32>
        %add3A_449 = arith.addf %mul3A_447, %sub3A_448 : vector<16xf32>
        %mul3A_450 = arith.mulf %gather3A_446, %select_n3A : vector<16xf32>
        %add3A_451 = arith.addf %add3A_449, %mul3A_450 : vector<16xf32>
        %abs3A_452 = math.absf %add3A_451 : vector<16xf32>
        %add3A_453 = arith.addf %add3A_420, %abs3A_452 : vector<16xf32>
        %add3A_454 = arith.constant 3 : i32
        %add3A_455 = vector.broadcast %add3A_454 : i32 to vector<16xi32>
        %add3A_456 = arith.addi %scan3A_356, %add3A_455 : vector<16xi32>
        %add3A_457 = arith.constant 64 : i32
        %add3A_458 = vector.broadcast %add3A_457 : i32 to vector<16xi32>
        %add3A_459 = arith.addi %add3A_456, %add3A_458 : vector<16xi32>
        %gather3A_460 = arith.constant 0 : i32
        %gather3A_461 = arith.constant 0 : i32
        %gather3A_462 = tpu.memref_slice %arg11[%scan3A_92, %gather3A_460, %gather3A_461] : memref<2x128x128xf32, #tpu.memory_space<vmem>> -> memref<1x128x128xf32, #tpu.memory_space<vmem>>
        %gather3A_463 = tpu.memref_squeeze %gather3A_462 : memref<1x128x128xf32, #tpu.memory_space<vmem>> -> memref<128x128xf32, #tpu.memory_space<vmem>>
        %gather3A_464 = tpu.vector_load_idx %gather3A_463[%add3A_288, %add3A_459] : memref<128x128xf32, #tpu.memory_space<vmem>>[vector<16xi32>, vector<16xi32>], vector<16xf32>,
        %gather3A_465 = arith.constant 0 : i32
        %gather3A_466 = arith.constant 0 : i32
        %gather3A_467 = tpu.memref_slice %arg11[%scan3A_92, %gather3A_465, %gather3A_466] : memref<2x128x128xf32, #tpu.memory_space<vmem>> -> memref<1x128x128xf32, #tpu.memory_space<vmem>>
        %gather3A_468 = tpu.memref_squeeze %gather3A_467 : memref<1x128x128xf32, #tpu.memory_space<vmem>> -> memref<128x128xf32, #tpu.memory_space<vmem>>
        %gather3A_469 = tpu.vector_load_idx %gather3A_468[%add3A_288, %add3A_456] : memref<128x128xf32, #tpu.memory_space<vmem>>[vector<16xi32>, vector<16xi32>], vector<16xf32>,
        %gather3A_470 = arith.constant 0 : i32
        %gather3A_471 = arith.constant 0 : i32
        %gather3A_472 = tpu.memref_slice %arg12[%scan3A_91, %gather3A_470, %gather3A_471] : memref<2x128x128xf32, #tpu.memory_space<vmem>> -> memref<1x128x128xf32, #tpu.memory_space<vmem>>
        %gather3A_473 = tpu.memref_squeeze %gather3A_472 : memref<1x128x128xf32, #tpu.memory_space<vmem>> -> memref<128x128xf32, #tpu.memory_space<vmem>>
        %gather3A_474 = tpu.vector_load_idx %gather3A_473[%add3A_288, %add3A_456] : memref<128x128xf32, #tpu.memory_space<vmem>>[vector<16xi32>, vector<16xi32>], vector<16xf32>,
        %gather3A_475 = arith.constant 0 : i32
        %gather3A_476 = arith.constant 0 : i32
        %gather3A_477 = tpu.memref_slice %arg13[%scan3A_93, %gather3A_475, %gather3A_476] : memref<2x128x128xf32, #tpu.memory_space<vmem>> -> memref<1x128x128xf32, #tpu.memory_space<vmem>>
        %gather3A_478 = tpu.memref_squeeze %gather3A_477 : memref<1x128x128xf32, #tpu.memory_space<vmem>> -> memref<128x128xf32, #tpu.memory_space<vmem>>
        %gather3A_479 = tpu.vector_load_idx %gather3A_478[%add3A_288, %add3A_456] : memref<128x128xf32, #tpu.memory_space<vmem>>[vector<16xi32>, vector<16xi32>], vector<16xf32>,
        %mul3A_480 = arith.mulf %gather3A_464, %sub3A : vector<16xf32>
        %sub3A_481 = arith.subf %gather3A_469, %gather3A_474 : vector<16xf32>
        %add3A_482 = arith.addf %mul3A_480, %sub3A_481 : vector<16xf32>
        %mul3A_483 = arith.mulf %gather3A_479, %select_n3A : vector<16xf32>
        %add3A_484 = arith.addf %add3A_482, %mul3A_483 : vector<16xf32>
        %abs3A_485 = math.absf %add3A_484 : vector<16xf32>
        %add3A_486 = arith.addf %add3A_453, %abs3A_485 : vector<16xf32>
        %add3A_487 = arith.constant 4 : i32
        %add3A_488 = vector.broadcast %add3A_487 : i32 to vector<16xi32>
        %add3A_489 = arith.addi %scan3A_356, %add3A_488 : vector<16xi32>
        %add3A_490 = arith.constant 64 : i32
        %add3A_491 = vector.broadcast %add3A_490 : i32 to vector<16xi32>
        %add3A_492 = arith.addi %add3A_489, %add3A_491 : vector<16xi32>
        %gather3A_493 = arith.constant 0 : i32
        %gather3A_494 = arith.constant 0 : i32
        %gather3A_495 = tpu.memref_slice %arg11[%scan3A_92, %gather3A_493, %gather3A_494] : memref<2x128x128xf32, #tpu.memory_space<vmem>> -> memref<1x128x128xf32, #tpu.memory_space<vmem>>
        %gather3A_496 = tpu.memref_squeeze %gather3A_495 : memref<1x128x128xf32, #tpu.memory_space<vmem>> -> memref<128x128xf32, #tpu.memory_space<vmem>>
        %gather3A_497 = tpu.vector_load_idx %gather3A_496[%add3A_288, %add3A_492] : memref<128x128xf32, #tpu.memory_space<vmem>>[vector<16xi32>, vector<16xi32>], vector<16xf32>,
        %gather3A_498 = arith.constant 0 : i32
        %gather3A_499 = arith.constant 0 : i32
        %gather3A_500 = tpu.memref_slice %arg11[%scan3A_92, %gather3A_498, %gather3A_499] : memref<2x128x128xf32, #tpu.memory_space<vmem>> -> memref<1x128x128xf32, #tpu.memory_space<vmem>>
        %gather3A_501 = tpu.memref_squeeze %gather3A_500 : memref<1x128x128xf32, #tpu.memory_space<vmem>> -> memref<128x128xf32, #tpu.memory_space<vmem>>
        %gather3A_502 = tpu.vector_load_idx %gather3A_501[%add3A_288, %add3A_489] : memref<128x128xf32, #tpu.memory_space<vmem>>[vector<16xi32>, vector<16xi32>], vector<16xf32>,
        %gather3A_503 = arith.constant 0 : i32
        %gather3A_504 = arith.constant 0 : i32
        %gather3A_505 = tpu.memref_slice %arg12[%scan3A_91, %gather3A_503, %gather3A_504] : memref<2x128x128xf32, #tpu.memory_space<vmem>> -> memref<1x128x128xf32, #tpu.memory_space<vmem>>
        %gather3A_506 = tpu.memref_squeeze %gather3A_505 : memref<1x128x128xf32, #tpu.memory_space<vmem>> -> memref<128x128xf32, #tpu.memory_space<vmem>>
        %gather3A_507 = tpu.vector_load_idx %gather3A_506[%add3A_288, %add3A_489] : memref<128x128xf32, #tpu.memory_space<vmem>>[vector<16xi32>, vector<16xi32>], vector<16xf32>,
        %gather3A_508 = arith.constant 0 : i32
        %gather3A_509 = arith.constant 0 : i32
        %gather3A_510 = tpu.memref_slice %arg13[%scan3A_93, %gather3A_508, %gather3A_509] : memref<2x128x128xf32, #tpu.memory_space<vmem>> -> memref<1x128x128xf32, #tpu.memory_space<vmem>>
        %gather3A_511 = tpu.memref_squeeze %gather3A_510 : memref<1x128x128xf32, #tpu.memory_space<vmem>> -> memref<128x128xf32, #tpu.memory_space<vmem>>
        %gather3A_512 = tpu.vector_load_idx %gather3A_511[%add3A_288, %add3A_489] : memref<128x128xf32, #tpu.memory_space<vmem>>[vector<16xi32>, vector<16xi32>], vector<16xf32>,
        %mul3A_513 = arith.mulf %gather3A_497, %sub3A : vector<16xf32>
        %sub3A_514 = arith.subf %gather3A_502, %gather3A_507 : vector<16xf32>
        %add3A_515 = arith.addf %mul3A_513, %sub3A_514 : vector<16xf32>
        %mul3A_516 = arith.mulf %gather3A_512, %select_n3A : vector<16xf32>
        %add3A_517 = arith.addf %add3A_515, %mul3A_516 : vector<16xf32>
        %abs3A_518 = math.absf %add3A_517 : vector<16xf32>
        %add3A_519 = arith.addf %add3A_486, %abs3A_518 : vector<16xf32>
        %add3A_520 = arith.constant 5 : i32
        %add3A_521 = vector.broadcast %add3A_520 : i32 to vector<16xi32>
        %add3A_522 = arith.addi %scan3A_356, %add3A_521 : vector<16xi32>
        %add3A_523 = arith.constant 64 : i32
        %add3A_524 = vector.broadcast %add3A_523 : i32 to vector<16xi32>
        %add3A_525 = arith.addi %add3A_522, %add3A_524 : vector<16xi32>
        %gather3A_526 = arith.constant 0 : i32
        %gather3A_527 = arith.constant 0 : i32
        %gather3A_528 = tpu.memref_slice %arg11[%scan3A_92, %gather3A_526, %gather3A_527] : memref<2x128x128xf32, #tpu.memory_space<vmem>> -> memref<1x128x128xf32, #tpu.memory_space<vmem>>
        %gather3A_529 = tpu.memref_squeeze %gather3A_528 : memref<1x128x128xf32, #tpu.memory_space<vmem>> -> memref<128x128xf32, #tpu.memory_space<vmem>>
        %gather3A_530 = tpu.vector_load_idx %gather3A_529[%add3A_288, %add3A_525] : memref<128x128xf32, #tpu.memory_space<vmem>>[vector<16xi32>, vector<16xi32>], vector<16xf32>,
        %gather3A_531 = arith.constant 0 : i32
        %gather3A_532 = arith.constant 0 : i32
        %gather3A_533 = tpu.memref_slice %arg11[%scan3A_92, %gather3A_531, %gather3A_532] : memref<2x128x128xf32, #tpu.memory_space<vmem>> -> memref<1x128x128xf32, #tpu.memory_space<vmem>>
        %gather3A_534 = tpu.memref_squeeze %gather3A_533 : memref<1x128x128xf32, #tpu.memory_space<vmem>> -> memref<128x128xf32, #tpu.memory_space<vmem>>
        %gather3A_535 = tpu.vector_load_idx %gather3A_534[%add3A_288, %add3A_522] : memref<128x128xf32, #tpu.memory_space<vmem>>[vector<16xi32>, vector<16xi32>], vector<16xf32>,
        %gather3A_536 = arith.constant 0 : i32
        %gather3A_537 = arith.constant 0 : i32
        %gather3A_538 = tpu.memref_slice %arg12[%scan3A_91, %gather3A_536, %gather3A_537] : memref<2x128x128xf32, #tpu.memory_space<vmem>> -> memref<1x128x128xf32, #tpu.memory_space<vmem>>
        %gather3A_539 = tpu.memref_squeeze %gather3A_538 : memref<1x128x128xf32, #tpu.memory_space<vmem>> -> memref<128x128xf32, #tpu.memory_space<vmem>>
        %gather3A_540 = tpu.vector_load_idx %gather3A_539[%add3A_288, %add3A_522] : memref<128x128xf32, #tpu.memory_space<vmem>>[vector<16xi32>, vector<16xi32>], vector<16xf32>,
        %gather3A_541 = arith.constant 0 : i32
        %gather3A_542 = arith.constant 0 : i32
        %gather3A_543 = tpu.memref_slice %arg13[%scan3A_93, %gather3A_541, %gather3A_542] : memref<2x128x128xf32, #tpu.memory_space<vmem>> -> memref<1x128x128xf32, #tpu.memory_space<vmem>>
        %gather3A_544 = tpu.memref_squeeze %gather3A_543 : memref<1x128x128xf32, #tpu.memory_space<vmem>> -> memref<128x128xf32, #tpu.memory_space<vmem>>
        %gather3A_545 = tpu.vector_load_idx %gather3A_544[%add3A_288, %add3A_522] : memref<128x128xf32, #tpu.memory_space<vmem>>[vector<16xi32>, vector<16xi32>], vector<16xf32>,
        %mul3A_546 = arith.mulf %gather3A_530, %sub3A : vector<16xf32>
        %sub3A_547 = arith.subf %gather3A_535, %gather3A_540 : vector<16xf32>
        %add3A_548 = arith.addf %mul3A_546, %sub3A_547 : vector<16xf32>
        %mul3A_549 = arith.mulf %gather3A_545, %select_n3A : vector<16xf32>
        %add3A_550 = arith.addf %add3A_548, %mul3A_549 : vector<16xf32>
        %abs3A_551 = math.absf %add3A_550 : vector<16xf32>
        %add3A_552 = arith.addf %add3A_519, %abs3A_551 : vector<16xf32>
        %add3A_553 = arith.constant 6 : i32
        %add3A_554 = vector.broadcast %add3A_553 : i32 to vector<16xi32>
        %add3A_555 = arith.addi %scan3A_356, %add3A_554 : vector<16xi32>
        %add3A_556 = arith.constant 64 : i32
        %add3A_557 = vector.broadcast %add3A_556 : i32 to vector<16xi32>
        %add3A_558 = arith.addi %add3A_555, %add3A_557 : vector<16xi32>
        %gather3A_559 = arith.constant 0 : i32
        %gather3A_560 = arith.constant 0 : i32
        %gather3A_561 = tpu.memref_slice %arg11[%scan3A_92, %gather3A_559, %gather3A_560] : memref<2x128x128xf32, #tpu.memory_space<vmem>> -> memref<1x128x128xf32, #tpu.memory_space<vmem>>
        %gather3A_562 = tpu.memref_squeeze %gather3A_561 : memref<1x128x128xf32, #tpu.memory_space<vmem>> -> memref<128x128xf32, #tpu.memory_space<vmem>>
        %gather3A_563 = tpu.vector_load_idx %gather3A_562[%add3A_288, %add3A_558] : memref<128x128xf32, #tpu.memory_space<vmem>>[vector<16xi32>, vector<16xi32>], vector<16xf32>,
        %gather3A_564 = arith.constant 0 : i32
        %gather3A_565 = arith.constant 0 : i32
        %gather3A_566 = tpu.memref_slice %arg11[%scan3A_92, %gather3A_564, %gather3A_565] : memref<2x128x128xf32, #tpu.memory_space<vmem>> -> memref<1x128x128xf32, #tpu.memory_space<vmem>>
        %gather3A_567 = tpu.memref_squeeze %gather3A_566 : memref<1x128x128xf32, #tpu.memory_space<vmem>> -> memref<128x128xf32, #tpu.memory_space<vmem>>
        %gather3A_568 = tpu.vector_load_idx %gather3A_567[%add3A_288, %add3A_555] : memref<128x128xf32, #tpu.memory_space<vmem>>[vector<16xi32>, vector<16xi32>], vector<16xf32>,
        %gather3A_569 = arith.constant 0 : i32
        %gather3A_570 = arith.constant 0 : i32
        %gather3A_571 = tpu.memref_slice %arg12[%scan3A_91, %gather3A_569, %gather3A_570] : memref<2x128x128xf32, #tpu.memory_space<vmem>> -> memref<1x128x128xf32, #tpu.memory_space<vmem>>
        %gather3A_572 = tpu.memref_squeeze %gather3A_571 : memref<1x128x128xf32, #tpu.memory_space<vmem>> -> memref<128x128xf32, #tpu.memory_space<vmem>>
        %gather3A_573 = tpu.vector_load_idx %gather3A_572[%add3A_288, %add3A_555] : memref<128x128xf32, #tpu.memory_space<vmem>>[vector<16xi32>, vector<16xi32>], vector<16xf32>,
        %gather3A_574 = arith.constant 0 : i32
        %gather3A_575 = arith.constant 0 : i32
        %gather3A_576 = tpu.memref_slice %arg13[%scan3A_93, %gather3A_574, %gather3A_575] : memref<2x128x128xf32, #tpu.memory_space<vmem>> -> memref<1x128x128xf32, #tpu.memory_space<vmem>>
        %gather3A_577 = tpu.memref_squeeze %gather3A_576 : memref<1x128x128xf32, #tpu.memory_space<vmem>> -> memref<128x128xf32, #tpu.memory_space<vmem>>
        %gather3A_578 = tpu.vector_load_idx %gather3A_577[%add3A_288, %add3A_555] : memref<128x128xf32, #tpu.memory_space<vmem>>[vector<16xi32>, vector<16xi32>], vector<16xf32>,
        %mul3A_579 = arith.mulf %gather3A_563, %sub3A : vector<16xf32>
        %sub3A_580 = arith.subf %gather3A_568, %gather3A_573 : vector<16xf32>
        %add3A_581 = arith.addf %mul3A_579, %sub3A_580 : vector<16xf32>
        %mul3A_582 = arith.mulf %gather3A_578, %select_n3A : vector<16xf32>
        %add3A_583 = arith.addf %add3A_581, %mul3A_582 : vector<16xf32>
        %abs3A_584 = math.absf %add3A_583 : vector<16xf32>
        %add3A_585 = arith.addf %add3A_552, %abs3A_584 : vector<16xf32>
        %add3A_586 = arith.constant 7 : i32
        %add3A_587 = vector.broadcast %add3A_586 : i32 to vector<16xi32>
        %add3A_588 = arith.addi %scan3A_356, %add3A_587 : vector<16xi32>
        %add3A_589 = arith.constant 64 : i32
        %add3A_590 = vector.broadcast %add3A_589 : i32 to vector<16xi32>
        %add3A_591 = arith.addi %add3A_588, %add3A_590 : vector<16xi32>
        %gather3A_592 = arith.constant 0 : i32
        %gather3A_593 = arith.constant 0 : i32
        %gather3A_594 = tpu.memref_slice %arg11[%scan3A_92, %gather3A_592, %gather3A_593] : memref<2x128x128xf32, #tpu.memory_space<vmem>> -> memref<1x128x128xf32, #tpu.memory_space<vmem>>
        %gather3A_595 = tpu.memref_squeeze %gather3A_594 : memref<1x128x128xf32, #tpu.memory_space<vmem>> -> memref<128x128xf32, #tpu.memory_space<vmem>>
        %gather3A_596 = tpu.vector_load_idx %gather3A_595[%add3A_288, %add3A_591] : memref<128x128xf32, #tpu.memory_space<vmem>>[vector<16xi32>, vector<16xi32>], vector<16xf32>,
        %gather3A_597 = arith.constant 0 : i32
        %gather3A_598 = arith.constant 0 : i32
        %gather3A_599 = tpu.memref_slice %arg11[%scan3A_92, %gather3A_597, %gather3A_598] : memref<2x128x128xf32, #tpu.memory_space<vmem>> -> memref<1x128x128xf32, #tpu.memory_space<vmem>>
        %gather3A_600 = tpu.memref_squeeze %gather3A_599 : memref<1x128x128xf32, #tpu.memory_space<vmem>> -> memref<128x128xf32, #tpu.memory_space<vmem>>
        %gather3A_601 = tpu.vector_load_idx %gather3A_600[%add3A_288, %add3A_588] : memref<128x128xf32, #tpu.memory_space<vmem>>[vector<16xi32>, vector<16xi32>], vector<16xf32>,
        %gather3A_602 = arith.constant 0 : i32
        %gather3A_603 = arith.constant 0 : i32
        %gather3A_604 = tpu.memref_slice %arg12[%scan3A_91, %gather3A_602, %gather3A_603] : memref<2x128x128xf32, #tpu.memory_space<vmem>> -> memref<1x128x128xf32, #tpu.memory_space<vmem>>
        %gather3A_605 = tpu.memref_squeeze %gather3A_604 : memref<1x128x128xf32, #tpu.memory_space<vmem>> -> memref<128x128xf32, #tpu.memory_space<vmem>>
        %gather3A_606 = tpu.vector_load_idx %gather3A_605[%add3A_288, %add3A_588] : memref<128x128xf32, #tpu.memory_space<vmem>>[vector<16xi32>, vector<16xi32>], vector<16xf32>,
        %gather3A_607 = arith.constant 0 : i32
        %gather3A_608 = arith.constant 0 : i32
        %gather3A_609 = tpu.memref_slice %arg13[%scan3A_93, %gather3A_607, %gather3A_608] : memref<2x128x128xf32, #tpu.memory_space<vmem>> -> memref<1x128x128xf32, #tpu.memory_space<vmem>>
        %gather3A_610 = tpu.memref_squeeze %gather3A_609 : memref<1x128x128xf32, #tpu.memory_space<vmem>> -> memref<128x128xf32, #tpu.memory_space<vmem>>
        %gather3A_611 = tpu.vector_load_idx %gather3A_610[%add3A_288, %add3A_588] : memref<128x128xf32, #tpu.memory_space<vmem>>[vector<16xi32>, vector<16xi32>], vector<16xf32>,
        %mul3A_612 = arith.mulf %gather3A_596, %sub3A : vector<16xf32>
        %sub3A_613 = arith.subf %gather3A_601, %gather3A_606 : vector<16xf32>
        %add3A_614 = arith.addf %mul3A_612, %sub3A_613 : vector<16xf32>
        %mul3A_615 = arith.mulf %gather3A_611, %select_n3A : vector<16xf32>
        %add3A_616 = arith.addf %add3A_614, %mul3A_615 : vector<16xf32>
        %abs3A_617 = math.absf %add3A_616 : vector<16xf32>
        %add3A_618 = arith.addf %add3A_585, %abs3A_617 : vector<16xf32>
        %add3A_619 = arith.constant 8 : i32
        %add3A_620 = vector.broadcast %add3A_619 : i32 to vector<16xi32>
        %add3A_621 = arith.addi %scan3A_356, %add3A_620 : vector<16xi32>
        scf.yield %add3A_618, %add3A_621 : vector<16xf32>, vector<16xi32>
      }
      %scan3A_347 = arith.constant 8 : i32
      %sub3A_348 = arith.constant 1.200000e+01 : f32
      %sub3A_349 = vector.broadcast %sub3A_348 : f32 to vector<16xf32>
      %sub3A_350 = arith.subf %scan3A_346#0, %sub3A_349 : vector<16xf32>
      %mul3A_351 = arith.constant 16 : i32
      %mul3A_352 = arith.muli %scan3A_284, %mul3A_351 : i32
      %swap3A = arith.index_cast %mul3A_352 : i32 to index
      %swap3A_353 = tpu.vector_load %arg14[%swap3A] {strides = array<i32>} : memref<128xf32, #tpu.memory_space<vmem>>, vector<16xf32>,
      tpu.vector_store %arg14[%swap3A], %sub3A_350 {strides = array<i32>} : memref<128xf32, #tpu.memory_space<vmem>>, vector<16xf32>,
    }
    %scan3A_98 = arith.constant 8 : i32
    %add3A_99 = arith.constant 0 : i32
    %add3A_100 = arith.addi %mul3A_2, %add3A_99 : i32
    "tpu.region"() ({
      %run_scoped3A = tpu.sem_alloc : memref<!tpu.dma_semaphore, #tpu.memory_space<semaphore_mem>>
      %dma_start3A_284 = tpu.memref_slice %arg7[%add3A_100] : memref<16384xf32, #tpu.memory_space<hbm>> -> memref<128xf32, #tpu.memory_space<hbm>>
      %dma_start3A_285 = tpu.memref_slice %arg7[%add3A_100] : memref<16384xf32, #tpu.memory_space<hbm>> -> memref<128xf32, #tpu.memory_space<hbm>>
      tpu.enqueue_dma source(%arg14 : memref<128xf32, #tpu.memory_space<vmem>>) target(%dma_start3A_285 : memref<128xf32, #tpu.memory_space<hbm>>) target_semaphore(%run_scoped3A : memref<!tpu.dma_semaphore, #tpu.memory_space<semaphore_mem>>)
      %dma_wait3A_286 = tpu.memref_slice %arg7[%add3A_100] : memref<16384xf32, #tpu.memory_space<hbm>> -> memref<128xf32, #tpu.memory_space<hbm>>
      %dma_wait3A_287 = tpu.memref_slice %arg7[%add3A_100] : memref<16384xf32, #tpu.memory_space<hbm>> -> memref<128xf32, #tpu.memory_space<hbm>>
      tpu.wait_dma2 semaphore(%run_scoped3A : memref<!tpu.dma_semaphore, #tpu.memory_space<semaphore_mem>>) src(%arg14 : memref<128xf32, #tpu.memory_space<vmem>>) dst(%dma_wait3A_287 : memref<128xf32, #tpu.memory_space<hbm>>)
      tpu.yield
    }) : () -> ()
    %dma_start3A_101 = arith.constant 0 : i32
    %dma_start3A_102 = arith.constant 0 : i32
    %dma_start3A_103 = arith.constant 0 : i32
    %dma_start3A_104 = tpu.memref_slice %arg11[%dma_start3A_101, %dma_start3A_102, %dma_start3A_103] : memref<2x128x128xf32, #tpu.memory_space<vmem>> -> memref<1x128x128xf32, #tpu.memory_space<vmem>>
    %dma_start3A_105 = tpu.memref_squeeze %dma_start3A_104 : memref<1x128x128xf32, #tpu.memory_space<vmem>> -> memref<128x128xf32, #tpu.memory_space<vmem>>
    %dma_start3A_106 = arith.constant 256 : i32
    %dma_start3A_107 = tpu.memref_slice %arg8[%dma_start3A_106] : memref<512xi32, #tpu.memory_space<vmem>> -> memref<128xi32, #tpu.memory_space<vmem>>
    %dma_start3A_108 = arith.constant 0 : i32
    %dma_start3A_109 = arith.constant 0 : i32
    %dma_start3A_110 = tpu.memref_slice %arg5[%dma_start3A_108, %dma_start3A_109] : memref<1000000x128xf32, #tpu.memory_space<hbm>> -> memref<1000000x128xf32, #tpu.memory_space<hbm>>
    tpu.enqueue_indirect_dma source(%dma_start3A_110 : memref<1000000x128xf32, #tpu.memory_space<hbm>>) target(%dma_start3A_105 : memref<128x128xf32, #tpu.memory_space<vmem>>) offsets(%dma_start3A_107 : memref<128xi32, #tpu.memory_space<vmem>>) semaphore(%arg15 : memref<!tpu.dma_semaphore, #tpu.memory_space<semaphore_mem>>)
    %dma_start3A_111 = arith.constant 0 : i32
    %dma_start3A_112 = arith.constant 0 : i32
    %dma_start3A_113 = arith.constant 0 : i32
    %dma_start3A_114 = tpu.memref_slice %arg12[%dma_start3A_111, %dma_start3A_112, %dma_start3A_113] : memref<2x128x128xf32, #tpu.memory_space<vmem>> -> memref<1x128x128xf32, #tpu.memory_space<vmem>>
    %dma_start3A_115 = tpu.memref_squeeze %dma_start3A_114 : memref<1x128x128xf32, #tpu.memory_space<vmem>> -> memref<128x128xf32, #tpu.memory_space<vmem>>
    %dma_start3A_116 = arith.constant 256 : i32
    %dma_start3A_117 = tpu.memref_slice %arg10[%dma_start3A_116] : memref<512xi32, #tpu.memory_space<vmem>> -> memref<128xi32, #tpu.memory_space<vmem>>
    %dma_start3A_118 = arith.constant 0 : i32
    %dma_start3A_119 = arith.constant 0 : i32
    %dma_start3A_120 = tpu.memref_slice %arg5[%dma_start3A_118, %dma_start3A_119] : memref<1000000x128xf32, #tpu.memory_space<hbm>> -> memref<1000000x128xf32, #tpu.memory_space<hbm>>
    tpu.enqueue_indirect_dma source(%dma_start3A_120 : memref<1000000x128xf32, #tpu.memory_space<hbm>>) target(%dma_start3A_115 : memref<128x128xf32, #tpu.memory_space<vmem>>) offsets(%dma_start3A_117 : memref<128xi32, #tpu.memory_space<vmem>>) semaphore(%arg15 : memref<!tpu.dma_semaphore, #tpu.memory_space<semaphore_mem>>)
    %dma_start3A_121 = arith.constant 0 : i32
    %dma_start3A_122 = arith.constant 0 : i32
    %dma_start3A_123 = arith.constant 0 : i32
    %dma_start3A_124 = tpu.memref_slice %arg13[%dma_start3A_121, %dma_start3A_122, %dma_start3A_123] : memref<2x128x128xf32, #tpu.memory_space<vmem>> -> memref<1x128x128xf32, #tpu.memory_space<vmem>>
    %dma_start3A_125 = tpu.memref_squeeze %dma_start3A_124 : memref<1x128x128xf32, #tpu.memory_space<vmem>> -> memref<128x128xf32, #tpu.memory_space<vmem>>
    %dma_start3A_126 = arith.constant 256 : i32
    %dma_start3A_127 = tpu.memref_slice %arg9[%dma_start3A_126] : memref<512xi32, #tpu.memory_space<vmem>> -> memref<128xi32, #tpu.memory_space<vmem>>
    %dma_start3A_128 = arith.constant 0 : i32
    %dma_start3A_129 = arith.constant 0 : i32
    %dma_start3A_130 = tpu.memref_slice %arg6[%dma_start3A_128, %dma_start3A_129] : memref<1000000x128xf32, #tpu.memory_space<hbm>> -> memref<1000000x128xf32, #tpu.memory_space<hbm>>
    tpu.enqueue_indirect_dma source(%dma_start3A_130 : memref<1000000x128xf32, #tpu.memory_space<hbm>>) target(%dma_start3A_125 : memref<128x128xf32, #tpu.memory_space<vmem>>) offsets(%dma_start3A_127 : memref<128xi32, #tpu.memory_space<vmem>>) semaphore(%arg15 : memref<!tpu.dma_semaphore, #tpu.memory_space<semaphore_mem>>)
    %dma_wait3A_131 = arith.constant 1 : i32
    %dma_wait3A_132 = arith.constant 0 : i32
    %dma_wait3A_133 = arith.constant 0 : i32
    %dma_wait3A_134 = tpu.memref_slice %arg11[%dma_wait3A_131, %dma_wait3A_132, %dma_wait3A_133] : memref<2x128x128xf32, #tpu.memory_space<vmem>> -> memref<1x128x128xf32, #tpu.memory_space<vmem>>
    %dma_wait3A_135 = tpu.memref_squeeze %dma_wait3A_134 : memref<1x128x128xf32, #tpu.memory_space<vmem>> -> memref<128x128xf32, #tpu.memory_space<vmem>>
    %dma_wait3A_136 = arith.constant 128 : i32
    %dma_wait3A_137 = tpu.memref_slice %arg8[%dma_wait3A_136] : memref<512xi32, #tpu.memory_space<vmem>> -> memref<128xi32, #tpu.memory_space<vmem>>
    %dma_wait3A_138 = arith.constant 0 : i32
    %dma_wait3A_139 = arith.constant 0 : i32
    %dma_wait3A_140 = tpu.memref_slice %arg5[%dma_wait3A_138, %dma_wait3A_139] : memref<1000000x128xf32, #tpu.memory_space<hbm>> -> memref<1000000x128xf32, #tpu.memory_space<hbm>>
    tpu.wait_indirect_dma semaphore(%arg16 : memref<!tpu.dma_semaphore, #tpu.memory_space<semaphore_mem>>) src(%dma_wait3A_140 : memref<1000000x128xf32, #tpu.memory_space<hbm>>) dst(%dma_wait3A_135 : memref<128x128xf32, #tpu.memory_space<vmem>>)
    %dma_wait3A_141 = arith.constant 1 : i32
    %dma_wait3A_142 = arith.constant 0 : i32
    %dma_wait3A_143 = arith.constant 0 : i32
    %dma_wait3A_144 = tpu.memref_slice %arg12[%dma_wait3A_141, %dma_wait3A_142, %dma_wait3A_143] : memref<2x128x128xf32, #tpu.memory_space<vmem>> -> memref<1x128x128xf32, #tpu.memory_space<vmem>>
    %dma_wait3A_145 = tpu.memref_squeeze %dma_wait3A_144 : memref<1x128x128xf32, #tpu.memory_space<vmem>> -> memref<128x128xf32, #tpu.memory_space<vmem>>
    %dma_wait3A_146 = arith.constant 128 : i32
    %dma_wait3A_147 = tpu.memref_slice %arg10[%dma_wait3A_146] : memref<512xi32, #tpu.memory_space<vmem>> -> memref<128xi32, #tpu.memory_space<vmem>>
    %dma_wait3A_148 = arith.constant 0 : i32
    %dma_wait3A_149 = arith.constant 0 : i32
    %dma_wait3A_150 = tpu.memref_slice %arg5[%dma_wait3A_148, %dma_wait3A_149] : memref<1000000x128xf32, #tpu.memory_space<hbm>> -> memref<1000000x128xf32, #tpu.memory_space<hbm>>
    tpu.wait_indirect_dma semaphore(%arg16 : memref<!tpu.dma_semaphore, #tpu.memory_space<semaphore_mem>>) src(%dma_wait3A_150 : memref<1000000x128xf32, #tpu.memory_space<hbm>>) dst(%dma_wait3A_145 : memref<128x128xf32, #tpu.memory_space<vmem>>)
    %dma_wait3A_151 = arith.constant 1 : i32
    %dma_wait3A_152 = arith.constant 0 : i32
    %dma_wait3A_153 = arith.constant 0 : i32
    %dma_wait3A_154 = tpu.memref_slice %arg13[%dma_wait3A_151, %dma_wait3A_152, %dma_wait3A_153] : memref<2x128x128xf32, #tpu.memory_space<vmem>> -> memref<1x128x128xf32, #tpu.memory_space<vmem>>
    %dma_wait3A_155 = tpu.memref_squeeze %dma_wait3A_154 : memref<1x128x128xf32, #tpu.memory_space<vmem>> -> memref<128x128xf32, #tpu.memory_space<vmem>>
    %dma_wait3A_156 = arith.constant 128 : i32
    %dma_wait3A_157 = tpu.memref_slice %arg9[%dma_wait3A_156] : memref<512xi32, #tpu.memory_space<vmem>> -> memref<128xi32, #tpu.memory_space<vmem>>
    %dma_wait3A_158 = arith.constant 0 : i32
    %dma_wait3A_159 = arith.constant 0 : i32
    %dma_wait3A_160 = tpu.memref_slice %arg6[%dma_wait3A_158, %dma_wait3A_159] : memref<1000000x128xf32, #tpu.memory_space<hbm>> -> memref<1000000x128xf32, #tpu.memory_space<hbm>>
    tpu.wait_indirect_dma semaphore(%arg16 : memref<!tpu.dma_semaphore, #tpu.memory_space<semaphore_mem>>) src(%dma_wait3A_160 : memref<1000000x128xf32, #tpu.memory_space<hbm>>) dst(%dma_wait3A_155 : memref<128x128xf32, #tpu.memory_space<vmem>>)
    %scan3A_161 = arith.constant 0 : i32
    %scan3A_162 = arith.constant 1 : i32
    %scan3A_163 = arith.constant 1 : i32
    %scan3A_164 = arith.constant 1 : i32
    %scan3A_165 = arith.constant 0 : i32
    %scan3A_166 = arith.constant 8 : i32
    %scan3A_167 = arith.addi %scan3A_165, %scan3A_166 : i32
    %scan3A_168 = arith.constant 1 : i32
    scf.for %scan3A_284 = %scan3A_165 to %scan3A_167 step %scan3A_168  : i32 {
      %mul3A_285 = arith.constant 16 : i32
      %mul3A_286 = arith.muli %scan3A_284, %mul3A_285 : i32
      %iota3A = tpu.iota {dimensions = array<i32: 0>} : vector<16xi32>
      %add3A_287 = vector.broadcast %mul3A_286 : i32 to vector<16xi32>
      %add3A_288 = arith.addi %add3A_287, %iota3A : vector<16xi32>
      %broadcast_in_dim3A = arith.constant 0.000000e+00 : f32
      %broadcast_in_dim3A_289 = vector.broadcast %broadcast_in_dim3A : f32 to vector<16xf32>
      %broadcast_in_dim3A_290 = arith.constant 0 : i32
      %broadcast_in_dim3A_291 = vector.broadcast %broadcast_in_dim3A_290 : i32 to vector<16xi32>
      %scan3A_292 = arith.constant 0 : i32
      %scan3A_293 = arith.constant 8 : i32
      %scan3A_294 = arith.addi %scan3A_292, %scan3A_293 : i32
      %scan3A_295 = arith.constant 1 : i32
      %scan3A_296:4 = scf.for %scan3A_354 = %scan3A_292 to %scan3A_294 step %scan3A_295 iter_args(%scan3A_355 = %broadcast_in_dim3A_289, %scan3A_356 = %broadcast_in_dim3A_289, %scan3A_357 = %broadcast_in_dim3A_289, %scan3A_358 = %broadcast_in_dim3A_291) -> (vector<16xf32>, vector<16xf32>, vector<16xf32>, vector<16xi32>)  : i32 {
        %add3A_359 = arith.constant 0 : i32
        %add3A_360 = vector.broadcast %add3A_359 : i32 to vector<16xi32>
        %add3A_361 = arith.addi %scan3A_358, %add3A_360 : vector<16xi32>
        %add3A_362 = arith.constant 64 : i32
        %add3A_363 = vector.broadcast %add3A_362 : i32 to vector<16xi32>
        %add3A_364 = arith.addi %add3A_361, %add3A_363 : vector<16xi32>
        %gather3A = arith.constant 0 : i32
        %gather3A_365 = arith.constant 0 : i32
        %gather3A_366 = tpu.memref_slice %arg12[%scan3A_162, %gather3A, %gather3A_365] : memref<2x128x128xf32, #tpu.memory_space<vmem>> -> memref<1x128x128xf32, #tpu.memory_space<vmem>>
        %gather3A_367 = tpu.memref_squeeze %gather3A_366 : memref<1x128x128xf32, #tpu.memory_space<vmem>> -> memref<128x128xf32, #tpu.memory_space<vmem>>
        %gather3A_368 = tpu.vector_load_idx %gather3A_367[%add3A_288, %add3A_364] : memref<128x128xf32, #tpu.memory_space<vmem>>[vector<16xi32>, vector<16xi32>], vector<16xf32>,
        %gather3A_369 = arith.constant 0 : i32
        %gather3A_370 = arith.constant 0 : i32
        %gather3A_371 = tpu.memref_slice %arg11[%scan3A_163, %gather3A_369, %gather3A_370] : memref<2x128x128xf32, #tpu.memory_space<vmem>> -> memref<1x128x128xf32, #tpu.memory_space<vmem>>
        %gather3A_372 = tpu.memref_squeeze %gather3A_371 : memref<1x128x128xf32, #tpu.memory_space<vmem>> -> memref<128x128xf32, #tpu.memory_space<vmem>>
        %gather3A_373 = tpu.vector_load_idx %gather3A_372[%add3A_288, %add3A_361] : memref<128x128xf32, #tpu.memory_space<vmem>>[vector<16xi32>, vector<16xi32>], vector<16xf32>,
        %gather3A_374 = arith.constant 0 : i32
        %gather3A_375 = arith.constant 0 : i32
        %gather3A_376 = tpu.memref_slice %arg12[%scan3A_162, %gather3A_374, %gather3A_375] : memref<2x128x128xf32, #tpu.memory_space<vmem>> -> memref<1x128x128xf32, #tpu.memory_space<vmem>>
        %gather3A_377 = tpu.memref_squeeze %gather3A_376 : memref<1x128x128xf32, #tpu.memory_space<vmem>> -> memref<128x128xf32, #tpu.memory_space<vmem>>
        %gather3A_378 = tpu.vector_load_idx %gather3A_377[%add3A_288, %add3A_361] : memref<128x128xf32, #tpu.memory_space<vmem>>[vector<16xi32>, vector<16xi32>], vector<16xf32>,
        %gather3A_379 = arith.constant 0 : i32
        %gather3A_380 = arith.constant 0 : i32
        %gather3A_381 = tpu.memref_slice %arg13[%scan3A_164, %gather3A_379, %gather3A_380] : memref<2x128x128xf32, #tpu.memory_space<vmem>> -> memref<1x128x128xf32, #tpu.memory_space<vmem>>
        %gather3A_382 = tpu.memref_squeeze %gather3A_381 : memref<1x128x128xf32, #tpu.memory_space<vmem>> -> memref<128x128xf32, #tpu.memory_space<vmem>>
        %gather3A_383 = tpu.vector_load_idx %gather3A_382[%add3A_288, %add3A_361] : memref<128x128xf32, #tpu.memory_space<vmem>>[vector<16xi32>, vector<16xi32>], vector<16xf32>,
        %mul3A_384 = arith.mulf %gather3A_368, %gather3A_373 : vector<16xf32>
        %add3A_385 = arith.addf %scan3A_355, %mul3A_384 : vector<16xf32>
        %mul3A_386 = arith.mulf %gather3A_368, %gather3A_378 : vector<16xf32>
        %add3A_387 = arith.addf %scan3A_356, %mul3A_386 : vector<16xf32>
        %mul3A_388 = arith.mulf %gather3A_383, %gather3A_383 : vector<16xf32>
        %add3A_389 = arith.addf %scan3A_357, %mul3A_388 : vector<16xf32>
        %add3A_390 = arith.constant 1 : i32
        %add3A_391 = vector.broadcast %add3A_390 : i32 to vector<16xi32>
        %add3A_392 = arith.addi %scan3A_358, %add3A_391 : vector<16xi32>
        %add3A_393 = arith.constant 64 : i32
        %add3A_394 = vector.broadcast %add3A_393 : i32 to vector<16xi32>
        %add3A_395 = arith.addi %add3A_392, %add3A_394 : vector<16xi32>
        %gather3A_396 = arith.constant 0 : i32
        %gather3A_397 = arith.constant 0 : i32
        %gather3A_398 = tpu.memref_slice %arg12[%scan3A_162, %gather3A_396, %gather3A_397] : memref<2x128x128xf32, #tpu.memory_space<vmem>> -> memref<1x128x128xf32, #tpu.memory_space<vmem>>
        %gather3A_399 = tpu.memref_squeeze %gather3A_398 : memref<1x128x128xf32, #tpu.memory_space<vmem>> -> memref<128x128xf32, #tpu.memory_space<vmem>>
        %gather3A_400 = tpu.vector_load_idx %gather3A_399[%add3A_288, %add3A_395] : memref<128x128xf32, #tpu.memory_space<vmem>>[vector<16xi32>, vector<16xi32>], vector<16xf32>,
        %gather3A_401 = arith.constant 0 : i32
        %gather3A_402 = arith.constant 0 : i32
        %gather3A_403 = tpu.memref_slice %arg11[%scan3A_163, %gather3A_401, %gather3A_402] : memref<2x128x128xf32, #tpu.memory_space<vmem>> -> memref<1x128x128xf32, #tpu.memory_space<vmem>>
        %gather3A_404 = tpu.memref_squeeze %gather3A_403 : memref<1x128x128xf32, #tpu.memory_space<vmem>> -> memref<128x128xf32, #tpu.memory_space<vmem>>
        %gather3A_405 = tpu.vector_load_idx %gather3A_404[%add3A_288, %add3A_392] : memref<128x128xf32, #tpu.memory_space<vmem>>[vector<16xi32>, vector<16xi32>], vector<16xf32>,
        %gather3A_406 = arith.constant 0 : i32
        %gather3A_407 = arith.constant 0 : i32
        %gather3A_408 = tpu.memref_slice %arg12[%scan3A_162, %gather3A_406, %gather3A_407] : memref<2x128x128xf32, #tpu.memory_space<vmem>> -> memref<1x128x128xf32, #tpu.memory_space<vmem>>
        %gather3A_409 = tpu.memref_squeeze %gather3A_408 : memref<1x128x128xf32, #tpu.memory_space<vmem>> -> memref<128x128xf32, #tpu.memory_space<vmem>>
        %gather3A_410 = tpu.vector_load_idx %gather3A_409[%add3A_288, %add3A_392] : memref<128x128xf32, #tpu.memory_space<vmem>>[vector<16xi32>, vector<16xi32>], vector<16xf32>,
        %gather3A_411 = arith.constant 0 : i32
        %gather3A_412 = arith.constant 0 : i32
        %gather3A_413 = tpu.memref_slice %arg13[%scan3A_164, %gather3A_411, %gather3A_412] : memref<2x128x128xf32, #tpu.memory_space<vmem>> -> memref<1x128x128xf32, #tpu.memory_space<vmem>>
        %gather3A_414 = tpu.memref_squeeze %gather3A_413 : memref<1x128x128xf32, #tpu.memory_space<vmem>> -> memref<128x128xf32, #tpu.memory_space<vmem>>
        %gather3A_415 = tpu.vector_load_idx %gather3A_414[%add3A_288, %add3A_392] : memref<128x128xf32, #tpu.memory_space<vmem>>[vector<16xi32>, vector<16xi32>], vector<16xf32>,
        %mul3A_416 = arith.mulf %gather3A_400, %gather3A_405 : vector<16xf32>
        %add3A_417 = arith.addf %add3A_385, %mul3A_416 : vector<16xf32>
        %mul3A_418 = arith.mulf %gather3A_400, %gather3A_410 : vector<16xf32>
        %add3A_419 = arith.addf %add3A_387, %mul3A_418 : vector<16xf32>
        %mul3A_420 = arith.mulf %gather3A_415, %gather3A_415 : vector<16xf32>
        %add3A_421 = arith.addf %add3A_389, %mul3A_420 : vector<16xf32>
        %add3A_422 = arith.constant 2 : i32
        %add3A_423 = vector.broadcast %add3A_422 : i32 to vector<16xi32>
        %add3A_424 = arith.addi %scan3A_358, %add3A_423 : vector<16xi32>
        %add3A_425 = arith.constant 64 : i32
        %add3A_426 = vector.broadcast %add3A_425 : i32 to vector<16xi32>
        %add3A_427 = arith.addi %add3A_424, %add3A_426 : vector<16xi32>
        %gather3A_428 = arith.constant 0 : i32
        %gather3A_429 = arith.constant 0 : i32
        %gather3A_430 = tpu.memref_slice %arg12[%scan3A_162, %gather3A_428, %gather3A_429] : memref<2x128x128xf32, #tpu.memory_space<vmem>> -> memref<1x128x128xf32, #tpu.memory_space<vmem>>
        %gather3A_431 = tpu.memref_squeeze %gather3A_430 : memref<1x128x128xf32, #tpu.memory_space<vmem>> -> memref<128x128xf32, #tpu.memory_space<vmem>>
        %gather3A_432 = tpu.vector_load_idx %gather3A_431[%add3A_288, %add3A_427] : memref<128x128xf32, #tpu.memory_space<vmem>>[vector<16xi32>, vector<16xi32>], vector<16xf32>,
        %gather3A_433 = arith.constant 0 : i32
        %gather3A_434 = arith.constant 0 : i32
        %gather3A_435 = tpu.memref_slice %arg11[%scan3A_163, %gather3A_433, %gather3A_434] : memref<2x128x128xf32, #tpu.memory_space<vmem>> -> memref<1x128x128xf32, #tpu.memory_space<vmem>>
        %gather3A_436 = tpu.memref_squeeze %gather3A_435 : memref<1x128x128xf32, #tpu.memory_space<vmem>> -> memref<128x128xf32, #tpu.memory_space<vmem>>
        %gather3A_437 = tpu.vector_load_idx %gather3A_436[%add3A_288, %add3A_424] : memref<128x128xf32, #tpu.memory_space<vmem>>[vector<16xi32>, vector<16xi32>], vector<16xf32>,
        %gather3A_438 = arith.constant 0 : i32
        %gather3A_439 = arith.constant 0 : i32
        %gather3A_440 = tpu.memref_slice %arg12[%scan3A_162, %gather3A_438, %gather3A_439] : memref<2x128x128xf32, #tpu.memory_space<vmem>> -> memref<1x128x128xf32, #tpu.memory_space<vmem>>
        %gather3A_441 = tpu.memref_squeeze %gather3A_440 : memref<1x128x128xf32, #tpu.memory_space<vmem>> -> memref<128x128xf32, #tpu.memory_space<vmem>>
        %gather3A_442 = tpu.vector_load_idx %gather3A_441[%add3A_288, %add3A_424] : memref<128x128xf32, #tpu.memory_space<vmem>>[vector<16xi32>, vector<16xi32>], vector<16xf32>,
        %gather3A_443 = arith.constant 0 : i32
        %gather3A_444 = arith.constant 0 : i32
        %gather3A_445 = tpu.memref_slice %arg13[%scan3A_164, %gather3A_443, %gather3A_444] : memref<2x128x128xf32, #tpu.memory_space<vmem>> -> memref<1x128x128xf32, #tpu.memory_space<vmem>>
        %gather3A_446 = tpu.memref_squeeze %gather3A_445 : memref<1x128x128xf32, #tpu.memory_space<vmem>> -> memref<128x128xf32, #tpu.memory_space<vmem>>
        %gather3A_447 = tpu.vector_load_idx %gather3A_446[%add3A_288, %add3A_424] : memref<128x128xf32, #tpu.memory_space<vmem>>[vector<16xi32>, vector<16xi32>], vector<16xf32>,
        %mul3A_448 = arith.mulf %gather3A_432, %gather3A_437 : vector<16xf32>
        %add3A_449 = arith.addf %add3A_417, %mul3A_448 : vector<16xf32>
        %mul3A_450 = arith.mulf %gather3A_432, %gather3A_442 : vector<16xf32>
        %add3A_451 = arith.addf %add3A_419, %mul3A_450 : vector<16xf32>
        %mul3A_452 = arith.mulf %gather3A_447, %gather3A_447 : vector<16xf32>
        %add3A_453 = arith.addf %add3A_421, %mul3A_452 : vector<16xf32>
        %add3A_454 = arith.constant 3 : i32
        %add3A_455 = vector.broadcast %add3A_454 : i32 to vector<16xi32>
        %add3A_456 = arith.addi %scan3A_358, %add3A_455 : vector<16xi32>
        %add3A_457 = arith.constant 64 : i32
        %add3A_458 = vector.broadcast %add3A_457 : i32 to vector<16xi32>
        %add3A_459 = arith.addi %add3A_456, %add3A_458 : vector<16xi32>
        %gather3A_460 = arith.constant 0 : i32
        %gather3A_461 = arith.constant 0 : i32
        %gather3A_462 = tpu.memref_slice %arg12[%scan3A_162, %gather3A_460, %gather3A_461] : memref<2x128x128xf32, #tpu.memory_space<vmem>> -> memref<1x128x128xf32, #tpu.memory_space<vmem>>
        %gather3A_463 = tpu.memref_squeeze %gather3A_462 : memref<1x128x128xf32, #tpu.memory_space<vmem>> -> memref<128x128xf32, #tpu.memory_space<vmem>>
        %gather3A_464 = tpu.vector_load_idx %gather3A_463[%add3A_288, %add3A_459] : memref<128x128xf32, #tpu.memory_space<vmem>>[vector<16xi32>, vector<16xi32>], vector<16xf32>,
        %gather3A_465 = arith.constant 0 : i32
        %gather3A_466 = arith.constant 0 : i32
        %gather3A_467 = tpu.memref_slice %arg11[%scan3A_163, %gather3A_465, %gather3A_466] : memref<2x128x128xf32, #tpu.memory_space<vmem>> -> memref<1x128x128xf32, #tpu.memory_space<vmem>>
        %gather3A_468 = tpu.memref_squeeze %gather3A_467 : memref<1x128x128xf32, #tpu.memory_space<vmem>> -> memref<128x128xf32, #tpu.memory_space<vmem>>
        %gather3A_469 = tpu.vector_load_idx %gather3A_468[%add3A_288, %add3A_456] : memref<128x128xf32, #tpu.memory_space<vmem>>[vector<16xi32>, vector<16xi32>], vector<16xf32>,
        %gather3A_470 = arith.constant 0 : i32
        %gather3A_471 = arith.constant 0 : i32
        %gather3A_472 = tpu.memref_slice %arg12[%scan3A_162, %gather3A_470, %gather3A_471] : memref<2x128x128xf32, #tpu.memory_space<vmem>> -> memref<1x128x128xf32, #tpu.memory_space<vmem>>
        %gather3A_473 = tpu.memref_squeeze %gather3A_472 : memref<1x128x128xf32, #tpu.memory_space<vmem>> -> memref<128x128xf32, #tpu.memory_space<vmem>>
        %gather3A_474 = tpu.vector_load_idx %gather3A_473[%add3A_288, %add3A_456] : memref<128x128xf32, #tpu.memory_space<vmem>>[vector<16xi32>, vector<16xi32>], vector<16xf32>,
        %gather3A_475 = arith.constant 0 : i32
        %gather3A_476 = arith.constant 0 : i32
        %gather3A_477 = tpu.memref_slice %arg13[%scan3A_164, %gather3A_475, %gather3A_476] : memref<2x128x128xf32, #tpu.memory_space<vmem>> -> memref<1x128x128xf32, #tpu.memory_space<vmem>>
        %gather3A_478 = tpu.memref_squeeze %gather3A_477 : memref<1x128x128xf32, #tpu.memory_space<vmem>> -> memref<128x128xf32, #tpu.memory_space<vmem>>
        %gather3A_479 = tpu.vector_load_idx %gather3A_478[%add3A_288, %add3A_456] : memref<128x128xf32, #tpu.memory_space<vmem>>[vector<16xi32>, vector<16xi32>], vector<16xf32>,
        %mul3A_480 = arith.mulf %gather3A_464, %gather3A_469 : vector<16xf32>
        %add3A_481 = arith.addf %add3A_449, %mul3A_480 : vector<16xf32>
        %mul3A_482 = arith.mulf %gather3A_464, %gather3A_474 : vector<16xf32>
        %add3A_483 = arith.addf %add3A_451, %mul3A_482 : vector<16xf32>
        %mul3A_484 = arith.mulf %gather3A_479, %gather3A_479 : vector<16xf32>
        %add3A_485 = arith.addf %add3A_453, %mul3A_484 : vector<16xf32>
        %add3A_486 = arith.constant 4 : i32
        %add3A_487 = vector.broadcast %add3A_486 : i32 to vector<16xi32>
        %add3A_488 = arith.addi %scan3A_358, %add3A_487 : vector<16xi32>
        %add3A_489 = arith.constant 64 : i32
        %add3A_490 = vector.broadcast %add3A_489 : i32 to vector<16xi32>
        %add3A_491 = arith.addi %add3A_488, %add3A_490 : vector<16xi32>
        %gather3A_492 = arith.constant 0 : i32
        %gather3A_493 = arith.constant 0 : i32
        %gather3A_494 = tpu.memref_slice %arg12[%scan3A_162, %gather3A_492, %gather3A_493] : memref<2x128x128xf32, #tpu.memory_space<vmem>> -> memref<1x128x128xf32, #tpu.memory_space<vmem>>
        %gather3A_495 = tpu.memref_squeeze %gather3A_494 : memref<1x128x128xf32, #tpu.memory_space<vmem>> -> memref<128x128xf32, #tpu.memory_space<vmem>>
        %gather3A_496 = tpu.vector_load_idx %gather3A_495[%add3A_288, %add3A_491] : memref<128x128xf32, #tpu.memory_space<vmem>>[vector<16xi32>, vector<16xi32>], vector<16xf32>,
        %gather3A_497 = arith.constant 0 : i32
        %gather3A_498 = arith.constant 0 : i32
        %gather3A_499 = tpu.memref_slice %arg11[%scan3A_163, %gather3A_497, %gather3A_498] : memref<2x128x128xf32, #tpu.memory_space<vmem>> -> memref<1x128x128xf32, #tpu.memory_space<vmem>>
        %gather3A_500 = tpu.memref_squeeze %gather3A_499 : memref<1x128x128xf32, #tpu.memory_space<vmem>> -> memref<128x128xf32, #tpu.memory_space<vmem>>
        %gather3A_501 = tpu.vector_load_idx %gather3A_500[%add3A_288, %add3A_488] : memref<128x128xf32, #tpu.memory_space<vmem>>[vector<16xi32>, vector<16xi32>], vector<16xf32>,
        %gather3A_502 = arith.constant 0 : i32
        %gather3A_503 = arith.constant 0 : i32
        %gather3A_504 = tpu.memref_slice %arg12[%scan3A_162, %gather3A_502, %gather3A_503] : memref<2x128x128xf32, #tpu.memory_space<vmem>> -> memref<1x128x128xf32, #tpu.memory_space<vmem>>
        %gather3A_505 = tpu.memref_squeeze %gather3A_504 : memref<1x128x128xf32, #tpu.memory_space<vmem>> -> memref<128x128xf32, #tpu.memory_space<vmem>>
        %gather3A_506 = tpu.vector_load_idx %gather3A_505[%add3A_288, %add3A_488] : memref<128x128xf32, #tpu.memory_space<vmem>>[vector<16xi32>, vector<16xi32>], vector<16xf32>,
        %gather3A_507 = arith.constant 0 : i32
        %gather3A_508 = arith.constant 0 : i32
        %gather3A_509 = tpu.memref_slice %arg13[%scan3A_164, %gather3A_507, %gather3A_508] : memref<2x128x128xf32, #tpu.memory_space<vmem>> -> memref<1x128x128xf32, #tpu.memory_space<vmem>>
        %gather3A_510 = tpu.memref_squeeze %gather3A_509 : memref<1x128x128xf32, #tpu.memory_space<vmem>> -> memref<128x128xf32, #tpu.memory_space<vmem>>
        %gather3A_511 = tpu.vector_load_idx %gather3A_510[%add3A_288, %add3A_488] : memref<128x128xf32, #tpu.memory_space<vmem>>[vector<16xi32>, vector<16xi32>], vector<16xf32>,
        %mul3A_512 = arith.mulf %gather3A_496, %gather3A_501 : vector<16xf32>
        %add3A_513 = arith.addf %add3A_481, %mul3A_512 : vector<16xf32>
        %mul3A_514 = arith.mulf %gather3A_496, %gather3A_506 : vector<16xf32>
        %add3A_515 = arith.addf %add3A_483, %mul3A_514 : vector<16xf32>
        %mul3A_516 = arith.mulf %gather3A_511, %gather3A_511 : vector<16xf32>
        %add3A_517 = arith.addf %add3A_485, %mul3A_516 : vector<16xf32>
        %add3A_518 = arith.constant 5 : i32
        %add3A_519 = vector.broadcast %add3A_518 : i32 to vector<16xi32>
        %add3A_520 = arith.addi %scan3A_358, %add3A_519 : vector<16xi32>
        %add3A_521 = arith.constant 64 : i32
        %add3A_522 = vector.broadcast %add3A_521 : i32 to vector<16xi32>
        %add3A_523 = arith.addi %add3A_520, %add3A_522 : vector<16xi32>
        %gather3A_524 = arith.constant 0 : i32
        %gather3A_525 = arith.constant 0 : i32
        %gather3A_526 = tpu.memref_slice %arg12[%scan3A_162, %gather3A_524, %gather3A_525] : memref<2x128x128xf32, #tpu.memory_space<vmem>> -> memref<1x128x128xf32, #tpu.memory_space<vmem>>
        %gather3A_527 = tpu.memref_squeeze %gather3A_526 : memref<1x128x128xf32, #tpu.memory_space<vmem>> -> memref<128x128xf32, #tpu.memory_space<vmem>>
        %gather3A_528 = tpu.vector_load_idx %gather3A_527[%add3A_288, %add3A_523] : memref<128x128xf32, #tpu.memory_space<vmem>>[vector<16xi32>, vector<16xi32>], vector<16xf32>,
        %gather3A_529 = arith.constant 0 : i32
        %gather3A_530 = arith.constant 0 : i32
        %gather3A_531 = tpu.memref_slice %arg11[%scan3A_163, %gather3A_529, %gather3A_530] : memref<2x128x128xf32, #tpu.memory_space<vmem>> -> memref<1x128x128xf32, #tpu.memory_space<vmem>>
        %gather3A_532 = tpu.memref_squeeze %gather3A_531 : memref<1x128x128xf32, #tpu.memory_space<vmem>> -> memref<128x128xf32, #tpu.memory_space<vmem>>
        %gather3A_533 = tpu.vector_load_idx %gather3A_532[%add3A_288, %add3A_520] : memref<128x128xf32, #tpu.memory_space<vmem>>[vector<16xi32>, vector<16xi32>], vector<16xf32>,
        %gather3A_534 = arith.constant 0 : i32
        %gather3A_535 = arith.constant 0 : i32
        %gather3A_536 = tpu.memref_slice %arg12[%scan3A_162, %gather3A_534, %gather3A_535] : memref<2x128x128xf32, #tpu.memory_space<vmem>> -> memref<1x128x128xf32, #tpu.memory_space<vmem>>
        %gather3A_537 = tpu.memref_squeeze %gather3A_536 : memref<1x128x128xf32, #tpu.memory_space<vmem>> -> memref<128x128xf32, #tpu.memory_space<vmem>>
        %gather3A_538 = tpu.vector_load_idx %gather3A_537[%add3A_288, %add3A_520] : memref<128x128xf32, #tpu.memory_space<vmem>>[vector<16xi32>, vector<16xi32>], vector<16xf32>,
        %gather3A_539 = arith.constant 0 : i32
        %gather3A_540 = arith.constant 0 : i32
        %gather3A_541 = tpu.memref_slice %arg13[%scan3A_164, %gather3A_539, %gather3A_540] : memref<2x128x128xf32, #tpu.memory_space<vmem>> -> memref<1x128x128xf32, #tpu.memory_space<vmem>>
        %gather3A_542 = tpu.memref_squeeze %gather3A_541 : memref<1x128x128xf32, #tpu.memory_space<vmem>> -> memref<128x128xf32, #tpu.memory_space<vmem>>
        %gather3A_543 = tpu.vector_load_idx %gather3A_542[%add3A_288, %add3A_520] : memref<128x128xf32, #tpu.memory_space<vmem>>[vector<16xi32>, vector<16xi32>], vector<16xf32>,
        %mul3A_544 = arith.mulf %gather3A_528, %gather3A_533 : vector<16xf32>
        %add3A_545 = arith.addf %add3A_513, %mul3A_544 : vector<16xf32>
        %mul3A_546 = arith.mulf %gather3A_528, %gather3A_538 : vector<16xf32>
        %add3A_547 = arith.addf %add3A_515, %mul3A_546 : vector<16xf32>
        %mul3A_548 = arith.mulf %gather3A_543, %gather3A_543 : vector<16xf32>
        %add3A_549 = arith.addf %add3A_517, %mul3A_548 : vector<16xf32>
        %add3A_550 = arith.constant 6 : i32
        %add3A_551 = vector.broadcast %add3A_550 : i32 to vector<16xi32>
        %add3A_552 = arith.addi %scan3A_358, %add3A_551 : vector<16xi32>
        %add3A_553 = arith.constant 64 : i32
        %add3A_554 = vector.broadcast %add3A_553 : i32 to vector<16xi32>
        %add3A_555 = arith.addi %add3A_552, %add3A_554 : vector<16xi32>
        %gather3A_556 = arith.constant 0 : i32
        %gather3A_557 = arith.constant 0 : i32
        %gather3A_558 = tpu.memref_slice %arg12[%scan3A_162, %gather3A_556, %gather3A_557] : memref<2x128x128xf32, #tpu.memory_space<vmem>> -> memref<1x128x128xf32, #tpu.memory_space<vmem>>
        %gather3A_559 = tpu.memref_squeeze %gather3A_558 : memref<1x128x128xf32, #tpu.memory_space<vmem>> -> memref<128x128xf32, #tpu.memory_space<vmem>>
        %gather3A_560 = tpu.vector_load_idx %gather3A_559[%add3A_288, %add3A_555] : memref<128x128xf32, #tpu.memory_space<vmem>>[vector<16xi32>, vector<16xi32>], vector<16xf32>,
        %gather3A_561 = arith.constant 0 : i32
        %gather3A_562 = arith.constant 0 : i32
        %gather3A_563 = tpu.memref_slice %arg11[%scan3A_163, %gather3A_561, %gather3A_562] : memref<2x128x128xf32, #tpu.memory_space<vmem>> -> memref<1x128x128xf32, #tpu.memory_space<vmem>>
        %gather3A_564 = tpu.memref_squeeze %gather3A_563 : memref<1x128x128xf32, #tpu.memory_space<vmem>> -> memref<128x128xf32, #tpu.memory_space<vmem>>
        %gather3A_565 = tpu.vector_load_idx %gather3A_564[%add3A_288, %add3A_552] : memref<128x128xf32, #tpu.memory_space<vmem>>[vector<16xi32>, vector<16xi32>], vector<16xf32>,
        %gather3A_566 = arith.constant 0 : i32
        %gather3A_567 = arith.constant 0 : i32
        %gather3A_568 = tpu.memref_slice %arg12[%scan3A_162, %gather3A_566, %gather3A_567] : memref<2x128x128xf32, #tpu.memory_space<vmem>> -> memref<1x128x128xf32, #tpu.memory_space<vmem>>
        %gather3A_569 = tpu.memref_squeeze %gather3A_568 : memref<1x128x128xf32, #tpu.memory_space<vmem>> -> memref<128x128xf32, #tpu.memory_space<vmem>>
        %gather3A_570 = tpu.vector_load_idx %gather3A_569[%add3A_288, %add3A_552] : memref<128x128xf32, #tpu.memory_space<vmem>>[vector<16xi32>, vector<16xi32>], vector<16xf32>,
        %gather3A_571 = arith.constant 0 : i32
        %gather3A_572 = arith.constant 0 : i32
        %gather3A_573 = tpu.memref_slice %arg13[%scan3A_164, %gather3A_571, %gather3A_572] : memref<2x128x128xf32, #tpu.memory_space<vmem>> -> memref<1x128x128xf32, #tpu.memory_space<vmem>>
        %gather3A_574 = tpu.memref_squeeze %gather3A_573 : memref<1x128x128xf32, #tpu.memory_space<vmem>> -> memref<128x128xf32, #tpu.memory_space<vmem>>
        %gather3A_575 = tpu.vector_load_idx %gather3A_574[%add3A_288, %add3A_552] : memref<128x128xf32, #tpu.memory_space<vmem>>[vector<16xi32>, vector<16xi32>], vector<16xf32>,
        %mul3A_576 = arith.mulf %gather3A_560, %gather3A_565 : vector<16xf32>
        %add3A_577 = arith.addf %add3A_545, %mul3A_576 : vector<16xf32>
        %mul3A_578 = arith.mulf %gather3A_560, %gather3A_570 : vector<16xf32>
        %add3A_579 = arith.addf %add3A_547, %mul3A_578 : vector<16xf32>
        %mul3A_580 = arith.mulf %gather3A_575, %gather3A_575 : vector<16xf32>
        %add3A_581 = arith.addf %add3A_549, %mul3A_580 : vector<16xf32>
        %add3A_582 = arith.constant 7 : i32
        %add3A_583 = vector.broadcast %add3A_582 : i32 to vector<16xi32>
        %add3A_584 = arith.addi %scan3A_358, %add3A_583 : vector<16xi32>
        %add3A_585 = arith.constant 64 : i32
        %add3A_586 = vector.broadcast %add3A_585 : i32 to vector<16xi32>
        %add3A_587 = arith.addi %add3A_584, %add3A_586 : vector<16xi32>
        %gather3A_588 = arith.constant 0 : i32
        %gather3A_589 = arith.constant 0 : i32
        %gather3A_590 = tpu.memref_slice %arg12[%scan3A_162, %gather3A_588, %gather3A_589] : memref<2x128x128xf32, #tpu.memory_space<vmem>> -> memref<1x128x128xf32, #tpu.memory_space<vmem>>
        %gather3A_591 = tpu.memref_squeeze %gather3A_590 : memref<1x128x128xf32, #tpu.memory_space<vmem>> -> memref<128x128xf32, #tpu.memory_space<vmem>>
        %gather3A_592 = tpu.vector_load_idx %gather3A_591[%add3A_288, %add3A_587] : memref<128x128xf32, #tpu.memory_space<vmem>>[vector<16xi32>, vector<16xi32>], vector<16xf32>,
        %gather3A_593 = arith.constant 0 : i32
        %gather3A_594 = arith.constant 0 : i32
        %gather3A_595 = tpu.memref_slice %arg11[%scan3A_163, %gather3A_593, %gather3A_594] : memref<2x128x128xf32, #tpu.memory_space<vmem>> -> memref<1x128x128xf32, #tpu.memory_space<vmem>>
        %gather3A_596 = tpu.memref_squeeze %gather3A_595 : memref<1x128x128xf32, #tpu.memory_space<vmem>> -> memref<128x128xf32, #tpu.memory_space<vmem>>
        %gather3A_597 = tpu.vector_load_idx %gather3A_596[%add3A_288, %add3A_584] : memref<128x128xf32, #tpu.memory_space<vmem>>[vector<16xi32>, vector<16xi32>], vector<16xf32>,
        %gather3A_598 = arith.constant 0 : i32
        %gather3A_599 = arith.constant 0 : i32
        %gather3A_600 = tpu.memref_slice %arg12[%scan3A_162, %gather3A_598, %gather3A_599] : memref<2x128x128xf32, #tpu.memory_space<vmem>> -> memref<1x128x128xf32, #tpu.memory_space<vmem>>
        %gather3A_601 = tpu.memref_squeeze %gather3A_600 : memref<1x128x128xf32, #tpu.memory_space<vmem>> -> memref<128x128xf32, #tpu.memory_space<vmem>>
        %gather3A_602 = tpu.vector_load_idx %gather3A_601[%add3A_288, %add3A_584] : memref<128x128xf32, #tpu.memory_space<vmem>>[vector<16xi32>, vector<16xi32>], vector<16xf32>,
        %gather3A_603 = arith.constant 0 : i32
        %gather3A_604 = arith.constant 0 : i32
        %gather3A_605 = tpu.memref_slice %arg13[%scan3A_164, %gather3A_603, %gather3A_604] : memref<2x128x128xf32, #tpu.memory_space<vmem>> -> memref<1x128x128xf32, #tpu.memory_space<vmem>>
        %gather3A_606 = tpu.memref_squeeze %gather3A_605 : memref<1x128x128xf32, #tpu.memory_space<vmem>> -> memref<128x128xf32, #tpu.memory_space<vmem>>
        %gather3A_607 = tpu.vector_load_idx %gather3A_606[%add3A_288, %add3A_584] : memref<128x128xf32, #tpu.memory_space<vmem>>[vector<16xi32>, vector<16xi32>], vector<16xf32>,
        %mul3A_608 = arith.mulf %gather3A_592, %gather3A_597 : vector<16xf32>
        %add3A_609 = arith.addf %add3A_577, %mul3A_608 : vector<16xf32>
        %mul3A_610 = arith.mulf %gather3A_592, %gather3A_602 : vector<16xf32>
        %add3A_611 = arith.addf %add3A_579, %mul3A_610 : vector<16xf32>
        %mul3A_612 = arith.mulf %gather3A_607, %gather3A_607 : vector<16xf32>
        %add3A_613 = arith.addf %add3A_581, %mul3A_612 : vector<16xf32>
        %add3A_614 = arith.constant 8 : i32
        %add3A_615 = vector.broadcast %add3A_614 : i32 to vector<16xi32>
        %add3A_616 = arith.addi %scan3A_358, %add3A_615 : vector<16xi32>
        scf.yield %add3A_609, %add3A_611, %add3A_613, %add3A_616 : vector<16xf32>, vector<16xf32>, vector<16xf32>, vector<16xi32>
      }
      %scan3A_297 = arith.constant 8 : i32
      %sub3A = arith.subf %scan3A_296#0, %scan3A_296#1 : vector<16xf32>
      %max3A = arith.constant 1.000000e+00 : f32
      %max3A_298 = vector.broadcast %max3A : f32 to vector<16xf32>
      %max3A_299 = arith.maximumf %scan3A_296#2, %max3A_298 : vector<16xf32>
      %bitcast3A = vector.bitcast %max3A_299 : vector<16xf32> to vector<16xi32>
      %shift_right_arithmetic3A = arith.constant 1 : i32
      %shift_right_arithmetic3A_300 = vector.broadcast %shift_right_arithmetic3A : i32 to vector<16xi32>
      %shift_right_arithmetic3A_301 = arith.shrsi %bitcast3A, %shift_right_arithmetic3A_300 : vector<16xi32>
      %sub3A_302 = arith.constant 1597463007 : i32
      %sub3A_303 = vector.broadcast %sub3A_302 : i32 to vector<16xi32>
      %sub3A_304 = arith.subi %sub3A_303, %shift_right_arithmetic3A_301 : vector<16xi32>
      %bitcast3A_305 = vector.bitcast %sub3A_304 : vector<16xi32> to vector<16xf32>
      %mul3A_306 = arith.constant 5.000000e-01 : f32
      %mul3A_307 = vector.broadcast %mul3A_306 : f32 to vector<16xf32>
      %mul3A_308 = arith.mulf %mul3A_307, %max3A_299 : vector<16xf32>
      %mul3A_309 = arith.mulf %mul3A_308, %bitcast3A_305 : vector<16xf32>
      %mul3A_310 = arith.mulf %mul3A_309, %bitcast3A_305 : vector<16xf32>
      %sub3A_311 = arith.constant 1.500000e+00 : f32
      %sub3A_312 = vector.broadcast %sub3A_311 : f32 to vector<16xf32>
      %sub3A_313 = arith.subf %sub3A_312, %mul3A_310 : vector<16xf32>
      %mul3A_314 = arith.mulf %bitcast3A_305, %sub3A_313 : vector<16xf32>
      %mul3A_315 = arith.constant 5.000000e-01 : f32
      %mul3A_316 = vector.broadcast %mul3A_315 : f32 to vector<16xf32>
      %mul3A_317 = arith.mulf %mul3A_316, %max3A_299 : vector<16xf32>
      %mul3A_318 = arith.mulf %mul3A_317, %mul3A_314 : vector<16xf32>
      %mul3A_319 = arith.mulf %mul3A_318, %mul3A_314 : vector<16xf32>
      %sub3A_320 = arith.constant 1.500000e+00 : f32
      %sub3A_321 = vector.broadcast %sub3A_320 : f32 to vector<16xf32>
      %sub3A_322 = arith.subf %sub3A_321, %mul3A_319 : vector<16xf32>
      %mul3A_323 = arith.mulf %mul3A_314, %sub3A_322 : vector<16xf32>
      %mul3A_324 = arith.constant 5.000000e-01 : f32
      %mul3A_325 = vector.broadcast %mul3A_324 : f32 to vector<16xf32>
      %mul3A_326 = arith.mulf %mul3A_325, %max3A_299 : vector<16xf32>
      %mul3A_327 = arith.mulf %mul3A_326, %mul3A_323 : vector<16xf32>
      %mul3A_328 = arith.mulf %mul3A_327, %mul3A_323 : vector<16xf32>
      %sub3A_329 = arith.constant 1.500000e+00 : f32
      %sub3A_330 = vector.broadcast %sub3A_329 : f32 to vector<16xf32>
      %sub3A_331 = arith.subf %sub3A_330, %mul3A_328 : vector<16xf32>
      %mul3A_332 = arith.mulf %mul3A_323, %sub3A_331 : vector<16xf32>
      %mul3A_333 = arith.mulf %max3A_299, %mul3A_332 : vector<16xf32>
      %gt3A = arith.constant 1.000000e+00 : f32
      %gt3A_334 = vector.broadcast %gt3A : f32 to vector<16xf32>
      %gt3A_335 = arith.cmpf ogt, %scan3A_296#2, %gt3A_334 : vector<16xf32>
      %add3A_336 = arith.constant 1.000000e-07 : f32
      %add3A_337 = vector.broadcast %add3A_336 : f32 to vector<16xf32>
      %add3A_338 = arith.addf %mul3A_333, %add3A_337 : vector<16xf32>
      %div3A = arith.constant 1.000000e+00 : f32
      %div3A_339 = vector.broadcast %div3A : f32 to vector<16xf32>
      %div3A_340 = arith.divf %div3A_339, %add3A_338 : vector<16xf32>
      %jit3A = arith.constant 1.000000e+00 : f32
      %broadcast_in_dim3A_341 = vector.broadcast %jit3A : f32 to vector<16xf32>
      %select_n3A = arith.select %gt3A_335, %div3A_340, %broadcast_in_dim3A_341 : vector<16xi1>, vector<16xf32>
      %scan3A_342 = arith.constant 0 : i32
      %scan3A_343 = arith.constant 8 : i32
      %scan3A_344 = arith.addi %scan3A_342, %scan3A_343 : i32
      %scan3A_345 = arith.constant 1 : i32
      %scan3A_346:2 = scf.for %scan3A_354 = %scan3A_342 to %scan3A_344 step %scan3A_345 iter_args(%scan3A_355 = %broadcast_in_dim3A_289, %scan3A_356 = %broadcast_in_dim3A_291) -> (vector<16xf32>, vector<16xi32>)  : i32 {
        %add3A_357 = arith.constant 0 : i32
        %add3A_358 = vector.broadcast %add3A_357 : i32 to vector<16xi32>
        %add3A_359 = arith.addi %scan3A_356, %add3A_358 : vector<16xi32>
        %add3A_360 = arith.constant 64 : i32
        %add3A_361 = vector.broadcast %add3A_360 : i32 to vector<16xi32>
        %add3A_362 = arith.addi %add3A_359, %add3A_361 : vector<16xi32>
        %gather3A = arith.constant 0 : i32
        %gather3A_363 = arith.constant 0 : i32
        %gather3A_364 = tpu.memref_slice %arg11[%scan3A_163, %gather3A, %gather3A_363] : memref<2x128x128xf32, #tpu.memory_space<vmem>> -> memref<1x128x128xf32, #tpu.memory_space<vmem>>
        %gather3A_365 = tpu.memref_squeeze %gather3A_364 : memref<1x128x128xf32, #tpu.memory_space<vmem>> -> memref<128x128xf32, #tpu.memory_space<vmem>>
        %gather3A_366 = tpu.vector_load_idx %gather3A_365[%add3A_288, %add3A_362] : memref<128x128xf32, #tpu.memory_space<vmem>>[vector<16xi32>, vector<16xi32>], vector<16xf32>,
        %gather3A_367 = arith.constant 0 : i32
        %gather3A_368 = arith.constant 0 : i32
        %gather3A_369 = tpu.memref_slice %arg11[%scan3A_163, %gather3A_367, %gather3A_368] : memref<2x128x128xf32, #tpu.memory_space<vmem>> -> memref<1x128x128xf32, #tpu.memory_space<vmem>>
        %gather3A_370 = tpu.memref_squeeze %gather3A_369 : memref<1x128x128xf32, #tpu.memory_space<vmem>> -> memref<128x128xf32, #tpu.memory_space<vmem>>
        %gather3A_371 = tpu.vector_load_idx %gather3A_370[%add3A_288, %add3A_359] : memref<128x128xf32, #tpu.memory_space<vmem>>[vector<16xi32>, vector<16xi32>], vector<16xf32>,
        %gather3A_372 = arith.constant 0 : i32
        %gather3A_373 = arith.constant 0 : i32
        %gather3A_374 = tpu.memref_slice %arg12[%scan3A_162, %gather3A_372, %gather3A_373] : memref<2x128x128xf32, #tpu.memory_space<vmem>> -> memref<1x128x128xf32, #tpu.memory_space<vmem>>
        %gather3A_375 = tpu.memref_squeeze %gather3A_374 : memref<1x128x128xf32, #tpu.memory_space<vmem>> -> memref<128x128xf32, #tpu.memory_space<vmem>>
        %gather3A_376 = tpu.vector_load_idx %gather3A_375[%add3A_288, %add3A_359] : memref<128x128xf32, #tpu.memory_space<vmem>>[vector<16xi32>, vector<16xi32>], vector<16xf32>,
        %gather3A_377 = arith.constant 0 : i32
        %gather3A_378 = arith.constant 0 : i32
        %gather3A_379 = tpu.memref_slice %arg13[%scan3A_164, %gather3A_377, %gather3A_378] : memref<2x128x128xf32, #tpu.memory_space<vmem>> -> memref<1x128x128xf32, #tpu.memory_space<vmem>>
        %gather3A_380 = tpu.memref_squeeze %gather3A_379 : memref<1x128x128xf32, #tpu.memory_space<vmem>> -> memref<128x128xf32, #tpu.memory_space<vmem>>
        %gather3A_381 = tpu.vector_load_idx %gather3A_380[%add3A_288, %add3A_359] : memref<128x128xf32, #tpu.memory_space<vmem>>[vector<16xi32>, vector<16xi32>], vector<16xf32>,
        %mul3A_382 = arith.mulf %gather3A_366, %sub3A : vector<16xf32>
        %sub3A_383 = arith.subf %gather3A_371, %gather3A_376 : vector<16xf32>
        %add3A_384 = arith.addf %mul3A_382, %sub3A_383 : vector<16xf32>
        %mul3A_385 = arith.mulf %gather3A_381, %select_n3A : vector<16xf32>
        %add3A_386 = arith.addf %add3A_384, %mul3A_385 : vector<16xf32>
        %abs3A = math.absf %add3A_386 : vector<16xf32>
        %add3A_387 = arith.addf %scan3A_355, %abs3A : vector<16xf32>
        %add3A_388 = arith.constant 1 : i32
        %add3A_389 = vector.broadcast %add3A_388 : i32 to vector<16xi32>
        %add3A_390 = arith.addi %scan3A_356, %add3A_389 : vector<16xi32>
        %add3A_391 = arith.constant 64 : i32
        %add3A_392 = vector.broadcast %add3A_391 : i32 to vector<16xi32>
        %add3A_393 = arith.addi %add3A_390, %add3A_392 : vector<16xi32>
        %gather3A_394 = arith.constant 0 : i32
        %gather3A_395 = arith.constant 0 : i32
        %gather3A_396 = tpu.memref_slice %arg11[%scan3A_163, %gather3A_394, %gather3A_395] : memref<2x128x128xf32, #tpu.memory_space<vmem>> -> memref<1x128x128xf32, #tpu.memory_space<vmem>>
        %gather3A_397 = tpu.memref_squeeze %gather3A_396 : memref<1x128x128xf32, #tpu.memory_space<vmem>> -> memref<128x128xf32, #tpu.memory_space<vmem>>
        %gather3A_398 = tpu.vector_load_idx %gather3A_397[%add3A_288, %add3A_393] : memref<128x128xf32, #tpu.memory_space<vmem>>[vector<16xi32>, vector<16xi32>], vector<16xf32>,
        %gather3A_399 = arith.constant 0 : i32
        %gather3A_400 = arith.constant 0 : i32
        %gather3A_401 = tpu.memref_slice %arg11[%scan3A_163, %gather3A_399, %gather3A_400] : memref<2x128x128xf32, #tpu.memory_space<vmem>> -> memref<1x128x128xf32, #tpu.memory_space<vmem>>
        %gather3A_402 = tpu.memref_squeeze %gather3A_401 : memref<1x128x128xf32, #tpu.memory_space<vmem>> -> memref<128x128xf32, #tpu.memory_space<vmem>>
        %gather3A_403 = tpu.vector_load_idx %gather3A_402[%add3A_288, %add3A_390] : memref<128x128xf32, #tpu.memory_space<vmem>>[vector<16xi32>, vector<16xi32>], vector<16xf32>,
        %gather3A_404 = arith.constant 0 : i32
        %gather3A_405 = arith.constant 0 : i32
        %gather3A_406 = tpu.memref_slice %arg12[%scan3A_162, %gather3A_404, %gather3A_405] : memref<2x128x128xf32, #tpu.memory_space<vmem>> -> memref<1x128x128xf32, #tpu.memory_space<vmem>>
        %gather3A_407 = tpu.memref_squeeze %gather3A_406 : memref<1x128x128xf32, #tpu.memory_space<vmem>> -> memref<128x128xf32, #tpu.memory_space<vmem>>
        %gather3A_408 = tpu.vector_load_idx %gather3A_407[%add3A_288, %add3A_390] : memref<128x128xf32, #tpu.memory_space<vmem>>[vector<16xi32>, vector<16xi32>], vector<16xf32>,
        %gather3A_409 = arith.constant 0 : i32
        %gather3A_410 = arith.constant 0 : i32
        %gather3A_411 = tpu.memref_slice %arg13[%scan3A_164, %gather3A_409, %gather3A_410] : memref<2x128x128xf32, #tpu.memory_space<vmem>> -> memref<1x128x128xf32, #tpu.memory_space<vmem>>
        %gather3A_412 = tpu.memref_squeeze %gather3A_411 : memref<1x128x128xf32, #tpu.memory_space<vmem>> -> memref<128x128xf32, #tpu.memory_space<vmem>>
        %gather3A_413 = tpu.vector_load_idx %gather3A_412[%add3A_288, %add3A_390] : memref<128x128xf32, #tpu.memory_space<vmem>>[vector<16xi32>, vector<16xi32>], vector<16xf32>,
        %mul3A_414 = arith.mulf %gather3A_398, %sub3A : vector<16xf32>
        %sub3A_415 = arith.subf %gather3A_403, %gather3A_408 : vector<16xf32>
        %add3A_416 = arith.addf %mul3A_414, %sub3A_415 : vector<16xf32>
        %mul3A_417 = arith.mulf %gather3A_413, %select_n3A : vector<16xf32>
        %add3A_418 = arith.addf %add3A_416, %mul3A_417 : vector<16xf32>
        %abs3A_419 = math.absf %add3A_418 : vector<16xf32>
        %add3A_420 = arith.addf %add3A_387, %abs3A_419 : vector<16xf32>
        %add3A_421 = arith.constant 2 : i32
        %add3A_422 = vector.broadcast %add3A_421 : i32 to vector<16xi32>
        %add3A_423 = arith.addi %scan3A_356, %add3A_422 : vector<16xi32>
        %add3A_424 = arith.constant 64 : i32
        %add3A_425 = vector.broadcast %add3A_424 : i32 to vector<16xi32>
        %add3A_426 = arith.addi %add3A_423, %add3A_425 : vector<16xi32>
        %gather3A_427 = arith.constant 0 : i32
        %gather3A_428 = arith.constant 0 : i32
        %gather3A_429 = tpu.memref_slice %arg11[%scan3A_163, %gather3A_427, %gather3A_428] : memref<2x128x128xf32, #tpu.memory_space<vmem>> -> memref<1x128x128xf32, #tpu.memory_space<vmem>>
        %gather3A_430 = tpu.memref_squeeze %gather3A_429 : memref<1x128x128xf32, #tpu.memory_space<vmem>> -> memref<128x128xf32, #tpu.memory_space<vmem>>
        %gather3A_431 = tpu.vector_load_idx %gather3A_430[%add3A_288, %add3A_426] : memref<128x128xf32, #tpu.memory_space<vmem>>[vector<16xi32>, vector<16xi32>], vector<16xf32>,
        %gather3A_432 = arith.constant 0 : i32
        %gather3A_433 = arith.constant 0 : i32
        %gather3A_434 = tpu.memref_slice %arg11[%scan3A_163, %gather3A_432, %gather3A_433] : memref<2x128x128xf32, #tpu.memory_space<vmem>> -> memref<1x128x128xf32, #tpu.memory_space<vmem>>
        %gather3A_435 = tpu.memref_squeeze %gather3A_434 : memref<1x128x128xf32, #tpu.memory_space<vmem>> -> memref<128x128xf32, #tpu.memory_space<vmem>>
        %gather3A_436 = tpu.vector_load_idx %gather3A_435[%add3A_288, %add3A_423] : memref<128x128xf32, #tpu.memory_space<vmem>>[vector<16xi32>, vector<16xi32>], vector<16xf32>,
        %gather3A_437 = arith.constant 0 : i32
        %gather3A_438 = arith.constant 0 : i32
        %gather3A_439 = tpu.memref_slice %arg12[%scan3A_162, %gather3A_437, %gather3A_438] : memref<2x128x128xf32, #tpu.memory_space<vmem>> -> memref<1x128x128xf32, #tpu.memory_space<vmem>>
        %gather3A_440 = tpu.memref_squeeze %gather3A_439 : memref<1x128x128xf32, #tpu.memory_space<vmem>> -> memref<128x128xf32, #tpu.memory_space<vmem>>
        %gather3A_441 = tpu.vector_load_idx %gather3A_440[%add3A_288, %add3A_423] : memref<128x128xf32, #tpu.memory_space<vmem>>[vector<16xi32>, vector<16xi32>], vector<16xf32>,
        %gather3A_442 = arith.constant 0 : i32
        %gather3A_443 = arith.constant 0 : i32
        %gather3A_444 = tpu.memref_slice %arg13[%scan3A_164, %gather3A_442, %gather3A_443] : memref<2x128x128xf32, #tpu.memory_space<vmem>> -> memref<1x128x128xf32, #tpu.memory_space<vmem>>
        %gather3A_445 = tpu.memref_squeeze %gather3A_444 : memref<1x128x128xf32, #tpu.memory_space<vmem>> -> memref<128x128xf32, #tpu.memory_space<vmem>>
        %gather3A_446 = tpu.vector_load_idx %gather3A_445[%add3A_288, %add3A_423] : memref<128x128xf32, #tpu.memory_space<vmem>>[vector<16xi32>, vector<16xi32>], vector<16xf32>,
        %mul3A_447 = arith.mulf %gather3A_431, %sub3A : vector<16xf32>
        %sub3A_448 = arith.subf %gather3A_436, %gather3A_441 : vector<16xf32>
        %add3A_449 = arith.addf %mul3A_447, %sub3A_448 : vector<16xf32>
        %mul3A_450 = arith.mulf %gather3A_446, %select_n3A : vector<16xf32>
        %add3A_451 = arith.addf %add3A_449, %mul3A_450 : vector<16xf32>
        %abs3A_452 = math.absf %add3A_451 : vector<16xf32>
        %add3A_453 = arith.addf %add3A_420, %abs3A_452 : vector<16xf32>
        %add3A_454 = arith.constant 3 : i32
        %add3A_455 = vector.broadcast %add3A_454 : i32 to vector<16xi32>
        %add3A_456 = arith.addi %scan3A_356, %add3A_455 : vector<16xi32>
        %add3A_457 = arith.constant 64 : i32
        %add3A_458 = vector.broadcast %add3A_457 : i32 to vector<16xi32>
        %add3A_459 = arith.addi %add3A_456, %add3A_458 : vector<16xi32>
        %gather3A_460 = arith.constant 0 : i32
        %gather3A_461 = arith.constant 0 : i32
        %gather3A_462 = tpu.memref_slice %arg11[%scan3A_163, %gather3A_460, %gather3A_461] : memref<2x128x128xf32, #tpu.memory_space<vmem>> -> memref<1x128x128xf32, #tpu.memory_space<vmem>>
        %gather3A_463 = tpu.memref_squeeze %gather3A_462 : memref<1x128x128xf32, #tpu.memory_space<vmem>> -> memref<128x128xf32, #tpu.memory_space<vmem>>
        %gather3A_464 = tpu.vector_load_idx %gather3A_463[%add3A_288, %add3A_459] : memref<128x128xf32, #tpu.memory_space<vmem>>[vector<16xi32>, vector<16xi32>], vector<16xf32>,
        %gather3A_465 = arith.constant 0 : i32
        %gather3A_466 = arith.constant 0 : i32
        %gather3A_467 = tpu.memref_slice %arg11[%scan3A_163, %gather3A_465, %gather3A_466] : memref<2x128x128xf32, #tpu.memory_space<vmem>> -> memref<1x128x128xf32, #tpu.memory_space<vmem>>
        %gather3A_468 = tpu.memref_squeeze %gather3A_467 : memref<1x128x128xf32, #tpu.memory_space<vmem>> -> memref<128x128xf32, #tpu.memory_space<vmem>>
        %gather3A_469 = tpu.vector_load_idx %gather3A_468[%add3A_288, %add3A_456] : memref<128x128xf32, #tpu.memory_space<vmem>>[vector<16xi32>, vector<16xi32>], vector<16xf32>,
        %gather3A_470 = arith.constant 0 : i32
        %gather3A_471 = arith.constant 0 : i32
        %gather3A_472 = tpu.memref_slice %arg12[%scan3A_162, %gather3A_470, %gather3A_471] : memref<2x128x128xf32, #tpu.memory_space<vmem>> -> memref<1x128x128xf32, #tpu.memory_space<vmem>>
        %gather3A_473 = tpu.memref_squeeze %gather3A_472 : memref<1x128x128xf32, #tpu.memory_space<vmem>> -> memref<128x128xf32, #tpu.memory_space<vmem>>
        %gather3A_474 = tpu.vector_load_idx %gather3A_473[%add3A_288, %add3A_456] : memref<128x128xf32, #tpu.memory_space<vmem>>[vector<16xi32>, vector<16xi32>], vector<16xf32>,
        %gather3A_475 = arith.constant 0 : i32
        %gather3A_476 = arith.constant 0 : i32
        %gather3A_477 = tpu.memref_slice %arg13[%scan3A_164, %gather3A_475, %gather3A_476] : memref<2x128x128xf32, #tpu.memory_space<vmem>> -> memref<1x128x128xf32, #tpu.memory_space<vmem>>
        %gather3A_478 = tpu.memref_squeeze %gather3A_477 : memref<1x128x128xf32, #tpu.memory_space<vmem>> -> memref<128x128xf32, #tpu.memory_space<vmem>>
        %gather3A_479 = tpu.vector_load_idx %gather3A_478[%add3A_288, %add3A_456] : memref<128x128xf32, #tpu.memory_space<vmem>>[vector<16xi32>, vector<16xi32>], vector<16xf32>,
        %mul3A_480 = arith.mulf %gather3A_464, %sub3A : vector<16xf32>
        %sub3A_481 = arith.subf %gather3A_469, %gather3A_474 : vector<16xf32>
        %add3A_482 = arith.addf %mul3A_480, %sub3A_481 : vector<16xf32>
        %mul3A_483 = arith.mulf %gather3A_479, %select_n3A : vector<16xf32>
        %add3A_484 = arith.addf %add3A_482, %mul3A_483 : vector<16xf32>
        %abs3A_485 = math.absf %add3A_484 : vector<16xf32>
        %add3A_486 = arith.addf %add3A_453, %abs3A_485 : vector<16xf32>
        %add3A_487 = arith.constant 4 : i32
        %add3A_488 = vector.broadcast %add3A_487 : i32 to vector<16xi32>
        %add3A_489 = arith.addi %scan3A_356, %add3A_488 : vector<16xi32>
        %add3A_490 = arith.constant 64 : i32
        %add3A_491 = vector.broadcast %add3A_490 : i32 to vector<16xi32>
        %add3A_492 = arith.addi %add3A_489, %add3A_491 : vector<16xi32>
        %gather3A_493 = arith.constant 0 : i32
        %gather3A_494 = arith.constant 0 : i32
        %gather3A_495 = tpu.memref_slice %arg11[%scan3A_163, %gather3A_493, %gather3A_494] : memref<2x128x128xf32, #tpu.memory_space<vmem>> -> memref<1x128x128xf32, #tpu.memory_space<vmem>>
        %gather3A_496 = tpu.memref_squeeze %gather3A_495 : memref<1x128x128xf32, #tpu.memory_space<vmem>> -> memref<128x128xf32, #tpu.memory_space<vmem>>
        %gather3A_497 = tpu.vector_load_idx %gather3A_496[%add3A_288, %add3A_492] : memref<128x128xf32, #tpu.memory_space<vmem>>[vector<16xi32>, vector<16xi32>], vector<16xf32>,
        %gather3A_498 = arith.constant 0 : i32
        %gather3A_499 = arith.constant 0 : i32
        %gather3A_500 = tpu.memref_slice %arg11[%scan3A_163, %gather3A_498, %gather3A_499] : memref<2x128x128xf32, #tpu.memory_space<vmem>> -> memref<1x128x128xf32, #tpu.memory_space<vmem>>
        %gather3A_501 = tpu.memref_squeeze %gather3A_500 : memref<1x128x128xf32, #tpu.memory_space<vmem>> -> memref<128x128xf32, #tpu.memory_space<vmem>>
        %gather3A_502 = tpu.vector_load_idx %gather3A_501[%add3A_288, %add3A_489] : memref<128x128xf32, #tpu.memory_space<vmem>>[vector<16xi32>, vector<16xi32>], vector<16xf32>,
        %gather3A_503 = arith.constant 0 : i32
        %gather3A_504 = arith.constant 0 : i32
        %gather3A_505 = tpu.memref_slice %arg12[%scan3A_162, %gather3A_503, %gather3A_504] : memref<2x128x128xf32, #tpu.memory_space<vmem>> -> memref<1x128x128xf32, #tpu.memory_space<vmem>>
        %gather3A_506 = tpu.memref_squeeze %gather3A_505 : memref<1x128x128xf32, #tpu.memory_space<vmem>> -> memref<128x128xf32, #tpu.memory_space<vmem>>
        %gather3A_507 = tpu.vector_load_idx %gather3A_506[%add3A_288, %add3A_489] : memref<128x128xf32, #tpu.memory_space<vmem>>[vector<16xi32>, vector<16xi32>], vector<16xf32>,
        %gather3A_508 = arith.constant 0 : i32
        %gather3A_509 = arith.constant 0 : i32
        %gather3A_510 = tpu.memref_slice %arg13[%scan3A_164, %gather3A_508, %gather3A_509] : memref<2x128x128xf32, #tpu.memory_space<vmem>> -> memref<1x128x128xf32, #tpu.memory_space<vmem>>
        %gather3A_511 = tpu.memref_squeeze %gather3A_510 : memref<1x128x128xf32, #tpu.memory_space<vmem>> -> memref<128x128xf32, #tpu.memory_space<vmem>>
        %gather3A_512 = tpu.vector_load_idx %gather3A_511[%add3A_288, %add3A_489] : memref<128x128xf32, #tpu.memory_space<vmem>>[vector<16xi32>, vector<16xi32>], vector<16xf32>,
        %mul3A_513 = arith.mulf %gather3A_497, %sub3A : vector<16xf32>
        %sub3A_514 = arith.subf %gather3A_502, %gather3A_507 : vector<16xf32>
        %add3A_515 = arith.addf %mul3A_513, %sub3A_514 : vector<16xf32>
        %mul3A_516 = arith.mulf %gather3A_512, %select_n3A : vector<16xf32>
        %add3A_517 = arith.addf %add3A_515, %mul3A_516 : vector<16xf32>
        %abs3A_518 = math.absf %add3A_517 : vector<16xf32>
        %add3A_519 = arith.addf %add3A_486, %abs3A_518 : vector<16xf32>
        %add3A_520 = arith.constant 5 : i32
        %add3A_521 = vector.broadcast %add3A_520 : i32 to vector<16xi32>
        %add3A_522 = arith.addi %scan3A_356, %add3A_521 : vector<16xi32>
        %add3A_523 = arith.constant 64 : i32
        %add3A_524 = vector.broadcast %add3A_523 : i32 to vector<16xi32>
        %add3A_525 = arith.addi %add3A_522, %add3A_524 : vector<16xi32>
        %gather3A_526 = arith.constant 0 : i32
        %gather3A_527 = arith.constant 0 : i32
        %gather3A_528 = tpu.memref_slice %arg11[%scan3A_163, %gather3A_526, %gather3A_527] : memref<2x128x128xf32, #tpu.memory_space<vmem>> -> memref<1x128x128xf32, #tpu.memory_space<vmem>>
        %gather3A_529 = tpu.memref_squeeze %gather3A_528 : memref<1x128x128xf32, #tpu.memory_space<vmem>> -> memref<128x128xf32, #tpu.memory_space<vmem>>
        %gather3A_530 = tpu.vector_load_idx %gather3A_529[%add3A_288, %add3A_525] : memref<128x128xf32, #tpu.memory_space<vmem>>[vector<16xi32>, vector<16xi32>], vector<16xf32>,
        %gather3A_531 = arith.constant 0 : i32
        %gather3A_532 = arith.constant 0 : i32
        %gather3A_533 = tpu.memref_slice %arg11[%scan3A_163, %gather3A_531, %gather3A_532] : memref<2x128x128xf32, #tpu.memory_space<vmem>> -> memref<1x128x128xf32, #tpu.memory_space<vmem>>
        %gather3A_534 = tpu.memref_squeeze %gather3A_533 : memref<1x128x128xf32, #tpu.memory_space<vmem>> -> memref<128x128xf32, #tpu.memory_space<vmem>>
        %gather3A_535 = tpu.vector_load_idx %gather3A_534[%add3A_288, %add3A_522] : memref<128x128xf32, #tpu.memory_space<vmem>>[vector<16xi32>, vector<16xi32>], vector<16xf32>,
        %gather3A_536 = arith.constant 0 : i32
        %gather3A_537 = arith.constant 0 : i32
        %gather3A_538 = tpu.memref_slice %arg12[%scan3A_162, %gather3A_536, %gather3A_537] : memref<2x128x128xf32, #tpu.memory_space<vmem>> -> memref<1x128x128xf32, #tpu.memory_space<vmem>>
        %gather3A_539 = tpu.memref_squeeze %gather3A_538 : memref<1x128x128xf32, #tpu.memory_space<vmem>> -> memref<128x128xf32, #tpu.memory_space<vmem>>
        %gather3A_540 = tpu.vector_load_idx %gather3A_539[%add3A_288, %add3A_522] : memref<128x128xf32, #tpu.memory_space<vmem>>[vector<16xi32>, vector<16xi32>], vector<16xf32>,
        %gather3A_541 = arith.constant 0 : i32
        %gather3A_542 = arith.constant 0 : i32
        %gather3A_543 = tpu.memref_slice %arg13[%scan3A_164, %gather3A_541, %gather3A_542] : memref<2x128x128xf32, #tpu.memory_space<vmem>> -> memref<1x128x128xf32, #tpu.memory_space<vmem>>
        %gather3A_544 = tpu.memref_squeeze %gather3A_543 : memref<1x128x128xf32, #tpu.memory_space<vmem>> -> memref<128x128xf32, #tpu.memory_space<vmem>>
        %gather3A_545 = tpu.vector_load_idx %gather3A_544[%add3A_288, %add3A_522] : memref<128x128xf32, #tpu.memory_space<vmem>>[vector<16xi32>, vector<16xi32>], vector<16xf32>,
        %mul3A_546 = arith.mulf %gather3A_530, %sub3A : vector<16xf32>
        %sub3A_547 = arith.subf %gather3A_535, %gather3A_540 : vector<16xf32>
        %add3A_548 = arith.addf %mul3A_546, %sub3A_547 : vector<16xf32>
        %mul3A_549 = arith.mulf %gather3A_545, %select_n3A : vector<16xf32>
        %add3A_550 = arith.addf %add3A_548, %mul3A_549 : vector<16xf32>
        %abs3A_551 = math.absf %add3A_550 : vector<16xf32>
        %add3A_552 = arith.addf %add3A_519, %abs3A_551 : vector<16xf32>
        %add3A_553 = arith.constant 6 : i32
        %add3A_554 = vector.broadcast %add3A_553 : i32 to vector<16xi32>
        %add3A_555 = arith.addi %scan3A_356, %add3A_554 : vector<16xi32>
        %add3A_556 = arith.constant 64 : i32
        %add3A_557 = vector.broadcast %add3A_556 : i32 to vector<16xi32>
        %add3A_558 = arith.addi %add3A_555, %add3A_557 : vector<16xi32>
        %gather3A_559 = arith.constant 0 : i32
        %gather3A_560 = arith.constant 0 : i32
        %gather3A_561 = tpu.memref_slice %arg11[%scan3A_163, %gather3A_559, %gather3A_560] : memref<2x128x128xf32, #tpu.memory_space<vmem>> -> memref<1x128x128xf32, #tpu.memory_space<vmem>>
        %gather3A_562 = tpu.memref_squeeze %gather3A_561 : memref<1x128x128xf32, #tpu.memory_space<vmem>> -> memref<128x128xf32, #tpu.memory_space<vmem>>
        %gather3A_563 = tpu.vector_load_idx %gather3A_562[%add3A_288, %add3A_558] : memref<128x128xf32, #tpu.memory_space<vmem>>[vector<16xi32>, vector<16xi32>], vector<16xf32>,
        %gather3A_564 = arith.constant 0 : i32
        %gather3A_565 = arith.constant 0 : i32
        %gather3A_566 = tpu.memref_slice %arg11[%scan3A_163, %gather3A_564, %gather3A_565] : memref<2x128x128xf32, #tpu.memory_space<vmem>> -> memref<1x128x128xf32, #tpu.memory_space<vmem>>
        %gather3A_567 = tpu.memref_squeeze %gather3A_566 : memref<1x128x128xf32, #tpu.memory_space<vmem>> -> memref<128x128xf32, #tpu.memory_space<vmem>>
        %gather3A_568 = tpu.vector_load_idx %gather3A_567[%add3A_288, %add3A_555] : memref<128x128xf32, #tpu.memory_space<vmem>>[vector<16xi32>, vector<16xi32>], vector<16xf32>,
        %gather3A_569 = arith.constant 0 : i32
        %gather3A_570 = arith.constant 0 : i32
        %gather3A_571 = tpu.memref_slice %arg12[%scan3A_162, %gather3A_569, %gather3A_570] : memref<2x128x128xf32, #tpu.memory_space<vmem>> -> memref<1x128x128xf32, #tpu.memory_space<vmem>>
        %gather3A_572 = tpu.memref_squeeze %gather3A_571 : memref<1x128x128xf32, #tpu.memory_space<vmem>> -> memref<128x128xf32, #tpu.memory_space<vmem>>
        %gather3A_573 = tpu.vector_load_idx %gather3A_572[%add3A_288, %add3A_555] : memref<128x128xf32, #tpu.memory_space<vmem>>[vector<16xi32>, vector<16xi32>], vector<16xf32>,
        %gather3A_574 = arith.constant 0 : i32
        %gather3A_575 = arith.constant 0 : i32
        %gather3A_576 = tpu.memref_slice %arg13[%scan3A_164, %gather3A_574, %gather3A_575] : memref<2x128x128xf32, #tpu.memory_space<vmem>> -> memref<1x128x128xf32, #tpu.memory_space<vmem>>
        %gather3A_577 = tpu.memref_squeeze %gather3A_576 : memref<1x128x128xf32, #tpu.memory_space<vmem>> -> memref<128x128xf32, #tpu.memory_space<vmem>>
        %gather3A_578 = tpu.vector_load_idx %gather3A_577[%add3A_288, %add3A_555] : memref<128x128xf32, #tpu.memory_space<vmem>>[vector<16xi32>, vector<16xi32>], vector<16xf32>,
        %mul3A_579 = arith.mulf %gather3A_563, %sub3A : vector<16xf32>
        %sub3A_580 = arith.subf %gather3A_568, %gather3A_573 : vector<16xf32>
        %add3A_581 = arith.addf %mul3A_579, %sub3A_580 : vector<16xf32>
        %mul3A_582 = arith.mulf %gather3A_578, %select_n3A : vector<16xf32>
        %add3A_583 = arith.addf %add3A_581, %mul3A_582 : vector<16xf32>
        %abs3A_584 = math.absf %add3A_583 : vector<16xf32>
        %add3A_585 = arith.addf %add3A_552, %abs3A_584 : vector<16xf32>
        %add3A_586 = arith.constant 7 : i32
        %add3A_587 = vector.broadcast %add3A_586 : i32 to vector<16xi32>
        %add3A_588 = arith.addi %scan3A_356, %add3A_587 : vector<16xi32>
        %add3A_589 = arith.constant 64 : i32
        %add3A_590 = vector.broadcast %add3A_589 : i32 to vector<16xi32>
        %add3A_591 = arith.addi %add3A_588, %add3A_590 : vector<16xi32>
        %gather3A_592 = arith.constant 0 : i32
        %gather3A_593 = arith.constant 0 : i32
        %gather3A_594 = tpu.memref_slice %arg11[%scan3A_163, %gather3A_592, %gather3A_593] : memref<2x128x128xf32, #tpu.memory_space<vmem>> -> memref<1x128x128xf32, #tpu.memory_space<vmem>>
        %gather3A_595 = tpu.memref_squeeze %gather3A_594 : memref<1x128x128xf32, #tpu.memory_space<vmem>> -> memref<128x128xf32, #tpu.memory_space<vmem>>
        %gather3A_596 = tpu.vector_load_idx %gather3A_595[%add3A_288, %add3A_591] : memref<128x128xf32, #tpu.memory_space<vmem>>[vector<16xi32>, vector<16xi32>], vector<16xf32>,
        %gather3A_597 = arith.constant 0 : i32
        %gather3A_598 = arith.constant 0 : i32
        %gather3A_599 = tpu.memref_slice %arg11[%scan3A_163, %gather3A_597, %gather3A_598] : memref<2x128x128xf32, #tpu.memory_space<vmem>> -> memref<1x128x128xf32, #tpu.memory_space<vmem>>
        %gather3A_600 = tpu.memref_squeeze %gather3A_599 : memref<1x128x128xf32, #tpu.memory_space<vmem>> -> memref<128x128xf32, #tpu.memory_space<vmem>>
        %gather3A_601 = tpu.vector_load_idx %gather3A_600[%add3A_288, %add3A_588] : memref<128x128xf32, #tpu.memory_space<vmem>>[vector<16xi32>, vector<16xi32>], vector<16xf32>,
        %gather3A_602 = arith.constant 0 : i32
        %gather3A_603 = arith.constant 0 : i32
        %gather3A_604 = tpu.memref_slice %arg12[%scan3A_162, %gather3A_602, %gather3A_603] : memref<2x128x128xf32, #tpu.memory_space<vmem>> -> memref<1x128x128xf32, #tpu.memory_space<vmem>>
        %gather3A_605 = tpu.memref_squeeze %gather3A_604 : memref<1x128x128xf32, #tpu.memory_space<vmem>> -> memref<128x128xf32, #tpu.memory_space<vmem>>
        %gather3A_606 = tpu.vector_load_idx %gather3A_605[%add3A_288, %add3A_588] : memref<128x128xf32, #tpu.memory_space<vmem>>[vector<16xi32>, vector<16xi32>], vector<16xf32>,
        %gather3A_607 = arith.constant 0 : i32
        %gather3A_608 = arith.constant 0 : i32
        %gather3A_609 = tpu.memref_slice %arg13[%scan3A_164, %gather3A_607, %gather3A_608] : memref<2x128x128xf32, #tpu.memory_space<vmem>> -> memref<1x128x128xf32, #tpu.memory_space<vmem>>
        %gather3A_610 = tpu.memref_squeeze %gather3A_609 : memref<1x128x128xf32, #tpu.memory_space<vmem>> -> memref<128x128xf32, #tpu.memory_space<vmem>>
        %gather3A_611 = tpu.vector_load_idx %gather3A_610[%add3A_288, %add3A_588] : memref<128x128xf32, #tpu.memory_space<vmem>>[vector<16xi32>, vector<16xi32>], vector<16xf32>,
        %mul3A_612 = arith.mulf %gather3A_596, %sub3A : vector<16xf32>
        %sub3A_613 = arith.subf %gather3A_601, %gather3A_606 : vector<16xf32>
        %add3A_614 = arith.addf %mul3A_612, %sub3A_613 : vector<16xf32>
        %mul3A_615 = arith.mulf %gather3A_611, %select_n3A : vector<16xf32>
        %add3A_616 = arith.addf %add3A_614, %mul3A_615 : vector<16xf32>
        %abs3A_617 = math.absf %add3A_616 : vector<16xf32>
        %add3A_618 = arith.addf %add3A_585, %abs3A_617 : vector<16xf32>
        %add3A_619 = arith.constant 8 : i32
        %add3A_620 = vector.broadcast %add3A_619 : i32 to vector<16xi32>
        %add3A_621 = arith.addi %scan3A_356, %add3A_620 : vector<16xi32>
        scf.yield %add3A_618, %add3A_621 : vector<16xf32>, vector<16xi32>
      }
      %scan3A_347 = arith.constant 8 : i32
      %sub3A_348 = arith.constant 1.200000e+01 : f32
      %sub3A_349 = vector.broadcast %sub3A_348 : f32 to vector<16xf32>
      %sub3A_350 = arith.subf %scan3A_346#0, %sub3A_349 : vector<16xf32>
      %mul3A_351 = arith.constant 16 : i32
      %mul3A_352 = arith.muli %scan3A_284, %mul3A_351 : i32
      %swap3A = arith.index_cast %mul3A_352 : i32 to index
      %swap3A_353 = tpu.vector_load %arg14[%swap3A] {strides = array<i32>} : memref<128xf32, #tpu.memory_space<vmem>>, vector<16xf32>,
      tpu.vector_store %arg14[%swap3A], %sub3A_350 {strides = array<i32>} : memref<128xf32, #tpu.memory_space<vmem>>, vector<16xf32>,
    }
    %scan3A_169 = arith.constant 8 : i32
    %add3A_170 = arith.constant 128 : i32
    %add3A_171 = arith.addi %mul3A_2, %add3A_170 : i32
    "tpu.region"() ({
      %run_scoped3A = tpu.sem_alloc : memref<!tpu.dma_semaphore, #tpu.memory_space<semaphore_mem>>
      %dma_start3A_284 = tpu.memref_slice %arg7[%add3A_171] : memref<16384xf32, #tpu.memory_space<hbm>> -> memref<128xf32, #tpu.memory_space<hbm>>
      %dma_start3A_285 = tpu.memref_slice %arg7[%add3A_171] : memref<16384xf32, #tpu.memory_space<hbm>> -> memref<128xf32, #tpu.memory_space<hbm>>
      tpu.enqueue_dma source(%arg14 : memref<128xf32, #tpu.memory_space<vmem>>) target(%dma_start3A_285 : memref<128xf32, #tpu.memory_space<hbm>>) target_semaphore(%run_scoped3A : memref<!tpu.dma_semaphore, #tpu.memory_space<semaphore_mem>>)
      %dma_wait3A_286 = tpu.memref_slice %arg7[%add3A_171] : memref<16384xf32, #tpu.memory_space<hbm>> -> memref<128xf32, #tpu.memory_space<hbm>>
      %dma_wait3A_287 = tpu.memref_slice %arg7[%add3A_171] : memref<16384xf32, #tpu.memory_space<hbm>> -> memref<128xf32, #tpu.memory_space<hbm>>
      tpu.wait_dma2 semaphore(%run_scoped3A : memref<!tpu.dma_semaphore, #tpu.memory_space<semaphore_mem>>) src(%arg14 : memref<128xf32, #tpu.memory_space<vmem>>) dst(%dma_wait3A_287 : memref<128xf32, #tpu.memory_space<hbm>>)
      tpu.yield
    }) : () -> ()
    %dma_start3A_172 = arith.constant 1 : i32
    %dma_start3A_173 = arith.constant 0 : i32
    %dma_start3A_174 = arith.constant 0 : i32
    %dma_start3A_175 = tpu.memref_slice %arg11[%dma_start3A_172, %dma_start3A_173, %dma_start3A_174] : memref<2x128x128xf32, #tpu.memory_space<vmem>> -> memref<1x128x128xf32, #tpu.memory_space<vmem>>
    %dma_start3A_176 = tpu.memref_squeeze %dma_start3A_175 : memref<1x128x128xf32, #tpu.memory_space<vmem>> -> memref<128x128xf32, #tpu.memory_space<vmem>>
    %dma_start3A_177 = arith.constant 384 : i32
    %dma_start3A_178 = tpu.memref_slice %arg8[%dma_start3A_177] : memref<512xi32, #tpu.memory_space<vmem>> -> memref<128xi32, #tpu.memory_space<vmem>>
    %dma_start3A_179 = arith.constant 0 : i32
    %dma_start3A_180 = arith.constant 0 : i32
    %dma_start3A_181 = tpu.memref_slice %arg5[%dma_start3A_179, %dma_start3A_180] : memref<1000000x128xf32, #tpu.memory_space<hbm>> -> memref<1000000x128xf32, #tpu.memory_space<hbm>>
    tpu.enqueue_indirect_dma source(%dma_start3A_181 : memref<1000000x128xf32, #tpu.memory_space<hbm>>) target(%dma_start3A_176 : memref<128x128xf32, #tpu.memory_space<vmem>>) offsets(%dma_start3A_178 : memref<128xi32, #tpu.memory_space<vmem>>) semaphore(%arg16 : memref<!tpu.dma_semaphore, #tpu.memory_space<semaphore_mem>>)
    %dma_start3A_182 = arith.constant 1 : i32
    %dma_start3A_183 = arith.constant 0 : i32
    %dma_start3A_184 = arith.constant 0 : i32
    %dma_start3A_185 = tpu.memref_slice %arg12[%dma_start3A_182, %dma_start3A_183, %dma_start3A_184] : memref<2x128x128xf32, #tpu.memory_space<vmem>> -> memref<1x128x128xf32, #tpu.memory_space<vmem>>
    %dma_start3A_186 = tpu.memref_squeeze %dma_start3A_185 : memref<1x128x128xf32, #tpu.memory_space<vmem>> -> memref<128x128xf32, #tpu.memory_space<vmem>>
    %dma_start3A_187 = arith.constant 384 : i32
    %dma_start3A_188 = tpu.memref_slice %arg10[%dma_start3A_187] : memref<512xi32, #tpu.memory_space<vmem>> -> memref<128xi32, #tpu.memory_space<vmem>>
    %dma_start3A_189 = arith.constant 0 : i32
    %dma_start3A_190 = arith.constant 0 : i32
    %dma_start3A_191 = tpu.memref_slice %arg5[%dma_start3A_189, %dma_start3A_190] : memref<1000000x128xf32, #tpu.memory_space<hbm>> -> memref<1000000x128xf32, #tpu.memory_space<hbm>>
    tpu.enqueue_indirect_dma source(%dma_start3A_191 : memref<1000000x128xf32, #tpu.memory_space<hbm>>) target(%dma_start3A_186 : memref<128x128xf32, #tpu.memory_space<vmem>>) offsets(%dma_start3A_188 : memref<128xi32, #tpu.memory_space<vmem>>) semaphore(%arg16 : memref<!tpu.dma_semaphore, #tpu.memory_space<semaphore_mem>>)
    %dma_start3A_192 = arith.constant 1 : i32
    %dma_start3A_193 = arith.constant 0 : i32
    %dma_start3A_194 = arith.constant 0 : i32
    %dma_start3A_195 = tpu.memref_slice %arg13[%dma_start3A_192, %dma_start3A_193, %dma_start3A_194] : memref<2x128x128xf32, #tpu.memory_space<vmem>> -> memref<1x128x128xf32, #tpu.memory_space<vmem>>
    %dma_start3A_196 = tpu.memref_squeeze %dma_start3A_195 : memref<1x128x128xf32, #tpu.memory_space<vmem>> -> memref<128x128xf32, #tpu.memory_space<vmem>>
    %dma_start3A_197 = arith.constant 384 : i32
    %dma_start3A_198 = tpu.memref_slice %arg9[%dma_start3A_197] : memref<512xi32, #tpu.memory_space<vmem>> -> memref<128xi32, #tpu.memory_space<vmem>>
    %dma_start3A_199 = arith.constant 0 : i32
    %dma_start3A_200 = arith.constant 0 : i32
    %dma_start3A_201 = tpu.memref_slice %arg6[%dma_start3A_199, %dma_start3A_200] : memref<1000000x128xf32, #tpu.memory_space<hbm>> -> memref<1000000x128xf32, #tpu.memory_space<hbm>>
    tpu.enqueue_indirect_dma source(%dma_start3A_201 : memref<1000000x128xf32, #tpu.memory_space<hbm>>) target(%dma_start3A_196 : memref<128x128xf32, #tpu.memory_space<vmem>>) offsets(%dma_start3A_198 : memref<128xi32, #tpu.memory_space<vmem>>) semaphore(%arg16 : memref<!tpu.dma_semaphore, #tpu.memory_space<semaphore_mem>>)
    %dma_wait3A_202 = arith.constant 0 : i32
    %dma_wait3A_203 = arith.constant 0 : i32
    %dma_wait3A_204 = arith.constant 0 : i32
    %dma_wait3A_205 = tpu.memref_slice %arg11[%dma_wait3A_202, %dma_wait3A_203, %dma_wait3A_204] : memref<2x128x128xf32, #tpu.memory_space<vmem>> -> memref<1x128x128xf32, #tpu.memory_space<vmem>>
    %dma_wait3A_206 = tpu.memref_squeeze %dma_wait3A_205 : memref<1x128x128xf32, #tpu.memory_space<vmem>> -> memref<128x128xf32, #tpu.memory_space<vmem>>
    %dma_wait3A_207 = arith.constant 256 : i32
    %dma_wait3A_208 = tpu.memref_slice %arg8[%dma_wait3A_207] : memref<512xi32, #tpu.memory_space<vmem>> -> memref<128xi32, #tpu.memory_space<vmem>>
    %dma_wait3A_209 = arith.constant 0 : i32
    %dma_wait3A_210 = arith.constant 0 : i32
    %dma_wait3A_211 = tpu.memref_slice %arg5[%dma_wait3A_209, %dma_wait3A_210] : memref<1000000x128xf32, #tpu.memory_space<hbm>> -> memref<1000000x128xf32, #tpu.memory_space<hbm>>
    tpu.wait_indirect_dma semaphore(%arg15 : memref<!tpu.dma_semaphore, #tpu.memory_space<semaphore_mem>>) src(%dma_wait3A_211 : memref<1000000x128xf32, #tpu.memory_space<hbm>>) dst(%dma_wait3A_206 : memref<128x128xf32, #tpu.memory_space<vmem>>)
    %dma_wait3A_212 = arith.constant 0 : i32
    %dma_wait3A_213 = arith.constant 0 : i32
    %dma_wait3A_214 = arith.constant 0 : i32
    %dma_wait3A_215 = tpu.memref_slice %arg12[%dma_wait3A_212, %dma_wait3A_213, %dma_wait3A_214] : memref<2x128x128xf32, #tpu.memory_space<vmem>> -> memref<1x128x128xf32, #tpu.memory_space<vmem>>
    %dma_wait3A_216 = tpu.memref_squeeze %dma_wait3A_215 : memref<1x128x128xf32, #tpu.memory_space<vmem>> -> memref<128x128xf32, #tpu.memory_space<vmem>>
    %dma_wait3A_217 = arith.constant 256 : i32
    %dma_wait3A_218 = tpu.memref_slice %arg10[%dma_wait3A_217] : memref<512xi32, #tpu.memory_space<vmem>> -> memref<128xi32, #tpu.memory_space<vmem>>
    %dma_wait3A_219 = arith.constant 0 : i32
    %dma_wait3A_220 = arith.constant 0 : i32
    %dma_wait3A_221 = tpu.memref_slice %arg5[%dma_wait3A_219, %dma_wait3A_220] : memref<1000000x128xf32, #tpu.memory_space<hbm>> -> memref<1000000x128xf32, #tpu.memory_space<hbm>>
    tpu.wait_indirect_dma semaphore(%arg15 : memref<!tpu.dma_semaphore, #tpu.memory_space<semaphore_mem>>) src(%dma_wait3A_221 : memref<1000000x128xf32, #tpu.memory_space<hbm>>) dst(%dma_wait3A_216 : memref<128x128xf32, #tpu.memory_space<vmem>>)
    %dma_wait3A_222 = arith.constant 0 : i32
    %dma_wait3A_223 = arith.constant 0 : i32
    %dma_wait3A_224 = arith.constant 0 : i32
    %dma_wait3A_225 = tpu.memref_slice %arg13[%dma_wait3A_222, %dma_wait3A_223, %dma_wait3A_224] : memref<2x128x128xf32, #tpu.memory_space<vmem>> -> memref<1x128x128xf32, #tpu.memory_space<vmem>>
    %dma_wait3A_226 = tpu.memref_squeeze %dma_wait3A_225 : memref<1x128x128xf32, #tpu.memory_space<vmem>> -> memref<128x128xf32, #tpu.memory_space<vmem>>
    %dma_wait3A_227 = arith.constant 256 : i32
    %dma_wait3A_228 = tpu.memref_slice %arg9[%dma_wait3A_227] : memref<512xi32, #tpu.memory_space<vmem>> -> memref<128xi32, #tpu.memory_space<vmem>>
    %dma_wait3A_229 = arith.constant 0 : i32
    %dma_wait3A_230 = arith.constant 0 : i32
    %dma_wait3A_231 = tpu.memref_slice %arg6[%dma_wait3A_229, %dma_wait3A_230] : memref<1000000x128xf32, #tpu.memory_space<hbm>> -> memref<1000000x128xf32, #tpu.memory_space<hbm>>
    tpu.wait_indirect_dma semaphore(%arg15 : memref<!tpu.dma_semaphore, #tpu.memory_space<semaphore_mem>>) src(%dma_wait3A_231 : memref<1000000x128xf32, #tpu.memory_space<hbm>>) dst(%dma_wait3A_226 : memref<128x128xf32, #tpu.memory_space<vmem>>)
    %scan3A_232 = arith.constant 0 : i32
    %scan3A_233 = arith.constant 0 : i32
    %scan3A_234 = arith.constant 0 : i32
    %scan3A_235 = arith.constant 0 : i32
    %scan3A_236 = arith.constant 0 : i32
    %scan3A_237 = arith.constant 8 : i32
    %scan3A_238 = arith.addi %scan3A_236, %scan3A_237 : i32
    %scan3A_239 = arith.constant 1 : i32
    scf.for %scan3A_284 = %scan3A_236 to %scan3A_238 step %scan3A_239  : i32 {
      %mul3A_285 = arith.constant 16 : i32
      %mul3A_286 = arith.muli %scan3A_284, %mul3A_285 : i32
      %iota3A = tpu.iota {dimensions = array<i32: 0>} : vector<16xi32>
      %add3A_287 = vector.broadcast %mul3A_286 : i32 to vector<16xi32>
      %add3A_288 = arith.addi %add3A_287, %iota3A : vector<16xi32>
      %broadcast_in_dim3A = arith.constant 0.000000e+00 : f32
      %broadcast_in_dim3A_289 = vector.broadcast %broadcast_in_dim3A : f32 to vector<16xf32>
      %broadcast_in_dim3A_290 = arith.constant 0 : i32
      %broadcast_in_dim3A_291 = vector.broadcast %broadcast_in_dim3A_290 : i32 to vector<16xi32>
      %scan3A_292 = arith.constant 0 : i32
      %scan3A_293 = arith.constant 8 : i32
      %scan3A_294 = arith.addi %scan3A_292, %scan3A_293 : i32
      %scan3A_295 = arith.constant 1 : i32
      %scan3A_296:4 = scf.for %scan3A_354 = %scan3A_292 to %scan3A_294 step %scan3A_295 iter_args(%scan3A_355 = %broadcast_in_dim3A_289, %scan3A_356 = %broadcast_in_dim3A_289, %scan3A_357 = %broadcast_in_dim3A_289, %scan3A_358 = %broadcast_in_dim3A_291) -> (vector<16xf32>, vector<16xf32>, vector<16xf32>, vector<16xi32>)  : i32 {
        %add3A_359 = arith.constant 0 : i32
        %add3A_360 = vector.broadcast %add3A_359 : i32 to vector<16xi32>
        %add3A_361 = arith.addi %scan3A_358, %add3A_360 : vector<16xi32>
        %add3A_362 = arith.constant 64 : i32
        %add3A_363 = vector.broadcast %add3A_362 : i32 to vector<16xi32>
        %add3A_364 = arith.addi %add3A_361, %add3A_363 : vector<16xi32>
        %gather3A = arith.constant 0 : i32
        %gather3A_365 = arith.constant 0 : i32
        %gather3A_366 = tpu.memref_slice %arg12[%scan3A_233, %gather3A, %gather3A_365] : memref<2x128x128xf32, #tpu.memory_space<vmem>> -> memref<1x128x128xf32, #tpu.memory_space<vmem>>
        %gather3A_367 = tpu.memref_squeeze %gather3A_366 : memref<1x128x128xf32, #tpu.memory_space<vmem>> -> memref<128x128xf32, #tpu.memory_space<vmem>>
        %gather3A_368 = tpu.vector_load_idx %gather3A_367[%add3A_288, %add3A_364] : memref<128x128xf32, #tpu.memory_space<vmem>>[vector<16xi32>, vector<16xi32>], vector<16xf32>,
        %gather3A_369 = arith.constant 0 : i32
        %gather3A_370 = arith.constant 0 : i32
        %gather3A_371 = tpu.memref_slice %arg11[%scan3A_234, %gather3A_369, %gather3A_370] : memref<2x128x128xf32, #tpu.memory_space<vmem>> -> memref<1x128x128xf32, #tpu.memory_space<vmem>>
        %gather3A_372 = tpu.memref_squeeze %gather3A_371 : memref<1x128x128xf32, #tpu.memory_space<vmem>> -> memref<128x128xf32, #tpu.memory_space<vmem>>
        %gather3A_373 = tpu.vector_load_idx %gather3A_372[%add3A_288, %add3A_361] : memref<128x128xf32, #tpu.memory_space<vmem>>[vector<16xi32>, vector<16xi32>], vector<16xf32>,
        %gather3A_374 = arith.constant 0 : i32
        %gather3A_375 = arith.constant 0 : i32
        %gather3A_376 = tpu.memref_slice %arg12[%scan3A_233, %gather3A_374, %gather3A_375] : memref<2x128x128xf32, #tpu.memory_space<vmem>> -> memref<1x128x128xf32, #tpu.memory_space<vmem>>
        %gather3A_377 = tpu.memref_squeeze %gather3A_376 : memref<1x128x128xf32, #tpu.memory_space<vmem>> -> memref<128x128xf32, #tpu.memory_space<vmem>>
        %gather3A_378 = tpu.vector_load_idx %gather3A_377[%add3A_288, %add3A_361] : memref<128x128xf32, #tpu.memory_space<vmem>>[vector<16xi32>, vector<16xi32>], vector<16xf32>,
        %gather3A_379 = arith.constant 0 : i32
        %gather3A_380 = arith.constant 0 : i32
        %gather3A_381 = tpu.memref_slice %arg13[%scan3A_235, %gather3A_379, %gather3A_380] : memref<2x128x128xf32, #tpu.memory_space<vmem>> -> memref<1x128x128xf32, #tpu.memory_space<vmem>>
        %gather3A_382 = tpu.memref_squeeze %gather3A_381 : memref<1x128x128xf32, #tpu.memory_space<vmem>> -> memref<128x128xf32, #tpu.memory_space<vmem>>
        %gather3A_383 = tpu.vector_load_idx %gather3A_382[%add3A_288, %add3A_361] : memref<128x128xf32, #tpu.memory_space<vmem>>[vector<16xi32>, vector<16xi32>], vector<16xf32>,
        %mul3A_384 = arith.mulf %gather3A_368, %gather3A_373 : vector<16xf32>
        %add3A_385 = arith.addf %scan3A_355, %mul3A_384 : vector<16xf32>
        %mul3A_386 = arith.mulf %gather3A_368, %gather3A_378 : vector<16xf32>
        %add3A_387 = arith.addf %scan3A_356, %mul3A_386 : vector<16xf32>
        %mul3A_388 = arith.mulf %gather3A_383, %gather3A_383 : vector<16xf32>
        %add3A_389 = arith.addf %scan3A_357, %mul3A_388 : vector<16xf32>
        %add3A_390 = arith.constant 1 : i32
        %add3A_391 = vector.broadcast %add3A_390 : i32 to vector<16xi32>
        %add3A_392 = arith.addi %scan3A_358, %add3A_391 : vector<16xi32>
        %add3A_393 = arith.constant 64 : i32
        %add3A_394 = vector.broadcast %add3A_393 : i32 to vector<16xi32>
        %add3A_395 = arith.addi %add3A_392, %add3A_394 : vector<16xi32>
        %gather3A_396 = arith.constant 0 : i32
        %gather3A_397 = arith.constant 0 : i32
        %gather3A_398 = tpu.memref_slice %arg12[%scan3A_233, %gather3A_396, %gather3A_397] : memref<2x128x128xf32, #tpu.memory_space<vmem>> -> memref<1x128x128xf32, #tpu.memory_space<vmem>>
        %gather3A_399 = tpu.memref_squeeze %gather3A_398 : memref<1x128x128xf32, #tpu.memory_space<vmem>> -> memref<128x128xf32, #tpu.memory_space<vmem>>
        %gather3A_400 = tpu.vector_load_idx %gather3A_399[%add3A_288, %add3A_395] : memref<128x128xf32, #tpu.memory_space<vmem>>[vector<16xi32>, vector<16xi32>], vector<16xf32>,
        %gather3A_401 = arith.constant 0 : i32
        %gather3A_402 = arith.constant 0 : i32
        %gather3A_403 = tpu.memref_slice %arg11[%scan3A_234, %gather3A_401, %gather3A_402] : memref<2x128x128xf32, #tpu.memory_space<vmem>> -> memref<1x128x128xf32, #tpu.memory_space<vmem>>
        %gather3A_404 = tpu.memref_squeeze %gather3A_403 : memref<1x128x128xf32, #tpu.memory_space<vmem>> -> memref<128x128xf32, #tpu.memory_space<vmem>>
        %gather3A_405 = tpu.vector_load_idx %gather3A_404[%add3A_288, %add3A_392] : memref<128x128xf32, #tpu.memory_space<vmem>>[vector<16xi32>, vector<16xi32>], vector<16xf32>,
        %gather3A_406 = arith.constant 0 : i32
        %gather3A_407 = arith.constant 0 : i32
        %gather3A_408 = tpu.memref_slice %arg12[%scan3A_233, %gather3A_406, %gather3A_407] : memref<2x128x128xf32, #tpu.memory_space<vmem>> -> memref<1x128x128xf32, #tpu.memory_space<vmem>>
        %gather3A_409 = tpu.memref_squeeze %gather3A_408 : memref<1x128x128xf32, #tpu.memory_space<vmem>> -> memref<128x128xf32, #tpu.memory_space<vmem>>
        %gather3A_410 = tpu.vector_load_idx %gather3A_409[%add3A_288, %add3A_392] : memref<128x128xf32, #tpu.memory_space<vmem>>[vector<16xi32>, vector<16xi32>], vector<16xf32>,
        %gather3A_411 = arith.constant 0 : i32
        %gather3A_412 = arith.constant 0 : i32
        %gather3A_413 = tpu.memref_slice %arg13[%scan3A_235, %gather3A_411, %gather3A_412] : memref<2x128x128xf32, #tpu.memory_space<vmem>> -> memref<1x128x128xf32, #tpu.memory_space<vmem>>
        %gather3A_414 = tpu.memref_squeeze %gather3A_413 : memref<1x128x128xf32, #tpu.memory_space<vmem>> -> memref<128x128xf32, #tpu.memory_space<vmem>>
        %gather3A_415 = tpu.vector_load_idx %gather3A_414[%add3A_288, %add3A_392] : memref<128x128xf32, #tpu.memory_space<vmem>>[vector<16xi32>, vector<16xi32>], vector<16xf32>,
        %mul3A_416 = arith.mulf %gather3A_400, %gather3A_405 : vector<16xf32>
        %add3A_417 = arith.addf %add3A_385, %mul3A_416 : vector<16xf32>
        %mul3A_418 = arith.mulf %gather3A_400, %gather3A_410 : vector<16xf32>
        %add3A_419 = arith.addf %add3A_387, %mul3A_418 : vector<16xf32>
        %mul3A_420 = arith.mulf %gather3A_415, %gather3A_415 : vector<16xf32>
        %add3A_421 = arith.addf %add3A_389, %mul3A_420 : vector<16xf32>
        %add3A_422 = arith.constant 2 : i32
        %add3A_423 = vector.broadcast %add3A_422 : i32 to vector<16xi32>
        %add3A_424 = arith.addi %scan3A_358, %add3A_423 : vector<16xi32>
        %add3A_425 = arith.constant 64 : i32
        %add3A_426 = vector.broadcast %add3A_425 : i32 to vector<16xi32>
        %add3A_427 = arith.addi %add3A_424, %add3A_426 : vector<16xi32>
        %gather3A_428 = arith.constant 0 : i32
        %gather3A_429 = arith.constant 0 : i32
        %gather3A_430 = tpu.memref_slice %arg12[%scan3A_233, %gather3A_428, %gather3A_429] : memref<2x128x128xf32, #tpu.memory_space<vmem>> -> memref<1x128x128xf32, #tpu.memory_space<vmem>>
        %gather3A_431 = tpu.memref_squeeze %gather3A_430 : memref<1x128x128xf32, #tpu.memory_space<vmem>> -> memref<128x128xf32, #tpu.memory_space<vmem>>
        %gather3A_432 = tpu.vector_load_idx %gather3A_431[%add3A_288, %add3A_427] : memref<128x128xf32, #tpu.memory_space<vmem>>[vector<16xi32>, vector<16xi32>], vector<16xf32>,
        %gather3A_433 = arith.constant 0 : i32
        %gather3A_434 = arith.constant 0 : i32
        %gather3A_435 = tpu.memref_slice %arg11[%scan3A_234, %gather3A_433, %gather3A_434] : memref<2x128x128xf32, #tpu.memory_space<vmem>> -> memref<1x128x128xf32, #tpu.memory_space<vmem>>
        %gather3A_436 = tpu.memref_squeeze %gather3A_435 : memref<1x128x128xf32, #tpu.memory_space<vmem>> -> memref<128x128xf32, #tpu.memory_space<vmem>>
        %gather3A_437 = tpu.vector_load_idx %gather3A_436[%add3A_288, %add3A_424] : memref<128x128xf32, #tpu.memory_space<vmem>>[vector<16xi32>, vector<16xi32>], vector<16xf32>,
        %gather3A_438 = arith.constant 0 : i32
        %gather3A_439 = arith.constant 0 : i32
        %gather3A_440 = tpu.memref_slice %arg12[%scan3A_233, %gather3A_438, %gather3A_439] : memref<2x128x128xf32, #tpu.memory_space<vmem>> -> memref<1x128x128xf32, #tpu.memory_space<vmem>>
        %gather3A_441 = tpu.memref_squeeze %gather3A_440 : memref<1x128x128xf32, #tpu.memory_space<vmem>> -> memref<128x128xf32, #tpu.memory_space<vmem>>
        %gather3A_442 = tpu.vector_load_idx %gather3A_441[%add3A_288, %add3A_424] : memref<128x128xf32, #tpu.memory_space<vmem>>[vector<16xi32>, vector<16xi32>], vector<16xf32>,
        %gather3A_443 = arith.constant 0 : i32
        %gather3A_444 = arith.constant 0 : i32
        %gather3A_445 = tpu.memref_slice %arg13[%scan3A_235, %gather3A_443, %gather3A_444] : memref<2x128x128xf32, #tpu.memory_space<vmem>> -> memref<1x128x128xf32, #tpu.memory_space<vmem>>
        %gather3A_446 = tpu.memref_squeeze %gather3A_445 : memref<1x128x128xf32, #tpu.memory_space<vmem>> -> memref<128x128xf32, #tpu.memory_space<vmem>>
        %gather3A_447 = tpu.vector_load_idx %gather3A_446[%add3A_288, %add3A_424] : memref<128x128xf32, #tpu.memory_space<vmem>>[vector<16xi32>, vector<16xi32>], vector<16xf32>,
        %mul3A_448 = arith.mulf %gather3A_432, %gather3A_437 : vector<16xf32>
        %add3A_449 = arith.addf %add3A_417, %mul3A_448 : vector<16xf32>
        %mul3A_450 = arith.mulf %gather3A_432, %gather3A_442 : vector<16xf32>
        %add3A_451 = arith.addf %add3A_419, %mul3A_450 : vector<16xf32>
        %mul3A_452 = arith.mulf %gather3A_447, %gather3A_447 : vector<16xf32>
        %add3A_453 = arith.addf %add3A_421, %mul3A_452 : vector<16xf32>
        %add3A_454 = arith.constant 3 : i32
        %add3A_455 = vector.broadcast %add3A_454 : i32 to vector<16xi32>
        %add3A_456 = arith.addi %scan3A_358, %add3A_455 : vector<16xi32>
        %add3A_457 = arith.constant 64 : i32
        %add3A_458 = vector.broadcast %add3A_457 : i32 to vector<16xi32>
        %add3A_459 = arith.addi %add3A_456, %add3A_458 : vector<16xi32>
        %gather3A_460 = arith.constant 0 : i32
        %gather3A_461 = arith.constant 0 : i32
        %gather3A_462 = tpu.memref_slice %arg12[%scan3A_233, %gather3A_460, %gather3A_461] : memref<2x128x128xf32, #tpu.memory_space<vmem>> -> memref<1x128x128xf32, #tpu.memory_space<vmem>>
        %gather3A_463 = tpu.memref_squeeze %gather3A_462 : memref<1x128x128xf32, #tpu.memory_space<vmem>> -> memref<128x128xf32, #tpu.memory_space<vmem>>
        %gather3A_464 = tpu.vector_load_idx %gather3A_463[%add3A_288, %add3A_459] : memref<128x128xf32, #tpu.memory_space<vmem>>[vector<16xi32>, vector<16xi32>], vector<16xf32>,
        %gather3A_465 = arith.constant 0 : i32
        %gather3A_466 = arith.constant 0 : i32
        %gather3A_467 = tpu.memref_slice %arg11[%scan3A_234, %gather3A_465, %gather3A_466] : memref<2x128x128xf32, #tpu.memory_space<vmem>> -> memref<1x128x128xf32, #tpu.memory_space<vmem>>
        %gather3A_468 = tpu.memref_squeeze %gather3A_467 : memref<1x128x128xf32, #tpu.memory_space<vmem>> -> memref<128x128xf32, #tpu.memory_space<vmem>>
        %gather3A_469 = tpu.vector_load_idx %gather3A_468[%add3A_288, %add3A_456] : memref<128x128xf32, #tpu.memory_space<vmem>>[vector<16xi32>, vector<16xi32>], vector<16xf32>,
        %gather3A_470 = arith.constant 0 : i32
        %gather3A_471 = arith.constant 0 : i32
        %gather3A_472 = tpu.memref_slice %arg12[%scan3A_233, %gather3A_470, %gather3A_471] : memref<2x128x128xf32, #tpu.memory_space<vmem>> -> memref<1x128x128xf32, #tpu.memory_space<vmem>>
        %gather3A_473 = tpu.memref_squeeze %gather3A_472 : memref<1x128x128xf32, #tpu.memory_space<vmem>> -> memref<128x128xf32, #tpu.memory_space<vmem>>
        %gather3A_474 = tpu.vector_load_idx %gather3A_473[%add3A_288, %add3A_456] : memref<128x128xf32, #tpu.memory_space<vmem>>[vector<16xi32>, vector<16xi32>], vector<16xf32>,
        %gather3A_475 = arith.constant 0 : i32
        %gather3A_476 = arith.constant 0 : i32
        %gather3A_477 = tpu.memref_slice %arg13[%scan3A_235, %gather3A_475, %gather3A_476] : memref<2x128x128xf32, #tpu.memory_space<vmem>> -> memref<1x128x128xf32, #tpu.memory_space<vmem>>
        %gather3A_478 = tpu.memref_squeeze %gather3A_477 : memref<1x128x128xf32, #tpu.memory_space<vmem>> -> memref<128x128xf32, #tpu.memory_space<vmem>>
        %gather3A_479 = tpu.vector_load_idx %gather3A_478[%add3A_288, %add3A_456] : memref<128x128xf32, #tpu.memory_space<vmem>>[vector<16xi32>, vector<16xi32>], vector<16xf32>,
        %mul3A_480 = arith.mulf %gather3A_464, %gather3A_469 : vector<16xf32>
        %add3A_481 = arith.addf %add3A_449, %mul3A_480 : vector<16xf32>
        %mul3A_482 = arith.mulf %gather3A_464, %gather3A_474 : vector<16xf32>
        %add3A_483 = arith.addf %add3A_451, %mul3A_482 : vector<16xf32>
        %mul3A_484 = arith.mulf %gather3A_479, %gather3A_479 : vector<16xf32>
        %add3A_485 = arith.addf %add3A_453, %mul3A_484 : vector<16xf32>
        %add3A_486 = arith.constant 4 : i32
        %add3A_487 = vector.broadcast %add3A_486 : i32 to vector<16xi32>
        %add3A_488 = arith.addi %scan3A_358, %add3A_487 : vector<16xi32>
        %add3A_489 = arith.constant 64 : i32
        %add3A_490 = vector.broadcast %add3A_489 : i32 to vector<16xi32>
        %add3A_491 = arith.addi %add3A_488, %add3A_490 : vector<16xi32>
        %gather3A_492 = arith.constant 0 : i32
        %gather3A_493 = arith.constant 0 : i32
        %gather3A_494 = tpu.memref_slice %arg12[%scan3A_233, %gather3A_492, %gather3A_493] : memref<2x128x128xf32, #tpu.memory_space<vmem>> -> memref<1x128x128xf32, #tpu.memory_space<vmem>>
        %gather3A_495 = tpu.memref_squeeze %gather3A_494 : memref<1x128x128xf32, #tpu.memory_space<vmem>> -> memref<128x128xf32, #tpu.memory_space<vmem>>
        %gather3A_496 = tpu.vector_load_idx %gather3A_495[%add3A_288, %add3A_491] : memref<128x128xf32, #tpu.memory_space<vmem>>[vector<16xi32>, vector<16xi32>], vector<16xf32>,
        %gather3A_497 = arith.constant 0 : i32
        %gather3A_498 = arith.constant 0 : i32
        %gather3A_499 = tpu.memref_slice %arg11[%scan3A_234, %gather3A_497, %gather3A_498] : memref<2x128x128xf32, #tpu.memory_space<vmem>> -> memref<1x128x128xf32, #tpu.memory_space<vmem>>
        %gather3A_500 = tpu.memref_squeeze %gather3A_499 : memref<1x128x128xf32, #tpu.memory_space<vmem>> -> memref<128x128xf32, #tpu.memory_space<vmem>>
        %gather3A_501 = tpu.vector_load_idx %gather3A_500[%add3A_288, %add3A_488] : memref<128x128xf32, #tpu.memory_space<vmem>>[vector<16xi32>, vector<16xi32>], vector<16xf32>,
        %gather3A_502 = arith.constant 0 : i32
        %gather3A_503 = arith.constant 0 : i32
        %gather3A_504 = tpu.memref_slice %arg12[%scan3A_233, %gather3A_502, %gather3A_503] : memref<2x128x128xf32, #tpu.memory_space<vmem>> -> memref<1x128x128xf32, #tpu.memory_space<vmem>>
        %gather3A_505 = tpu.memref_squeeze %gather3A_504 : memref<1x128x128xf32, #tpu.memory_space<vmem>> -> memref<128x128xf32, #tpu.memory_space<vmem>>
        %gather3A_506 = tpu.vector_load_idx %gather3A_505[%add3A_288, %add3A_488] : memref<128x128xf32, #tpu.memory_space<vmem>>[vector<16xi32>, vector<16xi32>], vector<16xf32>,
        %gather3A_507 = arith.constant 0 : i32
        %gather3A_508 = arith.constant 0 : i32
        %gather3A_509 = tpu.memref_slice %arg13[%scan3A_235, %gather3A_507, %gather3A_508] : memref<2x128x128xf32, #tpu.memory_space<vmem>> -> memref<1x128x128xf32, #tpu.memory_space<vmem>>
        %gather3A_510 = tpu.memref_squeeze %gather3A_509 : memref<1x128x128xf32, #tpu.memory_space<vmem>> -> memref<128x128xf32, #tpu.memory_space<vmem>>
        %gather3A_511 = tpu.vector_load_idx %gather3A_510[%add3A_288, %add3A_488] : memref<128x128xf32, #tpu.memory_space<vmem>>[vector<16xi32>, vector<16xi32>], vector<16xf32>,
        %mul3A_512 = arith.mulf %gather3A_496, %gather3A_501 : vector<16xf32>
        %add3A_513 = arith.addf %add3A_481, %mul3A_512 : vector<16xf32>
        %mul3A_514 = arith.mulf %gather3A_496, %gather3A_506 : vector<16xf32>
        %add3A_515 = arith.addf %add3A_483, %mul3A_514 : vector<16xf32>
        %mul3A_516 = arith.mulf %gather3A_511, %gather3A_511 : vector<16xf32>
        %add3A_517 = arith.addf %add3A_485, %mul3A_516 : vector<16xf32>
        %add3A_518 = arith.constant 5 : i32
        %add3A_519 = vector.broadcast %add3A_518 : i32 to vector<16xi32>
        %add3A_520 = arith.addi %scan3A_358, %add3A_519 : vector<16xi32>
        %add3A_521 = arith.constant 64 : i32
        %add3A_522 = vector.broadcast %add3A_521 : i32 to vector<16xi32>
        %add3A_523 = arith.addi %add3A_520, %add3A_522 : vector<16xi32>
        %gather3A_524 = arith.constant 0 : i32
        %gather3A_525 = arith.constant 0 : i32
        %gather3A_526 = tpu.memref_slice %arg12[%scan3A_233, %gather3A_524, %gather3A_525] : memref<2x128x128xf32, #tpu.memory_space<vmem>> -> memref<1x128x128xf32, #tpu.memory_space<vmem>>
        %gather3A_527 = tpu.memref_squeeze %gather3A_526 : memref<1x128x128xf32, #tpu.memory_space<vmem>> -> memref<128x128xf32, #tpu.memory_space<vmem>>
        %gather3A_528 = tpu.vector_load_idx %gather3A_527[%add3A_288, %add3A_523] : memref<128x128xf32, #tpu.memory_space<vmem>>[vector<16xi32>, vector<16xi32>], vector<16xf32>,
        %gather3A_529 = arith.constant 0 : i32
        %gather3A_530 = arith.constant 0 : i32
        %gather3A_531 = tpu.memref_slice %arg11[%scan3A_234, %gather3A_529, %gather3A_530] : memref<2x128x128xf32, #tpu.memory_space<vmem>> -> memref<1x128x128xf32, #tpu.memory_space<vmem>>
        %gather3A_532 = tpu.memref_squeeze %gather3A_531 : memref<1x128x128xf32, #tpu.memory_space<vmem>> -> memref<128x128xf32, #tpu.memory_space<vmem>>
        %gather3A_533 = tpu.vector_load_idx %gather3A_532[%add3A_288, %add3A_520] : memref<128x128xf32, #tpu.memory_space<vmem>>[vector<16xi32>, vector<16xi32>], vector<16xf32>,
        %gather3A_534 = arith.constant 0 : i32
        %gather3A_535 = arith.constant 0 : i32
        %gather3A_536 = tpu.memref_slice %arg12[%scan3A_233, %gather3A_534, %gather3A_535] : memref<2x128x128xf32, #tpu.memory_space<vmem>> -> memref<1x128x128xf32, #tpu.memory_space<vmem>>
        %gather3A_537 = tpu.memref_squeeze %gather3A_536 : memref<1x128x128xf32, #tpu.memory_space<vmem>> -> memref<128x128xf32, #tpu.memory_space<vmem>>
        %gather3A_538 = tpu.vector_load_idx %gather3A_537[%add3A_288, %add3A_520] : memref<128x128xf32, #tpu.memory_space<vmem>>[vector<16xi32>, vector<16xi32>], vector<16xf32>,
        %gather3A_539 = arith.constant 0 : i32
        %gather3A_540 = arith.constant 0 : i32
        %gather3A_541 = tpu.memref_slice %arg13[%scan3A_235, %gather3A_539, %gather3A_540] : memref<2x128x128xf32, #tpu.memory_space<vmem>> -> memref<1x128x128xf32, #tpu.memory_space<vmem>>
        %gather3A_542 = tpu.memref_squeeze %gather3A_541 : memref<1x128x128xf32, #tpu.memory_space<vmem>> -> memref<128x128xf32, #tpu.memory_space<vmem>>
        %gather3A_543 = tpu.vector_load_idx %gather3A_542[%add3A_288, %add3A_520] : memref<128x128xf32, #tpu.memory_space<vmem>>[vector<16xi32>, vector<16xi32>], vector<16xf32>,
        %mul3A_544 = arith.mulf %gather3A_528, %gather3A_533 : vector<16xf32>
        %add3A_545 = arith.addf %add3A_513, %mul3A_544 : vector<16xf32>
        %mul3A_546 = arith.mulf %gather3A_528, %gather3A_538 : vector<16xf32>
        %add3A_547 = arith.addf %add3A_515, %mul3A_546 : vector<16xf32>
        %mul3A_548 = arith.mulf %gather3A_543, %gather3A_543 : vector<16xf32>
        %add3A_549 = arith.addf %add3A_517, %mul3A_548 : vector<16xf32>
        %add3A_550 = arith.constant 6 : i32
        %add3A_551 = vector.broadcast %add3A_550 : i32 to vector<16xi32>
        %add3A_552 = arith.addi %scan3A_358, %add3A_551 : vector<16xi32>
        %add3A_553 = arith.constant 64 : i32
        %add3A_554 = vector.broadcast %add3A_553 : i32 to vector<16xi32>
        %add3A_555 = arith.addi %add3A_552, %add3A_554 : vector<16xi32>
        %gather3A_556 = arith.constant 0 : i32
        %gather3A_557 = arith.constant 0 : i32
        %gather3A_558 = tpu.memref_slice %arg12[%scan3A_233, %gather3A_556, %gather3A_557] : memref<2x128x128xf32, #tpu.memory_space<vmem>> -> memref<1x128x128xf32, #tpu.memory_space<vmem>>
        %gather3A_559 = tpu.memref_squeeze %gather3A_558 : memref<1x128x128xf32, #tpu.memory_space<vmem>> -> memref<128x128xf32, #tpu.memory_space<vmem>>
        %gather3A_560 = tpu.vector_load_idx %gather3A_559[%add3A_288, %add3A_555] : memref<128x128xf32, #tpu.memory_space<vmem>>[vector<16xi32>, vector<16xi32>], vector<16xf32>,
        %gather3A_561 = arith.constant 0 : i32
        %gather3A_562 = arith.constant 0 : i32
        %gather3A_563 = tpu.memref_slice %arg11[%scan3A_234, %gather3A_561, %gather3A_562] : memref<2x128x128xf32, #tpu.memory_space<vmem>> -> memref<1x128x128xf32, #tpu.memory_space<vmem>>
        %gather3A_564 = tpu.memref_squeeze %gather3A_563 : memref<1x128x128xf32, #tpu.memory_space<vmem>> -> memref<128x128xf32, #tpu.memory_space<vmem>>
        %gather3A_565 = tpu.vector_load_idx %gather3A_564[%add3A_288, %add3A_552] : memref<128x128xf32, #tpu.memory_space<vmem>>[vector<16xi32>, vector<16xi32>], vector<16xf32>,
        %gather3A_566 = arith.constant 0 : i32
        %gather3A_567 = arith.constant 0 : i32
        %gather3A_568 = tpu.memref_slice %arg12[%scan3A_233, %gather3A_566, %gather3A_567] : memref<2x128x128xf32, #tpu.memory_space<vmem>> -> memref<1x128x128xf32, #tpu.memory_space<vmem>>
        %gather3A_569 = tpu.memref_squeeze %gather3A_568 : memref<1x128x128xf32, #tpu.memory_space<vmem>> -> memref<128x128xf32, #tpu.memory_space<vmem>>
        %gather3A_570 = tpu.vector_load_idx %gather3A_569[%add3A_288, %add3A_552] : memref<128x128xf32, #tpu.memory_space<vmem>>[vector<16xi32>, vector<16xi32>], vector<16xf32>,
        %gather3A_571 = arith.constant 0 : i32
        %gather3A_572 = arith.constant 0 : i32
        %gather3A_573 = tpu.memref_slice %arg13[%scan3A_235, %gather3A_571, %gather3A_572] : memref<2x128x128xf32, #tpu.memory_space<vmem>> -> memref<1x128x128xf32, #tpu.memory_space<vmem>>
        %gather3A_574 = tpu.memref_squeeze %gather3A_573 : memref<1x128x128xf32, #tpu.memory_space<vmem>> -> memref<128x128xf32, #tpu.memory_space<vmem>>
        %gather3A_575 = tpu.vector_load_idx %gather3A_574[%add3A_288, %add3A_552] : memref<128x128xf32, #tpu.memory_space<vmem>>[vector<16xi32>, vector<16xi32>], vector<16xf32>,
        %mul3A_576 = arith.mulf %gather3A_560, %gather3A_565 : vector<16xf32>
        %add3A_577 = arith.addf %add3A_545, %mul3A_576 : vector<16xf32>
        %mul3A_578 = arith.mulf %gather3A_560, %gather3A_570 : vector<16xf32>
        %add3A_579 = arith.addf %add3A_547, %mul3A_578 : vector<16xf32>
        %mul3A_580 = arith.mulf %gather3A_575, %gather3A_575 : vector<16xf32>
        %add3A_581 = arith.addf %add3A_549, %mul3A_580 : vector<16xf32>
        %add3A_582 = arith.constant 7 : i32
        %add3A_583 = vector.broadcast %add3A_582 : i32 to vector<16xi32>
        %add3A_584 = arith.addi %scan3A_358, %add3A_583 : vector<16xi32>
        %add3A_585 = arith.constant 64 : i32
        %add3A_586 = vector.broadcast %add3A_585 : i32 to vector<16xi32>
        %add3A_587 = arith.addi %add3A_584, %add3A_586 : vector<16xi32>
        %gather3A_588 = arith.constant 0 : i32
        %gather3A_589 = arith.constant 0 : i32
        %gather3A_590 = tpu.memref_slice %arg12[%scan3A_233, %gather3A_588, %gather3A_589] : memref<2x128x128xf32, #tpu.memory_space<vmem>> -> memref<1x128x128xf32, #tpu.memory_space<vmem>>
        %gather3A_591 = tpu.memref_squeeze %gather3A_590 : memref<1x128x128xf32, #tpu.memory_space<vmem>> -> memref<128x128xf32, #tpu.memory_space<vmem>>
        %gather3A_592 = tpu.vector_load_idx %gather3A_591[%add3A_288, %add3A_587] : memref<128x128xf32, #tpu.memory_space<vmem>>[vector<16xi32>, vector<16xi32>], vector<16xf32>,
        %gather3A_593 = arith.constant 0 : i32
        %gather3A_594 = arith.constant 0 : i32
        %gather3A_595 = tpu.memref_slice %arg11[%scan3A_234, %gather3A_593, %gather3A_594] : memref<2x128x128xf32, #tpu.memory_space<vmem>> -> memref<1x128x128xf32, #tpu.memory_space<vmem>>
        %gather3A_596 = tpu.memref_squeeze %gather3A_595 : memref<1x128x128xf32, #tpu.memory_space<vmem>> -> memref<128x128xf32, #tpu.memory_space<vmem>>
        %gather3A_597 = tpu.vector_load_idx %gather3A_596[%add3A_288, %add3A_584] : memref<128x128xf32, #tpu.memory_space<vmem>>[vector<16xi32>, vector<16xi32>], vector<16xf32>,
        %gather3A_598 = arith.constant 0 : i32
        %gather3A_599 = arith.constant 0 : i32
        %gather3A_600 = tpu.memref_slice %arg12[%scan3A_233, %gather3A_598, %gather3A_599] : memref<2x128x128xf32, #tpu.memory_space<vmem>> -> memref<1x128x128xf32, #tpu.memory_space<vmem>>
        %gather3A_601 = tpu.memref_squeeze %gather3A_600 : memref<1x128x128xf32, #tpu.memory_space<vmem>> -> memref<128x128xf32, #tpu.memory_space<vmem>>
        %gather3A_602 = tpu.vector_load_idx %gather3A_601[%add3A_288, %add3A_584] : memref<128x128xf32, #tpu.memory_space<vmem>>[vector<16xi32>, vector<16xi32>], vector<16xf32>,
        %gather3A_603 = arith.constant 0 : i32
        %gather3A_604 = arith.constant 0 : i32
        %gather3A_605 = tpu.memref_slice %arg13[%scan3A_235, %gather3A_603, %gather3A_604] : memref<2x128x128xf32, #tpu.memory_space<vmem>> -> memref<1x128x128xf32, #tpu.memory_space<vmem>>
        %gather3A_606 = tpu.memref_squeeze %gather3A_605 : memref<1x128x128xf32, #tpu.memory_space<vmem>> -> memref<128x128xf32, #tpu.memory_space<vmem>>
        %gather3A_607 = tpu.vector_load_idx %gather3A_606[%add3A_288, %add3A_584] : memref<128x128xf32, #tpu.memory_space<vmem>>[vector<16xi32>, vector<16xi32>], vector<16xf32>,
        %mul3A_608 = arith.mulf %gather3A_592, %gather3A_597 : vector<16xf32>
        %add3A_609 = arith.addf %add3A_577, %mul3A_608 : vector<16xf32>
        %mul3A_610 = arith.mulf %gather3A_592, %gather3A_602 : vector<16xf32>
        %add3A_611 = arith.addf %add3A_579, %mul3A_610 : vector<16xf32>
        %mul3A_612 = arith.mulf %gather3A_607, %gather3A_607 : vector<16xf32>
        %add3A_613 = arith.addf %add3A_581, %mul3A_612 : vector<16xf32>
        %add3A_614 = arith.constant 8 : i32
        %add3A_615 = vector.broadcast %add3A_614 : i32 to vector<16xi32>
        %add3A_616 = arith.addi %scan3A_358, %add3A_615 : vector<16xi32>
        scf.yield %add3A_609, %add3A_611, %add3A_613, %add3A_616 : vector<16xf32>, vector<16xf32>, vector<16xf32>, vector<16xi32>
      }
      %scan3A_297 = arith.constant 8 : i32
      %sub3A = arith.subf %scan3A_296#0, %scan3A_296#1 : vector<16xf32>
      %max3A = arith.constant 1.000000e+00 : f32
      %max3A_298 = vector.broadcast %max3A : f32 to vector<16xf32>
      %max3A_299 = arith.maximumf %scan3A_296#2, %max3A_298 : vector<16xf32>
      %bitcast3A = vector.bitcast %max3A_299 : vector<16xf32> to vector<16xi32>
      %shift_right_arithmetic3A = arith.constant 1 : i32
      %shift_right_arithmetic3A_300 = vector.broadcast %shift_right_arithmetic3A : i32 to vector<16xi32>
      %shift_right_arithmetic3A_301 = arith.shrsi %bitcast3A, %shift_right_arithmetic3A_300 : vector<16xi32>
      %sub3A_302 = arith.constant 1597463007 : i32
      %sub3A_303 = vector.broadcast %sub3A_302 : i32 to vector<16xi32>
      %sub3A_304 = arith.subi %sub3A_303, %shift_right_arithmetic3A_301 : vector<16xi32>
      %bitcast3A_305 = vector.bitcast %sub3A_304 : vector<16xi32> to vector<16xf32>
      %mul3A_306 = arith.constant 5.000000e-01 : f32
      %mul3A_307 = vector.broadcast %mul3A_306 : f32 to vector<16xf32>
      %mul3A_308 = arith.mulf %mul3A_307, %max3A_299 : vector<16xf32>
      %mul3A_309 = arith.mulf %mul3A_308, %bitcast3A_305 : vector<16xf32>
      %mul3A_310 = arith.mulf %mul3A_309, %bitcast3A_305 : vector<16xf32>
      %sub3A_311 = arith.constant 1.500000e+00 : f32
      %sub3A_312 = vector.broadcast %sub3A_311 : f32 to vector<16xf32>
      %sub3A_313 = arith.subf %sub3A_312, %mul3A_310 : vector<16xf32>
      %mul3A_314 = arith.mulf %bitcast3A_305, %sub3A_313 : vector<16xf32>
      %mul3A_315 = arith.constant 5.000000e-01 : f32
      %mul3A_316 = vector.broadcast %mul3A_315 : f32 to vector<16xf32>
      %mul3A_317 = arith.mulf %mul3A_316, %max3A_299 : vector<16xf32>
      %mul3A_318 = arith.mulf %mul3A_317, %mul3A_314 : vector<16xf32>
      %mul3A_319 = arith.mulf %mul3A_318, %mul3A_314 : vector<16xf32>
      %sub3A_320 = arith.constant 1.500000e+00 : f32
      %sub3A_321 = vector.broadcast %sub3A_320 : f32 to vector<16xf32>
      %sub3A_322 = arith.subf %sub3A_321, %mul3A_319 : vector<16xf32>
      %mul3A_323 = arith.mulf %mul3A_314, %sub3A_322 : vector<16xf32>
      %mul3A_324 = arith.constant 5.000000e-01 : f32
      %mul3A_325 = vector.broadcast %mul3A_324 : f32 to vector<16xf32>
      %mul3A_326 = arith.mulf %mul3A_325, %max3A_299 : vector<16xf32>
      %mul3A_327 = arith.mulf %mul3A_326, %mul3A_323 : vector<16xf32>
      %mul3A_328 = arith.mulf %mul3A_327, %mul3A_323 : vector<16xf32>
      %sub3A_329 = arith.constant 1.500000e+00 : f32
      %sub3A_330 = vector.broadcast %sub3A_329 : f32 to vector<16xf32>
      %sub3A_331 = arith.subf %sub3A_330, %mul3A_328 : vector<16xf32>
      %mul3A_332 = arith.mulf %mul3A_323, %sub3A_331 : vector<16xf32>
      %mul3A_333 = arith.mulf %max3A_299, %mul3A_332 : vector<16xf32>
      %gt3A = arith.constant 1.000000e+00 : f32
      %gt3A_334 = vector.broadcast %gt3A : f32 to vector<16xf32>
      %gt3A_335 = arith.cmpf ogt, %scan3A_296#2, %gt3A_334 : vector<16xf32>
      %add3A_336 = arith.constant 1.000000e-07 : f32
      %add3A_337 = vector.broadcast %add3A_336 : f32 to vector<16xf32>
      %add3A_338 = arith.addf %mul3A_333, %add3A_337 : vector<16xf32>
      %div3A = arith.constant 1.000000e+00 : f32
      %div3A_339 = vector.broadcast %div3A : f32 to vector<16xf32>
      %div3A_340 = arith.divf %div3A_339, %add3A_338 : vector<16xf32>
      %jit3A = arith.constant 1.000000e+00 : f32
      %broadcast_in_dim3A_341 = vector.broadcast %jit3A : f32 to vector<16xf32>
      %select_n3A = arith.select %gt3A_335, %div3A_340, %broadcast_in_dim3A_341 : vector<16xi1>, vector<16xf32>
      %scan3A_342 = arith.constant 0 : i32
      %scan3A_343 = arith.constant 8 : i32
      %scan3A_344 = arith.addi %scan3A_342, %scan3A_343 : i32
      %scan3A_345 = arith.constant 1 : i32
      %scan3A_346:2 = scf.for %scan3A_354 = %scan3A_342 to %scan3A_344 step %scan3A_345 iter_args(%scan3A_355 = %broadcast_in_dim3A_289, %scan3A_356 = %broadcast_in_dim3A_291) -> (vector<16xf32>, vector<16xi32>)  : i32 {
        %add3A_357 = arith.constant 0 : i32
        %add3A_358 = vector.broadcast %add3A_357 : i32 to vector<16xi32>
        %add3A_359 = arith.addi %scan3A_356, %add3A_358 : vector<16xi32>
        %add3A_360 = arith.constant 64 : i32
        %add3A_361 = vector.broadcast %add3A_360 : i32 to vector<16xi32>
        %add3A_362 = arith.addi %add3A_359, %add3A_361 : vector<16xi32>
        %gather3A = arith.constant 0 : i32
        %gather3A_363 = arith.constant 0 : i32
        %gather3A_364 = tpu.memref_slice %arg11[%scan3A_234, %gather3A, %gather3A_363] : memref<2x128x128xf32, #tpu.memory_space<vmem>> -> memref<1x128x128xf32, #tpu.memory_space<vmem>>
        %gather3A_365 = tpu.memref_squeeze %gather3A_364 : memref<1x128x128xf32, #tpu.memory_space<vmem>> -> memref<128x128xf32, #tpu.memory_space<vmem>>
        %gather3A_366 = tpu.vector_load_idx %gather3A_365[%add3A_288, %add3A_362] : memref<128x128xf32, #tpu.memory_space<vmem>>[vector<16xi32>, vector<16xi32>], vector<16xf32>,
        %gather3A_367 = arith.constant 0 : i32
        %gather3A_368 = arith.constant 0 : i32
        %gather3A_369 = tpu.memref_slice %arg11[%scan3A_234, %gather3A_367, %gather3A_368] : memref<2x128x128xf32, #tpu.memory_space<vmem>> -> memref<1x128x128xf32, #tpu.memory_space<vmem>>
        %gather3A_370 = tpu.memref_squeeze %gather3A_369 : memref<1x128x128xf32, #tpu.memory_space<vmem>> -> memref<128x128xf32, #tpu.memory_space<vmem>>
        %gather3A_371 = tpu.vector_load_idx %gather3A_370[%add3A_288, %add3A_359] : memref<128x128xf32, #tpu.memory_space<vmem>>[vector<16xi32>, vector<16xi32>], vector<16xf32>,
        %gather3A_372 = arith.constant 0 : i32
        %gather3A_373 = arith.constant 0 : i32
        %gather3A_374 = tpu.memref_slice %arg12[%scan3A_233, %gather3A_372, %gather3A_373] : memref<2x128x128xf32, #tpu.memory_space<vmem>> -> memref<1x128x128xf32, #tpu.memory_space<vmem>>
        %gather3A_375 = tpu.memref_squeeze %gather3A_374 : memref<1x128x128xf32, #tpu.memory_space<vmem>> -> memref<128x128xf32, #tpu.memory_space<vmem>>
        %gather3A_376 = tpu.vector_load_idx %gather3A_375[%add3A_288, %add3A_359] : memref<128x128xf32, #tpu.memory_space<vmem>>[vector<16xi32>, vector<16xi32>], vector<16xf32>,
        %gather3A_377 = arith.constant 0 : i32
        %gather3A_378 = arith.constant 0 : i32
        %gather3A_379 = tpu.memref_slice %arg13[%scan3A_235, %gather3A_377, %gather3A_378] : memref<2x128x128xf32, #tpu.memory_space<vmem>> -> memref<1x128x128xf32, #tpu.memory_space<vmem>>
        %gather3A_380 = tpu.memref_squeeze %gather3A_379 : memref<1x128x128xf32, #tpu.memory_space<vmem>> -> memref<128x128xf32, #tpu.memory_space<vmem>>
        %gather3A_381 = tpu.vector_load_idx %gather3A_380[%add3A_288, %add3A_359] : memref<128x128xf32, #tpu.memory_space<vmem>>[vector<16xi32>, vector<16xi32>], vector<16xf32>,
        %mul3A_382 = arith.mulf %gather3A_366, %sub3A : vector<16xf32>
        %sub3A_383 = arith.subf %gather3A_371, %gather3A_376 : vector<16xf32>
        %add3A_384 = arith.addf %mul3A_382, %sub3A_383 : vector<16xf32>
        %mul3A_385 = arith.mulf %gather3A_381, %select_n3A : vector<16xf32>
        %add3A_386 = arith.addf %add3A_384, %mul3A_385 : vector<16xf32>
        %abs3A = math.absf %add3A_386 : vector<16xf32>
        %add3A_387 = arith.addf %scan3A_355, %abs3A : vector<16xf32>
        %add3A_388 = arith.constant 1 : i32
        %add3A_389 = vector.broadcast %add3A_388 : i32 to vector<16xi32>
        %add3A_390 = arith.addi %scan3A_356, %add3A_389 : vector<16xi32>
        %add3A_391 = arith.constant 64 : i32
        %add3A_392 = vector.broadcast %add3A_391 : i32 to vector<16xi32>
        %add3A_393 = arith.addi %add3A_390, %add3A_392 : vector<16xi32>
        %gather3A_394 = arith.constant 0 : i32
        %gather3A_395 = arith.constant 0 : i32
        %gather3A_396 = tpu.memref_slice %arg11[%scan3A_234, %gather3A_394, %gather3A_395] : memref<2x128x128xf32, #tpu.memory_space<vmem>> -> memref<1x128x128xf32, #tpu.memory_space<vmem>>
        %gather3A_397 = tpu.memref_squeeze %gather3A_396 : memref<1x128x128xf32, #tpu.memory_space<vmem>> -> memref<128x128xf32, #tpu.memory_space<vmem>>
        %gather3A_398 = tpu.vector_load_idx %gather3A_397[%add3A_288, %add3A_393] : memref<128x128xf32, #tpu.memory_space<vmem>>[vector<16xi32>, vector<16xi32>], vector<16xf32>,
        %gather3A_399 = arith.constant 0 : i32
        %gather3A_400 = arith.constant 0 : i32
        %gather3A_401 = tpu.memref_slice %arg11[%scan3A_234, %gather3A_399, %gather3A_400] : memref<2x128x128xf32, #tpu.memory_space<vmem>> -> memref<1x128x128xf32, #tpu.memory_space<vmem>>
        %gather3A_402 = tpu.memref_squeeze %gather3A_401 : memref<1x128x128xf32, #tpu.memory_space<vmem>> -> memref<128x128xf32, #tpu.memory_space<vmem>>
        %gather3A_403 = tpu.vector_load_idx %gather3A_402[%add3A_288, %add3A_390] : memref<128x128xf32, #tpu.memory_space<vmem>>[vector<16xi32>, vector<16xi32>], vector<16xf32>,
        %gather3A_404 = arith.constant 0 : i32
        %gather3A_405 = arith.constant 0 : i32
        %gather3A_406 = tpu.memref_slice %arg12[%scan3A_233, %gather3A_404, %gather3A_405] : memref<2x128x128xf32, #tpu.memory_space<vmem>> -> memref<1x128x128xf32, #tpu.memory_space<vmem>>
        %gather3A_407 = tpu.memref_squeeze %gather3A_406 : memref<1x128x128xf32, #tpu.memory_space<vmem>> -> memref<128x128xf32, #tpu.memory_space<vmem>>
        %gather3A_408 = tpu.vector_load_idx %gather3A_407[%add3A_288, %add3A_390] : memref<128x128xf32, #tpu.memory_space<vmem>>[vector<16xi32>, vector<16xi32>], vector<16xf32>,
        %gather3A_409 = arith.constant 0 : i32
        %gather3A_410 = arith.constant 0 : i32
        %gather3A_411 = tpu.memref_slice %arg13[%scan3A_235, %gather3A_409, %gather3A_410] : memref<2x128x128xf32, #tpu.memory_space<vmem>> -> memref<1x128x128xf32, #tpu.memory_space<vmem>>
        %gather3A_412 = tpu.memref_squeeze %gather3A_411 : memref<1x128x128xf32, #tpu.memory_space<vmem>> -> memref<128x128xf32, #tpu.memory_space<vmem>>
        %gather3A_413 = tpu.vector_load_idx %gather3A_412[%add3A_288, %add3A_390] : memref<128x128xf32, #tpu.memory_space<vmem>>[vector<16xi32>, vector<16xi32>], vector<16xf32>,
        %mul3A_414 = arith.mulf %gather3A_398, %sub3A : vector<16xf32>
        %sub3A_415 = arith.subf %gather3A_403, %gather3A_408 : vector<16xf32>
        %add3A_416 = arith.addf %mul3A_414, %sub3A_415 : vector<16xf32>
        %mul3A_417 = arith.mulf %gather3A_413, %select_n3A : vector<16xf32>
        %add3A_418 = arith.addf %add3A_416, %mul3A_417 : vector<16xf32>
        %abs3A_419 = math.absf %add3A_418 : vector<16xf32>
        %add3A_420 = arith.addf %add3A_387, %abs3A_419 : vector<16xf32>
        %add3A_421 = arith.constant 2 : i32
        %add3A_422 = vector.broadcast %add3A_421 : i32 to vector<16xi32>
        %add3A_423 = arith.addi %scan3A_356, %add3A_422 : vector<16xi32>
        %add3A_424 = arith.constant 64 : i32
        %add3A_425 = vector.broadcast %add3A_424 : i32 to vector<16xi32>
        %add3A_426 = arith.addi %add3A_423, %add3A_425 : vector<16xi32>
        %gather3A_427 = arith.constant 0 : i32
        %gather3A_428 = arith.constant 0 : i32
        %gather3A_429 = tpu.memref_slice %arg11[%scan3A_234, %gather3A_427, %gather3A_428] : memref<2x128x128xf32, #tpu.memory_space<vmem>> -> memref<1x128x128xf32, #tpu.memory_space<vmem>>
        %gather3A_430 = tpu.memref_squeeze %gather3A_429 : memref<1x128x128xf32, #tpu.memory_space<vmem>> -> memref<128x128xf32, #tpu.memory_space<vmem>>
        %gather3A_431 = tpu.vector_load_idx %gather3A_430[%add3A_288, %add3A_426] : memref<128x128xf32, #tpu.memory_space<vmem>>[vector<16xi32>, vector<16xi32>], vector<16xf32>,
        %gather3A_432 = arith.constant 0 : i32
        %gather3A_433 = arith.constant 0 : i32
        %gather3A_434 = tpu.memref_slice %arg11[%scan3A_234, %gather3A_432, %gather3A_433] : memref<2x128x128xf32, #tpu.memory_space<vmem>> -> memref<1x128x128xf32, #tpu.memory_space<vmem>>
        %gather3A_435 = tpu.memref_squeeze %gather3A_434 : memref<1x128x128xf32, #tpu.memory_space<vmem>> -> memref<128x128xf32, #tpu.memory_space<vmem>>
        %gather3A_436 = tpu.vector_load_idx %gather3A_435[%add3A_288, %add3A_423] : memref<128x128xf32, #tpu.memory_space<vmem>>[vector<16xi32>, vector<16xi32>], vector<16xf32>,
        %gather3A_437 = arith.constant 0 : i32
        %gather3A_438 = arith.constant 0 : i32
        %gather3A_439 = tpu.memref_slice %arg12[%scan3A_233, %gather3A_437, %gather3A_438] : memref<2x128x128xf32, #tpu.memory_space<vmem>> -> memref<1x128x128xf32, #tpu.memory_space<vmem>>
        %gather3A_440 = tpu.memref_squeeze %gather3A_439 : memref<1x128x128xf32, #tpu.memory_space<vmem>> -> memref<128x128xf32, #tpu.memory_space<vmem>>
        %gather3A_441 = tpu.vector_load_idx %gather3A_440[%add3A_288, %add3A_423] : memref<128x128xf32, #tpu.memory_space<vmem>>[vector<16xi32>, vector<16xi32>], vector<16xf32>,
        %gather3A_442 = arith.constant 0 : i32
        %gather3A_443 = arith.constant 0 : i32
        %gather3A_444 = tpu.memref_slice %arg13[%scan3A_235, %gather3A_442, %gather3A_443] : memref<2x128x128xf32, #tpu.memory_space<vmem>> -> memref<1x128x128xf32, #tpu.memory_space<vmem>>
        %gather3A_445 = tpu.memref_squeeze %gather3A_444 : memref<1x128x128xf32, #tpu.memory_space<vmem>> -> memref<128x128xf32, #tpu.memory_space<vmem>>
        %gather3A_446 = tpu.vector_load_idx %gather3A_445[%add3A_288, %add3A_423] : memref<128x128xf32, #tpu.memory_space<vmem>>[vector<16xi32>, vector<16xi32>], vector<16xf32>,
        %mul3A_447 = arith.mulf %gather3A_431, %sub3A : vector<16xf32>
        %sub3A_448 = arith.subf %gather3A_436, %gather3A_441 : vector<16xf32>
        %add3A_449 = arith.addf %mul3A_447, %sub3A_448 : vector<16xf32>
        %mul3A_450 = arith.mulf %gather3A_446, %select_n3A : vector<16xf32>
        %add3A_451 = arith.addf %add3A_449, %mul3A_450 : vector<16xf32>
        %abs3A_452 = math.absf %add3A_451 : vector<16xf32>
        %add3A_453 = arith.addf %add3A_420, %abs3A_452 : vector<16xf32>
        %add3A_454 = arith.constant 3 : i32
        %add3A_455 = vector.broadcast %add3A_454 : i32 to vector<16xi32>
        %add3A_456 = arith.addi %scan3A_356, %add3A_455 : vector<16xi32>
        %add3A_457 = arith.constant 64 : i32
        %add3A_458 = vector.broadcast %add3A_457 : i32 to vector<16xi32>
        %add3A_459 = arith.addi %add3A_456, %add3A_458 : vector<16xi32>
        %gather3A_460 = arith.constant 0 : i32
        %gather3A_461 = arith.constant 0 : i32
        %gather3A_462 = tpu.memref_slice %arg11[%scan3A_234, %gather3A_460, %gather3A_461] : memref<2x128x128xf32, #tpu.memory_space<vmem>> -> memref<1x128x128xf32, #tpu.memory_space<vmem>>
        %gather3A_463 = tpu.memref_squeeze %gather3A_462 : memref<1x128x128xf32, #tpu.memory_space<vmem>> -> memref<128x128xf32, #tpu.memory_space<vmem>>
        %gather3A_464 = tpu.vector_load_idx %gather3A_463[%add3A_288, %add3A_459] : memref<128x128xf32, #tpu.memory_space<vmem>>[vector<16xi32>, vector<16xi32>], vector<16xf32>,
        %gather3A_465 = arith.constant 0 : i32
        %gather3A_466 = arith.constant 0 : i32
        %gather3A_467 = tpu.memref_slice %arg11[%scan3A_234, %gather3A_465, %gather3A_466] : memref<2x128x128xf32, #tpu.memory_space<vmem>> -> memref<1x128x128xf32, #tpu.memory_space<vmem>>
        %gather3A_468 = tpu.memref_squeeze %gather3A_467 : memref<1x128x128xf32, #tpu.memory_space<vmem>> -> memref<128x128xf32, #tpu.memory_space<vmem>>
        %gather3A_469 = tpu.vector_load_idx %gather3A_468[%add3A_288, %add3A_456] : memref<128x128xf32, #tpu.memory_space<vmem>>[vector<16xi32>, vector<16xi32>], vector<16xf32>,
        %gather3A_470 = arith.constant 0 : i32
        %gather3A_471 = arith.constant 0 : i32
        %gather3A_472 = tpu.memref_slice %arg12[%scan3A_233, %gather3A_470, %gather3A_471] : memref<2x128x128xf32, #tpu.memory_space<vmem>> -> memref<1x128x128xf32, #tpu.memory_space<vmem>>
        %gather3A_473 = tpu.memref_squeeze %gather3A_472 : memref<1x128x128xf32, #tpu.memory_space<vmem>> -> memref<128x128xf32, #tpu.memory_space<vmem>>
        %gather3A_474 = tpu.vector_load_idx %gather3A_473[%add3A_288, %add3A_456] : memref<128x128xf32, #tpu.memory_space<vmem>>[vector<16xi32>, vector<16xi32>], vector<16xf32>,
        %gather3A_475 = arith.constant 0 : i32
        %gather3A_476 = arith.constant 0 : i32
        %gather3A_477 = tpu.memref_slice %arg13[%scan3A_235, %gather3A_475, %gather3A_476] : memref<2x128x128xf32, #tpu.memory_space<vmem>> -> memref<1x128x128xf32, #tpu.memory_space<vmem>>
        %gather3A_478 = tpu.memref_squeeze %gather3A_477 : memref<1x128x128xf32, #tpu.memory_space<vmem>> -> memref<128x128xf32, #tpu.memory_space<vmem>>
        %gather3A_479 = tpu.vector_load_idx %gather3A_478[%add3A_288, %add3A_456] : memref<128x128xf32, #tpu.memory_space<vmem>>[vector<16xi32>, vector<16xi32>], vector<16xf32>,
        %mul3A_480 = arith.mulf %gather3A_464, %sub3A : vector<16xf32>
        %sub3A_481 = arith.subf %gather3A_469, %gather3A_474 : vector<16xf32>
        %add3A_482 = arith.addf %mul3A_480, %sub3A_481 : vector<16xf32>
        %mul3A_483 = arith.mulf %gather3A_479, %select_n3A : vector<16xf32>
        %add3A_484 = arith.addf %add3A_482, %mul3A_483 : vector<16xf32>
        %abs3A_485 = math.absf %add3A_484 : vector<16xf32>
        %add3A_486 = arith.addf %add3A_453, %abs3A_485 : vector<16xf32>
        %add3A_487 = arith.constant 4 : i32
        %add3A_488 = vector.broadcast %add3A_487 : i32 to vector<16xi32>
        %add3A_489 = arith.addi %scan3A_356, %add3A_488 : vector<16xi32>
        %add3A_490 = arith.constant 64 : i32
        %add3A_491 = vector.broadcast %add3A_490 : i32 to vector<16xi32>
        %add3A_492 = arith.addi %add3A_489, %add3A_491 : vector<16xi32>
        %gather3A_493 = arith.constant 0 : i32
        %gather3A_494 = arith.constant 0 : i32
        %gather3A_495 = tpu.memref_slice %arg11[%scan3A_234, %gather3A_493, %gather3A_494] : memref<2x128x128xf32, #tpu.memory_space<vmem>> -> memref<1x128x128xf32, #tpu.memory_space<vmem>>
        %gather3A_496 = tpu.memref_squeeze %gather3A_495 : memref<1x128x128xf32, #tpu.memory_space<vmem>> -> memref<128x128xf32, #tpu.memory_space<vmem>>
        %gather3A_497 = tpu.vector_load_idx %gather3A_496[%add3A_288, %add3A_492] : memref<128x128xf32, #tpu.memory_space<vmem>>[vector<16xi32>, vector<16xi32>], vector<16xf32>,
        %gather3A_498 = arith.constant 0 : i32
        %gather3A_499 = arith.constant 0 : i32
        %gather3A_500 = tpu.memref_slice %arg11[%scan3A_234, %gather3A_498, %gather3A_499] : memref<2x128x128xf32, #tpu.memory_space<vmem>> -> memref<1x128x128xf32, #tpu.memory_space<vmem>>
        %gather3A_501 = tpu.memref_squeeze %gather3A_500 : memref<1x128x128xf32, #tpu.memory_space<vmem>> -> memref<128x128xf32, #tpu.memory_space<vmem>>
        %gather3A_502 = tpu.vector_load_idx %gather3A_501[%add3A_288, %add3A_489] : memref<128x128xf32, #tpu.memory_space<vmem>>[vector<16xi32>, vector<16xi32>], vector<16xf32>,
        %gather3A_503 = arith.constant 0 : i32
        %gather3A_504 = arith.constant 0 : i32
        %gather3A_505 = tpu.memref_slice %arg12[%scan3A_233, %gather3A_503, %gather3A_504] : memref<2x128x128xf32, #tpu.memory_space<vmem>> -> memref<1x128x128xf32, #tpu.memory_space<vmem>>
        %gather3A_506 = tpu.memref_squeeze %gather3A_505 : memref<1x128x128xf32, #tpu.memory_space<vmem>> -> memref<128x128xf32, #tpu.memory_space<vmem>>
        %gather3A_507 = tpu.vector_load_idx %gather3A_506[%add3A_288, %add3A_489] : memref<128x128xf32, #tpu.memory_space<vmem>>[vector<16xi32>, vector<16xi32>], vector<16xf32>,
        %gather3A_508 = arith.constant 0 : i32
        %gather3A_509 = arith.constant 0 : i32
        %gather3A_510 = tpu.memref_slice %arg13[%scan3A_235, %gather3A_508, %gather3A_509] : memref<2x128x128xf32, #tpu.memory_space<vmem>> -> memref<1x128x128xf32, #tpu.memory_space<vmem>>
        %gather3A_511 = tpu.memref_squeeze %gather3A_510 : memref<1x128x128xf32, #tpu.memory_space<vmem>> -> memref<128x128xf32, #tpu.memory_space<vmem>>
        %gather3A_512 = tpu.vector_load_idx %gather3A_511[%add3A_288, %add3A_489] : memref<128x128xf32, #tpu.memory_space<vmem>>[vector<16xi32>, vector<16xi32>], vector<16xf32>,
        %mul3A_513 = arith.mulf %gather3A_497, %sub3A : vector<16xf32>
        %sub3A_514 = arith.subf %gather3A_502, %gather3A_507 : vector<16xf32>
        %add3A_515 = arith.addf %mul3A_513, %sub3A_514 : vector<16xf32>
        %mul3A_516 = arith.mulf %gather3A_512, %select_n3A : vector<16xf32>
        %add3A_517 = arith.addf %add3A_515, %mul3A_516 : vector<16xf32>
        %abs3A_518 = math.absf %add3A_517 : vector<16xf32>
        %add3A_519 = arith.addf %add3A_486, %abs3A_518 : vector<16xf32>
        %add3A_520 = arith.constant 5 : i32
        %add3A_521 = vector.broadcast %add3A_520 : i32 to vector<16xi32>
        %add3A_522 = arith.addi %scan3A_356, %add3A_521 : vector<16xi32>
        %add3A_523 = arith.constant 64 : i32
        %add3A_524 = vector.broadcast %add3A_523 : i32 to vector<16xi32>
        %add3A_525 = arith.addi %add3A_522, %add3A_524 : vector<16xi32>
        %gather3A_526 = arith.constant 0 : i32
        %gather3A_527 = arith.constant 0 : i32
        %gather3A_528 = tpu.memref_slice %arg11[%scan3A_234, %gather3A_526, %gather3A_527] : memref<2x128x128xf32, #tpu.memory_space<vmem>> -> memref<1x128x128xf32, #tpu.memory_space<vmem>>
        %gather3A_529 = tpu.memref_squeeze %gather3A_528 : memref<1x128x128xf32, #tpu.memory_space<vmem>> -> memref<128x128xf32, #tpu.memory_space<vmem>>
        %gather3A_530 = tpu.vector_load_idx %gather3A_529[%add3A_288, %add3A_525] : memref<128x128xf32, #tpu.memory_space<vmem>>[vector<16xi32>, vector<16xi32>], vector<16xf32>,
        %gather3A_531 = arith.constant 0 : i32
        %gather3A_532 = arith.constant 0 : i32
        %gather3A_533 = tpu.memref_slice %arg11[%scan3A_234, %gather3A_531, %gather3A_532] : memref<2x128x128xf32, #tpu.memory_space<vmem>> -> memref<1x128x128xf32, #tpu.memory_space<vmem>>
        %gather3A_534 = tpu.memref_squeeze %gather3A_533 : memref<1x128x128xf32, #tpu.memory_space<vmem>> -> memref<128x128xf32, #tpu.memory_space<vmem>>
        %gather3A_535 = tpu.vector_load_idx %gather3A_534[%add3A_288, %add3A_522] : memref<128x128xf32, #tpu.memory_space<vmem>>[vector<16xi32>, vector<16xi32>], vector<16xf32>,
        %gather3A_536 = arith.constant 0 : i32
        %gather3A_537 = arith.constant 0 : i32
        %gather3A_538 = tpu.memref_slice %arg12[%scan3A_233, %gather3A_536, %gather3A_537] : memref<2x128x128xf32, #tpu.memory_space<vmem>> -> memref<1x128x128xf32, #tpu.memory_space<vmem>>
        %gather3A_539 = tpu.memref_squeeze %gather3A_538 : memref<1x128x128xf32, #tpu.memory_space<vmem>> -> memref<128x128xf32, #tpu.memory_space<vmem>>
        %gather3A_540 = tpu.vector_load_idx %gather3A_539[%add3A_288, %add3A_522] : memref<128x128xf32, #tpu.memory_space<vmem>>[vector<16xi32>, vector<16xi32>], vector<16xf32>,
        %gather3A_541 = arith.constant 0 : i32
        %gather3A_542 = arith.constant 0 : i32
        %gather3A_543 = tpu.memref_slice %arg13[%scan3A_235, %gather3A_541, %gather3A_542] : memref<2x128x128xf32, #tpu.memory_space<vmem>> -> memref<1x128x128xf32, #tpu.memory_space<vmem>>
        %gather3A_544 = tpu.memref_squeeze %gather3A_543 : memref<1x128x128xf32, #tpu.memory_space<vmem>> -> memref<128x128xf32, #tpu.memory_space<vmem>>
        %gather3A_545 = tpu.vector_load_idx %gather3A_544[%add3A_288, %add3A_522] : memref<128x128xf32, #tpu.memory_space<vmem>>[vector<16xi32>, vector<16xi32>], vector<16xf32>,
        %mul3A_546 = arith.mulf %gather3A_530, %sub3A : vector<16xf32>
        %sub3A_547 = arith.subf %gather3A_535, %gather3A_540 : vector<16xf32>
        %add3A_548 = arith.addf %mul3A_546, %sub3A_547 : vector<16xf32>
        %mul3A_549 = arith.mulf %gather3A_545, %select_n3A : vector<16xf32>
        %add3A_550 = arith.addf %add3A_548, %mul3A_549 : vector<16xf32>
        %abs3A_551 = math.absf %add3A_550 : vector<16xf32>
        %add3A_552 = arith.addf %add3A_519, %abs3A_551 : vector<16xf32>
        %add3A_553 = arith.constant 6 : i32
        %add3A_554 = vector.broadcast %add3A_553 : i32 to vector<16xi32>
        %add3A_555 = arith.addi %scan3A_356, %add3A_554 : vector<16xi32>
        %add3A_556 = arith.constant 64 : i32
        %add3A_557 = vector.broadcast %add3A_556 : i32 to vector<16xi32>
        %add3A_558 = arith.addi %add3A_555, %add3A_557 : vector<16xi32>
        %gather3A_559 = arith.constant 0 : i32
        %gather3A_560 = arith.constant 0 : i32
        %gather3A_561 = tpu.memref_slice %arg11[%scan3A_234, %gather3A_559, %gather3A_560] : memref<2x128x128xf32, #tpu.memory_space<vmem>> -> memref<1x128x128xf32, #tpu.memory_space<vmem>>
        %gather3A_562 = tpu.memref_squeeze %gather3A_561 : memref<1x128x128xf32, #tpu.memory_space<vmem>> -> memref<128x128xf32, #tpu.memory_space<vmem>>
        %gather3A_563 = tpu.vector_load_idx %gather3A_562[%add3A_288, %add3A_558] : memref<128x128xf32, #tpu.memory_space<vmem>>[vector<16xi32>, vector<16xi32>], vector<16xf32>,
        %gather3A_564 = arith.constant 0 : i32
        %gather3A_565 = arith.constant 0 : i32
        %gather3A_566 = tpu.memref_slice %arg11[%scan3A_234, %gather3A_564, %gather3A_565] : memref<2x128x128xf32, #tpu.memory_space<vmem>> -> memref<1x128x128xf32, #tpu.memory_space<vmem>>
        %gather3A_567 = tpu.memref_squeeze %gather3A_566 : memref<1x128x128xf32, #tpu.memory_space<vmem>> -> memref<128x128xf32, #tpu.memory_space<vmem>>
        %gather3A_568 = tpu.vector_load_idx %gather3A_567[%add3A_288, %add3A_555] : memref<128x128xf32, #tpu.memory_space<vmem>>[vector<16xi32>, vector<16xi32>], vector<16xf32>,
        %gather3A_569 = arith.constant 0 : i32
        %gather3A_570 = arith.constant 0 : i32
        %gather3A_571 = tpu.memref_slice %arg12[%scan3A_233, %gather3A_569, %gather3A_570] : memref<2x128x128xf32, #tpu.memory_space<vmem>> -> memref<1x128x128xf32, #tpu.memory_space<vmem>>
        %gather3A_572 = tpu.memref_squeeze %gather3A_571 : memref<1x128x128xf32, #tpu.memory_space<vmem>> -> memref<128x128xf32, #tpu.memory_space<vmem>>
        %gather3A_573 = tpu.vector_load_idx %gather3A_572[%add3A_288, %add3A_555] : memref<128x128xf32, #tpu.memory_space<vmem>>[vector<16xi32>, vector<16xi32>], vector<16xf32>,
        %gather3A_574 = arith.constant 0 : i32
        %gather3A_575 = arith.constant 0 : i32
        %gather3A_576 = tpu.memref_slice %arg13[%scan3A_235, %gather3A_574, %gather3A_575] : memref<2x128x128xf32, #tpu.memory_space<vmem>> -> memref<1x128x128xf32, #tpu.memory_space<vmem>>
        %gather3A_577 = tpu.memref_squeeze %gather3A_576 : memref<1x128x128xf32, #tpu.memory_space<vmem>> -> memref<128x128xf32, #tpu.memory_space<vmem>>
        %gather3A_578 = tpu.vector_load_idx %gather3A_577[%add3A_288, %add3A_555] : memref<128x128xf32, #tpu.memory_space<vmem>>[vector<16xi32>, vector<16xi32>], vector<16xf32>,
        %mul3A_579 = arith.mulf %gather3A_563, %sub3A : vector<16xf32>
        %sub3A_580 = arith.subf %gather3A_568, %gather3A_573 : vector<16xf32>
        %add3A_581 = arith.addf %mul3A_579, %sub3A_580 : vector<16xf32>
        %mul3A_582 = arith.mulf %gather3A_578, %select_n3A : vector<16xf32>
        %add3A_583 = arith.addf %add3A_581, %mul3A_582 : vector<16xf32>
        %abs3A_584 = math.absf %add3A_583 : vector<16xf32>
        %add3A_585 = arith.addf %add3A_552, %abs3A_584 : vector<16xf32>
        %add3A_586 = arith.constant 7 : i32
        %add3A_587 = vector.broadcast %add3A_586 : i32 to vector<16xi32>
        %add3A_588 = arith.addi %scan3A_356, %add3A_587 : vector<16xi32>
        %add3A_589 = arith.constant 64 : i32
        %add3A_590 = vector.broadcast %add3A_589 : i32 to vector<16xi32>
        %add3A_591 = arith.addi %add3A_588, %add3A_590 : vector<16xi32>
        %gather3A_592 = arith.constant 0 : i32
        %gather3A_593 = arith.constant 0 : i32
        %gather3A_594 = tpu.memref_slice %arg11[%scan3A_234, %gather3A_592, %gather3A_593] : memref<2x128x128xf32, #tpu.memory_space<vmem>> -> memref<1x128x128xf32, #tpu.memory_space<vmem>>
        %gather3A_595 = tpu.memref_squeeze %gather3A_594 : memref<1x128x128xf32, #tpu.memory_space<vmem>> -> memref<128x128xf32, #tpu.memory_space<vmem>>
        %gather3A_596 = tpu.vector_load_idx %gather3A_595[%add3A_288, %add3A_591] : memref<128x128xf32, #tpu.memory_space<vmem>>[vector<16xi32>, vector<16xi32>], vector<16xf32>,
        %gather3A_597 = arith.constant 0 : i32
        %gather3A_598 = arith.constant 0 : i32
        %gather3A_599 = tpu.memref_slice %arg11[%scan3A_234, %gather3A_597, %gather3A_598] : memref<2x128x128xf32, #tpu.memory_space<vmem>> -> memref<1x128x128xf32, #tpu.memory_space<vmem>>
        %gather3A_600 = tpu.memref_squeeze %gather3A_599 : memref<1x128x128xf32, #tpu.memory_space<vmem>> -> memref<128x128xf32, #tpu.memory_space<vmem>>
        %gather3A_601 = tpu.vector_load_idx %gather3A_600[%add3A_288, %add3A_588] : memref<128x128xf32, #tpu.memory_space<vmem>>[vector<16xi32>, vector<16xi32>], vector<16xf32>,
        %gather3A_602 = arith.constant 0 : i32
        %gather3A_603 = arith.constant 0 : i32
        %gather3A_604 = tpu.memref_slice %arg12[%scan3A_233, %gather3A_602, %gather3A_603] : memref<2x128x128xf32, #tpu.memory_space<vmem>> -> memref<1x128x128xf32, #tpu.memory_space<vmem>>
        %gather3A_605 = tpu.memref_squeeze %gather3A_604 : memref<1x128x128xf32, #tpu.memory_space<vmem>> -> memref<128x128xf32, #tpu.memory_space<vmem>>
        %gather3A_606 = tpu.vector_load_idx %gather3A_605[%add3A_288, %add3A_588] : memref<128x128xf32, #tpu.memory_space<vmem>>[vector<16xi32>, vector<16xi32>], vector<16xf32>,
        %gather3A_607 = arith.constant 0 : i32
        %gather3A_608 = arith.constant 0 : i32
        %gather3A_609 = tpu.memref_slice %arg13[%scan3A_235, %gather3A_607, %gather3A_608] : memref<2x128x128xf32, #tpu.memory_space<vmem>> -> memref<1x128x128xf32, #tpu.memory_space<vmem>>
        %gather3A_610 = tpu.memref_squeeze %gather3A_609 : memref<1x128x128xf32, #tpu.memory_space<vmem>> -> memref<128x128xf32, #tpu.memory_space<vmem>>
        %gather3A_611 = tpu.vector_load_idx %gather3A_610[%add3A_288, %add3A_588] : memref<128x128xf32, #tpu.memory_space<vmem>>[vector<16xi32>, vector<16xi32>], vector<16xf32>,
        %mul3A_612 = arith.mulf %gather3A_596, %sub3A : vector<16xf32>
        %sub3A_613 = arith.subf %gather3A_601, %gather3A_606 : vector<16xf32>
        %add3A_614 = arith.addf %mul3A_612, %sub3A_613 : vector<16xf32>
        %mul3A_615 = arith.mulf %gather3A_611, %select_n3A : vector<16xf32>
        %add3A_616 = arith.addf %add3A_614, %mul3A_615 : vector<16xf32>
        %abs3A_617 = math.absf %add3A_616 : vector<16xf32>
        %add3A_618 = arith.addf %add3A_585, %abs3A_617 : vector<16xf32>
        %add3A_619 = arith.constant 8 : i32
        %add3A_620 = vector.broadcast %add3A_619 : i32 to vector<16xi32>
        %add3A_621 = arith.addi %scan3A_356, %add3A_620 : vector<16xi32>
        scf.yield %add3A_618, %add3A_621 : vector<16xf32>, vector<16xi32>
      }
      %scan3A_347 = arith.constant 8 : i32
      %sub3A_348 = arith.constant 1.200000e+01 : f32
      %sub3A_349 = vector.broadcast %sub3A_348 : f32 to vector<16xf32>
      %sub3A_350 = arith.subf %scan3A_346#0, %sub3A_349 : vector<16xf32>
      %mul3A_351 = arith.constant 16 : i32
      %mul3A_352 = arith.muli %scan3A_284, %mul3A_351 : i32
      %swap3A = arith.index_cast %mul3A_352 : i32 to index
      %swap3A_353 = tpu.vector_load %arg14[%swap3A] {strides = array<i32>} : memref<128xf32, #tpu.memory_space<vmem>>, vector<16xf32>,
      tpu.vector_store %arg14[%swap3A], %sub3A_350 {strides = array<i32>} : memref<128xf32, #tpu.memory_space<vmem>>, vector<16xf32>,
    }
    %scan3A_240 = arith.constant 8 : i32
    %add3A_241 = arith.constant 256 : i32
    %add3A_242 = arith.addi %mul3A_2, %add3A_241 : i32
    "tpu.region"() ({
      %run_scoped3A = tpu.sem_alloc : memref<!tpu.dma_semaphore, #tpu.memory_space<semaphore_mem>>
      %dma_start3A_284 = tpu.memref_slice %arg7[%add3A_242] : memref<16384xf32, #tpu.memory_space<hbm>> -> memref<128xf32, #tpu.memory_space<hbm>>
      %dma_start3A_285 = tpu.memref_slice %arg7[%add3A_242] : memref<16384xf32, #tpu.memory_space<hbm>> -> memref<128xf32, #tpu.memory_space<hbm>>
      tpu.enqueue_dma source(%arg14 : memref<128xf32, #tpu.memory_space<vmem>>) target(%dma_start3A_285 : memref<128xf32, #tpu.memory_space<hbm>>) target_semaphore(%run_scoped3A : memref<!tpu.dma_semaphore, #tpu.memory_space<semaphore_mem>>)
      %dma_wait3A_286 = tpu.memref_slice %arg7[%add3A_242] : memref<16384xf32, #tpu.memory_space<hbm>> -> memref<128xf32, #tpu.memory_space<hbm>>
      %dma_wait3A_287 = tpu.memref_slice %arg7[%add3A_242] : memref<16384xf32, #tpu.memory_space<hbm>> -> memref<128xf32, #tpu.memory_space<hbm>>
      tpu.wait_dma2 semaphore(%run_scoped3A : memref<!tpu.dma_semaphore, #tpu.memory_space<semaphore_mem>>) src(%arg14 : memref<128xf32, #tpu.memory_space<vmem>>) dst(%dma_wait3A_287 : memref<128xf32, #tpu.memory_space<hbm>>)
      tpu.yield
    }) : () -> ()
    %dma_wait3A_243 = arith.constant 1 : i32
    %dma_wait3A_244 = arith.constant 0 : i32
    %dma_wait3A_245 = arith.constant 0 : i32
    %dma_wait3A_246 = tpu.memref_slice %arg11[%dma_wait3A_243, %dma_wait3A_244, %dma_wait3A_245] : memref<2x128x128xf32, #tpu.memory_space<vmem>> -> memref<1x128x128xf32, #tpu.memory_space<vmem>>
    %dma_wait3A_247 = tpu.memref_squeeze %dma_wait3A_246 : memref<1x128x128xf32, #tpu.memory_space<vmem>> -> memref<128x128xf32, #tpu.memory_space<vmem>>
    %dma_wait3A_248 = arith.constant 384 : i32
    %dma_wait3A_249 = tpu.memref_slice %arg8[%dma_wait3A_248] : memref<512xi32, #tpu.memory_space<vmem>> -> memref<128xi32, #tpu.memory_space<vmem>>
    %dma_wait3A_250 = arith.constant 0 : i32
    %dma_wait3A_251 = arith.constant 0 : i32
    %dma_wait3A_252 = tpu.memref_slice %arg5[%dma_wait3A_250, %dma_wait3A_251] : memref<1000000x128xf32, #tpu.memory_space<hbm>> -> memref<1000000x128xf32, #tpu.memory_space<hbm>>
    tpu.wait_indirect_dma semaphore(%arg16 : memref<!tpu.dma_semaphore, #tpu.memory_space<semaphore_mem>>) src(%dma_wait3A_252 : memref<1000000x128xf32, #tpu.memory_space<hbm>>) dst(%dma_wait3A_247 : memref<128x128xf32, #tpu.memory_space<vmem>>)
    %dma_wait3A_253 = arith.constant 1 : i32
    %dma_wait3A_254 = arith.constant 0 : i32
    %dma_wait3A_255 = arith.constant 0 : i32
    %dma_wait3A_256 = tpu.memref_slice %arg12[%dma_wait3A_253, %dma_wait3A_254, %dma_wait3A_255] : memref<2x128x128xf32, #tpu.memory_space<vmem>> -> memref<1x128x128xf32, #tpu.memory_space<vmem>>
    %dma_wait3A_257 = tpu.memref_squeeze %dma_wait3A_256 : memref<1x128x128xf32, #tpu.memory_space<vmem>> -> memref<128x128xf32, #tpu.memory_space<vmem>>
    %dma_wait3A_258 = arith.constant 384 : i32
    %dma_wait3A_259 = tpu.memref_slice %arg10[%dma_wait3A_258] : memref<512xi32, #tpu.memory_space<vmem>> -> memref<128xi32, #tpu.memory_space<vmem>>
    %dma_wait3A_260 = arith.constant 0 : i32
    %dma_wait3A_261 = arith.constant 0 : i32
    %dma_wait3A_262 = tpu.memref_slice %arg5[%dma_wait3A_260, %dma_wait3A_261] : memref<1000000x128xf32, #tpu.memory_space<hbm>> -> memref<1000000x128xf32, #tpu.memory_space<hbm>>
    tpu.wait_indirect_dma semaphore(%arg16 : memref<!tpu.dma_semaphore, #tpu.memory_space<semaphore_mem>>) src(%dma_wait3A_262 : memref<1000000x128xf32, #tpu.memory_space<hbm>>) dst(%dma_wait3A_257 : memref<128x128xf32, #tpu.memory_space<vmem>>)
    %dma_wait3A_263 = arith.constant 1 : i32
    %dma_wait3A_264 = arith.constant 0 : i32
    %dma_wait3A_265 = arith.constant 0 : i32
    %dma_wait3A_266 = tpu.memref_slice %arg13[%dma_wait3A_263, %dma_wait3A_264, %dma_wait3A_265] : memref<2x128x128xf32, #tpu.memory_space<vmem>> -> memref<1x128x128xf32, #tpu.memory_space<vmem>>
    %dma_wait3A_267 = tpu.memref_squeeze %dma_wait3A_266 : memref<1x128x128xf32, #tpu.memory_space<vmem>> -> memref<128x128xf32, #tpu.memory_space<vmem>>
    %dma_wait3A_268 = arith.constant 384 : i32
    %dma_wait3A_269 = tpu.memref_slice %arg9[%dma_wait3A_268] : memref<512xi32, #tpu.memory_space<vmem>> -> memref<128xi32, #tpu.memory_space<vmem>>
    %dma_wait3A_270 = arith.constant 0 : i32
    %dma_wait3A_271 = arith.constant 0 : i32
    %dma_wait3A_272 = tpu.memref_slice %arg6[%dma_wait3A_270, %dma_wait3A_271] : memref<1000000x128xf32, #tpu.memory_space<hbm>> -> memref<1000000x128xf32, #tpu.memory_space<hbm>>
    tpu.wait_indirect_dma semaphore(%arg16 : memref<!tpu.dma_semaphore, #tpu.memory_space<semaphore_mem>>) src(%dma_wait3A_272 : memref<1000000x128xf32, #tpu.memory_space<hbm>>) dst(%dma_wait3A_267 : memref<128x128xf32, #tpu.memory_space<vmem>>)
    %scan3A_273 = arith.constant 0 : i32
    %scan3A_274 = arith.constant 1 : i32
    %scan3A_275 = arith.constant 1 : i32
    %scan3A_276 = arith.constant 1 : i32
    %scan3A_277 = arith.constant 0 : i32
    %scan3A_278 = arith.constant 8 : i32
    %scan3A_279 = arith.addi %scan3A_277, %scan3A_278 : i32
    %scan3A_280 = arith.constant 1 : i32
    scf.for %scan3A_284 = %scan3A_277 to %scan3A_279 step %scan3A_280  : i32 {
      %mul3A_285 = arith.constant 16 : i32
      %mul3A_286 = arith.muli %scan3A_284, %mul3A_285 : i32
      %iota3A = tpu.iota {dimensions = array<i32: 0>} : vector<16xi32>
      %add3A_287 = vector.broadcast %mul3A_286 : i32 to vector<16xi32>
      %add3A_288 = arith.addi %add3A_287, %iota3A : vector<16xi32>
      %broadcast_in_dim3A = arith.constant 0.000000e+00 : f32
      %broadcast_in_dim3A_289 = vector.broadcast %broadcast_in_dim3A : f32 to vector<16xf32>
      %broadcast_in_dim3A_290 = arith.constant 0 : i32
      %broadcast_in_dim3A_291 = vector.broadcast %broadcast_in_dim3A_290 : i32 to vector<16xi32>
      %scan3A_292 = arith.constant 0 : i32
      %scan3A_293 = arith.constant 8 : i32
      %scan3A_294 = arith.addi %scan3A_292, %scan3A_293 : i32
      %scan3A_295 = arith.constant 1 : i32
      %scan3A_296:4 = scf.for %scan3A_354 = %scan3A_292 to %scan3A_294 step %scan3A_295 iter_args(%scan3A_355 = %broadcast_in_dim3A_289, %scan3A_356 = %broadcast_in_dim3A_289, %scan3A_357 = %broadcast_in_dim3A_289, %scan3A_358 = %broadcast_in_dim3A_291) -> (vector<16xf32>, vector<16xf32>, vector<16xf32>, vector<16xi32>)  : i32 {
        %add3A_359 = arith.constant 0 : i32
        %add3A_360 = vector.broadcast %add3A_359 : i32 to vector<16xi32>
        %add3A_361 = arith.addi %scan3A_358, %add3A_360 : vector<16xi32>
        %add3A_362 = arith.constant 64 : i32
        %add3A_363 = vector.broadcast %add3A_362 : i32 to vector<16xi32>
        %add3A_364 = arith.addi %add3A_361, %add3A_363 : vector<16xi32>
        %gather3A = arith.constant 0 : i32
        %gather3A_365 = arith.constant 0 : i32
        %gather3A_366 = tpu.memref_slice %arg12[%scan3A_274, %gather3A, %gather3A_365] : memref<2x128x128xf32, #tpu.memory_space<vmem>> -> memref<1x128x128xf32, #tpu.memory_space<vmem>>
        %gather3A_367 = tpu.memref_squeeze %gather3A_366 : memref<1x128x128xf32, #tpu.memory_space<vmem>> -> memref<128x128xf32, #tpu.memory_space<vmem>>
        %gather3A_368 = tpu.vector_load_idx %gather3A_367[%add3A_288, %add3A_364] : memref<128x128xf32, #tpu.memory_space<vmem>>[vector<16xi32>, vector<16xi32>], vector<16xf32>,
        %gather3A_369 = arith.constant 0 : i32
        %gather3A_370 = arith.constant 0 : i32
        %gather3A_371 = tpu.memref_slice %arg11[%scan3A_275, %gather3A_369, %gather3A_370] : memref<2x128x128xf32, #tpu.memory_space<vmem>> -> memref<1x128x128xf32, #tpu.memory_space<vmem>>
        %gather3A_372 = tpu.memref_squeeze %gather3A_371 : memref<1x128x128xf32, #tpu.memory_space<vmem>> -> memref<128x128xf32, #tpu.memory_space<vmem>>
        %gather3A_373 = tpu.vector_load_idx %gather3A_372[%add3A_288, %add3A_361] : memref<128x128xf32, #tpu.memory_space<vmem>>[vector<16xi32>, vector<16xi32>], vector<16xf32>,
        %gather3A_374 = arith.constant 0 : i32
        %gather3A_375 = arith.constant 0 : i32
        %gather3A_376 = tpu.memref_slice %arg12[%scan3A_274, %gather3A_374, %gather3A_375] : memref<2x128x128xf32, #tpu.memory_space<vmem>> -> memref<1x128x128xf32, #tpu.memory_space<vmem>>
        %gather3A_377 = tpu.memref_squeeze %gather3A_376 : memref<1x128x128xf32, #tpu.memory_space<vmem>> -> memref<128x128xf32, #tpu.memory_space<vmem>>
        %gather3A_378 = tpu.vector_load_idx %gather3A_377[%add3A_288, %add3A_361] : memref<128x128xf32, #tpu.memory_space<vmem>>[vector<16xi32>, vector<16xi32>], vector<16xf32>,
        %gather3A_379 = arith.constant 0 : i32
        %gather3A_380 = arith.constant 0 : i32
        %gather3A_381 = tpu.memref_slice %arg13[%scan3A_276, %gather3A_379, %gather3A_380] : memref<2x128x128xf32, #tpu.memory_space<vmem>> -> memref<1x128x128xf32, #tpu.memory_space<vmem>>
        %gather3A_382 = tpu.memref_squeeze %gather3A_381 : memref<1x128x128xf32, #tpu.memory_space<vmem>> -> memref<128x128xf32, #tpu.memory_space<vmem>>
        %gather3A_383 = tpu.vector_load_idx %gather3A_382[%add3A_288, %add3A_361] : memref<128x128xf32, #tpu.memory_space<vmem>>[vector<16xi32>, vector<16xi32>], vector<16xf32>,
        %mul3A_384 = arith.mulf %gather3A_368, %gather3A_373 : vector<16xf32>
        %add3A_385 = arith.addf %scan3A_355, %mul3A_384 : vector<16xf32>
        %mul3A_386 = arith.mulf %gather3A_368, %gather3A_378 : vector<16xf32>
        %add3A_387 = arith.addf %scan3A_356, %mul3A_386 : vector<16xf32>
        %mul3A_388 = arith.mulf %gather3A_383, %gather3A_383 : vector<16xf32>
        %add3A_389 = arith.addf %scan3A_357, %mul3A_388 : vector<16xf32>
        %add3A_390 = arith.constant 1 : i32
        %add3A_391 = vector.broadcast %add3A_390 : i32 to vector<16xi32>
        %add3A_392 = arith.addi %scan3A_358, %add3A_391 : vector<16xi32>
        %add3A_393 = arith.constant 64 : i32
        %add3A_394 = vector.broadcast %add3A_393 : i32 to vector<16xi32>
        %add3A_395 = arith.addi %add3A_392, %add3A_394 : vector<16xi32>
        %gather3A_396 = arith.constant 0 : i32
        %gather3A_397 = arith.constant 0 : i32
        %gather3A_398 = tpu.memref_slice %arg12[%scan3A_274, %gather3A_396, %gather3A_397] : memref<2x128x128xf32, #tpu.memory_space<vmem>> -> memref<1x128x128xf32, #tpu.memory_space<vmem>>
        %gather3A_399 = tpu.memref_squeeze %gather3A_398 : memref<1x128x128xf32, #tpu.memory_space<vmem>> -> memref<128x128xf32, #tpu.memory_space<vmem>>
        %gather3A_400 = tpu.vector_load_idx %gather3A_399[%add3A_288, %add3A_395] : memref<128x128xf32, #tpu.memory_space<vmem>>[vector<16xi32>, vector<16xi32>], vector<16xf32>,
        %gather3A_401 = arith.constant 0 : i32
        %gather3A_402 = arith.constant 0 : i32
        %gather3A_403 = tpu.memref_slice %arg11[%scan3A_275, %gather3A_401, %gather3A_402] : memref<2x128x128xf32, #tpu.memory_space<vmem>> -> memref<1x128x128xf32, #tpu.memory_space<vmem>>
        %gather3A_404 = tpu.memref_squeeze %gather3A_403 : memref<1x128x128xf32, #tpu.memory_space<vmem>> -> memref<128x128xf32, #tpu.memory_space<vmem>>
        %gather3A_405 = tpu.vector_load_idx %gather3A_404[%add3A_288, %add3A_392] : memref<128x128xf32, #tpu.memory_space<vmem>>[vector<16xi32>, vector<16xi32>], vector<16xf32>,
        %gather3A_406 = arith.constant 0 : i32
        %gather3A_407 = arith.constant 0 : i32
        %gather3A_408 = tpu.memref_slice %arg12[%scan3A_274, %gather3A_406, %gather3A_407] : memref<2x128x128xf32, #tpu.memory_space<vmem>> -> memref<1x128x128xf32, #tpu.memory_space<vmem>>
        %gather3A_409 = tpu.memref_squeeze %gather3A_408 : memref<1x128x128xf32, #tpu.memory_space<vmem>> -> memref<128x128xf32, #tpu.memory_space<vmem>>
        %gather3A_410 = tpu.vector_load_idx %gather3A_409[%add3A_288, %add3A_392] : memref<128x128xf32, #tpu.memory_space<vmem>>[vector<16xi32>, vector<16xi32>], vector<16xf32>,
        %gather3A_411 = arith.constant 0 : i32
        %gather3A_412 = arith.constant 0 : i32
        %gather3A_413 = tpu.memref_slice %arg13[%scan3A_276, %gather3A_411, %gather3A_412] : memref<2x128x128xf32, #tpu.memory_space<vmem>> -> memref<1x128x128xf32, #tpu.memory_space<vmem>>
        %gather3A_414 = tpu.memref_squeeze %gather3A_413 : memref<1x128x128xf32, #tpu.memory_space<vmem>> -> memref<128x128xf32, #tpu.memory_space<vmem>>
        %gather3A_415 = tpu.vector_load_idx %gather3A_414[%add3A_288, %add3A_392] : memref<128x128xf32, #tpu.memory_space<vmem>>[vector<16xi32>, vector<16xi32>], vector<16xf32>,
        %mul3A_416 = arith.mulf %gather3A_400, %gather3A_405 : vector<16xf32>
        %add3A_417 = arith.addf %add3A_385, %mul3A_416 : vector<16xf32>
        %mul3A_418 = arith.mulf %gather3A_400, %gather3A_410 : vector<16xf32>
        %add3A_419 = arith.addf %add3A_387, %mul3A_418 : vector<16xf32>
        %mul3A_420 = arith.mulf %gather3A_415, %gather3A_415 : vector<16xf32>
        %add3A_421 = arith.addf %add3A_389, %mul3A_420 : vector<16xf32>
        %add3A_422 = arith.constant 2 : i32
        %add3A_423 = vector.broadcast %add3A_422 : i32 to vector<16xi32>
        %add3A_424 = arith.addi %scan3A_358, %add3A_423 : vector<16xi32>
        %add3A_425 = arith.constant 64 : i32
        %add3A_426 = vector.broadcast %add3A_425 : i32 to vector<16xi32>
        %add3A_427 = arith.addi %add3A_424, %add3A_426 : vector<16xi32>
        %gather3A_428 = arith.constant 0 : i32
        %gather3A_429 = arith.constant 0 : i32
        %gather3A_430 = tpu.memref_slice %arg12[%scan3A_274, %gather3A_428, %gather3A_429] : memref<2x128x128xf32, #tpu.memory_space<vmem>> -> memref<1x128x128xf32, #tpu.memory_space<vmem>>
        %gather3A_431 = tpu.memref_squeeze %gather3A_430 : memref<1x128x128xf32, #tpu.memory_space<vmem>> -> memref<128x128xf32, #tpu.memory_space<vmem>>
        %gather3A_432 = tpu.vector_load_idx %gather3A_431[%add3A_288, %add3A_427] : memref<128x128xf32, #tpu.memory_space<vmem>>[vector<16xi32>, vector<16xi32>], vector<16xf32>,
        %gather3A_433 = arith.constant 0 : i32
        %gather3A_434 = arith.constant 0 : i32
        %gather3A_435 = tpu.memref_slice %arg11[%scan3A_275, %gather3A_433, %gather3A_434] : memref<2x128x128xf32, #tpu.memory_space<vmem>> -> memref<1x128x128xf32, #tpu.memory_space<vmem>>
        %gather3A_436 = tpu.memref_squeeze %gather3A_435 : memref<1x128x128xf32, #tpu.memory_space<vmem>> -> memref<128x128xf32, #tpu.memory_space<vmem>>
        %gather3A_437 = tpu.vector_load_idx %gather3A_436[%add3A_288, %add3A_424] : memref<128x128xf32, #tpu.memory_space<vmem>>[vector<16xi32>, vector<16xi32>], vector<16xf32>,
        %gather3A_438 = arith.constant 0 : i32
        %gather3A_439 = arith.constant 0 : i32
        %gather3A_440 = tpu.memref_slice %arg12[%scan3A_274, %gather3A_438, %gather3A_439] : memref<2x128x128xf32, #tpu.memory_space<vmem>> -> memref<1x128x128xf32, #tpu.memory_space<vmem>>
        %gather3A_441 = tpu.memref_squeeze %gather3A_440 : memref<1x128x128xf32, #tpu.memory_space<vmem>> -> memref<128x128xf32, #tpu.memory_space<vmem>>
        %gather3A_442 = tpu.vector_load_idx %gather3A_441[%add3A_288, %add3A_424] : memref<128x128xf32, #tpu.memory_space<vmem>>[vector<16xi32>, vector<16xi32>], vector<16xf32>,
        %gather3A_443 = arith.constant 0 : i32
        %gather3A_444 = arith.constant 0 : i32
        %gather3A_445 = tpu.memref_slice %arg13[%scan3A_276, %gather3A_443, %gather3A_444] : memref<2x128x128xf32, #tpu.memory_space<vmem>> -> memref<1x128x128xf32, #tpu.memory_space<vmem>>
        %gather3A_446 = tpu.memref_squeeze %gather3A_445 : memref<1x128x128xf32, #tpu.memory_space<vmem>> -> memref<128x128xf32, #tpu.memory_space<vmem>>
        %gather3A_447 = tpu.vector_load_idx %gather3A_446[%add3A_288, %add3A_424] : memref<128x128xf32, #tpu.memory_space<vmem>>[vector<16xi32>, vector<16xi32>], vector<16xf32>,
        %mul3A_448 = arith.mulf %gather3A_432, %gather3A_437 : vector<16xf32>
        %add3A_449 = arith.addf %add3A_417, %mul3A_448 : vector<16xf32>
        %mul3A_450 = arith.mulf %gather3A_432, %gather3A_442 : vector<16xf32>
        %add3A_451 = arith.addf %add3A_419, %mul3A_450 : vector<16xf32>
        %mul3A_452 = arith.mulf %gather3A_447, %gather3A_447 : vector<16xf32>
        %add3A_453 = arith.addf %add3A_421, %mul3A_452 : vector<16xf32>
        %add3A_454 = arith.constant 3 : i32
        %add3A_455 = vector.broadcast %add3A_454 : i32 to vector<16xi32>
        %add3A_456 = arith.addi %scan3A_358, %add3A_455 : vector<16xi32>
        %add3A_457 = arith.constant 64 : i32
        %add3A_458 = vector.broadcast %add3A_457 : i32 to vector<16xi32>
        %add3A_459 = arith.addi %add3A_456, %add3A_458 : vector<16xi32>
        %gather3A_460 = arith.constant 0 : i32
        %gather3A_461 = arith.constant 0 : i32
        %gather3A_462 = tpu.memref_slice %arg12[%scan3A_274, %gather3A_460, %gather3A_461] : memref<2x128x128xf32, #tpu.memory_space<vmem>> -> memref<1x128x128xf32, #tpu.memory_space<vmem>>
        %gather3A_463 = tpu.memref_squeeze %gather3A_462 : memref<1x128x128xf32, #tpu.memory_space<vmem>> -> memref<128x128xf32, #tpu.memory_space<vmem>>
        %gather3A_464 = tpu.vector_load_idx %gather3A_463[%add3A_288, %add3A_459] : memref<128x128xf32, #tpu.memory_space<vmem>>[vector<16xi32>, vector<16xi32>], vector<16xf32>,
        %gather3A_465 = arith.constant 0 : i32
        %gather3A_466 = arith.constant 0 : i32
        %gather3A_467 = tpu.memref_slice %arg11[%scan3A_275, %gather3A_465, %gather3A_466] : memref<2x128x128xf32, #tpu.memory_space<vmem>> -> memref<1x128x128xf32, #tpu.memory_space<vmem>>
        %gather3A_468 = tpu.memref_squeeze %gather3A_467 : memref<1x128x128xf32, #tpu.memory_space<vmem>> -> memref<128x128xf32, #tpu.memory_space<vmem>>
        %gather3A_469 = tpu.vector_load_idx %gather3A_468[%add3A_288, %add3A_456] : memref<128x128xf32, #tpu.memory_space<vmem>>[vector<16xi32>, vector<16xi32>], vector<16xf32>,
        %gather3A_470 = arith.constant 0 : i32
        %gather3A_471 = arith.constant 0 : i32
        %gather3A_472 = tpu.memref_slice %arg12[%scan3A_274, %gather3A_470, %gather3A_471] : memref<2x128x128xf32, #tpu.memory_space<vmem>> -> memref<1x128x128xf32, #tpu.memory_space<vmem>>
        %gather3A_473 = tpu.memref_squeeze %gather3A_472 : memref<1x128x128xf32, #tpu.memory_space<vmem>> -> memref<128x128xf32, #tpu.memory_space<vmem>>
        %gather3A_474 = tpu.vector_load_idx %gather3A_473[%add3A_288, %add3A_456] : memref<128x128xf32, #tpu.memory_space<vmem>>[vector<16xi32>, vector<16xi32>], vector<16xf32>,
        %gather3A_475 = arith.constant 0 : i32
        %gather3A_476 = arith.constant 0 : i32
        %gather3A_477 = tpu.memref_slice %arg13[%scan3A_276, %gather3A_475, %gather3A_476] : memref<2x128x128xf32, #tpu.memory_space<vmem>> -> memref<1x128x128xf32, #tpu.memory_space<vmem>>
        %gather3A_478 = tpu.memref_squeeze %gather3A_477 : memref<1x128x128xf32, #tpu.memory_space<vmem>> -> memref<128x128xf32, #tpu.memory_space<vmem>>
        %gather3A_479 = tpu.vector_load_idx %gather3A_478[%add3A_288, %add3A_456] : memref<128x128xf32, #tpu.memory_space<vmem>>[vector<16xi32>, vector<16xi32>], vector<16xf32>,
        %mul3A_480 = arith.mulf %gather3A_464, %gather3A_469 : vector<16xf32>
        %add3A_481 = arith.addf %add3A_449, %mul3A_480 : vector<16xf32>
        %mul3A_482 = arith.mulf %gather3A_464, %gather3A_474 : vector<16xf32>
        %add3A_483 = arith.addf %add3A_451, %mul3A_482 : vector<16xf32>
        %mul3A_484 = arith.mulf %gather3A_479, %gather3A_479 : vector<16xf32>
        %add3A_485 = arith.addf %add3A_453, %mul3A_484 : vector<16xf32>
        %add3A_486 = arith.constant 4 : i32
        %add3A_487 = vector.broadcast %add3A_486 : i32 to vector<16xi32>
        %add3A_488 = arith.addi %scan3A_358, %add3A_487 : vector<16xi32>
        %add3A_489 = arith.constant 64 : i32
        %add3A_490 = vector.broadcast %add3A_489 : i32 to vector<16xi32>
        %add3A_491 = arith.addi %add3A_488, %add3A_490 : vector<16xi32>
        %gather3A_492 = arith.constant 0 : i32
        %gather3A_493 = arith.constant 0 : i32
        %gather3A_494 = tpu.memref_slice %arg12[%scan3A_274, %gather3A_492, %gather3A_493] : memref<2x128x128xf32, #tpu.memory_space<vmem>> -> memref<1x128x128xf32, #tpu.memory_space<vmem>>
        %gather3A_495 = tpu.memref_squeeze %gather3A_494 : memref<1x128x128xf32, #tpu.memory_space<vmem>> -> memref<128x128xf32, #tpu.memory_space<vmem>>
        %gather3A_496 = tpu.vector_load_idx %gather3A_495[%add3A_288, %add3A_491] : memref<128x128xf32, #tpu.memory_space<vmem>>[vector<16xi32>, vector<16xi32>], vector<16xf32>,
        %gather3A_497 = arith.constant 0 : i32
        %gather3A_498 = arith.constant 0 : i32
        %gather3A_499 = tpu.memref_slice %arg11[%scan3A_275, %gather3A_497, %gather3A_498] : memref<2x128x128xf32, #tpu.memory_space<vmem>> -> memref<1x128x128xf32, #tpu.memory_space<vmem>>
        %gather3A_500 = tpu.memref_squeeze %gather3A_499 : memref<1x128x128xf32, #tpu.memory_space<vmem>> -> memref<128x128xf32, #tpu.memory_space<vmem>>
        %gather3A_501 = tpu.vector_load_idx %gather3A_500[%add3A_288, %add3A_488] : memref<128x128xf32, #tpu.memory_space<vmem>>[vector<16xi32>, vector<16xi32>], vector<16xf32>,
        %gather3A_502 = arith.constant 0 : i32
        %gather3A_503 = arith.constant 0 : i32
        %gather3A_504 = tpu.memref_slice %arg12[%scan3A_274, %gather3A_502, %gather3A_503] : memref<2x128x128xf32, #tpu.memory_space<vmem>> -> memref<1x128x128xf32, #tpu.memory_space<vmem>>
        %gather3A_505 = tpu.memref_squeeze %gather3A_504 : memref<1x128x128xf32, #tpu.memory_space<vmem>> -> memref<128x128xf32, #tpu.memory_space<vmem>>
        %gather3A_506 = tpu.vector_load_idx %gather3A_505[%add3A_288, %add3A_488] : memref<128x128xf32, #tpu.memory_space<vmem>>[vector<16xi32>, vector<16xi32>], vector<16xf32>,
        %gather3A_507 = arith.constant 0 : i32
        %gather3A_508 = arith.constant 0 : i32
        %gather3A_509 = tpu.memref_slice %arg13[%scan3A_276, %gather3A_507, %gather3A_508] : memref<2x128x128xf32, #tpu.memory_space<vmem>> -> memref<1x128x128xf32, #tpu.memory_space<vmem>>
        %gather3A_510 = tpu.memref_squeeze %gather3A_509 : memref<1x128x128xf32, #tpu.memory_space<vmem>> -> memref<128x128xf32, #tpu.memory_space<vmem>>
        %gather3A_511 = tpu.vector_load_idx %gather3A_510[%add3A_288, %add3A_488] : memref<128x128xf32, #tpu.memory_space<vmem>>[vector<16xi32>, vector<16xi32>], vector<16xf32>,
        %mul3A_512 = arith.mulf %gather3A_496, %gather3A_501 : vector<16xf32>
        %add3A_513 = arith.addf %add3A_481, %mul3A_512 : vector<16xf32>
        %mul3A_514 = arith.mulf %gather3A_496, %gather3A_506 : vector<16xf32>
        %add3A_515 = arith.addf %add3A_483, %mul3A_514 : vector<16xf32>
        %mul3A_516 = arith.mulf %gather3A_511, %gather3A_511 : vector<16xf32>
        %add3A_517 = arith.addf %add3A_485, %mul3A_516 : vector<16xf32>
        %add3A_518 = arith.constant 5 : i32
        %add3A_519 = vector.broadcast %add3A_518 : i32 to vector<16xi32>
        %add3A_520 = arith.addi %scan3A_358, %add3A_519 : vector<16xi32>
        %add3A_521 = arith.constant 64 : i32
        %add3A_522 = vector.broadcast %add3A_521 : i32 to vector<16xi32>
        %add3A_523 = arith.addi %add3A_520, %add3A_522 : vector<16xi32>
        %gather3A_524 = arith.constant 0 : i32
        %gather3A_525 = arith.constant 0 : i32
        %gather3A_526 = tpu.memref_slice %arg12[%scan3A_274, %gather3A_524, %gather3A_525] : memref<2x128x128xf32, #tpu.memory_space<vmem>> -> memref<1x128x128xf32, #tpu.memory_space<vmem>>
        %gather3A_527 = tpu.memref_squeeze %gather3A_526 : memref<1x128x128xf32, #tpu.memory_space<vmem>> -> memref<128x128xf32, #tpu.memory_space<vmem>>
        %gather3A_528 = tpu.vector_load_idx %gather3A_527[%add3A_288, %add3A_523] : memref<128x128xf32, #tpu.memory_space<vmem>>[vector<16xi32>, vector<16xi32>], vector<16xf32>,
        %gather3A_529 = arith.constant 0 : i32
        %gather3A_530 = arith.constant 0 : i32
        %gather3A_531 = tpu.memref_slice %arg11[%scan3A_275, %gather3A_529, %gather3A_530] : memref<2x128x128xf32, #tpu.memory_space<vmem>> -> memref<1x128x128xf32, #tpu.memory_space<vmem>>
        %gather3A_532 = tpu.memref_squeeze %gather3A_531 : memref<1x128x128xf32, #tpu.memory_space<vmem>> -> memref<128x128xf32, #tpu.memory_space<vmem>>
        %gather3A_533 = tpu.vector_load_idx %gather3A_532[%add3A_288, %add3A_520] : memref<128x128xf32, #tpu.memory_space<vmem>>[vector<16xi32>, vector<16xi32>], vector<16xf32>,
        %gather3A_534 = arith.constant 0 : i32
        %gather3A_535 = arith.constant 0 : i32
        %gather3A_536 = tpu.memref_slice %arg12[%scan3A_274, %gather3A_534, %gather3A_535] : memref<2x128x128xf32, #tpu.memory_space<vmem>> -> memref<1x128x128xf32, #tpu.memory_space<vmem>>
        %gather3A_537 = tpu.memref_squeeze %gather3A_536 : memref<1x128x128xf32, #tpu.memory_space<vmem>> -> memref<128x128xf32, #tpu.memory_space<vmem>>
        %gather3A_538 = tpu.vector_load_idx %gather3A_537[%add3A_288, %add3A_520] : memref<128x128xf32, #tpu.memory_space<vmem>>[vector<16xi32>, vector<16xi32>], vector<16xf32>,
        %gather3A_539 = arith.constant 0 : i32
        %gather3A_540 = arith.constant 0 : i32
        %gather3A_541 = tpu.memref_slice %arg13[%scan3A_276, %gather3A_539, %gather3A_540] : memref<2x128x128xf32, #tpu.memory_space<vmem>> -> memref<1x128x128xf32, #tpu.memory_space<vmem>>
        %gather3A_542 = tpu.memref_squeeze %gather3A_541 : memref<1x128x128xf32, #tpu.memory_space<vmem>> -> memref<128x128xf32, #tpu.memory_space<vmem>>
        %gather3A_543 = tpu.vector_load_idx %gather3A_542[%add3A_288, %add3A_520] : memref<128x128xf32, #tpu.memory_space<vmem>>[vector<16xi32>, vector<16xi32>], vector<16xf32>,
        %mul3A_544 = arith.mulf %gather3A_528, %gather3A_533 : vector<16xf32>
        %add3A_545 = arith.addf %add3A_513, %mul3A_544 : vector<16xf32>
        %mul3A_546 = arith.mulf %gather3A_528, %gather3A_538 : vector<16xf32>
        %add3A_547 = arith.addf %add3A_515, %mul3A_546 : vector<16xf32>
        %mul3A_548 = arith.mulf %gather3A_543, %gather3A_543 : vector<16xf32>
        %add3A_549 = arith.addf %add3A_517, %mul3A_548 : vector<16xf32>
        %add3A_550 = arith.constant 6 : i32
        %add3A_551 = vector.broadcast %add3A_550 : i32 to vector<16xi32>
        %add3A_552 = arith.addi %scan3A_358, %add3A_551 : vector<16xi32>
        %add3A_553 = arith.constant 64 : i32
        %add3A_554 = vector.broadcast %add3A_553 : i32 to vector<16xi32>
        %add3A_555 = arith.addi %add3A_552, %add3A_554 : vector<16xi32>
        %gather3A_556 = arith.constant 0 : i32
        %gather3A_557 = arith.constant 0 : i32
        %gather3A_558 = tpu.memref_slice %arg12[%scan3A_274, %gather3A_556, %gather3A_557] : memref<2x128x128xf32, #tpu.memory_space<vmem>> -> memref<1x128x128xf32, #tpu.memory_space<vmem>>
        %gather3A_559 = tpu.memref_squeeze %gather3A_558 : memref<1x128x128xf32, #tpu.memory_space<vmem>> -> memref<128x128xf32, #tpu.memory_space<vmem>>
        %gather3A_560 = tpu.vector_load_idx %gather3A_559[%add3A_288, %add3A_555] : memref<128x128xf32, #tpu.memory_space<vmem>>[vector<16xi32>, vector<16xi32>], vector<16xf32>,
        %gather3A_561 = arith.constant 0 : i32
        %gather3A_562 = arith.constant 0 : i32
        %gather3A_563 = tpu.memref_slice %arg11[%scan3A_275, %gather3A_561, %gather3A_562] : memref<2x128x128xf32, #tpu.memory_space<vmem>> -> memref<1x128x128xf32, #tpu.memory_space<vmem>>
        %gather3A_564 = tpu.memref_squeeze %gather3A_563 : memref<1x128x128xf32, #tpu.memory_space<vmem>> -> memref<128x128xf32, #tpu.memory_space<vmem>>
        %gather3A_565 = tpu.vector_load_idx %gather3A_564[%add3A_288, %add3A_552] : memref<128x128xf32, #tpu.memory_space<vmem>>[vector<16xi32>, vector<16xi32>], vector<16xf32>,
        %gather3A_566 = arith.constant 0 : i32
        %gather3A_567 = arith.constant 0 : i32
        %gather3A_568 = tpu.memref_slice %arg12[%scan3A_274, %gather3A_566, %gather3A_567] : memref<2x128x128xf32, #tpu.memory_space<vmem>> -> memref<1x128x128xf32, #tpu.memory_space<vmem>>
        %gather3A_569 = tpu.memref_squeeze %gather3A_568 : memref<1x128x128xf32, #tpu.memory_space<vmem>> -> memref<128x128xf32, #tpu.memory_space<vmem>>
        %gather3A_570 = tpu.vector_load_idx %gather3A_569[%add3A_288, %add3A_552] : memref<128x128xf32, #tpu.memory_space<vmem>>[vector<16xi32>, vector<16xi32>], vector<16xf32>,
        %gather3A_571 = arith.constant 0 : i32
        %gather3A_572 = arith.constant 0 : i32
        %gather3A_573 = tpu.memref_slice %arg13[%scan3A_276, %gather3A_571, %gather3A_572] : memref<2x128x128xf32, #tpu.memory_space<vmem>> -> memref<1x128x128xf32, #tpu.memory_space<vmem>>
        %gather3A_574 = tpu.memref_squeeze %gather3A_573 : memref<1x128x128xf32, #tpu.memory_space<vmem>> -> memref<128x128xf32, #tpu.memory_space<vmem>>
        %gather3A_575 = tpu.vector_load_idx %gather3A_574[%add3A_288, %add3A_552] : memref<128x128xf32, #tpu.memory_space<vmem>>[vector<16xi32>, vector<16xi32>], vector<16xf32>,
        %mul3A_576 = arith.mulf %gather3A_560, %gather3A_565 : vector<16xf32>
        %add3A_577 = arith.addf %add3A_545, %mul3A_576 : vector<16xf32>
        %mul3A_578 = arith.mulf %gather3A_560, %gather3A_570 : vector<16xf32>
        %add3A_579 = arith.addf %add3A_547, %mul3A_578 : vector<16xf32>
        %mul3A_580 = arith.mulf %gather3A_575, %gather3A_575 : vector<16xf32>
        %add3A_581 = arith.addf %add3A_549, %mul3A_580 : vector<16xf32>
        %add3A_582 = arith.constant 7 : i32
        %add3A_583 = vector.broadcast %add3A_582 : i32 to vector<16xi32>
        %add3A_584 = arith.addi %scan3A_358, %add3A_583 : vector<16xi32>
        %add3A_585 = arith.constant 64 : i32
        %add3A_586 = vector.broadcast %add3A_585 : i32 to vector<16xi32>
        %add3A_587 = arith.addi %add3A_584, %add3A_586 : vector<16xi32>
        %gather3A_588 = arith.constant 0 : i32
        %gather3A_589 = arith.constant 0 : i32
        %gather3A_590 = tpu.memref_slice %arg12[%scan3A_274, %gather3A_588, %gather3A_589] : memref<2x128x128xf32, #tpu.memory_space<vmem>> -> memref<1x128x128xf32, #tpu.memory_space<vmem>>
        %gather3A_591 = tpu.memref_squeeze %gather3A_590 : memref<1x128x128xf32, #tpu.memory_space<vmem>> -> memref<128x128xf32, #tpu.memory_space<vmem>>
        %gather3A_592 = tpu.vector_load_idx %gather3A_591[%add3A_288, %add3A_587] : memref<128x128xf32, #tpu.memory_space<vmem>>[vector<16xi32>, vector<16xi32>], vector<16xf32>,
        %gather3A_593 = arith.constant 0 : i32
        %gather3A_594 = arith.constant 0 : i32
        %gather3A_595 = tpu.memref_slice %arg11[%scan3A_275, %gather3A_593, %gather3A_594] : memref<2x128x128xf32, #tpu.memory_space<vmem>> -> memref<1x128x128xf32, #tpu.memory_space<vmem>>
        %gather3A_596 = tpu.memref_squeeze %gather3A_595 : memref<1x128x128xf32, #tpu.memory_space<vmem>> -> memref<128x128xf32, #tpu.memory_space<vmem>>
        %gather3A_597 = tpu.vector_load_idx %gather3A_596[%add3A_288, %add3A_584] : memref<128x128xf32, #tpu.memory_space<vmem>>[vector<16xi32>, vector<16xi32>], vector<16xf32>,
        %gather3A_598 = arith.constant 0 : i32
        %gather3A_599 = arith.constant 0 : i32
        %gather3A_600 = tpu.memref_slice %arg12[%scan3A_274, %gather3A_598, %gather3A_599] : memref<2x128x128xf32, #tpu.memory_space<vmem>> -> memref<1x128x128xf32, #tpu.memory_space<vmem>>
        %gather3A_601 = tpu.memref_squeeze %gather3A_600 : memref<1x128x128xf32, #tpu.memory_space<vmem>> -> memref<128x128xf32, #tpu.memory_space<vmem>>
        %gather3A_602 = tpu.vector_load_idx %gather3A_601[%add3A_288, %add3A_584] : memref<128x128xf32, #tpu.memory_space<vmem>>[vector<16xi32>, vector<16xi32>], vector<16xf32>,
        %gather3A_603 = arith.constant 0 : i32
        %gather3A_604 = arith.constant 0 : i32
        %gather3A_605 = tpu.memref_slice %arg13[%scan3A_276, %gather3A_603, %gather3A_604] : memref<2x128x128xf32, #tpu.memory_space<vmem>> -> memref<1x128x128xf32, #tpu.memory_space<vmem>>
        %gather3A_606 = tpu.memref_squeeze %gather3A_605 : memref<1x128x128xf32, #tpu.memory_space<vmem>> -> memref<128x128xf32, #tpu.memory_space<vmem>>
        %gather3A_607 = tpu.vector_load_idx %gather3A_606[%add3A_288, %add3A_584] : memref<128x128xf32, #tpu.memory_space<vmem>>[vector<16xi32>, vector<16xi32>], vector<16xf32>,
        %mul3A_608 = arith.mulf %gather3A_592, %gather3A_597 : vector<16xf32>
        %add3A_609 = arith.addf %add3A_577, %mul3A_608 : vector<16xf32>
        %mul3A_610 = arith.mulf %gather3A_592, %gather3A_602 : vector<16xf32>
        %add3A_611 = arith.addf %add3A_579, %mul3A_610 : vector<16xf32>
        %mul3A_612 = arith.mulf %gather3A_607, %gather3A_607 : vector<16xf32>
        %add3A_613 = arith.addf %add3A_581, %mul3A_612 : vector<16xf32>
        %add3A_614 = arith.constant 8 : i32
        %add3A_615 = vector.broadcast %add3A_614 : i32 to vector<16xi32>
        %add3A_616 = arith.addi %scan3A_358, %add3A_615 : vector<16xi32>
        scf.yield %add3A_609, %add3A_611, %add3A_613, %add3A_616 : vector<16xf32>, vector<16xf32>, vector<16xf32>, vector<16xi32>
      }
      %scan3A_297 = arith.constant 8 : i32
      %sub3A = arith.subf %scan3A_296#0, %scan3A_296#1 : vector<16xf32>
      %max3A = arith.constant 1.000000e+00 : f32
      %max3A_298 = vector.broadcast %max3A : f32 to vector<16xf32>
      %max3A_299 = arith.maximumf %scan3A_296#2, %max3A_298 : vector<16xf32>
      %bitcast3A = vector.bitcast %max3A_299 : vector<16xf32> to vector<16xi32>
      %shift_right_arithmetic3A = arith.constant 1 : i32
      %shift_right_arithmetic3A_300 = vector.broadcast %shift_right_arithmetic3A : i32 to vector<16xi32>
      %shift_right_arithmetic3A_301 = arith.shrsi %bitcast3A, %shift_right_arithmetic3A_300 : vector<16xi32>
      %sub3A_302 = arith.constant 1597463007 : i32
      %sub3A_303 = vector.broadcast %sub3A_302 : i32 to vector<16xi32>
      %sub3A_304 = arith.subi %sub3A_303, %shift_right_arithmetic3A_301 : vector<16xi32>
      %bitcast3A_305 = vector.bitcast %sub3A_304 : vector<16xi32> to vector<16xf32>
      %mul3A_306 = arith.constant 5.000000e-01 : f32
      %mul3A_307 = vector.broadcast %mul3A_306 : f32 to vector<16xf32>
      %mul3A_308 = arith.mulf %mul3A_307, %max3A_299 : vector<16xf32>
      %mul3A_309 = arith.mulf %mul3A_308, %bitcast3A_305 : vector<16xf32>
      %mul3A_310 = arith.mulf %mul3A_309, %bitcast3A_305 : vector<16xf32>
      %sub3A_311 = arith.constant 1.500000e+00 : f32
      %sub3A_312 = vector.broadcast %sub3A_311 : f32 to vector<16xf32>
      %sub3A_313 = arith.subf %sub3A_312, %mul3A_310 : vector<16xf32>
      %mul3A_314 = arith.mulf %bitcast3A_305, %sub3A_313 : vector<16xf32>
      %mul3A_315 = arith.constant 5.000000e-01 : f32
      %mul3A_316 = vector.broadcast %mul3A_315 : f32 to vector<16xf32>
      %mul3A_317 = arith.mulf %mul3A_316, %max3A_299 : vector<16xf32>
      %mul3A_318 = arith.mulf %mul3A_317, %mul3A_314 : vector<16xf32>
      %mul3A_319 = arith.mulf %mul3A_318, %mul3A_314 : vector<16xf32>
      %sub3A_320 = arith.constant 1.500000e+00 : f32
      %sub3A_321 = vector.broadcast %sub3A_320 : f32 to vector<16xf32>
      %sub3A_322 = arith.subf %sub3A_321, %mul3A_319 : vector<16xf32>
      %mul3A_323 = arith.mulf %mul3A_314, %sub3A_322 : vector<16xf32>
      %mul3A_324 = arith.constant 5.000000e-01 : f32
      %mul3A_325 = vector.broadcast %mul3A_324 : f32 to vector<16xf32>
      %mul3A_326 = arith.mulf %mul3A_325, %max3A_299 : vector<16xf32>
      %mul3A_327 = arith.mulf %mul3A_326, %mul3A_323 : vector<16xf32>
      %mul3A_328 = arith.mulf %mul3A_327, %mul3A_323 : vector<16xf32>
      %sub3A_329 = arith.constant 1.500000e+00 : f32
      %sub3A_330 = vector.broadcast %sub3A_329 : f32 to vector<16xf32>
      %sub3A_331 = arith.subf %sub3A_330, %mul3A_328 : vector<16xf32>
      %mul3A_332 = arith.mulf %mul3A_323, %sub3A_331 : vector<16xf32>
      %mul3A_333 = arith.mulf %max3A_299, %mul3A_332 : vector<16xf32>
      %gt3A = arith.constant 1.000000e+00 : f32
      %gt3A_334 = vector.broadcast %gt3A : f32 to vector<16xf32>
      %gt3A_335 = arith.cmpf ogt, %scan3A_296#2, %gt3A_334 : vector<16xf32>
      %add3A_336 = arith.constant 1.000000e-07 : f32
      %add3A_337 = vector.broadcast %add3A_336 : f32 to vector<16xf32>
      %add3A_338 = arith.addf %mul3A_333, %add3A_337 : vector<16xf32>
      %div3A = arith.constant 1.000000e+00 : f32
      %div3A_339 = vector.broadcast %div3A : f32 to vector<16xf32>
      %div3A_340 = arith.divf %div3A_339, %add3A_338 : vector<16xf32>
      %jit3A = arith.constant 1.000000e+00 : f32
      %broadcast_in_dim3A_341 = vector.broadcast %jit3A : f32 to vector<16xf32>
      %select_n3A = arith.select %gt3A_335, %div3A_340, %broadcast_in_dim3A_341 : vector<16xi1>, vector<16xf32>
      %scan3A_342 = arith.constant 0 : i32
      %scan3A_343 = arith.constant 8 : i32
      %scan3A_344 = arith.addi %scan3A_342, %scan3A_343 : i32
      %scan3A_345 = arith.constant 1 : i32
      %scan3A_346:2 = scf.for %scan3A_354 = %scan3A_342 to %scan3A_344 step %scan3A_345 iter_args(%scan3A_355 = %broadcast_in_dim3A_289, %scan3A_356 = %broadcast_in_dim3A_291) -> (vector<16xf32>, vector<16xi32>)  : i32 {
        %add3A_357 = arith.constant 0 : i32
        %add3A_358 = vector.broadcast %add3A_357 : i32 to vector<16xi32>
        %add3A_359 = arith.addi %scan3A_356, %add3A_358 : vector<16xi32>
        %add3A_360 = arith.constant 64 : i32
        %add3A_361 = vector.broadcast %add3A_360 : i32 to vector<16xi32>
        %add3A_362 = arith.addi %add3A_359, %add3A_361 : vector<16xi32>
        %gather3A = arith.constant 0 : i32
        %gather3A_363 = arith.constant 0 : i32
        %gather3A_364 = tpu.memref_slice %arg11[%scan3A_275, %gather3A, %gather3A_363] : memref<2x128x128xf32, #tpu.memory_space<vmem>> -> memref<1x128x128xf32, #tpu.memory_space<vmem>>
        %gather3A_365 = tpu.memref_squeeze %gather3A_364 : memref<1x128x128xf32, #tpu.memory_space<vmem>> -> memref<128x128xf32, #tpu.memory_space<vmem>>
        %gather3A_366 = tpu.vector_load_idx %gather3A_365[%add3A_288, %add3A_362] : memref<128x128xf32, #tpu.memory_space<vmem>>[vector<16xi32>, vector<16xi32>], vector<16xf32>,
        %gather3A_367 = arith.constant 0 : i32
        %gather3A_368 = arith.constant 0 : i32
        %gather3A_369 = tpu.memref_slice %arg11[%scan3A_275, %gather3A_367, %gather3A_368] : memref<2x128x128xf32, #tpu.memory_space<vmem>> -> memref<1x128x128xf32, #tpu.memory_space<vmem>>
        %gather3A_370 = tpu.memref_squeeze %gather3A_369 : memref<1x128x128xf32, #tpu.memory_space<vmem>> -> memref<128x128xf32, #tpu.memory_space<vmem>>
        %gather3A_371 = tpu.vector_load_idx %gather3A_370[%add3A_288, %add3A_359] : memref<128x128xf32, #tpu.memory_space<vmem>>[vector<16xi32>, vector<16xi32>], vector<16xf32>,
        %gather3A_372 = arith.constant 0 : i32
        %gather3A_373 = arith.constant 0 : i32
        %gather3A_374 = tpu.memref_slice %arg12[%scan3A_274, %gather3A_372, %gather3A_373] : memref<2x128x128xf32, #tpu.memory_space<vmem>> -> memref<1x128x128xf32, #tpu.memory_space<vmem>>
        %gather3A_375 = tpu.memref_squeeze %gather3A_374 : memref<1x128x128xf32, #tpu.memory_space<vmem>> -> memref<128x128xf32, #tpu.memory_space<vmem>>
        %gather3A_376 = tpu.vector_load_idx %gather3A_375[%add3A_288, %add3A_359] : memref<128x128xf32, #tpu.memory_space<vmem>>[vector<16xi32>, vector<16xi32>], vector<16xf32>,
        %gather3A_377 = arith.constant 0 : i32
        %gather3A_378 = arith.constant 0 : i32
        %gather3A_379 = tpu.memref_slice %arg13[%scan3A_276, %gather3A_377, %gather3A_378] : memref<2x128x128xf32, #tpu.memory_space<vmem>> -> memref<1x128x128xf32, #tpu.memory_space<vmem>>
        %gather3A_380 = tpu.memref_squeeze %gather3A_379 : memref<1x128x128xf32, #tpu.memory_space<vmem>> -> memref<128x128xf32, #tpu.memory_space<vmem>>
        %gather3A_381 = tpu.vector_load_idx %gather3A_380[%add3A_288, %add3A_359] : memref<128x128xf32, #tpu.memory_space<vmem>>[vector<16xi32>, vector<16xi32>], vector<16xf32>,
        %mul3A_382 = arith.mulf %gather3A_366, %sub3A : vector<16xf32>
        %sub3A_383 = arith.subf %gather3A_371, %gather3A_376 : vector<16xf32>
        %add3A_384 = arith.addf %mul3A_382, %sub3A_383 : vector<16xf32>
        %mul3A_385 = arith.mulf %gather3A_381, %select_n3A : vector<16xf32>
        %add3A_386 = arith.addf %add3A_384, %mul3A_385 : vector<16xf32>
        %abs3A = math.absf %add3A_386 : vector<16xf32>
        %add3A_387 = arith.addf %scan3A_355, %abs3A : vector<16xf32>
        %add3A_388 = arith.constant 1 : i32
        %add3A_389 = vector.broadcast %add3A_388 : i32 to vector<16xi32>
        %add3A_390 = arith.addi %scan3A_356, %add3A_389 : vector<16xi32>
        %add3A_391 = arith.constant 64 : i32
        %add3A_392 = vector.broadcast %add3A_391 : i32 to vector<16xi32>
        %add3A_393 = arith.addi %add3A_390, %add3A_392 : vector<16xi32>
        %gather3A_394 = arith.constant 0 : i32
        %gather3A_395 = arith.constant 0 : i32
        %gather3A_396 = tpu.memref_slice %arg11[%scan3A_275, %gather3A_394, %gather3A_395] : memref<2x128x128xf32, #tpu.memory_space<vmem>> -> memref<1x128x128xf32, #tpu.memory_space<vmem>>
        %gather3A_397 = tpu.memref_squeeze %gather3A_396 : memref<1x128x128xf32, #tpu.memory_space<vmem>> -> memref<128x128xf32, #tpu.memory_space<vmem>>
        %gather3A_398 = tpu.vector_load_idx %gather3A_397[%add3A_288, %add3A_393] : memref<128x128xf32, #tpu.memory_space<vmem>>[vector<16xi32>, vector<16xi32>], vector<16xf32>,
        %gather3A_399 = arith.constant 0 : i32
        %gather3A_400 = arith.constant 0 : i32
        %gather3A_401 = tpu.memref_slice %arg11[%scan3A_275, %gather3A_399, %gather3A_400] : memref<2x128x128xf32, #tpu.memory_space<vmem>> -> memref<1x128x128xf32, #tpu.memory_space<vmem>>
        %gather3A_402 = tpu.memref_squeeze %gather3A_401 : memref<1x128x128xf32, #tpu.memory_space<vmem>> -> memref<128x128xf32, #tpu.memory_space<vmem>>
        %gather3A_403 = tpu.vector_load_idx %gather3A_402[%add3A_288, %add3A_390] : memref<128x128xf32, #tpu.memory_space<vmem>>[vector<16xi32>, vector<16xi32>], vector<16xf32>,
        %gather3A_404 = arith.constant 0 : i32
        %gather3A_405 = arith.constant 0 : i32
        %gather3A_406 = tpu.memref_slice %arg12[%scan3A_274, %gather3A_404, %gather3A_405] : memref<2x128x128xf32, #tpu.memory_space<vmem>> -> memref<1x128x128xf32, #tpu.memory_space<vmem>>
        %gather3A_407 = tpu.memref_squeeze %gather3A_406 : memref<1x128x128xf32, #tpu.memory_space<vmem>> -> memref<128x128xf32, #tpu.memory_space<vmem>>
        %gather3A_408 = tpu.vector_load_idx %gather3A_407[%add3A_288, %add3A_390] : memref<128x128xf32, #tpu.memory_space<vmem>>[vector<16xi32>, vector<16xi32>], vector<16xf32>,
        %gather3A_409 = arith.constant 0 : i32
        %gather3A_410 = arith.constant 0 : i32
        %gather3A_411 = tpu.memref_slice %arg13[%scan3A_276, %gather3A_409, %gather3A_410] : memref<2x128x128xf32, #tpu.memory_space<vmem>> -> memref<1x128x128xf32, #tpu.memory_space<vmem>>
        %gather3A_412 = tpu.memref_squeeze %gather3A_411 : memref<1x128x128xf32, #tpu.memory_space<vmem>> -> memref<128x128xf32, #tpu.memory_space<vmem>>
        %gather3A_413 = tpu.vector_load_idx %gather3A_412[%add3A_288, %add3A_390] : memref<128x128xf32, #tpu.memory_space<vmem>>[vector<16xi32>, vector<16xi32>], vector<16xf32>,
        %mul3A_414 = arith.mulf %gather3A_398, %sub3A : vector<16xf32>
        %sub3A_415 = arith.subf %gather3A_403, %gather3A_408 : vector<16xf32>
        %add3A_416 = arith.addf %mul3A_414, %sub3A_415 : vector<16xf32>
        %mul3A_417 = arith.mulf %gather3A_413, %select_n3A : vector<16xf32>
        %add3A_418 = arith.addf %add3A_416, %mul3A_417 : vector<16xf32>
        %abs3A_419 = math.absf %add3A_418 : vector<16xf32>
        %add3A_420 = arith.addf %add3A_387, %abs3A_419 : vector<16xf32>
        %add3A_421 = arith.constant 2 : i32
        %add3A_422 = vector.broadcast %add3A_421 : i32 to vector<16xi32>
        %add3A_423 = arith.addi %scan3A_356, %add3A_422 : vector<16xi32>
        %add3A_424 = arith.constant 64 : i32
        %add3A_425 = vector.broadcast %add3A_424 : i32 to vector<16xi32>
        %add3A_426 = arith.addi %add3A_423, %add3A_425 : vector<16xi32>
        %gather3A_427 = arith.constant 0 : i32
        %gather3A_428 = arith.constant 0 : i32
        %gather3A_429 = tpu.memref_slice %arg11[%scan3A_275, %gather3A_427, %gather3A_428] : memref<2x128x128xf32, #tpu.memory_space<vmem>> -> memref<1x128x128xf32, #tpu.memory_space<vmem>>
        %gather3A_430 = tpu.memref_squeeze %gather3A_429 : memref<1x128x128xf32, #tpu.memory_space<vmem>> -> memref<128x128xf32, #tpu.memory_space<vmem>>
        %gather3A_431 = tpu.vector_load_idx %gather3A_430[%add3A_288, %add3A_426] : memref<128x128xf32, #tpu.memory_space<vmem>>[vector<16xi32>, vector<16xi32>], vector<16xf32>,
        %gather3A_432 = arith.constant 0 : i32
        %gather3A_433 = arith.constant 0 : i32
        %gather3A_434 = tpu.memref_slice %arg11[%scan3A_275, %gather3A_432, %gather3A_433] : memref<2x128x128xf32, #tpu.memory_space<vmem>> -> memref<1x128x128xf32, #tpu.memory_space<vmem>>
        %gather3A_435 = tpu.memref_squeeze %gather3A_434 : memref<1x128x128xf32, #tpu.memory_space<vmem>> -> memref<128x128xf32, #tpu.memory_space<vmem>>
        %gather3A_436 = tpu.vector_load_idx %gather3A_435[%add3A_288, %add3A_423] : memref<128x128xf32, #tpu.memory_space<vmem>>[vector<16xi32>, vector<16xi32>], vector<16xf32>,
        %gather3A_437 = arith.constant 0 : i32
        %gather3A_438 = arith.constant 0 : i32
        %gather3A_439 = tpu.memref_slice %arg12[%scan3A_274, %gather3A_437, %gather3A_438] : memref<2x128x128xf32, #tpu.memory_space<vmem>> -> memref<1x128x128xf32, #tpu.memory_space<vmem>>
        %gather3A_440 = tpu.memref_squeeze %gather3A_439 : memref<1x128x128xf32, #tpu.memory_space<vmem>> -> memref<128x128xf32, #tpu.memory_space<vmem>>
        %gather3A_441 = tpu.vector_load_idx %gather3A_440[%add3A_288, %add3A_423] : memref<128x128xf32, #tpu.memory_space<vmem>>[vector<16xi32>, vector<16xi32>], vector<16xf32>,
        %gather3A_442 = arith.constant 0 : i32
        %gather3A_443 = arith.constant 0 : i32
        %gather3A_444 = tpu.memref_slice %arg13[%scan3A_276, %gather3A_442, %gather3A_443] : memref<2x128x128xf32, #tpu.memory_space<vmem>> -> memref<1x128x128xf32, #tpu.memory_space<vmem>>
        %gather3A_445 = tpu.memref_squeeze %gather3A_444 : memref<1x128x128xf32, #tpu.memory_space<vmem>> -> memref<128x128xf32, #tpu.memory_space<vmem>>
        %gather3A_446 = tpu.vector_load_idx %gather3A_445[%add3A_288, %add3A_423] : memref<128x128xf32, #tpu.memory_space<vmem>>[vector<16xi32>, vector<16xi32>], vector<16xf32>,
        %mul3A_447 = arith.mulf %gather3A_431, %sub3A : vector<16xf32>
        %sub3A_448 = arith.subf %gather3A_436, %gather3A_441 : vector<16xf32>
        %add3A_449 = arith.addf %mul3A_447, %sub3A_448 : vector<16xf32>
        %mul3A_450 = arith.mulf %gather3A_446, %select_n3A : vector<16xf32>
        %add3A_451 = arith.addf %add3A_449, %mul3A_450 : vector<16xf32>
        %abs3A_452 = math.absf %add3A_451 : vector<16xf32>
        %add3A_453 = arith.addf %add3A_420, %abs3A_452 : vector<16xf32>
        %add3A_454 = arith.constant 3 : i32
        %add3A_455 = vector.broadcast %add3A_454 : i32 to vector<16xi32>
        %add3A_456 = arith.addi %scan3A_356, %add3A_455 : vector<16xi32>
        %add3A_457 = arith.constant 64 : i32
        %add3A_458 = vector.broadcast %add3A_457 : i32 to vector<16xi32>
        %add3A_459 = arith.addi %add3A_456, %add3A_458 : vector<16xi32>
        %gather3A_460 = arith.constant 0 : i32
        %gather3A_461 = arith.constant 0 : i32
        %gather3A_462 = tpu.memref_slice %arg11[%scan3A_275, %gather3A_460, %gather3A_461] : memref<2x128x128xf32, #tpu.memory_space<vmem>> -> memref<1x128x128xf32, #tpu.memory_space<vmem>>
        %gather3A_463 = tpu.memref_squeeze %gather3A_462 : memref<1x128x128xf32, #tpu.memory_space<vmem>> -> memref<128x128xf32, #tpu.memory_space<vmem>>
        %gather3A_464 = tpu.vector_load_idx %gather3A_463[%add3A_288, %add3A_459] : memref<128x128xf32, #tpu.memory_space<vmem>>[vector<16xi32>, vector<16xi32>], vector<16xf32>,
        %gather3A_465 = arith.constant 0 : i32
        %gather3A_466 = arith.constant 0 : i32
        %gather3A_467 = tpu.memref_slice %arg11[%scan3A_275, %gather3A_465, %gather3A_466] : memref<2x128x128xf32, #tpu.memory_space<vmem>> -> memref<1x128x128xf32, #tpu.memory_space<vmem>>
        %gather3A_468 = tpu.memref_squeeze %gather3A_467 : memref<1x128x128xf32, #tpu.memory_space<vmem>> -> memref<128x128xf32, #tpu.memory_space<vmem>>
        %gather3A_469 = tpu.vector_load_idx %gather3A_468[%add3A_288, %add3A_456] : memref<128x128xf32, #tpu.memory_space<vmem>>[vector<16xi32>, vector<16xi32>], vector<16xf32>,
        %gather3A_470 = arith.constant 0 : i32
        %gather3A_471 = arith.constant 0 : i32
        %gather3A_472 = tpu.memref_slice %arg12[%scan3A_274, %gather3A_470, %gather3A_471] : memref<2x128x128xf32, #tpu.memory_space<vmem>> -> memref<1x128x128xf32, #tpu.memory_space<vmem>>
        %gather3A_473 = tpu.memref_squeeze %gather3A_472 : memref<1x128x128xf32, #tpu.memory_space<vmem>> -> memref<128x128xf32, #tpu.memory_space<vmem>>
        %gather3A_474 = tpu.vector_load_idx %gather3A_473[%add3A_288, %add3A_456] : memref<128x128xf32, #tpu.memory_space<vmem>>[vector<16xi32>, vector<16xi32>], vector<16xf32>,
        %gather3A_475 = arith.constant 0 : i32
        %gather3A_476 = arith.constant 0 : i32
        %gather3A_477 = tpu.memref_slice %arg13[%scan3A_276, %gather3A_475, %gather3A_476] : memref<2x128x128xf32, #tpu.memory_space<vmem>> -> memref<1x128x128xf32, #tpu.memory_space<vmem>>
        %gather3A_478 = tpu.memref_squeeze %gather3A_477 : memref<1x128x128xf32, #tpu.memory_space<vmem>> -> memref<128x128xf32, #tpu.memory_space<vmem>>
        %gather3A_479 = tpu.vector_load_idx %gather3A_478[%add3A_288, %add3A_456] : memref<128x128xf32, #tpu.memory_space<vmem>>[vector<16xi32>, vector<16xi32>], vector<16xf32>,
        %mul3A_480 = arith.mulf %gather3A_464, %sub3A : vector<16xf32>
        %sub3A_481 = arith.subf %gather3A_469, %gather3A_474 : vector<16xf32>
        %add3A_482 = arith.addf %mul3A_480, %sub3A_481 : vector<16xf32>
        %mul3A_483 = arith.mulf %gather3A_479, %select_n3A : vector<16xf32>
        %add3A_484 = arith.addf %add3A_482, %mul3A_483 : vector<16xf32>
        %abs3A_485 = math.absf %add3A_484 : vector<16xf32>
        %add3A_486 = arith.addf %add3A_453, %abs3A_485 : vector<16xf32>
        %add3A_487 = arith.constant 4 : i32
        %add3A_488 = vector.broadcast %add3A_487 : i32 to vector<16xi32>
        %add3A_489 = arith.addi %scan3A_356, %add3A_488 : vector<16xi32>
        %add3A_490 = arith.constant 64 : i32
        %add3A_491 = vector.broadcast %add3A_490 : i32 to vector<16xi32>
        %add3A_492 = arith.addi %add3A_489, %add3A_491 : vector<16xi32>
        %gather3A_493 = arith.constant 0 : i32
        %gather3A_494 = arith.constant 0 : i32
        %gather3A_495 = tpu.memref_slice %arg11[%scan3A_275, %gather3A_493, %gather3A_494] : memref<2x128x128xf32, #tpu.memory_space<vmem>> -> memref<1x128x128xf32, #tpu.memory_space<vmem>>
        %gather3A_496 = tpu.memref_squeeze %gather3A_495 : memref<1x128x128xf32, #tpu.memory_space<vmem>> -> memref<128x128xf32, #tpu.memory_space<vmem>>
        %gather3A_497 = tpu.vector_load_idx %gather3A_496[%add3A_288, %add3A_492] : memref<128x128xf32, #tpu.memory_space<vmem>>[vector<16xi32>, vector<16xi32>], vector<16xf32>,
        %gather3A_498 = arith.constant 0 : i32
        %gather3A_499 = arith.constant 0 : i32
        %gather3A_500 = tpu.memref_slice %arg11[%scan3A_275, %gather3A_498, %gather3A_499] : memref<2x128x128xf32, #tpu.memory_space<vmem>> -> memref<1x128x128xf32, #tpu.memory_space<vmem>>
        %gather3A_501 = tpu.memref_squeeze %gather3A_500 : memref<1x128x128xf32, #tpu.memory_space<vmem>> -> memref<128x128xf32, #tpu.memory_space<vmem>>
        %gather3A_502 = tpu.vector_load_idx %gather3A_501[%add3A_288, %add3A_489] : memref<128x128xf32, #tpu.memory_space<vmem>>[vector<16xi32>, vector<16xi32>], vector<16xf32>,
        %gather3A_503 = arith.constant 0 : i32
        %gather3A_504 = arith.constant 0 : i32
        %gather3A_505 = tpu.memref_slice %arg12[%scan3A_274, %gather3A_503, %gather3A_504] : memref<2x128x128xf32, #tpu.memory_space<vmem>> -> memref<1x128x128xf32, #tpu.memory_space<vmem>>
        %gather3A_506 = tpu.memref_squeeze %gather3A_505 : memref<1x128x128xf32, #tpu.memory_space<vmem>> -> memref<128x128xf32, #tpu.memory_space<vmem>>
        %gather3A_507 = tpu.vector_load_idx %gather3A_506[%add3A_288, %add3A_489] : memref<128x128xf32, #tpu.memory_space<vmem>>[vector<16xi32>, vector<16xi32>], vector<16xf32>,
        %gather3A_508 = arith.constant 0 : i32
        %gather3A_509 = arith.constant 0 : i32
        %gather3A_510 = tpu.memref_slice %arg13[%scan3A_276, %gather3A_508, %gather3A_509] : memref<2x128x128xf32, #tpu.memory_space<vmem>> -> memref<1x128x128xf32, #tpu.memory_space<vmem>>
        %gather3A_511 = tpu.memref_squeeze %gather3A_510 : memref<1x128x128xf32, #tpu.memory_space<vmem>> -> memref<128x128xf32, #tpu.memory_space<vmem>>
        %gather3A_512 = tpu.vector_load_idx %gather3A_511[%add3A_288, %add3A_489] : memref<128x128xf32, #tpu.memory_space<vmem>>[vector<16xi32>, vector<16xi32>], vector<16xf32>,
        %mul3A_513 = arith.mulf %gather3A_497, %sub3A : vector<16xf32>
        %sub3A_514 = arith.subf %gather3A_502, %gather3A_507 : vector<16xf32>
        %add3A_515 = arith.addf %mul3A_513, %sub3A_514 : vector<16xf32>
        %mul3A_516 = arith.mulf %gather3A_512, %select_n3A : vector<16xf32>
        %add3A_517 = arith.addf %add3A_515, %mul3A_516 : vector<16xf32>
        %abs3A_518 = math.absf %add3A_517 : vector<16xf32>
        %add3A_519 = arith.addf %add3A_486, %abs3A_518 : vector<16xf32>
        %add3A_520 = arith.constant 5 : i32
        %add3A_521 = vector.broadcast %add3A_520 : i32 to vector<16xi32>
        %add3A_522 = arith.addi %scan3A_356, %add3A_521 : vector<16xi32>
        %add3A_523 = arith.constant 64 : i32
        %add3A_524 = vector.broadcast %add3A_523 : i32 to vector<16xi32>
        %add3A_525 = arith.addi %add3A_522, %add3A_524 : vector<16xi32>
        %gather3A_526 = arith.constant 0 : i32
        %gather3A_527 = arith.constant 0 : i32
        %gather3A_528 = tpu.memref_slice %arg11[%scan3A_275, %gather3A_526, %gather3A_527] : memref<2x128x128xf32, #tpu.memory_space<vmem>> -> memref<1x128x128xf32, #tpu.memory_space<vmem>>
        %gather3A_529 = tpu.memref_squeeze %gather3A_528 : memref<1x128x128xf32, #tpu.memory_space<vmem>> -> memref<128x128xf32, #tpu.memory_space<vmem>>
        %gather3A_530 = tpu.vector_load_idx %gather3A_529[%add3A_288, %add3A_525] : memref<128x128xf32, #tpu.memory_space<vmem>>[vector<16xi32>, vector<16xi32>], vector<16xf32>,
        %gather3A_531 = arith.constant 0 : i32
        %gather3A_532 = arith.constant 0 : i32
        %gather3A_533 = tpu.memref_slice %arg11[%scan3A_275, %gather3A_531, %gather3A_532] : memref<2x128x128xf32, #tpu.memory_space<vmem>> -> memref<1x128x128xf32, #tpu.memory_space<vmem>>
        %gather3A_534 = tpu.memref_squeeze %gather3A_533 : memref<1x128x128xf32, #tpu.memory_space<vmem>> -> memref<128x128xf32, #tpu.memory_space<vmem>>
        %gather3A_535 = tpu.vector_load_idx %gather3A_534[%add3A_288, %add3A_522] : memref<128x128xf32, #tpu.memory_space<vmem>>[vector<16xi32>, vector<16xi32>], vector<16xf32>,
        %gather3A_536 = arith.constant 0 : i32
        %gather3A_537 = arith.constant 0 : i32
        %gather3A_538 = tpu.memref_slice %arg12[%scan3A_274, %gather3A_536, %gather3A_537] : memref<2x128x128xf32, #tpu.memory_space<vmem>> -> memref<1x128x128xf32, #tpu.memory_space<vmem>>
        %gather3A_539 = tpu.memref_squeeze %gather3A_538 : memref<1x128x128xf32, #tpu.memory_space<vmem>> -> memref<128x128xf32, #tpu.memory_space<vmem>>
        %gather3A_540 = tpu.vector_load_idx %gather3A_539[%add3A_288, %add3A_522] : memref<128x128xf32, #tpu.memory_space<vmem>>[vector<16xi32>, vector<16xi32>], vector<16xf32>,
        %gather3A_541 = arith.constant 0 : i32
        %gather3A_542 = arith.constant 0 : i32
        %gather3A_543 = tpu.memref_slice %arg13[%scan3A_276, %gather3A_541, %gather3A_542] : memref<2x128x128xf32, #tpu.memory_space<vmem>> -> memref<1x128x128xf32, #tpu.memory_space<vmem>>
        %gather3A_544 = tpu.memref_squeeze %gather3A_543 : memref<1x128x128xf32, #tpu.memory_space<vmem>> -> memref<128x128xf32, #tpu.memory_space<vmem>>
        %gather3A_545 = tpu.vector_load_idx %gather3A_544[%add3A_288, %add3A_522] : memref<128x128xf32, #tpu.memory_space<vmem>>[vector<16xi32>, vector<16xi32>], vector<16xf32>,
        %mul3A_546 = arith.mulf %gather3A_530, %sub3A : vector<16xf32>
        %sub3A_547 = arith.subf %gather3A_535, %gather3A_540 : vector<16xf32>
        %add3A_548 = arith.addf %mul3A_546, %sub3A_547 : vector<16xf32>
        %mul3A_549 = arith.mulf %gather3A_545, %select_n3A : vector<16xf32>
        %add3A_550 = arith.addf %add3A_548, %mul3A_549 : vector<16xf32>
        %abs3A_551 = math.absf %add3A_550 : vector<16xf32>
        %add3A_552 = arith.addf %add3A_519, %abs3A_551 : vector<16xf32>
        %add3A_553 = arith.constant 6 : i32
        %add3A_554 = vector.broadcast %add3A_553 : i32 to vector<16xi32>
        %add3A_555 = arith.addi %scan3A_356, %add3A_554 : vector<16xi32>
        %add3A_556 = arith.constant 64 : i32
        %add3A_557 = vector.broadcast %add3A_556 : i32 to vector<16xi32>
        %add3A_558 = arith.addi %add3A_555, %add3A_557 : vector<16xi32>
        %gather3A_559 = arith.constant 0 : i32
        %gather3A_560 = arith.constant 0 : i32
        %gather3A_561 = tpu.memref_slice %arg11[%scan3A_275, %gather3A_559, %gather3A_560] : memref<2x128x128xf32, #tpu.memory_space<vmem>> -> memref<1x128x128xf32, #tpu.memory_space<vmem>>
        %gather3A_562 = tpu.memref_squeeze %gather3A_561 : memref<1x128x128xf32, #tpu.memory_space<vmem>> -> memref<128x128xf32, #tpu.memory_space<vmem>>
        %gather3A_563 = tpu.vector_load_idx %gather3A_562[%add3A_288, %add3A_558] : memref<128x128xf32, #tpu.memory_space<vmem>>[vector<16xi32>, vector<16xi32>], vector<16xf32>,
        %gather3A_564 = arith.constant 0 : i32
        %gather3A_565 = arith.constant 0 : i32
        %gather3A_566 = tpu.memref_slice %arg11[%scan3A_275, %gather3A_564, %gather3A_565] : memref<2x128x128xf32, #tpu.memory_space<vmem>> -> memref<1x128x128xf32, #tpu.memory_space<vmem>>
        %gather3A_567 = tpu.memref_squeeze %gather3A_566 : memref<1x128x128xf32, #tpu.memory_space<vmem>> -> memref<128x128xf32, #tpu.memory_space<vmem>>
        %gather3A_568 = tpu.vector_load_idx %gather3A_567[%add3A_288, %add3A_555] : memref<128x128xf32, #tpu.memory_space<vmem>>[vector<16xi32>, vector<16xi32>], vector<16xf32>,
        %gather3A_569 = arith.constant 0 : i32
        %gather3A_570 = arith.constant 0 : i32
        %gather3A_571 = tpu.memref_slice %arg12[%scan3A_274, %gather3A_569, %gather3A_570] : memref<2x128x128xf32, #tpu.memory_space<vmem>> -> memref<1x128x128xf32, #tpu.memory_space<vmem>>
        %gather3A_572 = tpu.memref_squeeze %gather3A_571 : memref<1x128x128xf32, #tpu.memory_space<vmem>> -> memref<128x128xf32, #tpu.memory_space<vmem>>
        %gather3A_573 = tpu.vector_load_idx %gather3A_572[%add3A_288, %add3A_555] : memref<128x128xf32, #tpu.memory_space<vmem>>[vector<16xi32>, vector<16xi32>], vector<16xf32>,
        %gather3A_574 = arith.constant 0 : i32
        %gather3A_575 = arith.constant 0 : i32
        %gather3A_576 = tpu.memref_slice %arg13[%scan3A_276, %gather3A_574, %gather3A_575] : memref<2x128x128xf32, #tpu.memory_space<vmem>> -> memref<1x128x128xf32, #tpu.memory_space<vmem>>
        %gather3A_577 = tpu.memref_squeeze %gather3A_576 : memref<1x128x128xf32, #tpu.memory_space<vmem>> -> memref<128x128xf32, #tpu.memory_space<vmem>>
        %gather3A_578 = tpu.vector_load_idx %gather3A_577[%add3A_288, %add3A_555] : memref<128x128xf32, #tpu.memory_space<vmem>>[vector<16xi32>, vector<16xi32>], vector<16xf32>,
        %mul3A_579 = arith.mulf %gather3A_563, %sub3A : vector<16xf32>
        %sub3A_580 = arith.subf %gather3A_568, %gather3A_573 : vector<16xf32>
        %add3A_581 = arith.addf %mul3A_579, %sub3A_580 : vector<16xf32>
        %mul3A_582 = arith.mulf %gather3A_578, %select_n3A : vector<16xf32>
        %add3A_583 = arith.addf %add3A_581, %mul3A_582 : vector<16xf32>
        %abs3A_584 = math.absf %add3A_583 : vector<16xf32>
        %add3A_585 = arith.addf %add3A_552, %abs3A_584 : vector<16xf32>
        %add3A_586 = arith.constant 7 : i32
        %add3A_587 = vector.broadcast %add3A_586 : i32 to vector<16xi32>
        %add3A_588 = arith.addi %scan3A_356, %add3A_587 : vector<16xi32>
        %add3A_589 = arith.constant 64 : i32
        %add3A_590 = vector.broadcast %add3A_589 : i32 to vector<16xi32>
        %add3A_591 = arith.addi %add3A_588, %add3A_590 : vector<16xi32>
        %gather3A_592 = arith.constant 0 : i32
        %gather3A_593 = arith.constant 0 : i32
        %gather3A_594 = tpu.memref_slice %arg11[%scan3A_275, %gather3A_592, %gather3A_593] : memref<2x128x128xf32, #tpu.memory_space<vmem>> -> memref<1x128x128xf32, #tpu.memory_space<vmem>>
        %gather3A_595 = tpu.memref_squeeze %gather3A_594 : memref<1x128x128xf32, #tpu.memory_space<vmem>> -> memref<128x128xf32, #tpu.memory_space<vmem>>
        %gather3A_596 = tpu.vector_load_idx %gather3A_595[%add3A_288, %add3A_591] : memref<128x128xf32, #tpu.memory_space<vmem>>[vector<16xi32>, vector<16xi32>], vector<16xf32>,
        %gather3A_597 = arith.constant 0 : i32
        %gather3A_598 = arith.constant 0 : i32
        %gather3A_599 = tpu.memref_slice %arg11[%scan3A_275, %gather3A_597, %gather3A_598] : memref<2x128x128xf32, #tpu.memory_space<vmem>> -> memref<1x128x128xf32, #tpu.memory_space<vmem>>
        %gather3A_600 = tpu.memref_squeeze %gather3A_599 : memref<1x128x128xf32, #tpu.memory_space<vmem>> -> memref<128x128xf32, #tpu.memory_space<vmem>>
        %gather3A_601 = tpu.vector_load_idx %gather3A_600[%add3A_288, %add3A_588] : memref<128x128xf32, #tpu.memory_space<vmem>>[vector<16xi32>, vector<16xi32>], vector<16xf32>,
        %gather3A_602 = arith.constant 0 : i32
        %gather3A_603 = arith.constant 0 : i32
        %gather3A_604 = tpu.memref_slice %arg12[%scan3A_274, %gather3A_602, %gather3A_603] : memref<2x128x128xf32, #tpu.memory_space<vmem>> -> memref<1x128x128xf32, #tpu.memory_space<vmem>>
        %gather3A_605 = tpu.memref_squeeze %gather3A_604 : memref<1x128x128xf32, #tpu.memory_space<vmem>> -> memref<128x128xf32, #tpu.memory_space<vmem>>
        %gather3A_606 = tpu.vector_load_idx %gather3A_605[%add3A_288, %add3A_588] : memref<128x128xf32, #tpu.memory_space<vmem>>[vector<16xi32>, vector<16xi32>], vector<16xf32>,
        %gather3A_607 = arith.constant 0 : i32
        %gather3A_608 = arith.constant 0 : i32
        %gather3A_609 = tpu.memref_slice %arg13[%scan3A_276, %gather3A_607, %gather3A_608] : memref<2x128x128xf32, #tpu.memory_space<vmem>> -> memref<1x128x128xf32, #tpu.memory_space<vmem>>
        %gather3A_610 = tpu.memref_squeeze %gather3A_609 : memref<1x128x128xf32, #tpu.memory_space<vmem>> -> memref<128x128xf32, #tpu.memory_space<vmem>>
        %gather3A_611 = tpu.vector_load_idx %gather3A_610[%add3A_288, %add3A_588] : memref<128x128xf32, #tpu.memory_space<vmem>>[vector<16xi32>, vector<16xi32>], vector<16xf32>,
        %mul3A_612 = arith.mulf %gather3A_596, %sub3A : vector<16xf32>
        %sub3A_613 = arith.subf %gather3A_601, %gather3A_606 : vector<16xf32>
        %add3A_614 = arith.addf %mul3A_612, %sub3A_613 : vector<16xf32>
        %mul3A_615 = arith.mulf %gather3A_611, %select_n3A : vector<16xf32>
        %add3A_616 = arith.addf %add3A_614, %mul3A_615 : vector<16xf32>
        %abs3A_617 = math.absf %add3A_616 : vector<16xf32>
        %add3A_618 = arith.addf %add3A_585, %abs3A_617 : vector<16xf32>
        %add3A_619 = arith.constant 8 : i32
        %add3A_620 = vector.broadcast %add3A_619 : i32 to vector<16xi32>
        %add3A_621 = arith.addi %scan3A_356, %add3A_620 : vector<16xi32>
        scf.yield %add3A_618, %add3A_621 : vector<16xf32>, vector<16xi32>
      }
      %scan3A_347 = arith.constant 8 : i32
      %sub3A_348 = arith.constant 1.200000e+01 : f32
      %sub3A_349 = vector.broadcast %sub3A_348 : f32 to vector<16xf32>
      %sub3A_350 = arith.subf %scan3A_346#0, %sub3A_349 : vector<16xf32>
      %mul3A_351 = arith.constant 16 : i32
      %mul3A_352 = arith.muli %scan3A_284, %mul3A_351 : i32
      %swap3A = arith.index_cast %mul3A_352 : i32 to index
      %swap3A_353 = tpu.vector_load %arg14[%swap3A] {strides = array<i32>} : memref<128xf32, #tpu.memory_space<vmem>>, vector<16xf32>,
      tpu.vector_store %arg14[%swap3A], %sub3A_350 {strides = array<i32>} : memref<128xf32, #tpu.memory_space<vmem>>, vector<16xf32>,
    }
    %scan3A_281 = arith.constant 8 : i32
    %add3A_282 = arith.constant 384 : i32
    %add3A_283 = arith.addi %mul3A_2, %add3A_282 : i32
    "tpu.region"() ({
      %run_scoped3A = tpu.sem_alloc : memref<!tpu.dma_semaphore, #tpu.memory_space<semaphore_mem>>
      %dma_start3A_284 = tpu.memref_slice %arg7[%add3A_283] : memref<16384xf32, #tpu.memory_space<hbm>> -> memref<128xf32, #tpu.memory_space<hbm>>
      %dma_start3A_285 = tpu.memref_slice %arg7[%add3A_283] : memref<16384xf32, #tpu.memory_space<hbm>> -> memref<128xf32, #tpu.memory_space<hbm>>
      tpu.enqueue_dma source(%arg14 : memref<128xf32, #tpu.memory_space<vmem>>) target(%dma_start3A_285 : memref<128xf32, #tpu.memory_space<hbm>>) target_semaphore(%run_scoped3A : memref<!tpu.dma_semaphore, #tpu.memory_space<semaphore_mem>>)
      %dma_wait3A_286 = tpu.memref_slice %arg7[%add3A_283] : memref<16384xf32, #tpu.memory_space<hbm>> -> memref<128xf32, #tpu.memory_space<hbm>>
      %dma_wait3A_287 = tpu.memref_slice %arg7[%add3A_283] : memref<16384xf32, #tpu.memory_space<hbm>> -> memref<128xf32, #tpu.memory_space<hbm>>
      tpu.wait_dma2 semaphore(%run_scoped3A : memref<!tpu.dma_semaphore, #tpu.memory_space<semaphore_mem>>) src(%arg14 : memref<128xf32, #tpu.memory_space<vmem>>) dst(%dma_wait3A_287 : memref<128xf32, #tpu.memory_space<hbm>>)
      tpu.yield
    }) : () -> ()
    return
  }
}

</mosaic_0001>

<sc_bundles>
// kernel: kernel.3.cloned.1.call-start
scs
__scs_entry_jumppad:
0x0: {  	(pc) =	sbr.rel $0x88, $3  }
0x1: {  	(tag) =	ssettag $0x0;
	lr =	simm.s32 $0x1  }
0x2: {  	[smem:$0x3F9D] =	sst lr;
	_ =	strace $0xD0000000  }
0x3: {  	_ = 	snop  }
0x4: {  	_ = 	snop  }
0x5: {  	_ = 	snop  }
0x6: {  	_ = 	snop  }
0x7: {  	_ = 	snop  }
__scs_overlays_trampoline_lowered:
0x8: {  	[smem:$0x3FAC] =	sst s0  }
0x9: {  	[smem:$0x3FAD] =	sst s1  }
0xa: {  	[smem:$0x3FAE] =	sst s2  }
0xb: {  	[smem:$0x3FAF] =	sst s3  }
0xc: {  	[smem:$0x3FB0] =	sst s4  }
0xd: {  	[smem:$0x3FB1] =	sst s5  }
0xe: {  	[smem:$0x3FB2] =	sst s6  }
0xf: {  	[smem:$0x3FB3] =	sst s7  }
0x10: {  	[smem:$0x3FB4] =	sst s8  }
0x11: {  	[smem:$0x3FB5] =	sst s9;
	s0 =	simm.s32 @!p0 $0x0  }
0x12: {  	s1 =	sld [smem:$0x3F9B];
	s0 =	simm.s32 @p0 $0x1  }
0x13: {  	[smem:$0x3FB6] =	sst s0;
	s0 =	simm.s32 @!p1 $0x0  }
0x14: {  	s2 =	sld [smem:$0x3F9A];
	s0 =	simm.s32 @p1 $0x1  }
0x15: {  	[smem:$0x3FB7] =	sst s0;
	s0 =	simm.s32 @!p2 $0x0  }
0x16: {  	s3 =	sld [smem:$0x3FDB];
	s0 =	simm.s32 @p2 $0x1  }
0x17: {  	s4 =	simm.s32 $0x1BF5;
	[smem:$0x3FB9] =	sst s0  }
0x18: {  	s0 =	sld [smem:$0x3F9C];
	_ =	swait.ge [sflag:s4], $0x0  }
0x19: {  	s7 =	sld [smem:$0x3F9D]  }
0x1a: {  	s8 =	sadd.s32 $0xFFFFE003, lr  }
0x1b: {  	s9 =	sadd.s32 $0xFFFFFEF7, lr;
	s5 =	simm.s32 $0xFFFFFFFF;
	p2 =	slt.u32 s8, $0xFFFFF086  }
0x1c: {  	p1 =	slt.u32 s9, $0xF7A;
	s5 =	simm.s32 @!p2 $0x0  }
0x1d: {  	s5 =	simm.s32 @p1 $0x1;
	p0 =	seq.s32 s7, s2  }
0x1e: {  	s7 =	smul.u32 @!p0 $0xF7A, s2;
	p2 =	seq.s32 @!p0 s5, $0x0  }
0x1f: {  	s9 =	smul.u32 $0xF7A, s1;
	s8 =	simm.s32 @!p0 $0x1BF5;
	p2 =	por !p2, p0  }
0x20: {  	[sflag:s8] =	ssyncset.s32 @!p0 $0xFFFFF086;
	s6 =	sadd.s32 @!p0 s3, s7;
	s7 =	simm.s32 @!p0 $0x108  }
0x21: {  	s3 =	sadd.s32 s3, s9;
	s6 =	sadd.s32 @!p0 $0x88, s6;
	s7 =	simm.s32 @p2 $0x1082  }
0x22: {  	[simem:s7], [sflag:s8] =	dma.local @!p0 [hbm:s6], $0xF7A  }
0x23: {  	s9 =	sor.u32 $0xD0000000, s2;
	s6 =	simm.s32 $0x108;
	_ =	swait.ge @!p0 [sflag:s8], $0x0  }
0x24: {  	s3 =	sadd.s32 $0x88, s3;
	s6 =	simm.s32 @!p1 $0x1082;
	[sflag:s4] =	ssyncset.s32 $0xFFFFF086  }
0x25: {  	[simem:s6], [sflag:s4] =	dma.local [hbm:s3], $0xF7A  }
0x26: {  	[smem:$0x3F9D] =	sst s1;
	(tag) =	ssettag s2;
	_ =	strace s9  }
0x27: {  	s1 =	sld [smem:$0x3FAD]  }
0x28: {  	s2 =	sld [smem:$0x3FAE]  }
0x29: {  	s4 =	sld [smem:$0x3FB0]  }
0x2a: {  	p0 =	seq.s32 s5, $0x0;
	s5 =	sld [smem:$0x3FB1]  }
0x2b: {  	s6 =	sld [smem:$0x3FB2]  }
0x2c: {  	s7 =	sld [smem:$0x3FB3]  }
0x2d: {  	s3 =	simm.s32 $0x108;
	s8 =	sld [smem:$0x3FB4]  }
0x2e: {  	s3 =	simm.s32 @!p0 $0x1082;
	s9 =	sld [smem:$0x3FB5]  }
0x2f: {  	lr =	sadd.s32 s0, s3;
	s0 =	sld [smem:$0x3FAC]  }
0x30: {  	s3 =	sld [smem:$0x3FAF]  }
0x31: {  	[smem:$0x3FB8] =	sst s10  }
0x32: {  	s10 =	sld [smem:$0x3FB6];
	_ =	sdelay $0x3  }
0x33: {  	p0 =	seq.s32 s10, $0x1;
	s10 =	sld [smem:$0x3FB8];
	_ =	sdelay $0x3  }
0x34: {  	[smem:$0x3FB8] =	sst s10  }
0x35: {  	s10 =	sld [smem:$0x3FB7];
	_ =	sdelay $0x3  }
0x36: {  	p1 =	seq.s32 s10, $0x1;
	s10 =	sld [smem:$0x3FB8];
	_ =	sdelay $0x3  }
0x37: {  	[smem:$0x3FB8] =	sst s10  }
0x38: {  	s10 =	sld [smem:$0x3FB9]  }
0x39: {  	_ = 	snop;
	(pc) =	sbr.ind lr, $3  }
0x3a: {  	_ = 	snop  }
0x3b: {  	_ = 	snop  }
0x3c: {  	p2 =	seq.s32 s10, $0x1;
	s10 =	sld [smem:$0x3FB8]  }
0x3d: {  	_ =	shalt  }
0x3e: {  	_ =	shalt  }
0x3f: {  	_ =	shalt  }
0x40: {  	_ =	shalt  }
0x41: {  	_ =	shalt  }
0x42: {  	_ =	shalt  }
0x43: {  	_ =	shalt  }
0x44: {  	_ =	shalt  }
0x45: {  	_ =	shalt  }
0x46: {  	_ =	shalt  }
0x47: {  	_ =	shalt  }
0x48: {  	_ =	shalt  }
0x49: {  	_ =	shalt  }
0x4a: {  	_ =	shalt  }
0x4b: {  	_ =	shalt  }
0x4c: {  	_ =	shalt  }
0x4d: {  	_ =	shalt  }
0x4e: {  	_ =	shalt  }
0x4f: {  	_ =	shalt  }
0x50: {  	_ =	shalt  }
0x51: {  	_ =	shalt  }
0x52: {  	_ =	shalt  }
0x53: {  	_ =	shalt  }
0x54: {  	_ =	shalt  }
0x55: {  	_ =	shalt  }
0x56: {  	_ =	shalt  }
0x57: {  	_ =	shalt  }
0x58: {  	_ =	shalt  }
0x59: {  	_ =	shalt  }
0x5a: {  	_ =	shalt  }
0x5b: {  	_ =	shalt  }
0x5c: {  	_ =	shalt  }
0x5d: {  	_ =	shalt  }
0x5e: {  	_ =	shalt  }
0x5f: {  	_ =	shalt  }
0x60: {  	_ =	shalt  }
0x61: {  	_ =	shalt  }
0x62: {  	_ =	shalt  }
0x63: {  	_ =	shalt  }
0x64: {  	_ =	shalt  }
0x65: {  	_ =	shalt  }
0x66: {  	_ =	shalt  }
0x67: {  	_ =	shalt  }
0x68: {  	_ =	shalt  }
0x69: {  	_ =	shalt  }
0x6a: {  	_ =	shalt  }
0x6b: {  	_ =	shalt  }
0x6c: {  	_ =	shalt  }
0x6d: {  	_ =	shalt  }
0x6e: {  	_ =	shalt  }
0x6f: {  	_ =	shalt  }
0x70: {  	_ =	shalt  }
0x71: {  	_ =	shalt  }
0x72: {  	_ =	shalt  }
0x73: {  	_ =	shalt  }
0x74: {  	_ =	shalt  }
0x75: {  	_ =	shalt  }
0x76: {  	_ =	shalt  }
0x77: {  	_ =	shalt  }
0x78: {  	_ =	shalt  }
0x79: {  	_ =	shalt  }
0x7a: {  	_ =	shalt  }
0x7b: {  	_ =	shalt  }
0x7c: {  	_ =	shalt  }
0x7d: {  	_ =	shalt  }
0x7e: {  	_ =	shalt  }
0x7f: {  	_ =	shalt  }
0x80: {  	_ =	shalt  }
0x81: {  	_ =	shalt  }
0x82: {  	_ =	shalt  }
0x83: {  	_ =	shalt  }
0x84: {  	_ =	shalt  }
0x85: {  	_ =	shalt  }
0x86: {  	_ =	shalt  }
0x87: {  	_ =	shalt  }
.Lfunc_end0:
.L_simem_size_0:
called_computation_lowered:
.L_overlay_start_0:
0x88: {  	s2 =	sld [smem:$0x3FD9]  }
0x89: {  	s3 =	sld [smem:$0x3FFE];
	_ =	sdelay $0x1  }
0x8a: {  	s1 =	srdreg.scid  }
0x8b: {  	s0 =	sand.u32 $0x1, s1  }
0x8c: {  	s17 =	sshll.u32 s0, $0xA;
	s2 =	sadd.s32 s3, s2  }
0x8d: {  	s2 =	sadd.s32 s2, s17  }
0x8e: {  	[smem:$0x3FC4] =	sst s2  }
0x8f: {  	_ = 	snop  }
0x90: {  	s2 =	sld [smem:$0x3FD0];
	(tm) =	ssettm $0x1  }
0x91: {  	s18 =	sld [smem:$0x3FFB];
	_ =	sdelay $0x3  }
0x92: {  	_ =	strace s18  }
0x93: {  	s3 =	sld [smem:$0x3FFC];
	_ =	sdelay $0x3  }
0x94: {  	_ =	strace s3  }
0x95: {  	s3 =	sld [smem:$0x3FFD];
	_ =	sdelay $0x3  }
0x96: {  	_ =	strace s3  }
0x97: {  	_ =	strace $0x8FFFFFFF  }
0x98: {  	s19 =	sld [smem:$0x3FDB];
	_ =	sdelay $0x1  }
0x99: {  	s4 =	simm.s32 $_scs_section_size  }
0x9a: {  	s5 =	simm.s32 $_size__tile_overlayer_lowered;
	s6 =	simm.s32 $_tile_overlayer_lowered  }
0x9b: {  	s22 =	simm.s32 $0x1BFF;
	s21 =	sshll.u32 s6, $0x1;
	s3 =	sadd.s32 s4, s19  }
0x9c: {  	s7 =	simm.s32 $0x0;
	s20 =	sshll.u32 s5, $0x1;
	s5 =	sadd.s32 s21, s3  }
0x9d: {  	[timem:s7], [sflag:s22] =	dma.local [hbm:s5], s20  }
0x9e: {  	_ =	swait.ge [sflag:s22], s20  }
0x9f: {  	s4 =	ssub.s32 $0x0, s20;
	[sflag:s22] =	ssyncset.done $0x0  }
0xa0: {  	[sflag:s22] =	ssyncadd.s32 s4;
	_ =	sdelay $0x1  }
0xa1: {  	s23 =	simm.s32 $0x1B8B  }
0xa2: {  	_ =	swait.ge [sflag:s23], $0x1  }
0xa3: {  	[sflag:s23] =	ssyncset.done $0x0  }
0xa4: {  	s25 =	simm.s32 $0x1B8E;
	s24 =	sld [smem:$0x3FFE];
	[sflag:s23] =	ssyncadd.s32 $0xFFFFFFFF  }
0xa5: {  	s26 =	simm.s32 $execute0_lowered;
	[smem:$0x3FD2] =	sst s25  }
0xa6: {  	s5 =	sshll.u32 s26, $0x1;
	_ =	strace $0x80000046;
	[dreg:$0x1] =	wrdreg $0xFFFFFFFF  }
0xa7: {  	s28 =	simm.s32 $_size_execute0_lowered;
	s3 =	sadd.s32 s3, s5;
	[dreg:$0x0] =	wrdreg $0x0  }
0xa8: {  	s5 =	sshll.u32 s28, $0x1;
	[dreg:$0x2] =	wrdreg s3  }
0xa9: {  	[dreg:$0x3] =	wrdreg s5  }
0xaa: {  	[dreg:$0x4] =	wrdreg $0xC0  }
0xab: {  	_ =	task [dreg:s7], $0x5FFFF  }
0xac: {  	[dreg:$0x1] =	wrdreg $0xFFFFFFFF  }
0xad: {  	[dreg:$0x0] =	wrdreg $0x60  }
0xae: {  	[dreg:$0x2] =	wrdreg s24  }
0xaf: {  	[dreg:$0x3] =	wrdreg s2  }
0xb0: {  	[dreg:$0x4] =	wrdreg $0x9  }
0xb1: {  	_ =	task.clear_ibuf [dreg:s7], $0x5FFFF;
	_ =	strace $0x90000046  }
0xb2: {  	s29 =	simm.s32 $0x9;
	_ =	strace $0x80000048  }
0xb3: {  	_ =	swait.ge [sflag:s29], $0x1  }
0xb4: {  	[sflag:s29] =	ssyncadd.s32 $0xFFFFFFFF  }
0xb5: {  	_ =	strace $0x90000048  }
0xb6: {  	_ =	sfence  }
0xb7: {  	s30 =	sld [smem:$0x0];
	_ =	sdelay $0x2  }
0xb8: {  	s31 =	sshll.u32 s1, $0xD;
	s1 =	sshrl.u32 s1, $0x2  }
0xb9: {  	s3 =	sand.u32 $0x4000, s31;
	s1 =	sadd.s32 s1, s30  }
0xba: {  	s0 =	sor.u32 s3, s0;
	s1 =	sshll.u32 s1, $0x11  }
0xbb: {  	s0 =	sor.u32 s1, s0  }
0xbc: {  	s0 =	sadd.s32 $0x8F2B, s0  }
0xbd: {  	[sflag:s0] =	ssyncadd.remote.s32 $0x1  }
0xbe: {  	_ =	sfence.sel $0xFFFF  }
0xbf: {  	[dreg:$0x0] =	wrdreg $0xFFFFFFFF;
	(pc) =	sbr.abs _section_cstart, $3  }
0xc0: {  	[dreg:$0x1] =	wrdreg $0xFFFFFFFF  }
0xc1: {  	_ =	task.clear_ibuf [dreg:s7], $0x2FFFF;
	_ =	strace $0x9FFFFFFF  }
0xc2: {  	(tm) =	ssettm $0x7FFFFFFF  }
0xc3: {  	_ =	shalt  }
tec
execute0_lowered:
.L_overlay_start_1:
0x0: {  	(tag) =	ssettag $0x1  }
0x1: {  	s0 =	rddreg [dreg:$0x0]  }
0x2: {  	s1 =	rddreg [dreg:$0x1];
	s2 =	srdreg.scid  }
0x3: {  	s4 =	stileid.u32;
	s13 =	simm.s32 $0x3;
	s14 =	simm.s32 $0x200  }
0x4: {  	s15 =	simm.s32 $0x400;
	s16 =	simm.s32 $0x80;
	s17 =	simm.s32 $0x600  }
0x5: {  	s18 =	simm.s32 $0x8600;
	s19 =	simm.s32 $0x10600;
	s20 =	simm.s32 $0x4600  }
0x6: {  	s22 =	simm.s32 $0xC600;
	s24 =	simm.s32 $0x14600;
	s25 =	simm.s32 $0x1  }
0x7: {  	s26 =	simm.s32 $0x18600;
	s31 =	simm.s32 $0x2;
	s21 =	simm.s32 $0x380  }
0x8: {  	s23 =	simm.s32 $0x0;
	s3 =	sand.u32 $0x1, s2;
	s2 =	simm.s32 $0x0  }
0x9: {  	s4 =	sshll.u32 s4, $0x7;
	s5 =	sshll.u32 s3, $0x6;
	[smem:$0x7FF] =	sst s2  }
0xa: {  	s29 =	ssub.s32 $0x2, s3;
	s3 =	sadd.s32 $0x3D0B000, s0;
	s7 =	sor.u32 s5, s4  }
0xb: {  	_ =	strace $0x80000047;
	s6 =	sshrl.u32 s29, $0x1;
	s4 =	sadd.s32 $0x2DC8C00, s0  }
0xc: {  	s8 =	sadd.s32 s7, s0;
	s30 =	ssub.s32 s29, s6;
	s7 =	sadd.s32 s1, s7  }
0xd: {  	s0 =	simm.s32 $0x180;
	s1 =	simm.s32 $0x580;
	s5 =	sadd.s32 $0x1800, s8  }
0xe: {  	v0 =	vlaneseq.u32;
	s6 =	sadd.s32 $0x1000, s8;
	s8 =	sadd.s32 $0x800, s8;
	s9 =	sadd.s32 $0x10, s7  }
0xf: {  	v0 =	vmul.u32 $0x80, v0;
	s10 =	sadd.s32 $0x20, s7;
	s11 =	sadd.s32 $0x30, s7;
	s12 =	smax.u32 s30, $0x1  }
.LBB2_1:
0x10: {  	[tilespmem:s2], [sflag:$0x3] =	stream.linear.gather [hbm4b:s5+s2], $0x200, $0x38;
	[tilespmem:$0x18680] =	vst v63  }
0x11: {  	_ =	swait.ge [sflag:s13], $0x200  }
0x12: {  	[sflag:s13] =	ssyncset.done $0x0  }
0x13: {  	[sflag:s13] =	ssyncadd.s32 $0xFFFFFE00  }
0x14: {  	[tilespmem:s14], [sflag:$0x3] =	stream.linear.gather [hbm4b:s6+s2], $0x200, $0x38;
	[tilespmem:$0x18680] =	vst v63  }
0x15: {  	_ =	swait.ge [sflag:s13], $0x200  }
0x16: {  	[sflag:s13] =	ssyncset.done $0x0  }
0x17: {  	[sflag:s13] =	ssyncadd.s32 $0xFFFFFE00  }
0x18: {  	[tilespmem:s15], [sflag:$0x3] =	stream.linear.gather [hbm4b:s8+s2], $0x200, $0x38;
	[tilespmem:$0x18680] =	vst v63  }
0x19: {  	_ =	swait.ge [sflag:s13], $0x200  }
0x1a: {  	[sflag:s13] =	ssyncset.done $0x0  }
0x1b: {  	[sflag:s13] =	ssyncadd.s32 $0xFFFFFE00  }
0x1c: {  	[tilespmem:s17], [sflag:$0x1] =	stream.indirect.gather [hbm4b:s3+s16], $0x80, s2, s16, $0xb8;
	[tilespmem:$0x18680] =	vst v63  }
0x1d: {  	_ = 	snop  }
0x1e: {  	[tilespmem:s18], [sflag:$0x1] =	stream.indirect.gather [hbm4b:s3+s16], $0x80, s15, s16, $0xb8;
	[tilespmem:$0x18680] =	vst v63  }
0x1f: {  	_ = 	snop  }
0x20: {  	[tilespmem:s19], [sflag:$0x1] =	stream.indirect.gather [hbm4b:s4+s16], $0x80, s14, s16, $0xb8;
	[tilespmem:$0x18680] =	vst v63  }
0x21: {  	_ = 	snop  }
0x22: {  	[tilespmem:s20], [sflag:$0x2] =	stream.indirect.gather [hbm4b:s3+s16], $0x80, s16, s16, $0xb8;
	[tilespmem:$0x18680] =	vst v63  }
0x23: {  	s28 =	simm.s32 $0x480  }
0x24: {  	[tilespmem:s22], [sflag:$0x2] =	stream.indirect.gather [hbm4b:s3+s16], $0x80, s28, s16, $0xb8;
	[tilespmem:$0x18680] =	vst v63  }
0x25: {  	s28 =	simm.s32 $0x280  }
0x26: {  	[tilespmem:s24], [sflag:$0x2] =	stream.indirect.gather [hbm4b:s4+s16], $0x80, s28, s16, $0xb8;
	[tilespmem:$0x18680] =	vst v63  }
0x27: {  	_ =	swait.ge [sflag:s25], $0x4000  }
0x28: {  	[sflag:s25] =	ssyncset.done $0x0  }
0x29: {  	[sflag:s25] =	ssyncadd.s32 $0xFFFFC000  }
0x2a: {  	_ =	swait.ge [sflag:s25], $0x4000  }
0x2b: {  	[sflag:s25] =	ssyncset.done $0x0  }
0x2c: {  	[sflag:s25] =	ssyncadd.s32 $0xFFFFC000  }
0x2d: {  	_ =	swait.ge [sflag:s25], $0x4000  }
0x2e: {  	[sflag:s25] =	ssyncset.done $0x0  }
0x2f: {  	s28 =	simm.s32 $0x0;
	[sflag:s25] =	ssyncadd.s32 $0xFFFFC000  }
.LBB2_2:
0x30: {  	s29 =	sshll.u32 s28, $0x4  }
0x31: {  	v1 =	vmov s29  }
0x32: {  	v8 =	vimm.s32 $0x0;
	v1 =	vshll.u32 v1, $0x7  }
0x33: {  	v2 =	vand.u32 $0xFFFFFF80, v8;
	v1 =	vor.u32 v0, v1  }
0x34: {  	v12 =	vimm.f32 $0.0e+00;
	v3 =	vand.u32 $0x78, v8;
	v2 =	vadd.s32 v1, v2  }
0x35: {  	v4 =	vadd.s32 $0x47, v8;
	v6 =	vadd.s32 $0x44, v8;
	v17 =	vor.u32 v3, v2  }
0x36: {  	v9 =	vadd.s32 $0x42, v8;
	v5 =	vand.u32 $0xFFFFFF80, v4;
	v4 =	vand.u32 $0x7F, v4  }
0x37: {  	v16 =	vand.u32 $0x7C, v6;
	v5 =	vadd.s32 v1, v5;
	v3 =	vadd.s32 $0x46, v8  }
0x38: {  	v2 =	vadd.s32 $0x45, v8;
	v4 =	vor.u32 v4, v5;
	v10 =	vand.u32 $0xFFFFFF80, v3  }
0x39: {  	v5 =	vand.u32 $0x7E, v3;
	v3 =	vor.u32 $0x7, v17;
	v10 =	vadd.s32 v1, v10  }
0x3a: {  	v6 =	vand.u32 $0xFFFFFF80, v6;
	v11 =	vand.u32 $0xFFFFFF80, v2;
	v10 =	vor.u32 v5, v10;
	v13 =	vld.idx.msk [tilespmem:v17+s17+$0x0], $0xffff  }
0x3b: {  	v2 =	vand.u32 $0x7D, v2;
	v11 =	vadd.s32 v1, v11;
	v5 =	vor.u32 $0x6, v17;
	v14 =	vld.idx.msk [tilespmem:v17+s18+$0x0], $0xffff  }
0x3c: {  	v7 =	vadd.s32 $0x43, v8;
	v6 =	vadd.s32 v1, v6;
	v18 =	vor.u32 v2, v11;
	v20 =	vld.idx.msk [tilespmem:v17+s19+$0x0], $0xffff  }
0x3d: {  	v15 =	vadd.s32 $0x41, v8;
	v26 =	vadd.s32 $0x40, v8;
	v24 =	vor.u32 v16, v6;
	v2 =	vld.idx.msk [tilespmem:v4+s18+$0x0], $0xffff  }
0x3e: {  	v19 =	vand.u32 $0xFFFFFF80, v7;
	v7 =	vand.u32 $0x7B, v7;
	v11 =	vor.u32 $0x5, v17;
	v4 =	vld.idx.msk [tilespmem:v3+s17+$0x0], $0xffff  }
0x3f: {  	v21 =	vand.u32 $0x7A, v9;
	v19 =	vadd.s32 v1, v19;
	v16 =	vor.u32 $0x4, v17;
	v6 =	vld.idx.msk [tilespmem:v10+s18+$0x0], $0xffff  }
0x40: {  	v22 =	vand.u32 $0x79, v15;
	v25 =	vor.u32 v7, v19;
	v10 =	vand.u32 $0xFFFFFF80, v9;
	v7 =	vld.idx.msk [tilespmem:v5+s17+$0x0], $0xffff  }
0x41: {  	v28 =	vand.u32 $0xFFFFFF80, v26;
	v19 =	vor.u32 $0x3, v17;
	v9 =	vld.idx.msk [tilespmem:v18+s18+$0x0], $0xffff;
	v10 =	vadd.s32 v1, v10  }
0x42: {  	v23 =	vor.u32 $0x2, v17;
	v18 =	vand.u32 $0xFFFFFF80, v15;
	v15 =	vld.idx.msk [tilespmem:v24+s18+$0x0], $0xffff;
	v21 =	vor.u32 v21, v10  }
0x43: {  	s30 =	simm.s32 $0x7;
	v24 =	vimm.f32 $0.0e+00;
	v27 =	vadd.s32 v1, v18;
	v18 =	vimm.f32 $0.0e+00;
	v10 =	vld.idx.msk [tilespmem:v11+s17+$0x0], $0xffff  }
.LBB2_3:
0x44: {  	p0 =	sne.s32 s30, $0x1;
	v26 =	vand.u32 $0x78, v26;
	v28 =	vadd.s32 v1, v28;
	v27 =	vor.u32 v22, v27;
	v29 =	vld.idx.msk [tilespmem:v16+s17+$0x0], $0xffff  }
0x45: {  	v8 =	vadd.s32 $0x8, v8;
	v26 =	vor.u32 v26, v28;
	v25 =	vld.idx.msk [tilespmem:v25+s18+$0x0], $0xffff  }
0x46: {  	v17 =	vor.u32 $0x1, v17;
	v28 =	vadd.s32 $0x47, v8;
	v30 =	vld.idx.msk [tilespmem:v19+s17+$0x0], $0xffff  }
0x47: {  	v31 =	vadd.s32 $0x44, v8;
	v32 =	vadd.s32 $0x45, v8;
	v33 =	vadd.s32 $0x46, v8;
	v34 =	vld.idx.msk [tilespmem:v21+s18+$0x0], $0xffff  }
0x48: {  	v35 =	vand.u32 $0x78, v8;
	v22 =	vadd.s32 $0x42, v8;
	v36 =	vadd.s32 $0x43, v8;
	v37 =	vld.idx.msk [tilespmem:v23+s17+$0x0], $0xffff  }
0x49: {  	v38 =	vand.u32 $0xFFFFFF80, v8;
	v39 =	vand.u32 $0x7F, v28;
	v21 =	vadd.s32 $0x41, v8;
	v27 =	vld.idx.msk [tilespmem:v27+s18+$0x0], $0xffff  }
0x4a: {  	v40 =	vand.u32 $0xFFFFFF80, v33;
	v33 =	vand.u32 $0x7E, v33;
	v28 =	vand.u32 $0xFFFFFF80, v28;
	v26 =	vld.idx.msk [tilespmem:v26+s18+$0x0], $0xffff  }
0x4b: {  	v41 =	vand.u32 $0x7C, v31;
	v42 =	vand.u32 $0xFFFFFF80, v32;
	v32 =	vand.u32 $0x7D, v32;
	v43 =	vld.idx.msk [tilespmem:v17+s17+$0x0], $0xffff  }
0x4c: {  	v44 =	vand.u32 $0xFFFFFF80, v36;
	v36 =	vand.u32 $0x7B, v36;
	v31 =	vand.u32 $0xFFFFFF80, v31;
	v45 =	vld.idx.msk [tilespmem:v17+s18+$0x0], $0xffff  }
0x4d: {  	v38 =	vadd.s32 v1, v38;
	v40 =	vadd.s32 v1, v40;
	v28 =	vadd.s32 v1, v28;
	v46 =	vld.idx.msk [tilespmem:v17+s19+$0x0], $0xffff  }
0x4e: {  	v31 =	vadd.s32 v1, v31;
	v17 =	vor.u32 v35, v38;
	v35 =	vadd.s32 v1, v42;
	v38 =	vld.idx.msk [tilespmem:v23+s18+$0x0], $0xffff  }
0x4f: {  	v33 =	vor.u32 v33, v40;
	v28 =	vor.u32 v39, v28;
	v39 =	vor.u32 $0x7, v17;
	v23 =	vld.idx.msk [tilespmem:v23+s19+$0x0], $0xffff  }
0x50: {  	v32 =	vor.u32 v32, v35;
	v35 =	vor.u32 $0x6, v17;
	v13 =	vmul.f32 v13, v26;
	v40 =	vld.idx.msk [tilespmem:v19+s18+$0x0], $0xffff  }
0x51: {  	v20 =	vmul.f32 v20, v20;
	v42 =	vor.u32 $0x5, v17;
	v14 =	vmul.f32 v14, v26;
	v19 =	vld.idx.msk [tilespmem:v19+s19+$0x0], $0xffff  }
0x52: {  	v12 =	vadd.f32 v13, v12;
	v13 =	vmul.f32 v43, v27;
	v26 =	vmul.f32 v45, v27;
	v27 =	vld.idx.msk [tilespmem:v16+s18+$0x0], $0xffff  }
0x53: {  	v14 =	vadd.f32 v14, v18;
	v18 =	vadd.f32 v20, v24;
	v20 =	vmul.f32 v46, v46;
	v16 =	vld.idx.msk [tilespmem:v16+s19+$0x0], $0xffff  }
0x54: {  	v12 =	vadd.f32 v13, v12;
	v13 =	vmul.f32 v37, v34;
	v24 =	vmul.f32 v38, v34;
	v34 =	vld.idx.msk [tilespmem:v11+s18+$0x0], $0xffff  }
0x55: {  	v14 =	vadd.f32 v26, v14;
	v18 =	vadd.f32 v20, v18;
	v20 =	vmul.f32 v23, v23;
	v11 =	vld.idx.msk [tilespmem:v11+s19+$0x0], $0xffff  }
0x56: {  	v12 =	vadd.f32 v13, v12;
	v13 =	vmul.f32 v30, v25;
	v23 =	vmul.f32 v40, v25;
	v25 =	vld.idx.msk [tilespmem:v5+s18+$0x0], $0xffff  }
0x57: {  	v14 =	vadd.f32 v24, v14;
	v18 =	vadd.f32 v20, v18;
	v19 =	vmul.f32 v19, v19;
	v20 =	vld.idx.msk [tilespmem:v5+s19+$0x0], $0xffff  }
0x58: {  	v24 =	vadd.f32 v13, v12;
	v12 =	vmul.f32 v29, v15;
	v13 =	vmul.f32 v27, v15;
	v15 =	vld.idx.msk [tilespmem:v3+s18+$0x0], $0xffff  }
0x59: {  	v14 =	vadd.f32 v23, v14;
	v18 =	vadd.f32 v19, v18;
	v16 =	vmul.f32 v16, v16;
	v19 =	vld.idx.msk [tilespmem:v3+s19+$0x0], $0xffff  }
0x5a: {  	v10 =	vmul.f32 v10, v9;
	v12 =	vadd.f32 v12, v24;
	v9 =	vmul.f32 v34, v9;
	v3 =	vmovc v39  }
0x5b: {  	v5 =	vmovc v35;
	v23 =	vadd.f32 v13, v14;
	v16 =	vadd.f32 v16, v18;
	v11 =	vmul.f32 v11, v11  }
0x5c: {  	v7 =	vmul.f32 v7, v6;
	v10 =	vadd.f32 v10, v12;
	v6 =	vmul.f32 v25, v6;
	v13 =	vld.idx.msk [tilespmem:v17+s17+$0x0], $0xffff  }
0x5d: {  	v9 =	vadd.f32 v9, v23;
	v11 =	vadd.f32 v11, v16;
	v12 =	vmul.f32 v20, v20;
	v14 =	vld.idx.msk [tilespmem:v17+s18+$0x0], $0xffff  }
0x5e: {  	v7 =	vadd.f32 v7, v10;
	v10 =	vmul.f32 v4, v2;
	v15 =	vmul.f32 v15, v2;
	v20 =	vld.idx.msk [tilespmem:v17+s19+$0x0], $0xffff  }
0x5f: {  	v9 =	vadd.f32 v6, v9;
	v25 =	vadd.f32 v12, v11;
	v19 =	vmul.f32 v19, v19;
	v2 =	vld.idx.msk [tilespmem:v28+s18+$0x0], $0xffff  }
0x60: {  	v29 =	vor.u32 v41, v31;
	v23 =	vadd.s32 v1, v44;
	v12 =	vadd.f32 v10, v7;
	v4 =	vld.idx.msk [tilespmem:v39+s17+$0x0], $0xffff  }
.Ltmp0:
0x61: {  	v16 =	vor.u32 $0x4, v17;
	v18 =	vadd.f32 v15, v9;
	v24 =	vadd.f32 v19, v25;
	v11 =	vmovc v42;
	v6 =	vld.idx.msk [tilespmem:v33+s18+$0x0], $0xffff;
	(pc) =	sbr.rel @p0 .LBB2_3-.Ltmp0, $4  }
0x62: {  	v26 =	vadd.s32 $0x40, v8;
	v9 =	vand.u32 $0xFFFFFF80, v22;
	v25 =	vor.u32 v36, v23;
	v7 =	vld.idx.msk [tilespmem:v35+s17+$0x0], $0xffff  }
0x63: {  	v10 =	vand.u32 $0x7A, v22;
	v15 =	vadd.s32 v1, v9;
	v19 =	vor.u32 $0x3, v17;
	v9 =	vld.idx.msk [tilespmem:v32+s18+$0x0], $0xffff  }
0x64: {  	v22 =	vand.u32 $0x79, v21;
	v23 =	vand.u32 $0xFFFFFF80, v21;
	v21 =	vor.u32 v10, v15;
	v10 =	vld.idx.msk [tilespmem:v42+s17+$0x0], $0xffff  }
0x65: {  	s30 =	sadd.s32 $0xFFFFFFFF, s30;
	v28 =	vand.u32 $0xFFFFFF80, v26;
	v27 =	vadd.s32 v1, v23;
	v23 =	vor.u32 $0x2, v17;
	v15 =	vld.idx.msk [tilespmem:v29+s18+$0x0], $0xffff  }
0x66: {  	v8 =	vor.u32 $0x1, v17;
	_ =	sdelay $0x4  }
0x67: {  	v17 =	vld.idx.msk [tilespmem:v8+s19+$0x0], $0xffff;
	_ =	sdelay $0x1  }
0x68: {  	v29 =	vld.idx.msk [tilespmem:v23+s19+$0x0], $0xffff  }
0x69: {  	v20 =	vmul.f32 v20, v20  }
0x6a: {  	v30 =	vld.idx.msk [tilespmem:v19+s19+$0x0], $0xffff  }
0x6b: {  	v20 =	vadd.f32 v20, v24;
	v17 =	vmul.f32 v17, v17  }
0x6c: {  	v24 =	vld.idx.msk [tilespmem:v16+s19+$0x0], $0xffff  }
0x6d: {  	v17 =	vadd.f32 v17, v20;
	v20 =	vmul.f32 v29, v29  }
0x6e: {  	v29 =	vld.idx.msk [tilespmem:v11+s19+$0x0], $0xffff  }
0x6f: {  	v17 =	vadd.f32 v20, v17;
	v20 =	vmul.f32 v30, v30  }
0x70: {  	v30 =	vld.idx.msk [tilespmem:v5+s19+$0x0], $0xffff  }
0x71: {  	v17 =	vadd.f32 v20, v17;
	v20 =	vmul.f32 v24, v24  }
0x72: {  	v24 =	vld.idx.msk [tilespmem:v3+s19+$0x0], $0xffff  }
0x73: {  	v17 =	vadd.f32 v20, v17;
	v20 =	vmul.f32 v29, v29;
	_ =	sdelay $0x1  }
0x74: {  	v17 =	vadd.f32 v20, v17;
	v20 =	vmul.f32 v30, v30;
	_ =	sdelay $0x1  }
0x75: {  	v17 =	vadd.f32 v20, v17;
	v20 =	vmul.f32 v24, v24  }
0x76: {  	v26 =	vand.u32 $0x78, v26;
	v28 =	vadd.s32 v1, v28  }
0x77: {  	v26 =	vor.u32 v26, v28;
	v17 =	vadd.f32 v20, v17  }
0x78: {  	v22 =	vor.u32 v22, v27  }
0x79: {  	v20 =	vmax.f32 v17, $1.000000000e+00  }
0x7a: {  	v24 =	vshra.s32 v20, $0x1;
	v29 =	vmul.f32 $5.000000000e-01, v20  }
0x7b: {  	v25 =	vld.idx.msk [tilespmem:v25+s18+$0x0], $0xffff;
	v24 =	vsub.s32 $0x5F3759DF, v24  }
0x7c: {  	v26 =	vld.idx.msk [tilespmem:v26+s18+$0x0], $0xffff;
	v30 =	vmul.f32 v24, v29  }
0x7d: {  	v22 =	vld.idx.msk [tilespmem:v22+s18+$0x0], $0xffff  }
0x7e: {  	v28 =	vld.idx.msk [tilespmem:v8+s17+$0x0], $0xffff;
	v30 =	vmul.f32 v24, v30  }
0x7f: {  	v8 =	vld.idx.msk [tilespmem:v8+s18+$0x0], $0xffff  }
0x80: {  	v21 =	vld.idx.msk [tilespmem:v21+s18+$0x0], $0xffff;
	v27 =	vsub.f32 $1.500000000e+00, v30  }
0x81: {  	v13 =	vmul.f32 v13, v26;
	v30 =	vld.idx.msk [tilespmem:v23+s17+$0x0], $0xffff  }
0x82: {  	v14 =	vmul.f32 v14, v26;
	v23 =	vld.idx.msk [tilespmem:v23+s18+$0x0], $0xffff;
	v24 =	vmul.f32 v24, v27  }
0x83: {  	v31 =	vld.idx.msk [tilespmem:v19+s17+$0x0], $0xffff;
	v12 =	vadd.f32 v13, v12;
	v13 =	vmul.f32 v28, v22  }
0x84: {  	v19 =	vld.idx.msk [tilespmem:v19+s18+$0x0], $0xffff;
	v8 =	vmul.f32 v8, v22;
	v14 =	vadd.f32 v14, v18;
	v27 =	vmul.f32 v24, v29  }
0x85: {  	v26 =	vld.idx.msk [tilespmem:v16+s17+$0x0], $0xffff;
	v12 =	vadd.f32 v13, v12  }
0x86: {  	v8 =	vadd.f32 v8, v14;
	v14 =	vld.idx.msk [tilespmem:v16+s18+$0x0], $0xffff;
	v13 =	vmul.f32 v30, v21;
	v27 =	vmul.f32 v27, v24  }
0x87: {  	v18 =	vmul.f32 v23, v21  }
0x88: {  	v11 =	vld.idx.msk [tilespmem:v11+s18+$0x0], $0xffff;
	v12 =	vadd.f32 v13, v12;
	v13 =	vmul.f32 v31, v25;
	v27 =	vsub.f32 $1.500000000e+00, v27  }
0x89: {  	v16 =	vmul.f32 v19, v25;
	v8 =	vadd.f32 v18, v8  }
0x8a: {  	v5 =	vld.idx.msk [tilespmem:v5+s18+$0x0], $0xffff;
	v18 =	vmul.f32 v26, v15;
	v12 =	vadd.f32 v13, v12;
	v24 =	vmul.f32 v27, v24  }
0x8b: {  	v14 =	vmul.f32 v14, v15;
	v8 =	vadd.f32 v16, v8  }
0x8c: {  	v10 =	vmul.f32 v10, v9;
	v3 =	vld.idx.msk [tilespmem:v3+s18+$0x0], $0xffff;
	v12 =	vadd.f32 v18, v12;
	v22 =	vmul.f32 v24, v29  }
0x8d: {  	v9 =	vmul.f32 v11, v9;
	v8 =	vadd.f32 v14, v8  }
0x8e: {  	v7 =	vmul.f32 v7, v6;
	v10 =	vadd.f32 v10, v12;
	v21 =	vmul.f32 v22, v24  }
0x8f: {  	v4 =	vmul.f32 v4, v2;
	v5 =	vmul.f32 v5, v6;
	v6 =	vadd.f32 v9, v8  }
0x90: {  	v7 =	vadd.f32 v7, v10;
	v19 =	vsub.f32 $1.500000000e+00, v21;
	v21 =	vimm.s32 $0x0  }
0x91: {  	v2 =	vmul.f32 v3, v2;
	v3 =	vadd.f32 v5, v6;
	v13 =	vadd.s32 $0x40, v21  }
0x92: {  	v23 =	vand.u32 $0xFFFFFF80, v21;
	v9 =	vadd.s32 $0x42, v21;
	v4 =	vadd.f32 v4, v7  }
0x93: {  	v19 =	vmul.f32 v19, v24;
	v22 =	vand.u32 $0xFFFFFF80, v13;
	v13 =	vand.u32 $0x78, v13  }
0x94: {  	v24 =	vand.u32 $0x78, v21;
	v5 =	vand.u32 $0xFFFFFF80, v9;
	v22 =	vadd.s32 v1, v22  }
0x95: {  	v9 =	vand.u32 $0x7A, v9;
	v5 =	vadd.s32 v1, v5;
	v13 =	vor.u32 v13, v22  }
0x96: {  	v22 =	vadd.s32 v1, v23;
	v15 =	vmul.f32 v19, v20;
	v5 =	vor.u32 v9, v5  }
0x97: {  	v2 =	vadd.f32 v2, v3;
	v3 =	vadd.s32 $0x41, v21;
	v19 =	vor.u32 v24, v22  }
0x98: {  	v16 =	vand.u32 $0xFFFFFF80, v3;
	v11 =	vadd.f32 $1.000000010e-07, v15  }
0x99: {  	v3 =	vand.u32 $0x79, v3;
	v2 =	vsub.f32 v4, v2;
	v4 =	vadd.s32 v1, v16  }
0x9a: {  	v22 =	vor.u32 v3, v4;
	(erf) = vrcp.f32 v11;
	v11 =	vld.idx.msk [tilespmem:v13+s17+$0x0], $0xffff  }
0x9b: {  	v15 =	vor.u32 $0x1, v19;
	v5 =	vld.idx.msk [tilespmem:v5+s17+$0x0], $0xffff  }
0x9c: {  	v8 =	vld.idx.msk [tilespmem:v19+s19+$0x0], $0xffff  }
0x9d: {  	v12 =	vld.idx.msk [tilespmem:v19+s18+$0x0], $0xffff  }
0x9e: {  	v10 =	vor.u32 $0x4, v19;
	v14 =	vld.idx.msk [tilespmem:v19+s17+$0x0], $0xffff  }
0x9f: {  	v22 =	vld.idx.msk [tilespmem:v22+s17+$0x0], $0xffff  }
0xa0: {  	v13 =	vor.u32 $0x3, v19;
	v6 =	vld.idx.msk [tilespmem:v15+s19+$0x0], $0xffff  }
0xa1: {  	v7 =	vld.idx.msk [tilespmem:v15+s18+$0x0], $0xffff  }
0xa2: {  	v9 =	vld.idx.msk [tilespmem:v15+s17+$0x0], $0xffff;
	v15 =	vor.u32 $0x5, v19  }
0xa3: {  	vm0 =	vgt.f32 v17, $1.000000000e+00;
	v24 =	vadd.s32 $0x44, v21;
	v18 =	vld.idx.msk [tilespmem:v10+s19+$0x0], $0xffff  }
0xa4: {  	v27 =	vadd.s32 $0x46, v21;
	v20 =	vadd.s32 $0x43, v21;
	v28 =	vand.u32 $0xFFFFFF80, v24;
	v16 =	vld.idx.msk [tilespmem:v10+s18+$0x0], $0xffff  }
0xa5: {  	v4 =	vimm.f32 $0.0e+00;
	v24 =	vand.u32 $0x7C, v24;
	v28 =	vadd.s32 v1, v28;
	v23 =	vld.idx.msk [tilespmem:v13+s18+$0x0], $0xffff  }
0xa6: {  	v25 =	vor.u32 $0x2, v19;
	v30 =	vor.u32 $0x6, v19;
	v24 =	vor.u32 v24, v28;
	v31 =	vld.idx.msk [tilespmem:v13+s19+$0x0], $0xffff  }
0xa7: {  	v19 =	vor.u32 $0x7, v19;
	v11 =	vmul.f32 v11, v2;
	v12 =	vsub.f32 v14, v12;
	v26 =	vld.idx.msk [tilespmem:v15+s19+$0x0], $0xffff  }
0xa8: {  	v32 =	vmul.f32 v5, v2;
	v22 =	vmul.f32 v22, v2;
	v29 =	vld.idx.msk [tilespmem:v15+s18+$0x0], $0xffff;
	v7 =	vsub.f32 v9, v7;
	v17 =	vpop (erf)  }
0xa9: {  	v9 =	vld.idx.msk [tilespmem:v13+s17+$0x0], $0xffff;
	v13 =	vadd.s32 $0x47, v21;
	v11 =	vadd.f32 v12, v11;
	v3 =	vnsel vm0, $0x3F800000, v17  }
0xaa: {  	v15 =	vld.idx.msk [tilespmem:v15+s17+$0x0], $0xffff;
	v17 =	vand.u32 $0xFFFFFF80, v20;
	v20 =	vand.u32 $0x7B, v20;
	v7 =	vadd.f32 v7, v22  }
0xab: {  	v34 =	vld.idx.msk [tilespmem:v30+s17+$0x0], $0xffff;
	v17 =	vadd.s32 v1, v17;
	v8 =	vmul.f32 v8, v3;
	v28 =	vmul.f32 v6, v3  }
0xac: {  	v5 =	vld.idx.msk [tilespmem:v24+s17+$0x0], $0xffff;
	v18 =	vmul.f32 v18, v3;
	v17 =	vor.u32 v20, v17;
	v20 =	vand.u32 $0xFFFFFF80, v27  }
0xad: {  	v39 =	vld.idx.msk [tilespmem:v19+s18+$0x0], $0xffff;
	v24 =	vmul.f32 v31, v3;
	v27 =	vand.u32 $0x7E, v27;
	v20 =	vadd.s32 v1, v20  }
0xae: {  	v6 =	vor.u32 v27, v20;
	v20 =	vld.idx.msk [tilespmem:v10+s17+$0x0], $0xffff;
	v10 =	vmul.f32 v26, v3;
	v26 =	vand.u32 $0xFFFFFF80, v13  }
0xaf: {  	v31 =	vld.idx.msk [tilespmem:v25+s19+$0x0], $0xffff;
	v15 =	vsub.f32 v15, v29;
	v13 =	vand.u32 $0x7F, v13;
	v26 =	vadd.s32 v1, v26  }
0xb0: {  	v29 =	vld.idx.msk [tilespmem:v19+s19+$0x0], $0xffff;
	v8 =	vadd.f32 v8, v11;
	v26 =	vor.u32 v13, v26;
	v13 =	vadd.s32 $0x8, v21  }
0xb1: {  	v5 =	vmul.f32 v5, v2;
	v23 =	vsub.f32 v9, v23;
	v19 =	vld.idx.msk [tilespmem:v19+s17+$0x0], $0xffff;
	v33 =	vadd.s32 $0x40, v13  }
0xb2: {  	v7 =	vadd.f32 v28, v7;
	v27 =	vld.idx.msk [tilespmem:v30+s18+$0x0], $0xffff;
	v8 =	vand.u32 $0x7FFFFFFF, v8;
	v36 =	vand.u32 $0xFFFFFF80, v33  }
0xb3: {  	v30 =	vld.idx.msk [tilespmem:v30+s19+$0x0], $0xffff;
	v37 =	vand.u32 $0xFFFFFF80, v13;
	v33 =	vand.u32 $0x78, v33;
	v36 =	vadd.s32 v1, v36  }
0xb4: {  	v9 =	vand.u32 $0x78, v13;
	v17 =	vld.idx.msk [tilespmem:v17+s17+$0x0], $0xffff;
	v51 =	vadd.s32 v1, v37;
	v33 =	vor.u32 v33, v36  }
0xb5: {  	v28 =	vand.u32 $0x7FFFFFFF, v7;
	v14 =	vsub.f32 v20, v16;
	v20 =	vld.idx.msk [tilespmem:v25+s18+$0x0], $0xffff;
	v36 =	vor.u32 v9, v51  }
0xb6: {  	v31 =	vmul.f32 v31, v3;
	v4 =	vadd.f32 v8, v4;
	v35 =	vadd.s32 $0x41, v13;
	v25 =	vld.idx.msk [tilespmem:v25+s17+$0x0], $0xffff  }
0xb7: {  	v54 =	vadd.s32 $0x44, v13;
	v40 =	vadd.s32 $0x43, v13;
	v46 =	vadd.s32 $0x46, v13;
	v12 =	vld.idx.msk [tilespmem:v6+s17+$0x0], $0xffff  }
0xb8: {  	v53 =	vand.u32 $0x79, v35;
	v43 =	vand.u32 $0xFFFFFF80, v40;
	v26 =	vld.idx.msk [tilespmem:v26+s17+$0x0], $0xffff;
	v52 =	vor.u32 $0x1, v36  }
0xb9: {  	v48 =	vand.u32 $0xFFFFFF80, v54;
	v19 =	vsub.f32 v19, v39;
	v4 =	vadd.f32 v28, v4;
	v33 =	vld.idx.msk [tilespmem:v33+s17+$0x0], $0xffff  }
0xba: {  	v16 =	vadd.s32 $0x45, v21;
	v21 =	vadd.s32 $0x42, v13;
	v27 =	vsub.f32 v34, v27;
	v42 =	vld.idx.msk [tilespmem:v36+s19+$0x0], $0xffff  }
0xbb: {  	v43 =	vadd.s32 v1, v43;
	v48 =	vadd.s32 v1, v48;
	v45 =	vor.u32 $0x4, v36;
	v44 =	vld.idx.msk [tilespmem:v36+s18+$0x0], $0xffff  }
0xbc: {  	v38 =	vand.u32 $0x7D, v16;
	v9 =	vand.u32 $0xFFFFFF80, v35;
	v16 =	vand.u32 $0xFFFFFF80, v16;
	v55 =	vld.idx.msk [tilespmem:v36+s17+$0x0], $0xffff  }
0xbd: {  	v41 =	vor.u32 $0x3, v36;
	v20 =	vsub.f32 v25, v20;
	v25 =	vand.u32 $0xFFFFFF80, v21;
	v47 =	vld.idx.msk [tilespmem:v52+s19+$0x0], $0xffff  }
0xbe: {  	v57 =	vor.u32 $0x5, v36;
	v21 =	vand.u32 $0x7A, v21;
	v25 =	vadd.s32 v1, v25;
	v56 =	vld.idx.msk [tilespmem:v52+s18+$0x0], $0xffff  }
0xbf: {  	v35 =	vand.u32 $0x7C, v54;
	v16 =	vadd.s32 v1, v16;
	v21 =	vor.u32 v21, v25;
	v25 =	vld.idx.msk [tilespmem:v52+s17+$0x0], $0xffff  }
0xc0: {  	v9 =	vadd.s32 v1, v9;
	v5 =	vadd.f32 v14, v5;
	v16 =	vor.u32 v38, v16;
	v22 =	vld.idx.msk [tilespmem:v45+s19+$0x0], $0xffff  }
0xc1: {  	v6 =	vor.u32 $0x2, v36;
	v11 =	vmul.f32 v17, v2;
	v12 =	vmul.f32 v12, v2;
	v58 =	vld.idx.msk [tilespmem:v45+s18+$0x0], $0xffff  }
0xc2: {  	v35 =	vor.u32 v35, v48;
	v34 =	vor.u32 v53, v9;
	v14 =	vadd.f32 v18, v5;
	v59 =	vld.idx.msk [tilespmem:v41+s18+$0x0], $0xffff  }
0xc3: {  	v11 =	vadd.f32 v23, v11;
	v12 =	vadd.f32 v27, v12;
	v27 =	vmul.f32 v29, v3;
	v29 =	vld.idx.msk [tilespmem:v57+s18+$0x0], $0xffff  }
0xc4: {  	v17 =	vand.u32 $0x7E, v46;
	v9 =	vmul.f32 v26, v2;
	v26 =	vand.u32 $0x7B, v40;
	v60 =	vld.idx.msk [tilespmem:v41+s19+$0x0], $0xffff  }
0xc5: {  	v28 =	vand.u32 $0x7FFFFFFF, v14;
	v11 =	vadd.f32 v24, v11;
	v40 =	vor.u32 v26, v43;
	v18 =	vld.idx.msk [tilespmem:v16+s17+$0x0], $0xffff  }
0xc6: {  	v61 =	vld.idx.msk [tilespmem:v41+s17+$0x0], $0xffff;
	v16 =	vand.u32 $0xFFFFFF80, v46;
	v26 =	vadd.f32 v19, v9;
	v19 =	vadd.f32 v20, v32  }
0xc7: {  	v62 =	vld.idx.msk [tilespmem:v45+s17+$0x0], $0xffff;
	v9 =	vor.u32 $0x6, v36;
	v7 =	vadd.s32 v1, v16;
	v11 =	vand.u32 $0x7FFFFFFF, v11  }
0xc8: {  	v20 =	vld.idx.msk [tilespmem:v57+s19+$0x0], $0xffff;
	v16 =	vor.u32 v17, v7;
	v5 =	vmul.f32 v42, v3;
	v23 =	vadd.f32 v31, v19  }
0xc9: {  	v19 =	vor.u32 $0x7, v36;
	v21 =	vld.idx.msk [tilespmem:v21+s17+$0x0], $0xffff;
	v7 =	vmul.f32 v22, v3;
	v22 =	vmul.f32 v30, v3  }
0xca: {  	v14 =	vsub.f32 v25, v56;
	v25 =	vld.idx.msk [tilespmem:v57+s17+$0x0], $0xffff;
	v18 =	vmul.f32 v18, v2;
	v23 =	vand.u32 $0x7FFFFFFF, v23  }
0xcb: {  	v24 =	vld.idx.msk [tilespmem:v34+s17+$0x0], $0xffff;
	v27 =	vadd.f32 v27, v26;
	v8 =	vmul.f32 v47, v3;
	v30 =	vadd.f32 v23, v4  }
0xcc: {  	v17 =	vld.idx.msk [tilespmem:v9+s18+$0x0], $0xffff;
	v15 =	vadd.f32 v15, v18;
	v18 =	vadd.f32 v22, v12;
	v12 =	vadd.s32 $0x47, v13  }
0xcd: {  	v23 =	vld.idx.msk [tilespmem:v35+s17+$0x0], $0xffff;
	v4 =	vmul.f32 v20, v3;
	v20 =	vand.u32 $0xFFFFFF80, v12;
	v31 =	vadd.f32 v11, v30  }
0xce: {  	v26 =	vld.idx.msk [tilespmem:v9+s17+$0x0], $0xffff;
	v11 =	vmul.f32 v60, v3;
	v63 =	vadd.f32 v10, v15;
	v15 =	vmul.f32 v21, v2  }
0xcf: {  	v22 =	vld.idx.msk [tilespmem:v6+s19+$0x0], $0xffff;
	v21 =	vand.u32 $0x7F, v12;
	v20 =	vadd.s32 v1, v20;
	v10 =	vsub.f32 v25, v29  }
0xd0: {  	v12 =	vld.idx.msk [tilespmem:v19+s19+$0x0], $0xffff;
	v32 =	vand.u32 $0x7FFFFFFF, v18;
	v29 =	vsub.f32 v55, v44;
	v18 =	vadd.f32 v28, v31  }
0xd1: {  	v30 =	vor.u32 v21, v20;
	v28 =	vmul.f32 v33, v2;
	v31 =	vld.idx.msk [tilespmem:v6+s18+$0x0], $0xffff;
	v25 =	vand.u32 $0x7FFFFFFF, v63  }
0xd2: {  	v21 =	vld.idx.msk [tilespmem:v40+s17+$0x0], $0xffff;
	v20 =	vsub.f32 v62, v58;
	v33 =	vadd.s32 $0x45, v13;
	v34 =	vadd.f32 v25, v18  }
0xd3: {  	s30 =	simm.s32 $0x6;
	v13 =	vadd.s32 $0x8, v13;
	v25 =	vmul.f32 v24, v2;
	v18 =	vsub.f32 v61, v59;
	v24 =	vld.idx.msk [tilespmem:v19+s18+$0x0], $0xffff  }
.LBB2_5:
0xd4: {  	v35 =	vand.u32 $0x78, v13;
	v36 =	vadd.s32 $0x42, v13;
	p0 =	sne.s32 s30, $0x1;
	s30 =	sadd.s32 $0xFFFFFFFF, s30;
	v6 =	vld.idx.msk [tilespmem:v6+s17+$0x0], $0xffff;
	v32 =	vadd.f32 v32, v34  }
0xd5: {  	v34 =	vadd.s32 $0x40, v13;
	v37 =	vadd.s32 $0x41, v13;
	v27 =	vand.u32 $0x7FFFFFFF, v27  }
0xd6: {  	v39 =	vand.u32 $0xFFFFFF80, v13;
	v40 =	vand.u32 $0x7D, v33;
	v38 =	vand.u32 $0xFFFFFF80, v34;
	v30 =	vld.idx.msk [tilespmem:v30+s17+$0x0], $0xffff  }
0xd7: {  	v34 =	vand.u32 $0x78, v34;
	v38 =	vadd.s32 v1, v38;
	v27 =	vadd.f32 v27, v32  }
0xd8: {  	v23 =	vmul.f32 v23, v2;
	v32 =	vor.u32 v34, v38;
	v34 =	vadd.s32 v1, v39  }
0xd9: {  	v33 =	vand.u32 $0xFFFFFF80, v33;
	v34 =	vor.u32 v35, v34;
	v35 =	vand.u32 $0xFFFFFF80, v37  }
0xda: {  	v35 =	vadd.s32 v1, v35;
	v38 =	vor.u32 $0x1, v34;
	v31 =	vsub.f32 v6, v31;
	v19 =	vld.idx.msk [tilespmem:v19+s17+$0x0], $0xffff  }
0xdb: {  	v17 =	vsub.f32 v26, v17;
	v39 =	vand.u32 $0xFFFFFF80, v36;
	v36 =	vand.u32 $0x7A, v36;
	v41 =	vld.idx.msk [tilespmem:v9+s19+$0x0], $0xffff  }
0xdc: {  	v28 =	vadd.f32 v29, v28;
	v26 =	vadd.s32 $0x44, v13;
	v9 =	vand.u32 $0x79, v37;
	v16 =	vld.idx.msk [tilespmem:v16+s17+$0x0], $0xffff  }
0xdd: {  	v22 =	vmul.f32 v22, v3;
	v37 =	vor.u32 $0x3, v34;
	v29 =	vld.idx.msk [tilespmem:v32+s17+$0x0], $0xffff;
	v32 =	vadd.s32 $0x43, v13  }
0xde: {  	v33 =	vadd.s32 v1, v33;
	v6 =	vor.u32 $0x2, v34;
	v42 =	vld.idx.msk [tilespmem:v34+s19+$0x0], $0xffff;
	v43 =	vand.u32 $0xFFFFFF80, v32  }
0xdf: {  	v46 =	vadd.s32 $0x46, v13;
	v45 =	vor.u32 $0x4, v34;
	v44 =	vld.idx.msk [tilespmem:v34+s18+$0x0], $0xffff;
	v43 =	vadd.s32 v1, v43  }
0xe0: {  	v48 =	vand.u32 $0xFFFFFF80, v26;
	v26 =	vand.u32 $0x7C, v26;
	v19 =	vsub.f32 v19, v24;
	v47 =	vld.idx.msk [tilespmem:v38+s19+$0x0], $0xffff  }
0xe1: {  	v33 =	vor.u32 v40, v33;
	v48 =	vadd.s32 v1, v48;
	v39 =	vadd.s32 v1, v39;
	v24 =	vld.idx.msk [tilespmem:v34+s17+$0x0], $0xffff  }
0xe2: {  	v36 =	vor.u32 v36, v39;
	v35 =	vor.u32 v9, v35;
	v9 =	vmul.f32 v30, v2;
	v40 =	vld.idx.msk [tilespmem:v38+s18+$0x0], $0xffff  }
0xe3: {  	v14 =	vadd.f32 v14, v25;
	v26 =	vor.u32 v26, v48;
	v32 =	vand.u32 $0x7B, v32;
	v30 =	vld.idx.msk [tilespmem:v38+s17+$0x0], $0xffff  }
0xe4: {  	v5 =	vadd.f32 v5, v28;
	v20 =	vadd.f32 v20, v23;
	v38 =	vor.u32 $0x5, v34;
	v25 =	vld.idx.msk [tilespmem:v45+s19+$0x0], $0xffff  }
0xe5: {  	v21 =	vmul.f32 v21, v2;
	v39 =	vor.u32 v32, v43;
	v23 =	vadd.f32 v19, v9;
	v43 =	vld.idx.msk [tilespmem:v45+s18+$0x0], $0xffff  }
0xe6: {  	v20 =	vadd.f32 v7, v20;
	v19 =	vand.u32 $0x7FFFFFFF, v5;
	v7 =	vmul.f32 v16, v2;
	v28 =	vld.idx.msk [tilespmem:v33+s17+$0x0], $0xffff  }
0xe7: {  	v8 =	vadd.f32 v8, v14;
	v9 =	vor.u32 $0x6, v34;
	v5 =	vmul.f32 v42, v3;
	v42 =	vld.idx.msk [tilespmem:v37+s18+$0x0], $0xffff  }
0xe8: {  	v14 =	vand.u32 $0xFFFFFF80, v46;
	v15 =	vadd.f32 v31, v15;
	v16 =	vand.u32 $0x7E, v46;
	v32 =	vld.idx.msk [tilespmem:v36+s17+$0x0], $0xffff  }
0xe9: {  	v12 =	vmul.f32 v12, v3;
	v33 =	vand.u32 $0x7FFFFFFF, v8;
	v36 =	vadd.f32 v17, v7;
	v31 =	vld.idx.msk [tilespmem:v38+s19+$0x0], $0xffff  }
0xea: {  	v18 =	vadd.f32 v18, v21;
	v7 =	vadd.s32 v1, v14;
	v14 =	vadd.f32 v19, v27;
	v46 =	vld.idx.msk [tilespmem:v38+s18+$0x0], $0xffff  }
0xeb: {  	v15 =	vadd.f32 v22, v15;
	v8 =	vmul.f32 v47, v3;
	v16 =	vor.u32 v16, v7;
	v21 =	vld.idx.msk [tilespmem:v37+s19+$0x0], $0xffff  }
0xec: {  	v11 =	vadd.f32 v11, v18;
	v7 =	vmul.f32 v25, v3;
	v18 =	vmul.f32 v28, v2;
	v17 =	vld.idx.msk [tilespmem:v9+s18+$0x0], $0xffff  }
0xed: {  	v20 =	vand.u32 $0x7FFFFFFF, v20;
	v27 =	vmul.f32 v41, v3;
	v22 =	vadd.f32 v33, v14;
	v25 =	vld.idx.msk [tilespmem:v35+s17+$0x0], $0xffff  }
0xee: {  	v11 =	vand.u32 $0x7FFFFFFF, v11;
	v19 =	vor.u32 $0x7, v34;
	v14 =	vsub.f32 v30, v40;
	v28 =	vld.idx.msk [tilespmem:v38+s17+$0x0], $0xffff  }
0xef: {  	v15 =	vand.u32 $0x7FFFFFFF, v15;
	v10 =	vadd.f32 v10, v18;
	v18 =	vadd.f32 v27, v36;
	v35 =	vld.idx.msk [tilespmem:v37+s17+$0x0], $0xffff  }
0xf0: {  	v30 =	vadd.s32 $0x47, v13;
	v34 =	vadd.f32 v15, v22;
	v27 =	vadd.f32 v12, v23;
	v33 =	vld.idx.msk [tilespmem:v45+s17+$0x0], $0xffff  }
0xf1: {  	v12 =	vand.u32 $0xFFFFFF80, v30;
	v36 =	vadd.f32 v4, v10;
	v4 =	vmul.f32 v31, v3;
	v23 =	vld.idx.msk [tilespmem:v26+s17+$0x0], $0xffff  }
0xf2: {  	v15 =	vmul.f32 v32, v2;
	v30 =	vand.u32 $0x7F, v30;
	v31 =	vadd.f32 v11, v34;
	v22 =	vld.idx.msk [tilespmem:v6+s19+$0x0], $0xffff  }
.Ltmp1:
0xf3: {  	v32 =	vand.u32 $0x7FFFFFFF, v18;
	v11 =	vmul.f32 v21, v3;
	v21 =	vadd.s32 v1, v12;
	v12 =	vld.idx.msk [tilespmem:v19+s19+$0x0], $0xffff;
	(pc) =	sbr.rel @p0 .LBB2_5-.Ltmp1, $4  }
0xf4: {  	v30 =	vor.u32 v30, v21;
	v18 =	vadd.f32 v20, v31;
	v10 =	vsub.f32 v28, v46;
	v26 =	vld.idx.msk [tilespmem:v9+s17+$0x0], $0xffff  }
0xf5: {  	v28 =	vmul.f32 v29, v2;
	v29 =	vsub.f32 v24, v44;
	v24 =	vand.u32 $0x7FFFFFFF, v36;
	v31 =	vld.idx.msk [tilespmem:v6+s18+$0x0], $0xffff  }
0xf6: {  	v34 =	vadd.f32 v24, v18;
	v20 =	vsub.f32 v33, v43;
	v33 =	vadd.s32 $0x45, v13;
	v21 =	vld.idx.msk [tilespmem:v39+s17+$0x0], $0xffff  }
0xf7: {  	v25 =	vmul.f32 v25, v2;
	v18 =	vsub.f32 v35, v42;
	v13 =	vadd.s32 $0x8, v13;
	v24 =	vld.idx.msk [tilespmem:v19+s18+$0x0], $0xffff  }
0xf8: {  	_ =	sdelay $0x2  }
0xf9: {  	v13 =	vand.u32 $0xFFFFFF80, v33  }
0xfa: {  	v6 =	vld.idx.msk [tilespmem:v6+s17+$0x0], $0xffff;
	v48 =	vand.u32 $0x7D, v33;
	v1 =	vadd.s32 v1, v13  }
0xfb: {  	v1 =	vor.u32 v48, v1;
	_ =	sdelay $0x1  }
0xfc: {  	v49 =	vadd.f32 v29, v28  }
0xfd: {  	v50 =	vadd.f32 v32, v34;
	v14 =	vadd.f32 v14, v25  }
0xfe: {  	v27 =	vand.u32 $0x7FFFFFFF, v27;
	v19 =	vld.idx.msk [tilespmem:v19+s17+$0x0], $0xffff;
	v5 =	vadd.f32 v5, v49;
	v6 =	vsub.f32 v6, v31  }
0xff: {  	v22 =	vmul.f32 v22, v3;
	v51 =	vadd.f32 v27, v50;
	v21 =	vmul.f32 v21, v2;
	v1 =	vld.idx.msk [tilespmem:v1+s17+$0x0], $0xffff  }
0x100: {  	v16 =	vld.idx.msk [tilespmem:v16+s17+$0x0], $0xffff;
	v8 =	vadd.f32 v8, v14;
	v5 =	vand.u32 $0x7FFFFFFF, v5;
	v6 =	vadd.f32 v6, v15  }
0x101: {  	v52 =	vmul.f32 v23, v2;
	v53 =	vsub.f32 v26, v17;
	v5 =	vadd.f32 v5, v51  }
0x102: {  	v9 =	vld.idx.msk [tilespmem:v9+s19+$0x0], $0xffff;
	v8 =	vand.u32 $0x7FFFFFFF, v8;
	v55 =	vadd.f32 v18, v21;
	v6 =	vadd.f32 v22, v6  }
0x103: {  	v54 =	vld.idx.msk [tilespmem:v30+s17+$0x0], $0xffff;
	v14 =	vadd.f32 v20, v52;
	v5 =	vadd.f32 v8, v5  }
0x104: {  	v56 =	vadd.f32 v11, v55;
	v6 =	vand.u32 $0x7FFFFFFF, v6;
	v1 =	vmul.f32 v1, v2  }
0x105: {  	v57 =	vsub.f32 v19, v24;
	v16 =	vmul.f32 v16, v2;
	v5 =	vadd.f32 v6, v5  }
0x106: {  	v58 =	vadd.f32 v7, v14;
	v59 =	vand.u32 $0x7FFFFFFF, v56;
	v1 =	vadd.f32 v10, v1  }
0x107: {  	v61 =	vmul.f32 v9, v3;
	v60 =	vadd.f32 v53, v16;
	v5 =	vadd.f32 v59, v5  }
0x108: {  	v2 =	vmul.f32 v54, v2;
	v6 =	vand.u32 $0x7FFFFFFF, v58;
	v1 =	vadd.f32 v4, v1  }
0x109: {  	v3 =	vmul.f32 v12, v3;
	v62 =	vadd.f32 v6, v5  }
0x10a: {  	v63 =	vadd.f32 v61, v60;
	v2 =	vadd.f32 v57, v2;
	v1 =	vand.u32 $0x7FFFFFFF, v1  }
0x10b: {  	v1 =	vadd.f32 v1, v62  }
0x10c: {  	v2 =	vadd.f32 v3, v2;
	v3 =	vand.u32 $0x7FFFFFFF, v63  }
0x10d: {  	s28 =	sadd.s32 $0x1, s28;
	v1 =	vadd.f32 v3, v1  }
0x10e: {  	p0 =	sne.s32 s28, $0x8;
	v2 =	vand.u32 $0x7FFFFFFF, v2  }
.Ltmp2:
0x10f: {  	v1 =	vadd.f32 v2, v1;
	(pc) =	sbr.rel @p0 .LBB2_2-.Ltmp2, $3  }
0x110: {  	_ = 	snop  }
0x111: {  	v1 =	vadd.f32 $-1.200000000e+01, v1;
	_ =	sdelay $0x1  }
0x112: {  	[tilespmem:s29+$0x18600] =	vst v1  }
0x113: {  	s28 =	simm.s32 $0x0  }
0x114: {  	[hbm4b:s7+s28] =	stream.linear.scatter [tilespmem:s26], [sflag:$0x3], $0x80, $0x38;
	[tilespmem:$0x18680] =	vst v63  }
0x115: {  	_ =	swait.ge [sflag:s13], $0x80  }
0x116: {  	[sflag:s13] =	ssyncset.done $0x0  }
0x117: {  	s29 =	simm.s32 $0x100;
	[sflag:s13] =	ssyncadd.s32 $0xFFFFFF80  }
0x118: {  	[tilespmem:s17], [sflag:$0x1] =	stream.indirect.gather [hbm4b:s3+s16], $0x80, s29, s16, $0xb8;
	[tilespmem:$0x18680] =	vst v63  }
0x119: {  	s30 =	simm.s32 $0x500  }
0x11a: {  	[tilespmem:s18], [sflag:$0x1] =	stream.indirect.gather [hbm4b:s3+s16], $0x80, s30, s16, $0xb8;
	[tilespmem:$0x18680] =	vst v63  }
0x11b: {  	s30 =	simm.s32 $0x300  }
0x11c: {  	[tilespmem:s19], [sflag:$0x1] =	stream.indirect.gather [hbm4b:s4+s16], $0x80, s30, s16, $0xb8;
	[tilespmem:$0x18680] =	vst v63  }
0x11d: {  	_ =	swait.ge [sflag:s31], $0x4000  }
0x11e: {  	[sflag:s31] =	ssyncset.done $0x0  }
0x11f: {  	[sflag:s31] =	ssyncadd.s32 $0xFFFFC000  }
0x120: {  	_ =	swait.ge [sflag:s31], $0x4000  }
0x121: {  	[sflag:s31] =	ssyncset.done $0x0  }
0x122: {  	[sflag:s31] =	ssyncadd.s32 $0xFFFFC000  }
0x123: {  	_ =	swait.ge [sflag:s31], $0x4000  }
0x124: {  	[sflag:s31] =	ssyncset.done $0x0  }
0x125: {  	[sflag:s31] =	ssyncadd.s32 $0xFFFFC000  }
.LBB2_8:
0x126: {  	s29 =	sshll.u32 s28, $0x4  }
0x127: {  	v1 =	vmov s29  }
0x128: {  	v8 =	vimm.s32 $0x0;
	v1 =	vshll.u32 v1, $0x7  }
0x129: {  	v2 =	vand.u32 $0xFFFFFF80, v8;
	v1 =	vor.u32 v0, v1  }
0x12a: {  	v12 =	vimm.f32 $0.0e+00;
	v3 =	vand.u32 $0x78, v8;
	v2 =	vadd.s32 v1, v2  }
0x12b: {  	v4 =	vadd.s32 $0x47, v8;
	v6 =	vadd.s32 $0x44, v8;
	v17 =	vor.u32 v3, v2  }
0x12c: {  	v9 =	vadd.s32 $0x42, v8;
	v5 =	vand.u32 $0xFFFFFF80, v4;
	v4 =	vand.u32 $0x7F, v4  }
0x12d: {  	v16 =	vand.u32 $0x7C, v6;
	v5 =	vadd.s32 v1, v5;
	v3 =	vadd.s32 $0x46, v8  }
0x12e: {  	v2 =	vadd.s32 $0x45, v8;
	v4 =	vor.u32 v4, v5;
	v10 =	vand.u32 $0xFFFFFF80, v3  }
0x12f: {  	v5 =	vand.u32 $0x7E, v3;
	v3 =	vor.u32 $0x7, v17;
	v10 =	vadd.s32 v1, v10  }
0x130: {  	v6 =	vand.u32 $0xFFFFFF80, v6;
	v11 =	vand.u32 $0xFFFFFF80, v2;
	v10 =	vor.u32 v5, v10;
	v13 =	vld.idx.msk [tilespmem:v17+s20+$0x0], $0xffff  }
0x131: {  	v2 =	vand.u32 $0x7D, v2;
	v11 =	vadd.s32 v1, v11;
	v5 =	vor.u32 $0x6, v17;
	v14 =	vld.idx.msk [tilespmem:v17+s22+$0x0], $0xffff  }
0x132: {  	v7 =	vadd.s32 $0x43, v8;
	v6 =	vadd.s32 v1, v6;
	v18 =	vor.u32 v2, v11;
	v20 =	vld.idx.msk [tilespmem:v17+s24+$0x0], $0xffff  }
0x133: {  	v15 =	vadd.s32 $0x41, v8;
	v26 =	vadd.s32 $0x40, v8;
	v24 =	vor.u32 v16, v6;
	v2 =	vld.idx.msk [tilespmem:v4+s22+$0x0], $0xffff  }
0x134: {  	v19 =	vand.u32 $0xFFFFFF80, v7;
	v7 =	vand.u32 $0x7B, v7;
	v11 =	vor.u32 $0x5, v17;
	v4 =	vld.idx.msk [tilespmem:v3+s20+$0x0], $0xffff  }
0x135: {  	v21 =	vand.u32 $0x7A, v9;
	v19 =	vadd.s32 v1, v19;
	v16 =	vor.u32 $0x4, v17;
	v6 =	vld.idx.msk [tilespmem:v10+s22+$0x0], $0xffff  }
0x136: {  	v22 =	vand.u32 $0x79, v15;
	v25 =	vor.u32 v7, v19;
	v10 =	vand.u32 $0xFFFFFF80, v9;
	v7 =	vld.idx.msk [tilespmem:v5+s20+$0x0], $0xffff  }
0x137: {  	v28 =	vand.u32 $0xFFFFFF80, v26;
	v19 =	vor.u32 $0x3, v17;
	v9 =	vld.idx.msk [tilespmem:v18+s22+$0x0], $0xffff;
	v10 =	vadd.s32 v1, v10  }
0x138: {  	v23 =	vor.u32 $0x2, v17;
	v18 =	vand.u32 $0xFFFFFF80, v15;
	v15 =	vld.idx.msk [tilespmem:v24+s22+$0x0], $0xffff;
	v21 =	vor.u32 v21, v10  }
0x139: {  	s30 =	simm.s32 $0x7;
	v24 =	vimm.f32 $0.0e+00;
	v27 =	vadd.s32 v1, v18;
	v18 =	vimm.f32 $0.0e+00;
	v10 =	vld.idx.msk [tilespmem:v11+s20+$0x0], $0xffff  }
.LBB2_9:
0x13a: {  	p0 =	sne.s32 s30, $0x1;
	v26 =	vand.u32 $0x78, v26;
	v28 =	vadd.s32 v1, v28;
	v27 =	vor.u32 v22, v27;
	v29 =	vld.idx.msk [tilespmem:v16+s20+$0x0], $0xffff  }
0x13b: {  	v8 =	vadd.s32 $0x8, v8;
	v26 =	vor.u32 v26, v28;
	v25 =	vld.idx.msk [tilespmem:v25+s22+$0x0], $0xffff  }
0x13c: {  	v17 =	vor.u32 $0x1, v17;
	v28 =	vadd.s32 $0x47, v8;
	v30 =	vld.idx.msk [tilespmem:v19+s20+$0x0], $0xffff  }
0x13d: {  	v31 =	vadd.s32 $0x44, v8;
	v32 =	vadd.s32 $0x45, v8;
	v33 =	vadd.s32 $0x46, v8;
	v34 =	vld.idx.msk [tilespmem:v21+s22+$0x0], $0xffff  }
0x13e: {  	v35 =	vand.u32 $0x78, v8;
	v22 =	vadd.s32 $0x42, v8;
	v36 =	vadd.s32 $0x43, v8;
	v37 =	vld.idx.msk [tilespmem:v23+s20+$0x0], $0xffff  }
0x13f: {  	v38 =	vand.u32 $0xFFFFFF80, v8;
	v39 =	vand.u32 $0x7F, v28;
	v21 =	vadd.s32 $0x41, v8;
	v27 =	vld.idx.msk [tilespmem:v27+s22+$0x0], $0xffff  }
0x140: {  	v40 =	vand.u32 $0xFFFFFF80, v33;
	v33 =	vand.u32 $0x7E, v33;
	v28 =	vand.u32 $0xFFFFFF80, v28;
	v26 =	vld.idx.msk [tilespmem:v26+s22+$0x0], $0xffff  }
0x141: {  	v41 =	vand.u32 $0x7C, v31;
	v42 =	vand.u32 $0xFFFFFF80, v32;
	v32 =	vand.u32 $0x7D, v32;
	v43 =	vld.idx.msk [tilespmem:v17+s20+$0x0], $0xffff  }
0x142: {  	v44 =	vand.u32 $0xFFFFFF80, v36;
	v36 =	vand.u32 $0x7B, v36;
	v31 =	vand.u32 $0xFFFFFF80, v31;
	v45 =	vld.idx.msk [tilespmem:v17+s22+$0x0], $0xffff  }
0x143: {  	v38 =	vadd.s32 v1, v38;
	v40 =	vadd.s32 v1, v40;
	v28 =	vadd.s32 v1, v28;
	v46 =	vld.idx.msk [tilespmem:v17+s24+$0x0], $0xffff  }
0x144: {  	v31 =	vadd.s32 v1, v31;
	v17 =	vor.u32 v35, v38;
	v35 =	vadd.s32 v1, v42;
	v38 =	vld.idx.msk [tilespmem:v23+s22+$0x0], $0xffff  }
0x145: {  	v33 =	vor.u32 v33, v40;
	v28 =	vor.u32 v39, v28;
	v39 =	vor.u32 $0x7, v17;
	v23 =	vld.idx.msk [tilespmem:v23+s24+$0x0], $0xffff  }
0x146: {  	v32 =	vor.u32 v32, v35;
	v35 =	vor.u32 $0x6, v17;
	v13 =	vmul.f32 v13, v26;
	v40 =	vld.idx.msk [tilespmem:v19+s22+$0x0], $0xffff  }
0x147: {  	v20 =	vmul.f32 v20, v20;
	v42 =	vor.u32 $0x5, v17;
	v14 =	vmul.f32 v14, v26;
	v19 =	vld.idx.msk [tilespmem:v19+s24+$0x0], $0xffff  }
0x148: {  	v12 =	vadd.f32 v13, v12;
	v13 =	vmul.f32 v43, v27;
	v26 =	vmul.f32 v45, v27;
	v27 =	vld.idx.msk [tilespmem:v16+s22+$0x0], $0xffff  }
0x149: {  	v14 =	vadd.f32 v14, v18;
	v18 =	vadd.f32 v20, v24;
	v20 =	vmul.f32 v46, v46;
	v16 =	vld.idx.msk [tilespmem:v16+s24+$0x0], $0xffff  }
0x14a: {  	v12 =	vadd.f32 v13, v12;
	v13 =	vmul.f32 v37, v34;
	v24 =	vmul.f32 v38, v34;
	v34 =	vld.idx.msk [tilespmem:v11+s22+$0x0], $0xffff  }
0x14b: {  	v14 =	vadd.f32 v26, v14;
	v18 =	vadd.f32 v20, v18;
	v20 =	vmul.f32 v23, v23;
	v11 =	vld.idx.msk [tilespmem:v11+s24+$0x0], $0xffff  }
0x14c: {  	v12 =	vadd.f32 v13, v12;
	v13 =	vmul.f32 v30, v25;
	v23 =	vmul.f32 v40, v25;
	v25 =	vld.idx.msk [tilespmem:v5+s22+$0x0], $0xffff  }
0x14d: {  	v14 =	vadd.f32 v24, v14;
	v18 =	vadd.f32 v20, v18;
	v19 =	vmul.f32 v19, v19;
	v20 =	vld.idx.msk [tilespmem:v5+s24+$0x0], $0xffff  }
0x14e: {  	v24 =	vadd.f32 v13, v12;
	v12 =	vmul.f32 v29, v15;
	v13 =	vmul.f32 v27, v15;
	v15 =	vld.idx.msk [tilespmem:v3+s22+$0x0], $0xffff  }
0x14f: {  	v14 =	vadd.f32 v23, v14;
	v18 =	vadd.f32 v19, v18;
	v16 =	vmul.f32 v16, v16;
	v19 =	vld.idx.msk [tilespmem:v3+s24+$0x0], $0xffff  }
0x150: {  	v10 =	vmul.f32 v10, v9;
	v12 =	vadd.f32 v12, v24;
	v9 =	vmul.f32 v34, v9;
	v3 =	vmovc v39  }
0x151: {  	v5 =	vmovc v35;
	v23 =	vadd.f32 v13, v14;
	v16 =	vadd.f32 v16, v18;
	v11 =	vmul.f32 v11, v11  }
0x152: {  	v7 =	vmul.f32 v7, v6;
	v10 =	vadd.f32 v10, v12;
	v6 =	vmul.f32 v25, v6;
	v13 =	vld.idx.msk [tilespmem:v17+s20+$0x0], $0xffff  }
0x153: {  	v9 =	vadd.f32 v9, v23;
	v11 =	vadd.f32 v11, v16;
	v12 =	vmul.f32 v20, v20;
	v14 =	vld.idx.msk [tilespmem:v17+s22+$0x0], $0xffff  }
0x154: {  	v7 =	vadd.f32 v7, v10;
	v10 =	vmul.f32 v4, v2;
	v15 =	vmul.f32 v15, v2;
	v20 =	vld.idx.msk [tilespmem:v17+s24+$0x0], $0xffff  }
0x155: {  	v9 =	vadd.f32 v6, v9;
	v25 =	vadd.f32 v12, v11;
	v19 =	vmul.f32 v19, v19;
	v2 =	vld.idx.msk [tilespmem:v28+s22+$0x0], $0xffff  }
0x156: {  	v29 =	vor.u32 v41, v31;
	v23 =	vadd.s32 v1, v44;
	v12 =	vadd.f32 v10, v7;
	v4 =	vld.idx.msk [tilespmem:v39+s20+$0x0], $0xffff  }
.Ltmp3:
0x157: {  	v16 =	vor.u32 $0x4, v17;
	v18 =	vadd.f32 v15, v9;
	v24 =	vadd.f32 v19, v25;
	v11 =	vmovc v42;
	v6 =	vld.idx.msk [tilespmem:v33+s22+$0x0], $0xffff;
	(pc) =	sbr.rel @p0 .LBB2_9-.Ltmp3, $4  }
0x158: {  	v26 =	vadd.s32 $0x40, v8;
	v9 =	vand.u32 $0xFFFFFF80, v22;
	v25 =	vor.u32 v36, v23;
	v7 =	vld.idx.msk [tilespmem:v35+s20+$0x0], $0xffff  }
0x159: {  	v10 =	vand.u32 $0x7A, v22;
	v15 =	vadd.s32 v1, v9;
	v19 =	vor.u32 $0x3, v17;
	v9 =	vld.idx.msk [tilespmem:v32+s22+$0x0], $0xffff  }
0x15a: {  	v22 =	vand.u32 $0x79, v21;
	v23 =	vand.u32 $0xFFFFFF80, v21;
	v21 =	vor.u32 v10, v15;
	v10 =	vld.idx.msk [tilespmem:v42+s20+$0x0], $0xffff  }
0x15b: {  	s30 =	sadd.s32 $0xFFFFFFFF, s30;
	v28 =	vand.u32 $0xFFFFFF80, v26;
	v27 =	vadd.s32 v1, v23;
	v23 =	vor.u32 $0x2, v17;
	v15 =	vld.idx.msk [tilespmem:v29+s22+$0x0], $0xffff  }
0x15c: {  	v8 =	vor.u32 $0x1, v17;
	_ =	sdelay $0x4  }
0x15d: {  	v17 =	vld.idx.msk [tilespmem:v8+s24+$0x0], $0xffff;
	_ =	sdelay $0x1  }
0x15e: {  	v29 =	vld.idx.msk [tilespmem:v23+s24+$0x0], $0xffff  }
0x15f: {  	v20 =	vmul.f32 v20, v20  }
0x160: {  	v30 =	vld.idx.msk [tilespmem:v19+s24+$0x0], $0xffff  }
0x161: {  	v20 =	vadd.f32 v20, v24;
	v17 =	vmul.f32 v17, v17  }
0x162: {  	v24 =	vld.idx.msk [tilespmem:v16+s24+$0x0], $0xffff  }
0x163: {  	v17 =	vadd.f32 v17, v20;
	v20 =	vmul.f32 v29, v29  }
0x164: {  	v29 =	vld.idx.msk [tilespmem:v11+s24+$0x0], $0xffff  }
0x165: {  	v17 =	vadd.f32 v20, v17;
	v20 =	vmul.f32 v30, v30  }
0x166: {  	v30 =	vld.idx.msk [tilespmem:v5+s24+$0x0], $0xffff  }
0x167: {  	v17 =	vadd.f32 v20, v17;
	v20 =	vmul.f32 v24, v24  }
0x168: {  	v24 =	vld.idx.msk [tilespmem:v3+s24+$0x0], $0xffff  }
0x169: {  	v17 =	vadd.f32 v20, v17;
	v20 =	vmul.f32 v29, v29;
	_ =	sdelay $0x1  }
0x16a: {  	v17 =	vadd.f32 v20, v17;
	v20 =	vmul.f32 v30, v30;
	_ =	sdelay $0x1  }
0x16b: {  	v17 =	vadd.f32 v20, v17;
	v20 =	vmul.f32 v24, v24  }
0x16c: {  	v26 =	vand.u32 $0x78, v26;
	v28 =	vadd.s32 v1, v28  }
0x16d: {  	v26 =	vor.u32 v26, v28;
	v17 =	vadd.f32 v20, v17  }
0x16e: {  	v22 =	vor.u32 v22, v27  }
0x16f: {  	v20 =	vmax.f32 v17, $1.000000000e+00  }
0x170: {  	v24 =	vshra.s32 v20, $0x1;
	v29 =	vmul.f32 $5.000000000e-01, v20  }
0x171: {  	v25 =	vld.idx.msk [tilespmem:v25+s22+$0x0], $0xffff;
	v24 =	vsub.s32 $0x5F3759DF, v24  }
0x172: {  	v26 =	vld.idx.msk [tilespmem:v26+s22+$0x0], $0xffff;
	v30 =	vmul.f32 v24, v29  }
0x173: {  	v22 =	vld.idx.msk [tilespmem:v22+s22+$0x0], $0xffff  }
0x174: {  	v28 =	vld.idx.msk [tilespmem:v8+s20+$0x0], $0xffff;
	v30 =	vmul.f32 v24, v30  }
0x175: {  	v8 =	vld.idx.msk [tilespmem:v8+s22+$0x0], $0xffff  }
0x176: {  	v21 =	vld.idx.msk [tilespmem:v21+s22+$0x0], $0xffff;
	v27 =	vsub.f32 $1.500000000e+00, v30  }
0x177: {  	v13 =	vmul.f32 v13, v26;
	v30 =	vld.idx.msk [tilespmem:v23+s20+$0x0], $0xffff  }
0x178: {  	v14 =	vmul.f32 v14, v26;
	v23 =	vld.idx.msk [tilespmem:v23+s22+$0x0], $0xffff;
	v24 =	vmul.f32 v24, v27  }
0x179: {  	v31 =	vld.idx.msk [tilespmem:v19+s20+$0x0], $0xffff;
	v12 =	vadd.f32 v13, v12;
	v13 =	vmul.f32 v28, v22  }
0x17a: {  	v19 =	vld.idx.msk [tilespmem:v19+s22+$0x0], $0xffff;
	v8 =	vmul.f32 v8, v22;
	v14 =	vadd.f32 v14, v18;
	v27 =	vmul.f32 v24, v29  }
0x17b: {  	v26 =	vld.idx.msk [tilespmem:v16+s20+$0x0], $0xffff;
	v12 =	vadd.f32 v13, v12  }
0x17c: {  	v8 =	vadd.f32 v8, v14;
	v14 =	vld.idx.msk [tilespmem:v16+s22+$0x0], $0xffff;
	v13 =	vmul.f32 v30, v21;
	v27 =	vmul.f32 v27, v24  }
0x17d: {  	v18 =	vmul.f32 v23, v21  }
0x17e: {  	v11 =	vld.idx.msk [tilespmem:v11+s22+$0x0], $0xffff;
	v12 =	vadd.f32 v13, v12;
	v13 =	vmul.f32 v31, v25;
	v27 =	vsub.f32 $1.500000000e+00, v27  }
0x17f: {  	v16 =	vmul.f32 v19, v25;
	v8 =	vadd.f32 v18, v8  }
0x180: {  	v5 =	vld.idx.msk [tilespmem:v5+s22+$0x0], $0xffff;
	v18 =	vmul.f32 v26, v15;
	v12 =	vadd.f32 v13, v12;
	v24 =	vmul.f32 v27, v24  }
0x181: {  	v14 =	vmul.f32 v14, v15;
	v8 =	vadd.f32 v16, v8  }
0x182: {  	v10 =	vmul.f32 v10, v9;
	v3 =	vld.idx.msk [tilespmem:v3+s22+$0x0], $0xffff;
	v12 =	vadd.f32 v18, v12;
	v22 =	vmul.f32 v24, v29  }
0x183: {  	v9 =	vmul.f32 v11, v9;
	v8 =	vadd.f32 v14, v8  }
0x184: {  	v7 =	vmul.f32 v7, v6;
	v10 =	vadd.f32 v10, v12;
	v21 =	vmul.f32 v22, v24  }
0x185: {  	v4 =	vmul.f32 v4, v2;
	v5 =	vmul.f32 v5, v6;
	v6 =	vadd.f32 v9, v8  }
0x186: {  	v7 =	vadd.f32 v7, v10;
	v19 =	vsub.f32 $1.500000000e+00, v21;
	v21 =	vimm.s32 $0x0  }
0x187: {  	v2 =	vmul.f32 v3, v2;
	v3 =	vadd.f32 v5, v6;
	v13 =	vadd.s32 $0x40, v21  }
0x188: {  	v23 =	vand.u32 $0xFFFFFF80, v21;
	v9 =	vadd.s32 $0x42, v21;
	v4 =	vadd.f32 v4, v7  }
0x189: {  	v19 =	vmul.f32 v19, v24;
	v22 =	vand.u32 $0xFFFFFF80, v13;
	v13 =	vand.u32 $0x78, v13  }
0x18a: {  	v24 =	vand.u32 $0x78, v21;
	v5 =	vand.u32 $0xFFFFFF80, v9;
	v22 =	vadd.s32 v1, v22  }
0x18b: {  	v9 =	vand.u32 $0x7A, v9;
	v5 =	vadd.s32 v1, v5;
	v13 =	vor.u32 v13, v22  }
0x18c: {  	v22 =	vadd.s32 v1, v23;
	v15 =	vmul.f32 v19, v20;
	v5 =	vor.u32 v9, v5  }
0x18d: {  	v2 =	vadd.f32 v2, v3;
	v3 =	vadd.s32 $0x41, v21;
	v19 =	vor.u32 v24, v22  }
0x18e: {  	v16 =	vand.u32 $0xFFFFFF80, v3;
	v11 =	vadd.f32 $1.000000010e-07, v15  }
0x18f: {  	v3 =	vand.u32 $0x79, v3;
	v2 =	vsub.f32 v4, v2;
	v4 =	vadd.s32 v1, v16  }
0x190: {  	v22 =	vor.u32 v3, v4;
	(erf) = vrcp.f32 v11;
	v11 =	vld.idx.msk [tilespmem:v13+s20+$0x0], $0xffff  }
0x191: {  	v15 =	vor.u32 $0x1, v19;
	v5 =	vld.idx.msk [tilespmem:v5+s20+$0x0], $0xffff  }
0x192: {  	v8 =	vld.idx.msk [tilespmem:v19+s24+$0x0], $0xffff  }
0x193: {  	v12 =	vld.idx.msk [tilespmem:v19+s22+$0x0], $0xffff  }
0x194: {  	v10 =	vor.u32 $0x4, v19;
	v14 =	vld.idx.msk [tilespmem:v19+s20+$0x0], $0xffff  }
0x195: {  	v22 =	vld.idx.msk [tilespmem:v22+s20+$0x0], $0xffff  }
0x196: {  	v13 =	vor.u32 $0x3, v19;
	v6 =	vld.idx.msk [tilespmem:v15+s24+$0x0], $0xffff  }
0x197: {  	v7 =	vld.idx.msk [tilespmem:v15+s22+$0x0], $0xffff  }
0x198: {  	v9 =	vld.idx.msk [tilespmem:v15+s20+$0x0], $0xffff;
	v15 =	vor.u32 $0x5, v19  }
0x199: {  	vm0 =	vgt.f32 v17, $1.000000000e+00;
	v24 =	vadd.s32 $0x44, v21;
	v18 =	vld.idx.msk [tilespmem:v10+s24+$0x0], $0xffff  }
0x19a: {  	v27 =	vadd.s32 $0x46, v21;
	v20 =	vadd.s32 $0x43, v21;
	v28 =	vand.u32 $0xFFFFFF80, v24;
	v16 =	vld.idx.msk [tilespmem:v10+s22+$0x0], $0xffff  }
0x19b: {  	v4 =	vimm.f32 $0.0e+00;
	v24 =	vand.u32 $0x7C, v24;
	v28 =	vadd.s32 v1, v28;
	v23 =	vld.idx.msk [tilespmem:v13+s22+$0x0], $0xffff  }
0x19c: {  	v25 =	vor.u32 $0x2, v19;
	v30 =	vor.u32 $0x6, v19;
	v24 =	vor.u32 v24, v28;
	v31 =	vld.idx.msk [tilespmem:v13+s24+$0x0], $0xffff  }
0x19d: {  	v19 =	vor.u32 $0x7, v19;
	v11 =	vmul.f32 v11, v2;
	v12 =	vsub.f32 v14, v12;
	v26 =	vld.idx.msk [tilespmem:v15+s24+$0x0], $0xffff  }
0x19e: {  	v32 =	vmul.f32 v5, v2;
	v22 =	vmul.f32 v22, v2;
	v29 =	vld.idx.msk [tilespmem:v15+s22+$0x0], $0xffff;
	v7 =	vsub.f32 v9, v7;
	v17 =	vpop (erf)  }
0x19f: {  	v9 =	vld.idx.msk [tilespmem:v13+s20+$0x0], $0xffff;
	v13 =	vadd.s32 $0x47, v21;
	v11 =	vadd.f32 v12, v11;
	v3 =	vnsel vm0, $0x3F800000, v17  }
0x1a0: {  	v15 =	vld.idx.msk [tilespmem:v15+s20+$0x0], $0xffff;
	v17 =	vand.u32 $0xFFFFFF80, v20;
	v20 =	vand.u32 $0x7B, v20;
	v7 =	vadd.f32 v7, v22  }
0x1a1: {  	v34 =	vld.idx.msk [tilespmem:v30+s20+$0x0], $0xffff;
	v17 =	vadd.s32 v1, v17;
	v8 =	vmul.f32 v8, v3;
	v28 =	vmul.f32 v6, v3  }
0x1a2: {  	v5 =	vld.idx.msk [tilespmem:v24+s20+$0x0], $0xffff;
	v18 =	vmul.f32 v18, v3;
	v17 =	vor.u32 v20, v17;
	v20 =	vand.u32 $0xFFFFFF80, v27  }
0x1a3: {  	v39 =	vld.idx.msk [tilespmem:v19+s22+$0x0], $0xffff;
	v24 =	vmul.f32 v31, v3;
	v27 =	vand.u32 $0x7E, v27;
	v20 =	vadd.s32 v1, v20  }
0x1a4: {  	v6 =	vor.u32 v27, v20;
	v20 =	vld.idx.msk [tilespmem:v10+s20+$0x0], $0xffff;
	v10 =	vmul.f32 v26, v3;
	v26 =	vand.u32 $0xFFFFFF80, v13  }
0x1a5: {  	v31 =	vld.idx.msk [tilespmem:v25+s24+$0x0], $0xffff;
	v15 =	vsub.f32 v15, v29;
	v13 =	vand.u32 $0x7F, v13;
	v26 =	vadd.s32 v1, v26  }
0x1a6: {  	v29 =	vld.idx.msk [tilespmem:v19+s24+$0x0], $0xffff;
	v8 =	vadd.f32 v8, v11;
	v26 =	vor.u32 v13, v26;
	v13 =	vadd.s32 $0x8, v21  }
0x1a7: {  	v5 =	vmul.f32 v5, v2;
	v23 =	vsub.f32 v9, v23;
	v19 =	vld.idx.msk [tilespmem:v19+s20+$0x0], $0xffff;
	v33 =	vadd.s32 $0x40, v13  }
0x1a8: {  	v7 =	vadd.f32 v28, v7;
	v27 =	vld.idx.msk [tilespmem:v30+s22+$0x0], $0xffff;
	v8 =	vand.u32 $0x7FFFFFFF, v8;
	v36 =	vand.u32 $0xFFFFFF80, v33  }
0x1a9: {  	v30 =	vld.idx.msk [tilespmem:v30+s24+$0x0], $0xffff;
	v37 =	vand.u32 $0xFFFFFF80, v13;
	v33 =	vand.u32 $0x78, v33;
	v36 =	vadd.s32 v1, v36  }
0x1aa: {  	v9 =	vand.u32 $0x78, v13;
	v17 =	vld.idx.msk [tilespmem:v17+s20+$0x0], $0xffff;
	v51 =	vadd.s32 v1, v37;
	v33 =	vor.u32 v33, v36  }
0x1ab: {  	v28 =	vand.u32 $0x7FFFFFFF, v7;
	v14 =	vsub.f32 v20, v16;
	v20 =	vld.idx.msk [tilespmem:v25+s22+$0x0], $0xffff;
	v36 =	vor.u32 v9, v51  }
0x1ac: {  	v31 =	vmul.f32 v31, v3;
	v4 =	vadd.f32 v8, v4;
	v35 =	vadd.s32 $0x41, v13;
	v25 =	vld.idx.msk [tilespmem:v25+s20+$0x0], $0xffff  }
0x1ad: {  	v54 =	vadd.s32 $0x44, v13;
	v40 =	vadd.s32 $0x43, v13;
	v46 =	vadd.s32 $0x46, v13;
	v12 =	vld.idx.msk [tilespmem:v6+s20+$0x0], $0xffff  }
0x1ae: {  	v53 =	vand.u32 $0x79, v35;
	v43 =	vand.u32 $0xFFFFFF80, v40;
	v26 =	vld.idx.msk [tilespmem:v26+s20+$0x0], $0xffff;
	v52 =	vor.u32 $0x1, v36  }
0x1af: {  	v48 =	vand.u32 $0xFFFFFF80, v54;
	v19 =	vsub.f32 v19, v39;
	v4 =	vadd.f32 v28, v4;
	v33 =	vld.idx.msk [tilespmem:v33+s20+$0x0], $0xffff  }
0x1b0: {  	v16 =	vadd.s32 $0x45, v21;
	v21 =	vadd.s32 $0x42, v13;
	v27 =	vsub.f32 v34, v27;
	v42 =	vld.idx.msk [tilespmem:v36+s24+$0x0], $0xffff  }
0x1b1: {  	v43 =	vadd.s32 v1, v43;
	v48 =	vadd.s32 v1, v48;
	v45 =	vor.u32 $0x4, v36;
	v44 =	vld.idx.msk [tilespmem:v36+s22+$0x0], $0xffff  }
0x1b2: {  	v38 =	vand.u32 $0x7D, v16;
	v9 =	vand.u32 $0xFFFFFF80, v35;
	v16 =	vand.u32 $0xFFFFFF80, v16;
	v55 =	vld.idx.msk [tilespmem:v36+s20+$0x0], $0xffff  }
0x1b3: {  	v41 =	vor.u32 $0x3, v36;
	v20 =	vsub.f32 v25, v20;
	v25 =	vand.u32 $0xFFFFFF80, v21;
	v47 =	vld.idx.msk [tilespmem:v52+s24+$0x0], $0xffff  }
0x1b4: {  	v57 =	vor.u32 $0x5, v36;
	v21 =	vand.u32 $0x7A, v21;
	v25 =	vadd.s32 v1, v25;
	v56 =	vld.idx.msk [tilespmem:v52+s22+$0x0], $0xffff  }
0x1b5: {  	v35 =	vand.u32 $0x7C, v54;
	v16 =	vadd.s32 v1, v16;
	v21 =	vor.u32 v21, v25;
	v25 =	vld.idx.msk [tilespmem:v52+s20+$0x0], $0xffff  }
0x1b6: {  	v9 =	vadd.s32 v1, v9;
	v5 =	vadd.f32 v14, v5;
	v16 =	vor.u32 v38, v16;
	v22 =	vld.idx.msk [tilespmem:v45+s24+$0x0], $0xffff  }
0x1b7: {  	v6 =	vor.u32 $0x2, v36;
	v11 =	vmul.f32 v17, v2;
	v12 =	vmul.f32 v12, v2;
	v58 =	vld.idx.msk [tilespmem:v45+s22+$0x0], $0xffff  }
0x1b8: {  	v35 =	vor.u32 v35, v48;
	v34 =	vor.u32 v53, v9;
	v14 =	vadd.f32 v18, v5;
	v59 =	vld.idx.msk [tilespmem:v41+s22+$0x0], $0xffff  }
0x1b9: {  	v11 =	vadd.f32 v23, v11;
	v12 =	vadd.f32 v27, v12;
	v27 =	vmul.f32 v29, v3;
	v29 =	vld.idx.msk [tilespmem:v57+s22+$0x0], $0xffff  }
0x1ba: {  	v17 =	vand.u32 $0x7E, v46;
	v9 =	vmul.f32 v26, v2;
	v26 =	vand.u32 $0x7B, v40;
	v60 =	vld.idx.msk [tilespmem:v41+s24+$0x0], $0xffff  }
0x1bb: {  	v28 =	vand.u32 $0x7FFFFFFF, v14;
	v11 =	vadd.f32 v24, v11;
	v40 =	vor.u32 v26, v43;
	v18 =	vld.idx.msk [tilespmem:v16+s20+$0x0], $0xffff  }
0x1bc: {  	v61 =	vld.idx.msk [tilespmem:v41+s20+$0x0], $0xffff;
	v16 =	vand.u32 $0xFFFFFF80, v46;
	v26 =	vadd.f32 v19, v9;
	v19 =	vadd.f32 v20, v32  }
0x1bd: {  	v62 =	vld.idx.msk [tilespmem:v45+s20+$0x0], $0xffff;
	v9 =	vor.u32 $0x6, v36;
	v7 =	vadd.s32 v1, v16;
	v11 =	vand.u32 $0x7FFFFFFF, v11  }
0x1be: {  	v20 =	vld.idx.msk [tilespmem:v57+s24+$0x0], $0xffff;
	v16 =	vor.u32 v17, v7;
	v5 =	vmul.f32 v42, v3;
	v23 =	vadd.f32 v31, v19  }
0x1bf: {  	v19 =	vor.u32 $0x7, v36;
	v21 =	vld.idx.msk [tilespmem:v21+s20+$0x0], $0xffff;
	v7 =	vmul.f32 v22, v3;
	v22 =	vmul.f32 v30, v3  }
0x1c0: {  	v14 =	vsub.f32 v25, v56;
	v25 =	vld.idx.msk [tilespmem:v57+s20+$0x0], $0xffff;
	v18 =	vmul.f32 v18, v2;
	v23 =	vand.u32 $0x7FFFFFFF, v23  }
0x1c1: {  	v24 =	vld.idx.msk [tilespmem:v34+s20+$0x0], $0xffff;
	v27 =	vadd.f32 v27, v26;
	v8 =	vmul.f32 v47, v3;
	v30 =	vadd.f32 v23, v4  }
0x1c2: {  	v17 =	vld.idx.msk [tilespmem:v9+s22+$0x0], $0xffff;
	v15 =	vadd.f32 v15, v18;
	v18 =	vadd.f32 v22, v12;
	v12 =	vadd.s32 $0x47, v13  }
0x1c3: {  	v23 =	vld.idx.msk [tilespmem:v35+s20+$0x0], $0xffff;
	v4 =	vmul.f32 v20, v3;
	v20 =	vand.u32 $0xFFFFFF80, v12;
	v31 =	vadd.f32 v11, v30  }
0x1c4: {  	v26 =	vld.idx.msk [tilespmem:v9+s20+$0x0], $0xffff;
	v11 =	vmul.f32 v60, v3;
	v63 =	vadd.f32 v10, v15;
	v15 =	vmul.f32 v21, v2  }
0x1c5: {  	v22 =	vld.idx.msk [tilespmem:v6+s24+$0x0], $0xffff;
	v21 =	vand.u32 $0x7F, v12;
	v20 =	vadd.s32 v1, v20;
	v10 =	vsub.f32 v25, v29  }
0x1c6: {  	v12 =	vld.idx.msk [tilespmem:v19+s24+$0x0], $0xffff;
	v32 =	vand.u32 $0x7FFFFFFF, v18;
	v29 =	vsub.f32 v55, v44;
	v18 =	vadd.f32 v28, v31  }
0x1c7: {  	v30 =	vor.u32 v21, v20;
	v28 =	vmul.f32 v33, v2;
	v31 =	vld.idx.msk [tilespmem:v6+s22+$0x0], $0xffff;
	v25 =	vand.u32 $0x7FFFFFFF, v63  }
0x1c8: {  	v21 =	vld.idx.msk [tilespmem:v40+s20+$0x0], $0xffff;
	v20 =	vsub.f32 v62, v58;
	v33 =	vadd.s32 $0x45, v13;
	v34 =	vadd.f32 v25, v18  }
0x1c9: {  	s30 =	simm.s32 $0x6;
	v13 =	vadd.s32 $0x8, v13;
	v25 =	vmul.f32 v24, v2;
	v18 =	vsub.f32 v61, v59;
	v24 =	vld.idx.msk [tilespmem:v19+s22+$0x0], $0xffff  }
.LBB2_11:
0x1ca: {  	v35 =	vand.u32 $0x78, v13;
	v36 =	vadd.s32 $0x42, v13;
	p0 =	sne.s32 s30, $0x1;
	s30 =	sadd.s32 $0xFFFFFFFF, s30;
	v6 =	vld.idx.msk [tilespmem:v6+s20+$0x0], $0xffff;
	v32 =	vadd.f32 v32, v34  }
0x1cb: {  	v34 =	vadd.s32 $0x40, v13;
	v37 =	vadd.s32 $0x41, v13;
	v27 =	vand.u32 $0x7FFFFFFF, v27  }
0x1cc: {  	v39 =	vand.u32 $0xFFFFFF80, v13;
	v40 =	vand.u32 $0x7D, v33;
	v38 =	vand.u32 $0xFFFFFF80, v34;
	v30 =	vld.idx.msk [tilespmem:v30+s20+$0x0], $0xffff  }
0x1cd: {  	v34 =	vand.u32 $0x78, v34;
	v38 =	vadd.s32 v1, v38;
	v27 =	vadd.f32 v27, v32  }
0x1ce: {  	v23 =	vmul.f32 v23, v2;
	v32 =	vor.u32 v34, v38;
	v34 =	vadd.s32 v1, v39  }
0x1cf: {  	v33 =	vand.u32 $0xFFFFFF80, v33;
	v34 =	vor.u32 v35, v34;
	v35 =	vand.u32 $0xFFFFFF80, v37  }
0x1d0: {  	v35 =	vadd.s32 v1, v35;
	v38 =	vor.u32 $0x1, v34;
	v31 =	vsub.f32 v6, v31;
	v19 =	vld.idx.msk [tilespmem:v19+s20+$0x0], $0xffff  }
0x1d1: {  	v17 =	vsub.f32 v26, v17;
	v39 =	vand.u32 $0xFFFFFF80, v36;
	v36 =	vand.u32 $0x7A, v36;
	v41 =	vld.idx.msk [tilespmem:v9+s24+$0x0], $0xffff  }
0x1d2: {  	v28 =	vadd.f32 v29, v28;
	v26 =	vadd.s32 $0x44, v13;
	v9 =	vand.u32 $0x79, v37;
	v16 =	vld.idx.msk [tilespmem:v16+s20+$0x0], $0xffff  }
0x1d3: {  	v22 =	vmul.f32 v22, v3;
	v37 =	vor.u32 $0x3, v34;
	v29 =	vld.idx.msk [tilespmem:v32+s20+$0x0], $0xffff;
	v32 =	vadd.s32 $0x43, v13  }
0x1d4: {  	v33 =	vadd.s32 v1, v33;
	v6 =	vor.u32 $0x2, v34;
	v42 =	vld.idx.msk [tilespmem:v34+s24+$0x0], $0xffff;
	v43 =	vand.u32 $0xFFFFFF80, v32  }
0x1d5: {  	v46 =	vadd.s32 $0x46, v13;
	v45 =	vor.u32 $0x4, v34;
	v44 =	vld.idx.msk [tilespmem:v34+s22+$0x0], $0xffff;
	v43 =	vadd.s32 v1, v43  }
0x1d6: {  	v48 =	vand.u32 $0xFFFFFF80, v26;
	v26 =	vand.u32 $0x7C, v26;
	v19 =	vsub.f32 v19, v24;
	v47 =	vld.idx.msk [tilespmem:v38+s24+$0x0], $0xffff  }
0x1d7: {  	v33 =	vor.u32 v40, v33;
	v48 =	vadd.s32 v1, v48;
	v39 =	vadd.s32 v1, v39;
	v24 =	vld.idx.msk [tilespmem:v34+s20+$0x0], $0xffff  }
0x1d8: {  	v36 =	vor.u32 v36, v39;
	v35 =	vor.u32 v9, v35;
	v9 =	vmul.f32 v30, v2;
	v40 =	vld.idx.msk [tilespmem:v38+s22+$0x0], $0xffff  }
0x1d9: {  	v14 =	vadd.f32 v14, v25;
	v26 =	vor.u32 v26, v48;
	v32 =	vand.u32 $0x7B, v32;
	v30 =	vld.idx.msk [tilespmem:v38+s20+$0x0], $0xffff  }
0x1da: {  	v5 =	vadd.f32 v5, v28;
	v20 =	vadd.f32 v20, v23;
	v38 =	vor.u32 $0x5, v34;
	v25 =	vld.idx.msk [tilespmem:v45+s24+$0x0], $0xffff  }
0x1db: {  	v21 =	vmul.f32 v21, v2;
	v39 =	vor.u32 v32, v43;
	v23 =	vadd.f32 v19, v9;
	v43 =	vld.idx.msk [tilespmem:v45+s22+$0x0], $0xffff  }
0x1dc: {  	v20 =	vadd.f32 v7, v20;
	v19 =	vand.u32 $0x7FFFFFFF, v5;
	v7 =	vmul.f32 v16, v2;
	v28 =	vld.idx.msk [tilespmem:v33+s20+$0x0], $0xffff  }
0x1dd: {  	v8 =	vadd.f32 v8, v14;
	v9 =	vor.u32 $0x6, v34;
	v5 =	vmul.f32 v42, v3;
	v42 =	vld.idx.msk [tilespmem:v37+s22+$0x0], $0xffff  }
0x1de: {  	v14 =	vand.u32 $0xFFFFFF80, v46;
	v15 =	vadd.f32 v31, v15;
	v16 =	vand.u32 $0x7E, v46;
	v32 =	vld.idx.msk [tilespmem:v36+s20+$0x0], $0xffff  }
0x1df: {  	v12 =	vmul.f32 v12, v3;
	v33 =	vand.u32 $0x7FFFFFFF, v8;
	v36 =	vadd.f32 v17, v7;
	v31 =	vld.idx.msk [tilespmem:v38+s24+$0x0], $0xffff  }
0x1e0: {  	v18 =	vadd.f32 v18, v21;
	v7 =	vadd.s32 v1, v14;
	v14 =	vadd.f32 v19, v27;
	v46 =	vld.idx.msk [tilespmem:v38+s22+$0x0], $0xffff  }
0x1e1: {  	v15 =	vadd.f32 v22, v15;
	v8 =	vmul.f32 v47, v3;
	v16 =	vor.u32 v16, v7;
	v21 =	vld.idx.msk [tilespmem:v37+s24+$0x0], $0xffff  }
0x1e2: {  	v11 =	vadd.f32 v11, v18;
	v7 =	vmul.f32 v25, v3;
	v18 =	vmul.f32 v28, v2;
	v17 =	vld.idx.msk [tilespmem:v9+s22+$0x0], $0xffff  }
0x1e3: {  	v20 =	vand.u32 $0x7FFFFFFF, v20;
	v27 =	vmul.f32 v41, v3;
	v22 =	vadd.f32 v33, v14;
	v25 =	vld.idx.msk [tilespmem:v35+s20+$0x0], $0xffff  }
0x1e4: {  	v11 =	vand.u32 $0x7FFFFFFF, v11;
	v19 =	vor.u32 $0x7, v34;
	v14 =	vsub.f32 v30, v40;
	v28 =	vld.idx.msk [tilespmem:v38+s20+$0x0], $0xffff  }
0x1e5: {  	v15 =	vand.u32 $0x7FFFFFFF, v15;
	v10 =	vadd.f32 v10, v18;
	v18 =	vadd.f32 v27, v36;
	v35 =	vld.idx.msk [tilespmem:v37+s20+$0x0], $0xffff  }
0x1e6: {  	v30 =	vadd.s32 $0x47, v13;
	v34 =	vadd.f32 v15, v22;
	v27 =	vadd.f32 v12, v23;
	v33 =	vld.idx.msk [tilespmem:v45+s20+$0x0], $0xffff  }
0x1e7: {  	v12 =	vand.u32 $0xFFFFFF80, v30;
	v36 =	vadd.f32 v4, v10;
	v4 =	vmul.f32 v31, v3;
	v23 =	vld.idx.msk [tilespmem:v26+s20+$0x0], $0xffff  }
0x1e8: {  	v15 =	vmul.f32 v32, v2;
	v30 =	vand.u32 $0x7F, v30;
	v31 =	vadd.f32 v11, v34;
	v22 =	vld.idx.msk [tilespmem:v6+s24+$0x0], $0xffff  }
.Ltmp4:
0x1e9: {  	v32 =	vand.u32 $0x7FFFFFFF, v18;
	v11 =	vmul.f32 v21, v3;
	v21 =	vadd.s32 v1, v12;
	v12 =	vld.idx.msk [tilespmem:v19+s24+$0x0], $0xffff;
	(pc) =	sbr.rel @p0 .LBB2_11-.Ltmp4, $4  }
0x1ea: {  	v30 =	vor.u32 v30, v21;
	v18 =	vadd.f32 v20, v31;
	v10 =	vsub.f32 v28, v46;
	v26 =	vld.idx.msk [tilespmem:v9+s20+$0x0], $0xffff  }
0x1eb: {  	v28 =	vmul.f32 v29, v2;
	v29 =	vsub.f32 v24, v44;
	v24 =	vand.u32 $0x7FFFFFFF, v36;
	v31 =	vld.idx.msk [tilespmem:v6+s22+$0x0], $0xffff  }
0x1ec: {  	v34 =	vadd.f32 v24, v18;
	v20 =	vsub.f32 v33, v43;
	v33 =	vadd.s32 $0x45, v13;
	v21 =	vld.idx.msk [tilespmem:v39+s20+$0x0], $0xffff  }
0x1ed: {  	v25 =	vmul.f32 v25, v2;
	v18 =	vsub.f32 v35, v42;
	v13 =	vadd.s32 $0x8, v13;
	v24 =	vld.idx.msk [tilespmem:v19+s22+$0x0], $0xffff  }
0x1ee: {  	_ =	sdelay $0x2  }
0x1ef: {  	v13 =	vand.u32 $0xFFFFFF80, v33  }
0x1f0: {  	v6 =	vld.idx.msk [tilespmem:v6+s20+$0x0], $0xffff;
	v48 =	vand.u32 $0x7D, v33;
	v1 =	vadd.s32 v1, v13  }
0x1f1: {  	v1 =	vor.u32 v48, v1;
	_ =	sdelay $0x1  }
0x1f2: {  	v49 =	vadd.f32 v29, v28  }
0x1f3: {  	v50 =	vadd.f32 v32, v34;
	v14 =	vadd.f32 v14, v25  }
0x1f4: {  	v27 =	vand.u32 $0x7FFFFFFF, v27;
	v19 =	vld.idx.msk [tilespmem:v19+s20+$0x0], $0xffff;
	v5 =	vadd.f32 v5, v49;
	v6 =	vsub.f32 v6, v31  }
0x1f5: {  	v22 =	vmul.f32 v22, v3;
	v51 =	vadd.f32 v27, v50;
	v21 =	vmul.f32 v21, v2;
	v1 =	vld.idx.msk [tilespmem:v1+s20+$0x0], $0xffff  }
0x1f6: {  	v16 =	vld.idx.msk [tilespmem:v16+s20+$0x0], $0xffff;
	v8 =	vadd.f32 v8, v14;
	v5 =	vand.u32 $0x7FFFFFFF, v5;
	v6 =	vadd.f32 v6, v15  }
0x1f7: {  	v52 =	vmul.f32 v23, v2;
	v53 =	vsub.f32 v26, v17;
	v5 =	vadd.f32 v5, v51  }
0x1f8: {  	v9 =	vld.idx.msk [tilespmem:v9+s24+$0x0], $0xffff;
	v8 =	vand.u32 $0x7FFFFFFF, v8;
	v55 =	vadd.f32 v18, v21;
	v6 =	vadd.f32 v22, v6  }
0x1f9: {  	v54 =	vld.idx.msk [tilespmem:v30+s20+$0x0], $0xffff;
	v14 =	vadd.f32 v20, v52;
	v5 =	vadd.f32 v8, v5  }
0x1fa: {  	v56 =	vadd.f32 v11, v55;
	v6 =	vand.u32 $0x7FFFFFFF, v6;
	v1 =	vmul.f32 v1, v2  }
0x1fb: {  	v57 =	vsub.f32 v19, v24;
	v16 =	vmul.f32 v16, v2;
	v5 =	vadd.f32 v6, v5  }
0x1fc: {  	v58 =	vadd.f32 v7, v14;
	v59 =	vand.u32 $0x7FFFFFFF, v56;
	v1 =	vadd.f32 v10, v1  }
0x1fd: {  	v61 =	vmul.f32 v9, v3;
	v60 =	vadd.f32 v53, v16;
	v5 =	vadd.f32 v59, v5  }
0x1fe: {  	v2 =	vmul.f32 v54, v2;
	v6 =	vand.u32 $0x7FFFFFFF, v58;
	v1 =	vadd.f32 v4, v1  }
0x1ff: {  	v3 =	vmul.f32 v12, v3;
	v62 =	vadd.f32 v6, v5  }
0x200: {  	v63 =	vadd.f32 v61, v60;
	v2 =	vadd.f32 v57, v2;
	v1 =	vand.u32 $0x7FFFFFFF, v1  }
0x201: {  	v1 =	vadd.f32 v1, v62  }
0x202: {  	v2 =	vadd.f32 v3, v2;
	v3 =	vand.u32 $0x7FFFFFFF, v63  }
0x203: {  	s28 =	sadd.s32 $0x1, s28;
	v1 =	vadd.f32 v3, v1  }
0x204: {  	p0 =	sne.s32 s28, $0x8;
	v2 =	vand.u32 $0x7FFFFFFF, v2  }
.Ltmp5:
0x205: {  	v1 =	vadd.f32 v2, v1;
	(pc) =	sbr.rel @p0 .LBB2_8-.Ltmp5, $3  }
0x206: {  	_ = 	snop  }
0x207: {  	v1 =	vadd.f32 $-1.200000000e+01, v1;
	_ =	sdelay $0x1  }
0x208: {  	[tilespmem:s29+$0x18600] =	vst v1  }
0x209: {  	s28 =	simm.s32 $0x0  }
0x20a: {  	[hbm4b:s9+s28] =	stream.linear.scatter [tilespmem:s26], [sflag:$0x3], $0x80, $0x38;
	[tilespmem:$0x18680] =	vst v63  }
0x20b: {  	_ =	swait.ge [sflag:s13], $0x80  }
0x20c: {  	[sflag:s13] =	ssyncset.done $0x0  }
0x20d: {  	[sflag:s13] =	ssyncadd.s32 $0xFFFFFF80  }
0x20e: {  	[tilespmem:s20], [sflag:$0x2] =	stream.indirect.gather [hbm4b:s3+s16], $0x80, s0, s16, $0xb8;
	[tilespmem:$0x18680] =	vst v63  }
0x20f: {  	_ = 	snop  }
0x210: {  	[tilespmem:s22], [sflag:$0x2] =	stream.indirect.gather [hbm4b:s3+s16], $0x80, s1, s16, $0xb8;
	[tilespmem:$0x18680] =	vst v63  }
0x211: {  	_ = 	snop  }
0x212: {  	[tilespmem:s24], [sflag:$0x2] =	stream.indirect.gather [hbm4b:s4+s16], $0x80, s21, s16, $0xb8;
	[tilespmem:$0x18680] =	vst v63  }
0x213: {  	_ =	swait.ge [sflag:s25], $0x4000  }
0x214: {  	[sflag:s25] =	ssyncset.done $0x0  }
0x215: {  	[sflag:s25] =	ssyncadd.s32 $0xFFFFC000  }
0x216: {  	_ =	swait.ge [sflag:s25], $0x4000  }
0x217: {  	[sflag:s25] =	ssyncset.done $0x0  }
0x218: {  	[sflag:s25] =	ssyncadd.s32 $0xFFFFC000  }
0x219: {  	_ =	swait.ge [sflag:s25], $0x4000  }
0x21a: {  	[sflag:s25] =	ssyncset.done $0x0  }
0x21b: {  	[sflag:s25] =	ssyncadd.s32 $0xFFFFC000  }
.LBB2_14:
0x21c: {  	s29 =	sshll.u32 s28, $0x4  }
0x21d: {  	v1 =	vmov s29  }
0x21e: {  	v8 =	vimm.s32 $0x0;
	v1 =	vshll.u32 v1, $0x7  }
0x21f: {  	v2 =	vand.u32 $0xFFFFFF80, v8;
	v1 =	vor.u32 v0, v1  }
0x220: {  	v12 =	vimm.f32 $0.0e+00;
	v3 =	vand.u32 $0x78, v8;
	v2 =	vadd.s32 v1, v2  }
0x221: {  	v4 =	vadd.s32 $0x47, v8;
	v6 =	vadd.s32 $0x44, v8;
	v17 =	vor.u32 v3, v2  }
0x222: {  	v9 =	vadd.s32 $0x42, v8;
	v5 =	vand.u32 $0xFFFFFF80, v4;
	v4 =	vand.u32 $0x7F, v4  }
0x223: {  	v16 =	vand.u32 $0x7C, v6;
	v5 =	vadd.s32 v1, v5;
	v3 =	vadd.s32 $0x46, v8  }
0x224: {  	v2 =	vadd.s32 $0x45, v8;
	v4 =	vor.u32 v4, v5;
	v10 =	vand.u32 $0xFFFFFF80, v3  }
0x225: {  	v5 =	vand.u32 $0x7E, v3;
	v3 =	vor.u32 $0x7, v17;
	v10 =	vadd.s32 v1, v10  }
0x226: {  	v6 =	vand.u32 $0xFFFFFF80, v6;
	v11 =	vand.u32 $0xFFFFFF80, v2;
	v10 =	vor.u32 v5, v10;
	v13 =	vld.idx.msk [tilespmem:v17+s17+$0x0], $0xffff  }
0x227: {  	v2 =	vand.u32 $0x7D, v2;
	v11 =	vadd.s32 v1, v11;
	v5 =	vor.u32 $0x6, v17;
	v14 =	vld.idx.msk [tilespmem:v17+s18+$0x0], $0xffff  }
0x228: {  	v7 =	vadd.s32 $0x43, v8;
	v6 =	vadd.s32 v1, v6;
	v18 =	vor.u32 v2, v11;
	v20 =	vld.idx.msk [tilespmem:v17+s19+$0x0], $0xffff  }
0x229: {  	v15 =	vadd.s32 $0x41, v8;
	v26 =	vadd.s32 $0x40, v8;
	v24 =	vor.u32 v16, v6;
	v2 =	vld.idx.msk [tilespmem:v4+s18+$0x0], $0xffff  }
0x22a: {  	v19 =	vand.u32 $0xFFFFFF80, v7;
	v7 =	vand.u32 $0x7B, v7;
	v11 =	vor.u32 $0x5, v17;
	v4 =	vld.idx.msk [tilespmem:v3+s17+$0x0], $0xffff  }
0x22b: {  	v21 =	vand.u32 $0x7A, v9;
	v19 =	vadd.s32 v1, v19;
	v16 =	vor.u32 $0x4, v17;
	v6 =	vld.idx.msk [tilespmem:v10+s18+$0x0], $0xffff  }
0x22c: {  	v22 =	vand.u32 $0x79, v15;
	v25 =	vor.u32 v7, v19;
	v10 =	vand.u32 $0xFFFFFF80, v9;
	v7 =	vld.idx.msk [tilespmem:v5+s17+$0x0], $0xffff  }
0x22d: {  	v28 =	vand.u32 $0xFFFFFF80, v26;
	v19 =	vor.u32 $0x3, v17;
	v9 =	vld.idx.msk [tilespmem:v18+s18+$0x0], $0xffff;
	v10 =	vadd.s32 v1, v10  }
0x22e: {  	v23 =	vor.u32 $0x2, v17;
	v18 =	vand.u32 $0xFFFFFF80, v15;
	v15 =	vld.idx.msk [tilespmem:v24+s18+$0x0], $0xffff;
	v21 =	vor.u32 v21, v10  }
0x22f: {  	s30 =	simm.s32 $0x7;
	v24 =	vimm.f32 $0.0e+00;
	v27 =	vadd.s32 v1, v18;
	v18 =	vimm.f32 $0.0e+00;
	v10 =	vld.idx.msk [tilespmem:v11+s17+$0x0], $0xffff  }
.LBB2_15:
0x230: {  	p0 =	sne.s32 s30, $0x1;
	v26 =	vand.u32 $0x78, v26;
	v28 =	vadd.s32 v1, v28;
	v27 =	vor.u32 v22, v27;
	v29 =	vld.idx.msk [tilespmem:v16+s17+$0x0], $0xffff  }
0x231: {  	v8 =	vadd.s32 $0x8, v8;
	v26 =	vor.u32 v26, v28;
	v25 =	vld.idx.msk [tilespmem:v25+s18+$0x0], $0xffff  }
0x232: {  	v17 =	vor.u32 $0x1, v17;
	v28 =	vadd.s32 $0x47, v8;
	v30 =	vld.idx.msk [tilespmem:v19+s17+$0x0], $0xffff  }
0x233: {  	v31 =	vadd.s32 $0x44, v8;
	v32 =	vadd.s32 $0x45, v8;
	v33 =	vadd.s32 $0x46, v8;
	v34 =	vld.idx.msk [tilespmem:v21+s18+$0x0], $0xffff  }
0x234: {  	v35 =	vand.u32 $0x78, v8;
	v22 =	vadd.s32 $0x42, v8;
	v36 =	vadd.s32 $0x43, v8;
	v37 =	vld.idx.msk [tilespmem:v23+s17+$0x0], $0xffff  }
0x235: {  	v38 =	vand.u32 $0xFFFFFF80, v8;
	v39 =	vand.u32 $0x7F, v28;
	v21 =	vadd.s32 $0x41, v8;
	v27 =	vld.idx.msk [tilespmem:v27+s18+$0x0], $0xffff  }
0x236: {  	v40 =	vand.u32 $0xFFFFFF80, v33;
	v33 =	vand.u32 $0x7E, v33;
	v28 =	vand.u32 $0xFFFFFF80, v28;
	v26 =	vld.idx.msk [tilespmem:v26+s18+$0x0], $0xffff  }
0x237: {  	v41 =	vand.u32 $0x7C, v31;
	v42 =	vand.u32 $0xFFFFFF80, v32;
	v32 =	vand.u32 $0x7D, v32;
	v43 =	vld.idx.msk [tilespmem:v17+s17+$0x0], $0xffff  }
0x238: {  	v44 =	vand.u32 $0xFFFFFF80, v36;
	v36 =	vand.u32 $0x7B, v36;
	v31 =	vand.u32 $0xFFFFFF80, v31;
	v45 =	vld.idx.msk [tilespmem:v17+s18+$0x0], $0xffff  }
0x239: {  	v38 =	vadd.s32 v1, v38;
	v40 =	vadd.s32 v1, v40;
	v28 =	vadd.s32 v1, v28;
	v46 =	vld.idx.msk [tilespmem:v17+s19+$0x0], $0xffff  }
0x23a: {  	v31 =	vadd.s32 v1, v31;
	v17 =	vor.u32 v35, v38;
	v35 =	vadd.s32 v1, v42;
	v38 =	vld.idx.msk [tilespmem:v23+s18+$0x0], $0xffff  }
0x23b: {  	v33 =	vor.u32 v33, v40;
	v28 =	vor.u32 v39, v28;
	v39 =	vor.u32 $0x7, v17;
	v23 =	vld.idx.msk [tilespmem:v23+s19+$0x0], $0xffff  }
0x23c: {  	v32 =	vor.u32 v32, v35;
	v35 =	vor.u32 $0x6, v17;
	v13 =	vmul.f32 v13, v26;
	v40 =	vld.idx.msk [tilespmem:v19+s18+$0x0], $0xffff  }
0x23d: {  	v20 =	vmul.f32 v20, v20;
	v42 =	vor.u32 $0x5, v17;
	v14 =	vmul.f32 v14, v26;
	v19 =	vld.idx.msk [tilespmem:v19+s19+$0x0], $0xffff  }
0x23e: {  	v12 =	vadd.f32 v13, v12;
	v13 =	vmul.f32 v43, v27;
	v26 =	vmul.f32 v45, v27;
	v27 =	vld.idx.msk [tilespmem:v16+s18+$0x0], $0xffff  }
0x23f: {  	v14 =	vadd.f32 v14, v18;
	v18 =	vadd.f32 v20, v24;
	v20 =	vmul.f32 v46, v46;
	v16 =	vld.idx.msk [tilespmem:v16+s19+$0x0], $0xffff  }
0x240: {  	v12 =	vadd.f32 v13, v12;
	v13 =	vmul.f32 v37, v34;
	v24 =	vmul.f32 v38, v34;
	v34 =	vld.idx.msk [tilespmem:v11+s18+$0x0], $0xffff  }
0x241: {  	v14 =	vadd.f32 v26, v14;
	v18 =	vadd.f32 v20, v18;
	v20 =	vmul.f32 v23, v23;
	v11 =	vld.idx.msk [tilespmem:v11+s19+$0x0], $0xffff  }
0x242: {  	v12 =	vadd.f32 v13, v12;
	v13 =	vmul.f32 v30, v25;
	v23 =	vmul.f32 v40, v25;
	v25 =	vld.idx.msk [tilespmem:v5+s18+$0x0], $0xffff  }
0x243: {  	v14 =	vadd.f32 v24, v14;
	v18 =	vadd.f32 v20, v18;
	v19 =	vmul.f32 v19, v19;
	v20 =	vld.idx.msk [tilespmem:v5+s19+$0x0], $0xffff  }
0x244: {  	v24 =	vadd.f32 v13, v12;
	v12 =	vmul.f32 v29, v15;
	v13 =	vmul.f32 v27, v15;
	v15 =	vld.idx.msk [tilespmem:v3+s18+$0x0], $0xffff  }
0x245: {  	v14 =	vadd.f32 v23, v14;
	v18 =	vadd.f32 v19, v18;
	v16 =	vmul.f32 v16, v16;
	v19 =	vld.idx.msk [tilespmem:v3+s19+$0x0], $0xffff  }
0x246: {  	v10 =	vmul.f32 v10, v9;
	v12 =	vadd.f32 v12, v24;
	v9 =	vmul.f32 v34, v9;
	v3 =	vmovc v39  }
0x247: {  	v5 =	vmovc v35;
	v23 =	vadd.f32 v13, v14;
	v16 =	vadd.f32 v16, v18;
	v11 =	vmul.f32 v11, v11  }
0x248: {  	v7 =	vmul.f32 v7, v6;
	v10 =	vadd.f32 v10, v12;
	v6 =	vmul.f32 v25, v6;
	v13 =	vld.idx.msk [tilespmem:v17+s17+$0x0], $0xffff  }
0x249: {  	v9 =	vadd.f32 v9, v23;
	v11 =	vadd.f32 v11, v16;
	v12 =	vmul.f32 v20, v20;
	v14 =	vld.idx.msk [tilespmem:v17+s18+$0x0], $0xffff  }
0x24a: {  	v7 =	vadd.f32 v7, v10;
	v10 =	vmul.f32 v4, v2;
	v15 =	vmul.f32 v15, v2;
	v20 =	vld.idx.msk [tilespmem:v17+s19+$0x0], $0xffff  }
0x24b: {  	v9 =	vadd.f32 v6, v9;
	v25 =	vadd.f32 v12, v11;
	v19 =	vmul.f32 v19, v19;
	v2 =	vld.idx.msk [tilespmem:v28+s18+$0x0], $0xffff  }
0x24c: {  	v29 =	vor.u32 v41, v31;
	v23 =	vadd.s32 v1, v44;
	v12 =	vadd.f32 v10, v7;
	v4 =	vld.idx.msk [tilespmem:v39+s17+$0x0], $0xffff  }
.Ltmp6:
0x24d: {  	v16 =	vor.u32 $0x4, v17;
	v18 =	vadd.f32 v15, v9;
	v24 =	vadd.f32 v19, v25;
	v11 =	vmovc v42;
	v6 =	vld.idx.msk [tilespmem:v33+s18+$0x0], $0xffff;
	(pc) =	sbr.rel @p0 .LBB2_15-.Ltmp6, $4  }
0x24e: {  	v26 =	vadd.s32 $0x40, v8;
	v9 =	vand.u32 $0xFFFFFF80, v22;
	v25 =	vor.u32 v36, v23;
	v7 =	vld.idx.msk [tilespmem:v35+s17+$0x0], $0xffff  }
0x24f: {  	v10 =	vand.u32 $0x7A, v22;
	v15 =	vadd.s32 v1, v9;
	v19 =	vor.u32 $0x3, v17;
	v9 =	vld.idx.msk [tilespmem:v32+s18+$0x0], $0xffff  }
0x250: {  	v22 =	vand.u32 $0x79, v21;
	v23 =	vand.u32 $0xFFFFFF80, v21;
	v21 =	vor.u32 v10, v15;
	v10 =	vld.idx.msk [tilespmem:v42+s17+$0x0], $0xffff  }
0x251: {  	s30 =	sadd.s32 $0xFFFFFFFF, s30;
	v28 =	vand.u32 $0xFFFFFF80, v26;
	v27 =	vadd.s32 v1, v23;
	v23 =	vor.u32 $0x2, v17;
	v15 =	vld.idx.msk [tilespmem:v29+s18+$0x0], $0xffff  }
0x252: {  	v8 =	vor.u32 $0x1, v17;
	_ =	sdelay $0x4  }
0x253: {  	v17 =	vld.idx.msk [tilespmem:v8+s19+$0x0], $0xffff;
	_ =	sdelay $0x1  }
0x254: {  	v29 =	vld.idx.msk [tilespmem:v23+s19+$0x0], $0xffff  }
0x255: {  	v20 =	vmul.f32 v20, v20  }
0x256: {  	v30 =	vld.idx.msk [tilespmem:v19+s19+$0x0], $0xffff  }
0x257: {  	v20 =	vadd.f32 v20, v24;
	v17 =	vmul.f32 v17, v17  }
0x258: {  	v24 =	vld.idx.msk [tilespmem:v16+s19+$0x0], $0xffff  }
0x259: {  	v17 =	vadd.f32 v17, v20;
	v20 =	vmul.f32 v29, v29  }
0x25a: {  	v29 =	vld.idx.msk [tilespmem:v11+s19+$0x0], $0xffff  }
0x25b: {  	v17 =	vadd.f32 v20, v17;
	v20 =	vmul.f32 v30, v30  }
0x25c: {  	v30 =	vld.idx.msk [tilespmem:v5+s19+$0x0], $0xffff  }
0x25d: {  	v17 =	vadd.f32 v20, v17;
	v20 =	vmul.f32 v24, v24  }
0x25e: {  	v24 =	vld.idx.msk [tilespmem:v3+s19+$0x0], $0xffff  }
0x25f: {  	v17 =	vadd.f32 v20, v17;
	v20 =	vmul.f32 v29, v29;
	_ =	sdelay $0x1  }
0x260: {  	v17 =	vadd.f32 v20, v17;
	v20 =	vmul.f32 v30, v30;
	_ =	sdelay $0x1  }
0x261: {  	v17 =	vadd.f32 v20, v17;
	v20 =	vmul.f32 v24, v24  }
0x262: {  	v26 =	vand.u32 $0x78, v26;
	v28 =	vadd.s32 v1, v28  }
0x263: {  	v26 =	vor.u32 v26, v28;
	v17 =	vadd.f32 v20, v17  }
0x264: {  	v22 =	vor.u32 v22, v27  }
0x265: {  	v20 =	vmax.f32 v17, $1.000000000e+00  }
0x266: {  	v24 =	vshra.s32 v20, $0x1;
	v29 =	vmul.f32 $5.000000000e-01, v20  }
0x267: {  	v25 =	vld.idx.msk [tilespmem:v25+s18+$0x0], $0xffff;
	v24 =	vsub.s32 $0x5F3759DF, v24  }
0x268: {  	v26 =	vld.idx.msk [tilespmem:v26+s18+$0x0], $0xffff;
	v30 =	vmul.f32 v24, v29  }
0x269: {  	v22 =	vld.idx.msk [tilespmem:v22+s18+$0x0], $0xffff  }
0x26a: {  	v28 =	vld.idx.msk [tilespmem:v8+s17+$0x0], $0xffff;
	v30 =	vmul.f32 v24, v30  }
0x26b: {  	v8 =	vld.idx.msk [tilespmem:v8+s18+$0x0], $0xffff  }
0x26c: {  	v21 =	vld.idx.msk [tilespmem:v21+s18+$0x0], $0xffff;
	v27 =	vsub.f32 $1.500000000e+00, v30  }
0x26d: {  	v13 =	vmul.f32 v13, v26;
	v30 =	vld.idx.msk [tilespmem:v23+s17+$0x0], $0xffff  }
0x26e: {  	v14 =	vmul.f32 v14, v26;
	v23 =	vld.idx.msk [tilespmem:v23+s18+$0x0], $0xffff;
	v24 =	vmul.f32 v24, v27  }
0x26f: {  	v31 =	vld.idx.msk [tilespmem:v19+s17+$0x0], $0xffff;
	v12 =	vadd.f32 v13, v12;
	v13 =	vmul.f32 v28, v22  }
0x270: {  	v19 =	vld.idx.msk [tilespmem:v19+s18+$0x0], $0xffff;
	v8 =	vmul.f32 v8, v22;
	v14 =	vadd.f32 v14, v18;
	v27 =	vmul.f32 v24, v29  }
0x271: {  	v26 =	vld.idx.msk [tilespmem:v16+s17+$0x0], $0xffff;
	v12 =	vadd.f32 v13, v12  }
0x272: {  	v8 =	vadd.f32 v8, v14;
	v14 =	vld.idx.msk [tilespmem:v16+s18+$0x0], $0xffff;
	v13 =	vmul.f32 v30, v21;
	v27 =	vmul.f32 v27, v24  }
0x273: {  	v18 =	vmul.f32 v23, v21  }
0x274: {  	v11 =	vld.idx.msk [tilespmem:v11+s18+$0x0], $0xffff;
	v12 =	vadd.f32 v13, v12;
	v13 =	vmul.f32 v31, v25;
	v27 =	vsub.f32 $1.500000000e+00, v27  }
0x275: {  	v16 =	vmul.f32 v19, v25;
	v8 =	vadd.f32 v18, v8  }
0x276: {  	v5 =	vld.idx.msk [tilespmem:v5+s18+$0x0], $0xffff;
	v18 =	vmul.f32 v26, v15;
	v12 =	vadd.f32 v13, v12;
	v24 =	vmul.f32 v27, v24  }
0x277: {  	v14 =	vmul.f32 v14, v15;
	v8 =	vadd.f32 v16, v8  }
0x278: {  	v10 =	vmul.f32 v10, v9;
	v3 =	vld.idx.msk [tilespmem:v3+s18+$0x0], $0xffff;
	v12 =	vadd.f32 v18, v12;
	v22 =	vmul.f32 v24, v29  }
0x279: {  	v9 =	vmul.f32 v11, v9;
	v8 =	vadd.f32 v14, v8  }
0x27a: {  	v7 =	vmul.f32 v7, v6;
	v10 =	vadd.f32 v10, v12;
	v21 =	vmul.f32 v22, v24  }
0x27b: {  	v4 =	vmul.f32 v4, v2;
	v5 =	vmul.f32 v5, v6;
	v6 =	vadd.f32 v9, v8  }
0x27c: {  	v7 =	vadd.f32 v7, v10;
	v19 =	vsub.f32 $1.500000000e+00, v21;
	v21 =	vimm.s32 $0x0  }
0x27d: {  	v2 =	vmul.f32 v3, v2;
	v3 =	vadd.f32 v5, v6;
	v13 =	vadd.s32 $0x40, v21  }
0x27e: {  	v23 =	vand.u32 $0xFFFFFF80, v21;
	v9 =	vadd.s32 $0x42, v21;
	v4 =	vadd.f32 v4, v7  }
0x27f: {  	v19 =	vmul.f32 v19, v24;
	v22 =	vand.u32 $0xFFFFFF80, v13;
	v13 =	vand.u32 $0x78, v13  }
0x280: {  	v24 =	vand.u32 $0x78, v21;
	v5 =	vand.u32 $0xFFFFFF80, v9;
	v22 =	vadd.s32 v1, v22  }
0x281: {  	v9 =	vand.u32 $0x7A, v9;
	v5 =	vadd.s32 v1, v5;
	v13 =	vor.u32 v13, v22  }
0x282: {  	v22 =	vadd.s32 v1, v23;
	v15 =	vmul.f32 v19, v20;
	v5 =	vor.u32 v9, v5  }
0x283: {  	v2 =	vadd.f32 v2, v3;
	v3 =	vadd.s32 $0x41, v21;
	v19 =	vor.u32 v24, v22  }
0x284: {  	v16 =	vand.u32 $0xFFFFFF80, v3;
	v11 =	vadd.f32 $1.000000010e-07, v15  }
0x285: {  	v3 =	vand.u32 $0x79, v3;
	v2 =	vsub.f32 v4, v2;
	v4 =	vadd.s32 v1, v16  }
0x286: {  	v22 =	vor.u32 v3, v4;
	(erf) = vrcp.f32 v11;
	v11 =	vld.idx.msk [tilespmem:v13+s17+$0x0], $0xffff  }
0x287: {  	v15 =	vor.u32 $0x1, v19;
	v5 =	vld.idx.msk [tilespmem:v5+s17+$0x0], $0xffff  }
0x288: {  	v8 =	vld.idx.msk [tilespmem:v19+s19+$0x0], $0xffff  }
0x289: {  	v12 =	vld.idx.msk [tilespmem:v19+s18+$0x0], $0xffff  }
0x28a: {  	v10 =	vor.u32 $0x4, v19;
	v14 =	vld.idx.msk [tilespmem:v19+s17+$0x0], $0xffff  }
0x28b: {  	v22 =	vld.idx.msk [tilespmem:v22+s17+$0x0], $0xffff  }
0x28c: {  	v13 =	vor.u32 $0x3, v19;
	v6 =	vld.idx.msk [tilespmem:v15+s19+$0x0], $0xffff  }
0x28d: {  	v7 =	vld.idx.msk [tilespmem:v15+s18+$0x0], $0xffff  }
0x28e: {  	v9 =	vld.idx.msk [tilespmem:v15+s17+$0x0], $0xffff;
	v15 =	vor.u32 $0x5, v19  }
0x28f: {  	vm0 =	vgt.f32 v17, $1.000000000e+00;
	v24 =	vadd.s32 $0x44, v21;
	v18 =	vld.idx.msk [tilespmem:v10+s19+$0x0], $0xffff  }
0x290: {  	v27 =	vadd.s32 $0x46, v21;
	v20 =	vadd.s32 $0x43, v21;
	v28 =	vand.u32 $0xFFFFFF80, v24;
	v16 =	vld.idx.msk [tilespmem:v10+s18+$0x0], $0xffff  }
0x291: {  	v4 =	vimm.f32 $0.0e+00;
	v24 =	vand.u32 $0x7C, v24;
	v28 =	vadd.s32 v1, v28;
	v23 =	vld.idx.msk [tilespmem:v13+s18+$0x0], $0xffff  }
0x292: {  	v25 =	vor.u32 $0x2, v19;
	v30 =	vor.u32 $0x6, v19;
	v24 =	vor.u32 v24, v28;
	v31 =	vld.idx.msk [tilespmem:v13+s19+$0x0], $0xffff  }
0x293: {  	v19 =	vor.u32 $0x7, v19;
	v11 =	vmul.f32 v11, v2;
	v12 =	vsub.f32 v14, v12;
	v26 =	vld.idx.msk [tilespmem:v15+s19+$0x0], $0xffff  }
0x294: {  	v32 =	vmul.f32 v5, v2;
	v22 =	vmul.f32 v22, v2;
	v29 =	vld.idx.msk [tilespmem:v15+s18+$0x0], $0xffff;
	v7 =	vsub.f32 v9, v7;
	v17 =	vpop (erf)  }
0x295: {  	v9 =	vld.idx.msk [tilespmem:v13+s17+$0x0], $0xffff;
	v13 =	vadd.s32 $0x47, v21;
	v11 =	vadd.f32 v12, v11;
	v3 =	vnsel vm0, $0x3F800000, v17  }
0x296: {  	v15 =	vld.idx.msk [tilespmem:v15+s17+$0x0], $0xffff;
	v17 =	vand.u32 $0xFFFFFF80, v20;
	v20 =	vand.u32 $0x7B, v20;
	v7 =	vadd.f32 v7, v22  }
0x297: {  	v34 =	vld.idx.msk [tilespmem:v30+s17+$0x0], $0xffff;
	v17 =	vadd.s32 v1, v17;
	v8 =	vmul.f32 v8, v3;
	v28 =	vmul.f32 v6, v3  }
0x298: {  	v5 =	vld.idx.msk [tilespmem:v24+s17+$0x0], $0xffff;
	v18 =	vmul.f32 v18, v3;
	v17 =	vor.u32 v20, v17;
	v20 =	vand.u32 $0xFFFFFF80, v27  }
0x299: {  	v39 =	vld.idx.msk [tilespmem:v19+s18+$0x0], $0xffff;
	v24 =	vmul.f32 v31, v3;
	v27 =	vand.u32 $0x7E, v27;
	v20 =	vadd.s32 v1, v20  }
0x29a: {  	v6 =	vor.u32 v27, v20;
	v20 =	vld.idx.msk [tilespmem:v10+s17+$0x0], $0xffff;
	v10 =	vmul.f32 v26, v3;
	v26 =	vand.u32 $0xFFFFFF80, v13  }
0x29b: {  	v31 =	vld.idx.msk [tilespmem:v25+s19+$0x0], $0xffff;
	v15 =	vsub.f32 v15, v29;
	v13 =	vand.u32 $0x7F, v13;
	v26 =	vadd.s32 v1, v26  }
0x29c: {  	v29 =	vld.idx.msk [tilespmem:v19+s19+$0x0], $0xffff;
	v8 =	vadd.f32 v8, v11;
	v26 =	vor.u32 v13, v26;
	v13 =	vadd.s32 $0x8, v21  }
0x29d: {  	v5 =	vmul.f32 v5, v2;
	v23 =	vsub.f32 v9, v23;
	v19 =	vld.idx.msk [tilespmem:v19+s17+$0x0], $0xffff;
	v33 =	vadd.s32 $0x40, v13  }
0x29e: {  	v7 =	vadd.f32 v28, v7;
	v27 =	vld.idx.msk [tilespmem:v30+s18+$0x0], $0xffff;
	v8 =	vand.u32 $0x7FFFFFFF, v8;
	v36 =	vand.u32 $0xFFFFFF80, v33  }
0x29f: {  	v30 =	vld.idx.msk [tilespmem:v30+s19+$0x0], $0xffff;
	v37 =	vand.u32 $0xFFFFFF80, v13;
	v33 =	vand.u32 $0x78, v33;
	v36 =	vadd.s32 v1, v36  }
0x2a0: {  	v9 =	vand.u32 $0x78, v13;
	v17 =	vld.idx.msk [tilespmem:v17+s17+$0x0], $0xffff;
	v51 =	vadd.s32 v1, v37;
	v33 =	vor.u32 v33, v36  }
0x2a1: {  	v28 =	vand.u32 $0x7FFFFFFF, v7;
	v14 =	vsub.f32 v20, v16;
	v20 =	vld.idx.msk [tilespmem:v25+s18+$0x0], $0xffff;
	v36 =	vor.u32 v9, v51  }
0x2a2: {  	v31 =	vmul.f32 v31, v3;
	v4 =	vadd.f32 v8, v4;
	v35 =	vadd.s32 $0x41, v13;
	v25 =	vld.idx.msk [tilespmem:v25+s17+$0x0], $0xffff  }
0x2a3: {  	v54 =	vadd.s32 $0x44, v13;
	v40 =	vadd.s32 $0x43, v13;
	v46 =	vadd.s32 $0x46, v13;
	v12 =	vld.idx.msk [tilespmem:v6+s17+$0x0], $0xffff  }
0x2a4: {  	v53 =	vand.u32 $0x79, v35;
	v43 =	vand.u32 $0xFFFFFF80, v40;
	v26 =	vld.idx.msk [tilespmem:v26+s17+$0x0], $0xffff;
	v52 =	vor.u32 $0x1, v36  }
0x2a5: {  	v48 =	vand.u32 $0xFFFFFF80, v54;
	v19 =	vsub.f32 v19, v39;
	v4 =	vadd.f32 v28, v4;
	v33 =	vld.idx.msk [tilespmem:v33+s17+$0x0], $0xffff  }
0x2a6: {  	v16 =	vadd.s32 $0x45, v21;
	v21 =	vadd.s32 $0x42, v13;
	v27 =	vsub.f32 v34, v27;
	v42 =	vld.idx.msk [tilespmem:v36+s19+$0x0], $0xffff  }
0x2a7: {  	v43 =	vadd.s32 v1, v43;
	v48 =	vadd.s32 v1, v48;
	v45 =	vor.u32 $0x4, v36;
	v44 =	vld.idx.msk [tilespmem:v36+s18+$0x0], $0xffff  }
0x2a8: {  	v38 =	vand.u32 $0x7D, v16;
	v9 =	vand.u32 $0xFFFFFF80, v35;
	v16 =	vand.u32 $0xFFFFFF80, v16;
	v55 =	vld.idx.msk [tilespmem:v36+s17+$0x0], $0xffff  }
0x2a9: {  	v41 =	vor.u32 $0x3, v36;
	v20 =	vsub.f32 v25, v20;
	v25 =	vand.u32 $0xFFFFFF80, v21;
	v47 =	vld.idx.msk [tilespmem:v52+s19+$0x0], $0xffff  }
0x2aa: {  	v57 =	vor.u32 $0x5, v36;
	v21 =	vand.u32 $0x7A, v21;
	v25 =	vadd.s32 v1, v25;
	v56 =	vld.idx.msk [tilespmem:v52+s18+$0x0], $0xffff  }
0x2ab: {  	v35 =	vand.u32 $0x7C, v54;
	v16 =	vadd.s32 v1, v16;
	v21 =	vor.u32 v21, v25;
	v25 =	vld.idx.msk [tilespmem:v52+s17+$0x0], $0xffff  }
0x2ac: {  	v9 =	vadd.s32 v1, v9;
	v5 =	vadd.f32 v14, v5;
	v16 =	vor.u32 v38, v16;
	v22 =	vld.idx.msk [tilespmem:v45+s19+$0x0], $0xffff  }
0x2ad: {  	v6 =	vor.u32 $0x2, v36;
	v11 =	vmul.f32 v17, v2;
	v12 =	vmul.f32 v12, v2;
	v58 =	vld.idx.msk [tilespmem:v45+s18+$0x0], $0xffff  }
0x2ae: {  	v35 =	vor.u32 v35, v48;
	v34 =	vor.u32 v53, v9;
	v14 =	vadd.f32 v18, v5;
	v59 =	vld.idx.msk [tilespmem:v41+s18+$0x0], $0xffff  }
0x2af: {  	v11 =	vadd.f32 v23, v11;
	v12 =	vadd.f32 v27, v12;
	v27 =	vmul.f32 v29, v3;
	v29 =	vld.idx.msk [tilespmem:v57+s18+$0x0], $0xffff  }
0x2b0: {  	v17 =	vand.u32 $0x7E, v46;
	v9 =	vmul.f32 v26, v2;
	v26 =	vand.u32 $0x7B, v40;
	v60 =	vld.idx.msk [tilespmem:v41+s19+$0x0], $0xffff  }
0x2b1: {  	v28 =	vand.u32 $0x7FFFFFFF, v14;
	v11 =	vadd.f32 v24, v11;
	v40 =	vor.u32 v26, v43;
	v18 =	vld.idx.msk [tilespmem:v16+s17+$0x0], $0xffff  }
0x2b2: {  	v61 =	vld.idx.msk [tilespmem:v41+s17+$0x0], $0xffff;
	v16 =	vand.u32 $0xFFFFFF80, v46;
	v26 =	vadd.f32 v19, v9;
	v19 =	vadd.f32 v20, v32  }
0x2b3: {  	v62 =	vld.idx.msk [tilespmem:v45+s17+$0x0], $0xffff;
	v9 =	vor.u32 $0x6, v36;
	v7 =	vadd.s32 v1, v16;
	v11 =	vand.u32 $0x7FFFFFFF, v11  }
0x2b4: {  	v20 =	vld.idx.msk [tilespmem:v57+s19+$0x0], $0xffff;
	v16 =	vor.u32 v17, v7;
	v5 =	vmul.f32 v42, v3;
	v23 =	vadd.f32 v31, v19  }
0x2b5: {  	v19 =	vor.u32 $0x7, v36;
	v21 =	vld.idx.msk [tilespmem:v21+s17+$0x0], $0xffff;
	v7 =	vmul.f32 v22, v3;
	v22 =	vmul.f32 v30, v3  }
0x2b6: {  	v14 =	vsub.f32 v25, v56;
	v25 =	vld.idx.msk [tilespmem:v57+s17+$0x0], $0xffff;
	v18 =	vmul.f32 v18, v2;
	v23 =	vand.u32 $0x7FFFFFFF, v23  }
0x2b7: {  	v24 =	vld.idx.msk [tilespmem:v34+s17+$0x0], $0xffff;
	v27 =	vadd.f32 v27, v26;
	v8 =	vmul.f32 v47, v3;
	v30 =	vadd.f32 v23, v4  }
0x2b8: {  	v17 =	vld.idx.msk [tilespmem:v9+s18+$0x0], $0xffff;
	v15 =	vadd.f32 v15, v18;
	v18 =	vadd.f32 v22, v12;
	v12 =	vadd.s32 $0x47, v13  }
0x2b9: {  	v23 =	vld.idx.msk [tilespmem:v35+s17+$0x0], $0xffff;
	v4 =	vmul.f32 v20, v3;
	v20 =	vand.u32 $0xFFFFFF80, v12;
	v31 =	vadd.f32 v11, v30  }
0x2ba: {  	v26 =	vld.idx.msk [tilespmem:v9+s17+$0x0], $0xffff;
	v11 =	vmul.f32 v60, v3;
	v63 =	vadd.f32 v10, v15;
	v15 =	vmul.f32 v21, v2  }
0x2bb: {  	v22 =	vld.idx.msk [tilespmem:v6+s19+$0x0], $0xffff;
	v21 =	vand.u32 $0x7F, v12;
	v20 =	vadd.s32 v1, v20;
	v10 =	vsub.f32 v25, v29  }
0x2bc: {  	v12 =	vld.idx.msk [tilespmem:v19+s19+$0x0], $0xffff;
	v32 =	vand.u32 $0x7FFFFFFF, v18;
	v29 =	vsub.f32 v55, v44;
	v18 =	vadd.f32 v28, v31  }
0x2bd: {  	v30 =	vor.u32 v21, v20;
	v28 =	vmul.f32 v33, v2;
	v31 =	vld.idx.msk [tilespmem:v6+s18+$0x0], $0xffff;
	v25 =	vand.u32 $0x7FFFFFFF, v63  }
0x2be: {  	v21 =	vld.idx.msk [tilespmem:v40+s17+$0x0], $0xffff;
	v20 =	vsub.f32 v62, v58;
	v33 =	vadd.s32 $0x45, v13;
	v34 =	vadd.f32 v25, v18  }
0x2bf: {  	s30 =	simm.s32 $0x6;
	v13 =	vadd.s32 $0x8, v13;
	v25 =	vmul.f32 v24, v2;
	v18 =	vsub.f32 v61, v59;
	v24 =	vld.idx.msk [tilespmem:v19+s18+$0x0], $0xffff  }
.LBB2_17:
0x2c0: {  	v35 =	vand.u32 $0x78, v13;
	v36 =	vadd.s32 $0x42, v13;
	p0 =	sne.s32 s30, $0x1;
	s30 =	sadd.s32 $0xFFFFFFFF, s30;
	v6 =	vld.idx.msk [tilespmem:v6+s17+$0x0], $0xffff;
	v32 =	vadd.f32 v32, v34  }
0x2c1: {  	v34 =	vadd.s32 $0x40, v13;
	v37 =	vadd.s32 $0x41, v13;
	v27 =	vand.u32 $0x7FFFFFFF, v27  }
0x2c2: {  	v39 =	vand.u32 $0xFFFFFF80, v13;
	v40 =	vand.u32 $0x7D, v33;
	v38 =	vand.u32 $0xFFFFFF80, v34;
	v30 =	vld.idx.msk [tilespmem:v30+s17+$0x0], $0xffff  }
0x2c3: {  	v34 =	vand.u32 $0x78, v34;
	v38 =	vadd.s32 v1, v38;
	v27 =	vadd.f32 v27, v32  }
0x2c4: {  	v23 =	vmul.f32 v23, v2;
	v32 =	vor.u32 v34, v38;
	v34 =	vadd.s32 v1, v39  }
0x2c5: {  	v33 =	vand.u32 $0xFFFFFF80, v33;
	v34 =	vor.u32 v35, v34;
	v35 =	vand.u32 $0xFFFFFF80, v37  }
0x2c6: {  	v35 =	vadd.s32 v1, v35;
	v38 =	vor.u32 $0x1, v34;
	v31 =	vsub.f32 v6, v31;
	v19 =	vld.idx.msk [tilespmem:v19+s17+$0x0], $0xffff  }
0x2c7: {  	v17 =	vsub.f32 v26, v17;
	v39 =	vand.u32 $0xFFFFFF80, v36;
	v36 =	vand.u32 $0x7A, v36;
	v41 =	vld.idx.msk [tilespmem:v9+s19+$0x0], $0xffff  }
0x2c8: {  	v28 =	vadd.f32 v29, v28;
	v26 =	vadd.s32 $0x44, v13;
	v9 =	vand.u32 $0x79, v37;
	v16 =	vld.idx.msk [tilespmem:v16+s17+$0x0], $0xffff  }
0x2c9: {  	v22 =	vmul.f32 v22, v3;
	v37 =	vor.u32 $0x3, v34;
	v29 =	vld.idx.msk [tilespmem:v32+s17+$0x0], $0xffff;
	v32 =	vadd.s32 $0x43, v13  }
0x2ca: {  	v33 =	vadd.s32 v1, v33;
	v6 =	vor.u32 $0x2, v34;
	v42 =	vld.idx.msk [tilespmem:v34+s19+$0x0], $0xffff;
	v43 =	vand.u32 $0xFFFFFF80, v32  }
0x2cb: {  	v46 =	vadd.s32 $0x46, v13;
	v45 =	vor.u32 $0x4, v34;
	v44 =	vld.idx.msk [tilespmem:v34+s18+$0x0], $0xffff;
	v43 =	vadd.s32 v1, v43  }
0x2cc: {  	v48 =	vand.u32 $0xFFFFFF80, v26;
	v26 =	vand.u32 $0x7C, v26;
	v19 =	vsub.f32 v19, v24;
	v47 =	vld.idx.msk [tilespmem:v38+s19+$0x0], $0xffff  }
0x2cd: {  	v33 =	vor.u32 v40, v33;
	v48 =	vadd.s32 v1, v48;
	v39 =	vadd.s32 v1, v39;
	v24 =	vld.idx.msk [tilespmem:v34+s17+$0x0], $0xffff  }
0x2ce: {  	v36 =	vor.u32 v36, v39;
	v35 =	vor.u32 v9, v35;
	v9 =	vmul.f32 v30, v2;
	v40 =	vld.idx.msk [tilespmem:v38+s18+$0x0], $0xffff  }
0x2cf: {  	v14 =	vadd.f32 v14, v25;
	v26 =	vor.u32 v26, v48;
	v32 =	vand.u32 $0x7B, v32;
	v30 =	vld.idx.msk [tilespmem:v38+s17+$0x0], $0xffff  }
0x2d0: {  	v5 =	vadd.f32 v5, v28;
	v20 =	vadd.f32 v20, v23;
	v38 =	vor.u32 $0x5, v34;
	v25 =	vld.idx.msk [tilespmem:v45+s19+$0x0], $0xffff  }
0x2d1: {  	v21 =	vmul.f32 v21, v2;
	v39 =	vor.u32 v32, v43;
	v23 =	vadd.f32 v19, v9;
	v43 =	vld.idx.msk [tilespmem:v45+s18+$0x0], $0xffff  }
0x2d2: {  	v20 =	vadd.f32 v7, v20;
	v19 =	vand.u32 $0x7FFFFFFF, v5;
	v7 =	vmul.f32 v16, v2;
	v28 =	vld.idx.msk [tilespmem:v33+s17+$0x0], $0xffff  }
0x2d3: {  	v8 =	vadd.f32 v8, v14;
	v9 =	vor.u32 $0x6, v34;
	v5 =	vmul.f32 v42, v3;
	v42 =	vld.idx.msk [tilespmem:v37+s18+$0x0], $0xffff  }
0x2d4: {  	v14 =	vand.u32 $0xFFFFFF80, v46;
	v15 =	vadd.f32 v31, v15;
	v16 =	vand.u32 $0x7E, v46;
	v32 =	vld.idx.msk [tilespmem:v36+s17+$0x0], $0xffff  }
0x2d5: {  	v12 =	vmul.f32 v12, v3;
	v33 =	vand.u32 $0x7FFFFFFF, v8;
	v36 =	vadd.f32 v17, v7;
	v31 =	vld.idx.msk [tilespmem:v38+s19+$0x0], $0xffff  }
0x2d6: {  	v18 =	vadd.f32 v18, v21;
	v7 =	vadd.s32 v1, v14;
	v14 =	vadd.f32 v19, v27;
	v46 =	vld.idx.msk [tilespmem:v38+s18+$0x0], $0xffff  }
0x2d7: {  	v15 =	vadd.f32 v22, v15;
	v8 =	vmul.f32 v47, v3;
	v16 =	vor.u32 v16, v7;
	v21 =	vld.idx.msk [tilespmem:v37+s19+$0x0], $0xffff  }
0x2d8: {  	v11 =	vadd.f32 v11, v18;
	v7 =	vmul.f32 v25, v3;
	v18 =	vmul.f32 v28, v2;
	v17 =	vld.idx.msk [tilespmem:v9+s18+$0x0], $0xffff  }
0x2d9: {  	v20 =	vand.u32 $0x7FFFFFFF, v20;
	v27 =	vmul.f32 v41, v3;
	v22 =	vadd.f32 v33, v14;
	v25 =	vld.idx.msk [tilespmem:v35+s17+$0x0], $0xffff  }
0x2da: {  	v11 =	vand.u32 $0x7FFFFFFF, v11;
	v19 =	vor.u32 $0x7, v34;
	v14 =	vsub.f32 v30, v40;
	v28 =	vld.idx.msk [tilespmem:v38+s17+$0x0], $0xffff  }
0x2db: {  	v15 =	vand.u32 $0x7FFFFFFF, v15;
	v10 =	vadd.f32 v10, v18;
	v18 =	vadd.f32 v27, v36;
	v35 =	vld.idx.msk [tilespmem:v37+s17+$0x0], $0xffff  }
0x2dc: {  	v30 =	vadd.s32 $0x47, v13;
	v34 =	vadd.f32 v15, v22;
	v27 =	vadd.f32 v12, v23;
	v33 =	vld.idx.msk [tilespmem:v45+s17+$0x0], $0xffff  }
0x2dd: {  	v12 =	vand.u32 $0xFFFFFF80, v30;
	v36 =	vadd.f32 v4, v10;
	v4 =	vmul.f32 v31, v3;
	v23 =	vld.idx.msk [tilespmem:v26+s17+$0x0], $0xffff  }
0x2de: {  	v15 =	vmul.f32 v32, v2;
	v30 =	vand.u32 $0x7F, v30;
	v31 =	vadd.f32 v11, v34;
	v22 =	vld.idx.msk [tilespmem:v6+s19+$0x0], $0xffff  }
.Ltmp7:
0x2df: {  	v32 =	vand.u32 $0x7FFFFFFF, v18;
	v11 =	vmul.f32 v21, v3;
	v21 =	vadd.s32 v1, v12;
	v12 =	vld.idx.msk [tilespmem:v19+s19+$0x0], $0xffff;
	(pc) =	sbr.rel @p0 .LBB2_17-.Ltmp7, $4  }
0x2e0: {  	v30 =	vor.u32 v30, v21;
	v18 =	vadd.f32 v20, v31;
	v10 =	vsub.f32 v28, v46;
	v26 =	vld.idx.msk [tilespmem:v9+s17+$0x0], $0xffff  }
0x2e1: {  	v28 =	vmul.f32 v29, v2;
	v29 =	vsub.f32 v24, v44;
	v24 =	vand.u32 $0x7FFFFFFF, v36;
	v31 =	vld.idx.msk [tilespmem:v6+s18+$0x0], $0xffff  }
0x2e2: {  	v34 =	vadd.f32 v24, v18;
	v20 =	vsub.f32 v33, v43;
	v33 =	vadd.s32 $0x45, v13;
	v21 =	vld.idx.msk [tilespmem:v39+s17+$0x0], $0xffff  }
0x2e3: {  	v25 =	vmul.f32 v25, v2;
	v18 =	vsub.f32 v35, v42;
	v13 =	vadd.s32 $0x8, v13;
	v24 =	vld.idx.msk [tilespmem:v19+s18+$0x0], $0xffff  }
0x2e4: {  	_ =	sdelay $0x2  }
0x2e5: {  	v13 =	vand.u32 $0xFFFFFF80, v33  }
0x2e6: {  	v6 =	vld.idx.msk [tilespmem:v6+s17+$0x0], $0xffff;
	v48 =	vand.u32 $0x7D, v33;
	v1 =	vadd.s32 v1, v13  }
0x2e7: {  	v1 =	vor.u32 v48, v1;
	_ =	sdelay $0x1  }
0x2e8: {  	v49 =	vadd.f32 v29, v28  }
0x2e9: {  	v50 =	vadd.f32 v32, v34;
	v14 =	vadd.f32 v14, v25  }
0x2ea: {  	v27 =	vand.u32 $0x7FFFFFFF, v27;
	v19 =	vld.idx.msk [tilespmem:v19+s17+$0x0], $0xffff;
	v5 =	vadd.f32 v5, v49;
	v6 =	vsub.f32 v6, v31  }
0x2eb: {  	v22 =	vmul.f32 v22, v3;
	v51 =	vadd.f32 v27, v50;
	v21 =	vmul.f32 v21, v2;
	v1 =	vld.idx.msk [tilespmem:v1+s17+$0x0], $0xffff  }
0x2ec: {  	v16 =	vld.idx.msk [tilespmem:v16+s17+$0x0], $0xffff;
	v8 =	vadd.f32 v8, v14;
	v5 =	vand.u32 $0x7FFFFFFF, v5;
	v6 =	vadd.f32 v6, v15  }
0x2ed: {  	v52 =	vmul.f32 v23, v2;
	v53 =	vsub.f32 v26, v17;
	v5 =	vadd.f32 v5, v51  }
0x2ee: {  	v9 =	vld.idx.msk [tilespmem:v9+s19+$0x0], $0xffff;
	v8 =	vand.u32 $0x7FFFFFFF, v8;
	v55 =	vadd.f32 v18, v21;
	v6 =	vadd.f32 v22, v6  }
0x2ef: {  	v54 =	vld.idx.msk [tilespmem:v30+s17+$0x0], $0xffff;
	v14 =	vadd.f32 v20, v52;
	v5 =	vadd.f32 v8, v5  }
0x2f0: {  	v56 =	vadd.f32 v11, v55;
	v6 =	vand.u32 $0x7FFFFFFF, v6;
	v1 =	vmul.f32 v1, v2  }
0x2f1: {  	v57 =	vsub.f32 v19, v24;
	v16 =	vmul.f32 v16, v2;
	v5 =	vadd.f32 v6, v5  }
0x2f2: {  	v58 =	vadd.f32 v7, v14;
	v59 =	vand.u32 $0x7FFFFFFF, v56;
	v1 =	vadd.f32 v10, v1  }
0x2f3: {  	v61 =	vmul.f32 v9, v3;
	v60 =	vadd.f32 v53, v16;
	v5 =	vadd.f32 v59, v5  }
0x2f4: {  	v2 =	vmul.f32 v54, v2;
	v6 =	vand.u32 $0x7FFFFFFF, v58;
	v1 =	vadd.f32 v4, v1  }
0x2f5: {  	v3 =	vmul.f32 v12, v3;
	v62 =	vadd.f32 v6, v5  }
0x2f6: {  	v63 =	vadd.f32 v61, v60;
	v2 =	vadd.f32 v57, v2;
	v1 =	vand.u32 $0x7FFFFFFF, v1  }
0x2f7: {  	v1 =	vadd.f32 v1, v62  }
0x2f8: {  	v2 =	vadd.f32 v3, v2;
	v3 =	vand.u32 $0x7FFFFFFF, v63  }
0x2f9: {  	s28 =	sadd.s32 $0x1, s28;
	v1 =	vadd.f32 v3, v1  }
0x2fa: {  	p0 =	sne.s32 s28, $0x8;
	v2 =	vand.u32 $0x7FFFFFFF, v2  }
.Ltmp8:
0x2fb: {  	v1 =	vadd.f32 v2, v1;
	(pc) =	sbr.rel @p0 .LBB2_14-.Ltmp8, $3  }
0x2fc: {  	_ = 	snop  }
0x2fd: {  	v1 =	vadd.f32 $-1.200000000e+01, v1;
	_ =	sdelay $0x1  }
0x2fe: {  	[tilespmem:s29+$0x18600] =	vst v1  }
0x2ff: {  	s28 =	simm.s32 $0x0  }
0x300: {  	[hbm4b:s10+s28] =	stream.linear.scatter [tilespmem:s26], [sflag:$0x3], $0x80, $0x38;
	[tilespmem:$0x18680] =	vst v63  }
0x301: {  	_ =	swait.ge [sflag:s13], $0x80  }
0x302: {  	[sflag:s13] =	ssyncset.done $0x0  }
0x303: {  	[sflag:s13] =	ssyncadd.s32 $0xFFFFFF80  }
0x304: {  	_ =	swait.ge [sflag:s31], $0x4000  }
0x305: {  	[sflag:s31] =	ssyncset.done $0x0  }
0x306: {  	[sflag:s31] =	ssyncadd.s32 $0xFFFFC000  }
0x307: {  	_ =	swait.ge [sflag:s31], $0x4000  }
0x308: {  	[sflag:s31] =	ssyncset.done $0x0  }
0x309: {  	[sflag:s31] =	ssyncadd.s32 $0xFFFFC000  }
0x30a: {  	_ =	swait.ge [sflag:s31], $0x4000  }
0x30b: {  	[sflag:s31] =	ssyncset.done $0x0  }
0x30c: {  	[sflag:s31] =	ssyncadd.s32 $0xFFFFC000  }
.LBB2_20:
0x30d: {  	s29 =	sshll.u32 s28, $0x4  }
0x30e: {  	v1 =	vmov s29  }
0x30f: {  	v8 =	vimm.s32 $0x0;
	v1 =	vshll.u32 v1, $0x7  }
0x310: {  	v2 =	vand.u32 $0xFFFFFF80, v8;
	v1 =	vor.u32 v0, v1  }
0x311: {  	v12 =	vimm.f32 $0.0e+00;
	v3 =	vand.u32 $0x78, v8;
	v2 =	vadd.s32 v1, v2  }
0x312: {  	v4 =	vadd.s32 $0x47, v8;
	v6 =	vadd.s32 $0x44, v8;
	v17 =	vor.u32 v3, v2  }
0x313: {  	v9 =	vadd.s32 $0x42, v8;
	v5 =	vand.u32 $0xFFFFFF80, v4;
	v4 =	vand.u32 $0x7F, v4  }
0x314: {  	v16 =	vand.u32 $0x7C, v6;
	v5 =	vadd.s32 v1, v5;
	v3 =	vadd.s32 $0x46, v8  }
0x315: {  	v2 =	vadd.s32 $0x45, v8;
	v4 =	vor.u32 v4, v5;
	v10 =	vand.u32 $0xFFFFFF80, v3  }
0x316: {  	v5 =	vand.u32 $0x7E, v3;
	v3 =	vor.u32 $0x7, v17;
	v10 =	vadd.s32 v1, v10  }
0x317: {  	v6 =	vand.u32 $0xFFFFFF80, v6;
	v11 =	vand.u32 $0xFFFFFF80, v2;
	v10 =	vor.u32 v5, v10;
	v13 =	vld.idx.msk [tilespmem:v17+s20+$0x0], $0xffff  }
0x318: {  	v2 =	vand.u32 $0x7D, v2;
	v11 =	vadd.s32 v1, v11;
	v5 =	vor.u32 $0x6, v17;
	v14 =	vld.idx.msk [tilespmem:v17+s22+$0x0], $0xffff  }
0x319: {  	v7 =	vadd.s32 $0x43, v8;
	v6 =	vadd.s32 v1, v6;
	v18 =	vor.u32 v2, v11;
	v20 =	vld.idx.msk [tilespmem:v17+s24+$0x0], $0xffff  }
0x31a: {  	v15 =	vadd.s32 $0x41, v8;
	v26 =	vadd.s32 $0x40, v8;
	v24 =	vor.u32 v16, v6;
	v2 =	vld.idx.msk [tilespmem:v4+s22+$0x0], $0xffff  }
0x31b: {  	v19 =	vand.u32 $0xFFFFFF80, v7;
	v7 =	vand.u32 $0x7B, v7;
	v11 =	vor.u32 $0x5, v17;
	v4 =	vld.idx.msk [tilespmem:v3+s20+$0x0], $0xffff  }
0x31c: {  	v21 =	vand.u32 $0x7A, v9;
	v19 =	vadd.s32 v1, v19;
	v16 =	vor.u32 $0x4, v17;
	v6 =	vld.idx.msk [tilespmem:v10+s22+$0x0], $0xffff  }
0x31d: {  	v22 =	vand.u32 $0x79, v15;
	v25 =	vor.u32 v7, v19;
	v10 =	vand.u32 $0xFFFFFF80, v9;
	v7 =	vld.idx.msk [tilespmem:v5+s20+$0x0], $0xffff  }
0x31e: {  	v28 =	vand.u32 $0xFFFFFF80, v26;
	v19 =	vor.u32 $0x3, v17;
	v9 =	vld.idx.msk [tilespmem:v18+s22+$0x0], $0xffff;
	v10 =	vadd.s32 v1, v10  }
0x31f: {  	v23 =	vor.u32 $0x2, v17;
	v18 =	vand.u32 $0xFFFFFF80, v15;
	v15 =	vld.idx.msk [tilespmem:v24+s22+$0x0], $0xffff;
	v21 =	vor.u32 v21, v10  }
0x320: {  	s30 =	simm.s32 $0x7;
	v24 =	vimm.f32 $0.0e+00;
	v27 =	vadd.s32 v1, v18;
	v18 =	vimm.f32 $0.0e+00;
	v10 =	vld.idx.msk [tilespmem:v11+s20+$0x0], $0xffff  }
.LBB2_21:
0x321: {  	p0 =	sne.s32 s30, $0x1;
	v26 =	vand.u32 $0x78, v26;
	v28 =	vadd.s32 v1, v28;
	v27 =	vor.u32 v22, v27;
	v29 =	vld.idx.msk [tilespmem:v16+s20+$0x0], $0xffff  }
0x322: {  	v8 =	vadd.s32 $0x8, v8;
	v26 =	vor.u32 v26, v28;
	v25 =	vld.idx.msk [tilespmem:v25+s22+$0x0], $0xffff  }
0x323: {  	v17 =	vor.u32 $0x1, v17;
	v28 =	vadd.s32 $0x47, v8;
	v30 =	vld.idx.msk [tilespmem:v19+s20+$0x0], $0xffff  }
0x324: {  	v31 =	vadd.s32 $0x44, v8;
	v32 =	vadd.s32 $0x45, v8;
	v33 =	vadd.s32 $0x46, v8;
	v34 =	vld.idx.msk [tilespmem:v21+s22+$0x0], $0xffff  }
0x325: {  	v35 =	vand.u32 $0x78, v8;
	v22 =	vadd.s32 $0x42, v8;
	v36 =	vadd.s32 $0x43, v8;
	v37 =	vld.idx.msk [tilespmem:v23+s20+$0x0], $0xffff  }
0x326: {  	v38 =	vand.u32 $0xFFFFFF80, v8;
	v39 =	vand.u32 $0x7F, v28;
	v21 =	vadd.s32 $0x41, v8;
	v27 =	vld.idx.msk [tilespmem:v27+s22+$0x0], $0xffff  }
0x327: {  	v40 =	vand.u32 $0xFFFFFF80, v33;
	v33 =	vand.u32 $0x7E, v33;
	v28 =	vand.u32 $0xFFFFFF80, v28;
	v26 =	vld.idx.msk [tilespmem:v26+s22+$0x0], $0xffff  }
0x328: {  	v41 =	vand.u32 $0x7C, v31;
	v42 =	vand.u32 $0xFFFFFF80, v32;
	v32 =	vand.u32 $0x7D, v32;
	v43 =	vld.idx.msk [tilespmem:v17+s20+$0x0], $0xffff  }
0x329: {  	v44 =	vand.u32 $0xFFFFFF80, v36;
	v36 =	vand.u32 $0x7B, v36;
	v31 =	vand.u32 $0xFFFFFF80, v31;
	v45 =	vld.idx.msk [tilespmem:v17+s22+$0x0], $0xffff  }
0x32a: {  	v38 =	vadd.s32 v1, v38;
	v40 =	vadd.s32 v1, v40;
	v28 =	vadd.s32 v1, v28;
	v46 =	vld.idx.msk [tilespmem:v17+s24+$0x0], $0xffff  }
0x32b: {  	v31 =	vadd.s32 v1, v31;
	v17 =	vor.u32 v35, v38;
	v35 =	vadd.s32 v1, v42;
	v38 =	vld.idx.msk [tilespmem:v23+s22+$0x0], $0xffff  }
0x32c: {  	v33 =	vor.u32 v33, v40;
	v28 =	vor.u32 v39, v28;
	v39 =	vor.u32 $0x7, v17;
	v23 =	vld.idx.msk [tilespmem:v23+s24+$0x0], $0xffff  }
0x32d: {  	v32 =	vor.u32 v32, v35;
	v35 =	vor.u32 $0x6, v17;
	v13 =	vmul.f32 v13, v26;
	v40 =	vld.idx.msk [tilespmem:v19+s22+$0x0], $0xffff  }
0x32e: {  	v20 =	vmul.f32 v20, v20;
	v42 =	vor.u32 $0x5, v17;
	v14 =	vmul.f32 v14, v26;
	v19 =	vld.idx.msk [tilespmem:v19+s24+$0x0], $0xffff  }
0x32f: {  	v12 =	vadd.f32 v13, v12;
	v13 =	vmul.f32 v43, v27;
	v26 =	vmul.f32 v45, v27;
	v27 =	vld.idx.msk [tilespmem:v16+s22+$0x0], $0xffff  }
0x330: {  	v14 =	vadd.f32 v14, v18;
	v18 =	vadd.f32 v20, v24;
	v20 =	vmul.f32 v46, v46;
	v16 =	vld.idx.msk [tilespmem:v16+s24+$0x0], $0xffff  }
0x331: {  	v12 =	vadd.f32 v13, v12;
	v13 =	vmul.f32 v37, v34;
	v24 =	vmul.f32 v38, v34;
	v34 =	vld.idx.msk [tilespmem:v11+s22+$0x0], $0xffff  }
0x332: {  	v14 =	vadd.f32 v26, v14;
	v18 =	vadd.f32 v20, v18;
	v20 =	vmul.f32 v23, v23;
	v11 =	vld.idx.msk [tilespmem:v11+s24+$0x0], $0xffff  }
0x333: {  	v12 =	vadd.f32 v13, v12;
	v13 =	vmul.f32 v30, v25;
	v23 =	vmul.f32 v40, v25;
	v25 =	vld.idx.msk [tilespmem:v5+s22+$0x0], $0xffff  }
0x334: {  	v14 =	vadd.f32 v24, v14;
	v18 =	vadd.f32 v20, v18;
	v19 =	vmul.f32 v19, v19;
	v20 =	vld.idx.msk [tilespmem:v5+s24+$0x0], $0xffff  }
0x335: {  	v24 =	vadd.f32 v13, v12;
	v12 =	vmul.f32 v29, v15;
	v13 =	vmul.f32 v27, v15;
	v15 =	vld.idx.msk [tilespmem:v3+s22+$0x0], $0xffff  }
0x336: {  	v14 =	vadd.f32 v23, v14;
	v18 =	vadd.f32 v19, v18;
	v16 =	vmul.f32 v16, v16;
	v19 =	vld.idx.msk [tilespmem:v3+s24+$0x0], $0xffff  }
0x337: {  	v10 =	vmul.f32 v10, v9;
	v12 =	vadd.f32 v12, v24;
	v9 =	vmul.f32 v34, v9;
	v3 =	vmovc v39  }
0x338: {  	v5 =	vmovc v35;
	v23 =	vadd.f32 v13, v14;
	v16 =	vadd.f32 v16, v18;
	v11 =	vmul.f32 v11, v11  }
0x339: {  	v7 =	vmul.f32 v7, v6;
	v10 =	vadd.f32 v10, v12;
	v6 =	vmul.f32 v25, v6;
	v13 =	vld.idx.msk [tilespmem:v17+s20+$0x0], $0xffff  }
0x33a: {  	v9 =	vadd.f32 v9, v23;
	v11 =	vadd.f32 v11, v16;
	v12 =	vmul.f32 v20, v20;
	v14 =	vld.idx.msk [tilespmem:v17+s22+$0x0], $0xffff  }
0x33b: {  	v7 =	vadd.f32 v7, v10;
	v10 =	vmul.f32 v4, v2;
	v15 =	vmul.f32 v15, v2;
	v20 =	vld.idx.msk [tilespmem:v17+s24+$0x0], $0xffff  }
0x33c: {  	v9 =	vadd.f32 v6, v9;
	v25 =	vadd.f32 v12, v11;
	v19 =	vmul.f32 v19, v19;
	v2 =	vld.idx.msk [tilespmem:v28+s22+$0x0], $0xffff  }
0x33d: {  	v29 =	vor.u32 v41, v31;
	v23 =	vadd.s32 v1, v44;
	v12 =	vadd.f32 v10, v7;
	v4 =	vld.idx.msk [tilespmem:v39+s20+$0x0], $0xffff  }
.Ltmp9:
0x33e: {  	v16 =	vor.u32 $0x4, v17;
	v18 =	vadd.f32 v15, v9;
	v24 =	vadd.f32 v19, v25;
	v11 =	vmovc v42;
	v6 =	vld.idx.msk [tilespmem:v33+s22+$0x0], $0xffff;
	(pc) =	sbr.rel @p0 .LBB2_21-.Ltmp9, $4  }
0x33f: {  	v26 =	vadd.s32 $0x40, v8;
	v9 =	vand.u32 $0xFFFFFF80, v22;
	v25 =	vor.u32 v36, v23;
	v7 =	vld.idx.msk [tilespmem:v35+s20+$0x0], $0xffff  }
0x340: {  	v10 =	vand.u32 $0x7A, v22;
	v15 =	vadd.s32 v1, v9;
	v19 =	vor.u32 $0x3, v17;
	v9 =	vld.idx.msk [tilespmem:v32+s22+$0x0], $0xffff  }
0x341: {  	v22 =	vand.u32 $0x79, v21;
	v23 =	vand.u32 $0xFFFFFF80, v21;
	v21 =	vor.u32 v10, v15;
	v10 =	vld.idx.msk [tilespmem:v42+s20+$0x0], $0xffff  }
0x342: {  	s30 =	sadd.s32 $0xFFFFFFFF, s30;
	v28 =	vand.u32 $0xFFFFFF80, v26;
	v27 =	vadd.s32 v1, v23;
	v23 =	vor.u32 $0x2, v17;
	v15 =	vld.idx.msk [tilespmem:v29+s22+$0x0], $0xffff  }
0x343: {  	v8 =	vor.u32 $0x1, v17;
	_ =	sdelay $0x4  }
0x344: {  	v17 =	vld.idx.msk [tilespmem:v8+s24+$0x0], $0xffff;
	_ =	sdelay $0x1  }
0x345: {  	v29 =	vld.idx.msk [tilespmem:v23+s24+$0x0], $0xffff  }
0x346: {  	v20 =	vmul.f32 v20, v20  }
0x347: {  	v30 =	vld.idx.msk [tilespmem:v19+s24+$0x0], $0xffff  }
0x348: {  	v20 =	vadd.f32 v20, v24;
	v17 =	vmul.f32 v17, v17  }
0x349: {  	v24 =	vld.idx.msk [tilespmem:v16+s24+$0x0], $0xffff  }
0x34a: {  	v17 =	vadd.f32 v17, v20;
	v20 =	vmul.f32 v29, v29  }
0x34b: {  	v29 =	vld.idx.msk [tilespmem:v11+s24+$0x0], $0xffff  }
0x34c: {  	v17 =	vadd.f32 v20, v17;
	v20 =	vmul.f32 v30, v30  }
0x34d: {  	v30 =	vld.idx.msk [tilespmem:v5+s24+$0x0], $0xffff  }
0x34e: {  	v17 =	vadd.f32 v20, v17;
	v20 =	vmul.f32 v24, v24  }
0x34f: {  	v24 =	vld.idx.msk [tilespmem:v3+s24+$0x0], $0xffff  }
0x350: {  	v17 =	vadd.f32 v20, v17;
	v20 =	vmul.f32 v29, v29;
	_ =	sdelay $0x1  }
0x351: {  	v17 =	vadd.f32 v20, v17;
	v20 =	vmul.f32 v30, v30;
	_ =	sdelay $0x1  }
0x352: {  	v17 =	vadd.f32 v20, v17;
	v20 =	vmul.f32 v24, v24  }
0x353: {  	v26 =	vand.u32 $0x78, v26;
	v28 =	vadd.s32 v1, v28  }
0x354: {  	v26 =	vor.u32 v26, v28;
	v17 =	vadd.f32 v20, v17  }
0x355: {  	v22 =	vor.u32 v22, v27  }
0x356: {  	v20 =	vmax.f32 v17, $1.000000000e+00  }
0x357: {  	v24 =	vshra.s32 v20, $0x1;
	v29 =	vmul.f32 $5.000000000e-01, v20  }
0x358: {  	v25 =	vld.idx.msk [tilespmem:v25+s22+$0x0], $0xffff;
	v24 =	vsub.s32 $0x5F3759DF, v24  }
0x359: {  	v26 =	vld.idx.msk [tilespmem:v26+s22+$0x0], $0xffff;
	v30 =	vmul.f32 v24, v29  }
0x35a: {  	v22 =	vld.idx.msk [tilespmem:v22+s22+$0x0], $0xffff  }
0x35b: {  	v28 =	vld.idx.msk [tilespmem:v8+s20+$0x0], $0xffff;
	v30 =	vmul.f32 v24, v30  }
0x35c: {  	v8 =	vld.idx.msk [tilespmem:v8+s22+$0x0], $0xffff  }
0x35d: {  	v21 =	vld.idx.msk [tilespmem:v21+s22+$0x0], $0xffff;
	v27 =	vsub.f32 $1.500000000e+00, v30  }
0x35e: {  	v13 =	vmul.f32 v13, v26;
	v30 =	vld.idx.msk [tilespmem:v23+s20+$0x0], $0xffff  }
0x35f: {  	v14 =	vmul.f32 v14, v26;
	v23 =	vld.idx.msk [tilespmem:v23+s22+$0x0], $0xffff;
	v24 =	vmul.f32 v24, v27  }
0x360: {  	v31 =	vld.idx.msk [tilespmem:v19+s20+$0x0], $0xffff;
	v12 =	vadd.f32 v13, v12;
	v13 =	vmul.f32 v28, v22  }
0x361: {  	v19 =	vld.idx.msk [tilespmem:v19+s22+$0x0], $0xffff;
	v8 =	vmul.f32 v8, v22;
	v14 =	vadd.f32 v14, v18;
	v27 =	vmul.f32 v24, v29  }
0x362: {  	v26 =	vld.idx.msk [tilespmem:v16+s20+$0x0], $0xffff;
	v12 =	vadd.f32 v13, v12  }
0x363: {  	v8 =	vadd.f32 v8, v14;
	v14 =	vld.idx.msk [tilespmem:v16+s22+$0x0], $0xffff;
	v13 =	vmul.f32 v30, v21;
	v27 =	vmul.f32 v27, v24  }
0x364: {  	v18 =	vmul.f32 v23, v21  }
0x365: {  	v11 =	vld.idx.msk [tilespmem:v11+s22+$0x0], $0xffff;
	v12 =	vadd.f32 v13, v12;
	v13 =	vmul.f32 v31, v25;
	v27 =	vsub.f32 $1.500000000e+00, v27  }
0x366: {  	v16 =	vmul.f32 v19, v25;
	v8 =	vadd.f32 v18, v8  }
0x367: {  	v5 =	vld.idx.msk [tilespmem:v5+s22+$0x0], $0xffff;
	v18 =	vmul.f32 v26, v15;
	v12 =	vadd.f32 v13, v12;
	v24 =	vmul.f32 v27, v24  }
0x368: {  	v14 =	vmul.f32 v14, v15;
	v8 =	vadd.f32 v16, v8  }
0x369: {  	v10 =	vmul.f32 v10, v9;
	v3 =	vld.idx.msk [tilespmem:v3+s22+$0x0], $0xffff;
	v12 =	vadd.f32 v18, v12;
	v22 =	vmul.f32 v24, v29  }
0x36a: {  	v9 =	vmul.f32 v11, v9;
	v8 =	vadd.f32 v14, v8  }
0x36b: {  	v7 =	vmul.f32 v7, v6;
	v10 =	vadd.f32 v10, v12;
	v21 =	vmul.f32 v22, v24  }
0x36c: {  	v4 =	vmul.f32 v4, v2;
	v5 =	vmul.f32 v5, v6;
	v6 =	vadd.f32 v9, v8  }
0x36d: {  	v7 =	vadd.f32 v7, v10;
	v19 =	vsub.f32 $1.500000000e+00, v21;
	v21 =	vimm.s32 $0x0  }
0x36e: {  	v2 =	vmul.f32 v3, v2;
	v3 =	vadd.f32 v5, v6;
	v13 =	vadd.s32 $0x40, v21  }
0x36f: {  	v23 =	vand.u32 $0xFFFFFF80, v21;
	v9 =	vadd.s32 $0x42, v21;
	v4 =	vadd.f32 v4, v7  }
0x370: {  	v19 =	vmul.f32 v19, v24;
	v22 =	vand.u32 $0xFFFFFF80, v13;
	v13 =	vand.u32 $0x78, v13  }
0x371: {  	v24 =	vand.u32 $0x78, v21;
	v5 =	vand.u32 $0xFFFFFF80, v9;
	v22 =	vadd.s32 v1, v22  }
0x372: {  	v9 =	vand.u32 $0x7A, v9;
	v5 =	vadd.s32 v1, v5;
	v13 =	vor.u32 v13, v22  }
0x373: {  	v22 =	vadd.s32 v1, v23;
	v15 =	vmul.f32 v19, v20;
	v5 =	vor.u32 v9, v5  }
0x374: {  	v2 =	vadd.f32 v2, v3;
	v3 =	vadd.s32 $0x41, v21;
	v19 =	vor.u32 v24, v22  }
0x375: {  	v16 =	vand.u32 $0xFFFFFF80, v3;
	v11 =	vadd.f32 $1.000000010e-07, v15  }
0x376: {  	v3 =	vand.u32 $0x79, v3;
	v2 =	vsub.f32 v4, v2;
	v4 =	vadd.s32 v1, v16  }
0x377: {  	v22 =	vor.u32 v3, v4;
	(erf) = vrcp.f32 v11;
	v11 =	vld.idx.msk [tilespmem:v13+s20+$0x0], $0xffff  }
0x378: {  	v15 =	vor.u32 $0x1, v19;
	v5 =	vld.idx.msk [tilespmem:v5+s20+$0x0], $0xffff  }
0x379: {  	v8 =	vld.idx.msk [tilespmem:v19+s24+$0x0], $0xffff  }
0x37a: {  	v12 =	vld.idx.msk [tilespmem:v19+s22+$0x0], $0xffff  }
0x37b: {  	v10 =	vor.u32 $0x4, v19;
	v14 =	vld.idx.msk [tilespmem:v19+s20+$0x0], $0xffff  }
0x37c: {  	v22 =	vld.idx.msk [tilespmem:v22+s20+$0x0], $0xffff  }
0x37d: {  	v13 =	vor.u32 $0x3, v19;
	v6 =	vld.idx.msk [tilespmem:v15+s24+$0x0], $0xffff  }
0x37e: {  	v7 =	vld.idx.msk [tilespmem:v15+s22+$0x0], $0xffff  }
0x37f: {  	v9 =	vld.idx.msk [tilespmem:v15+s20+$0x0], $0xffff;
	v15 =	vor.u32 $0x5, v19  }
0x380: {  	vm0 =	vgt.f32 v17, $1.000000000e+00;
	v24 =	vadd.s32 $0x44, v21;
	v18 =	vld.idx.msk [tilespmem:v10+s24+$0x0], $0xffff  }
0x381: {  	v27 =	vadd.s32 $0x46, v21;
	v20 =	vadd.s32 $0x43, v21;
	v28 =	vand.u32 $0xFFFFFF80, v24;
	v16 =	vld.idx.msk [tilespmem:v10+s22+$0x0], $0xffff  }
0x382: {  	v4 =	vimm.f32 $0.0e+00;
	v24 =	vand.u32 $0x7C, v24;
	v28 =	vadd.s32 v1, v28;
	v23 =	vld.idx.msk [tilespmem:v13+s22+$0x0], $0xffff  }
0x383: {  	v25 =	vor.u32 $0x2, v19;
	v30 =	vor.u32 $0x6, v19;
	v24 =	vor.u32 v24, v28;
	v31 =	vld.idx.msk [tilespmem:v13+s24+$0x0], $0xffff  }
0x384: {  	v19 =	vor.u32 $0x7, v19;
	v11 =	vmul.f32 v11, v2;
	v12 =	vsub.f32 v14, v12;
	v26 =	vld.idx.msk [tilespmem:v15+s24+$0x0], $0xffff  }
0x385: {  	v32 =	vmul.f32 v5, v2;
	v22 =	vmul.f32 v22, v2;
	v29 =	vld.idx.msk [tilespmem:v15+s22+$0x0], $0xffff;
	v7 =	vsub.f32 v9, v7;
	v17 =	vpop (erf)  }
0x386: {  	v9 =	vld.idx.msk [tilespmem:v13+s20+$0x0], $0xffff;
	v13 =	vadd.s32 $0x47, v21;
	v11 =	vadd.f32 v12, v11;
	v3 =	vnsel vm0, $0x3F800000, v17  }
0x387: {  	v15 =	vld.idx.msk [tilespmem:v15+s20+$0x0], $0xffff;
	v17 =	vand.u32 $0xFFFFFF80, v20;
	v20 =	vand.u32 $0x7B, v20;
	v7 =	vadd.f32 v7, v22  }
0x388: {  	v34 =	vld.idx.msk [tilespmem:v30+s20+$0x0], $0xffff;
	v17 =	vadd.s32 v1, v17;
	v8 =	vmul.f32 v8, v3;
	v28 =	vmul.f32 v6, v3  }
0x389: {  	v5 =	vld.idx.msk [tilespmem:v24+s20+$0x0], $0xffff;
	v18 =	vmul.f32 v18, v3;
	v17 =	vor.u32 v20, v17;
	v20 =	vand.u32 $0xFFFFFF80, v27  }
0x38a: {  	v39 =	vld.idx.msk [tilespmem:v19+s22+$0x0], $0xffff;
	v24 =	vmul.f32 v31, v3;
	v27 =	vand.u32 $0x7E, v27;
	v20 =	vadd.s32 v1, v20  }
0x38b: {  	v6 =	vor.u32 v27, v20;
	v20 =	vld.idx.msk [tilespmem:v10+s20+$0x0], $0xffff;
	v10 =	vmul.f32 v26, v3;
	v26 =	vand.u32 $0xFFFFFF80, v13  }
0x38c: {  	v31 =	vld.idx.msk [tilespmem:v25+s24+$0x0], $0xffff;
	v15 =	vsub.f32 v15, v29;
	v13 =	vand.u32 $0x7F, v13;
	v26 =	vadd.s32 v1, v26  }
0x38d: {  	v29 =	vld.idx.msk [tilespmem:v19+s24+$0x0], $0xffff;
	v8 =	vadd.f32 v8, v11;
	v26 =	vor.u32 v13, v26;
	v13 =	vadd.s32 $0x8, v21  }
0x38e: {  	v5 =	vmul.f32 v5, v2;
	v23 =	vsub.f32 v9, v23;
	v19 =	vld.idx.msk [tilespmem:v19+s20+$0x0], $0xffff;
	v33 =	vadd.s32 $0x40, v13  }
0x38f: {  	v7 =	vadd.f32 v28, v7;
	v27 =	vld.idx.msk [tilespmem:v30+s22+$0x0], $0xffff;
	v8 =	vand.u32 $0x7FFFFFFF, v8;
	v36 =	vand.u32 $0xFFFFFF80, v33  }
0x390: {  	v30 =	vld.idx.msk [tilespmem:v30+s24+$0x0], $0xffff;
	v37 =	vand.u32 $0xFFFFFF80, v13;
	v33 =	vand.u32 $0x78, v33;
	v36 =	vadd.s32 v1, v36  }
0x391: {  	v9 =	vand.u32 $0x78, v13;
	v17 =	vld.idx.msk [tilespmem:v17+s20+$0x0], $0xffff;
	v51 =	vadd.s32 v1, v37;
	v33 =	vor.u32 v33, v36  }
0x392: {  	v28 =	vand.u32 $0x7FFFFFFF, v7;
	v14 =	vsub.f32 v20, v16;
	v20 =	vld.idx.msk [tilespmem:v25+s22+$0x0], $0xffff;
	v36 =	vor.u32 v9, v51  }
0x393: {  	v31 =	vmul.f32 v31, v3;
	v4 =	vadd.f32 v8, v4;
	v35 =	vadd.s32 $0x41, v13;
	v25 =	vld.idx.msk [tilespmem:v25+s20+$0x0], $0xffff  }
0x394: {  	v54 =	vadd.s32 $0x44, v13;
	v40 =	vadd.s32 $0x43, v13;
	v46 =	vadd.s32 $0x46, v13;
	v12 =	vld.idx.msk [tilespmem:v6+s20+$0x0], $0xffff  }
0x395: {  	v53 =	vand.u32 $0x79, v35;
	v43 =	vand.u32 $0xFFFFFF80, v40;
	v26 =	vld.idx.msk [tilespmem:v26+s20+$0x0], $0xffff;
	v52 =	vor.u32 $0x1, v36  }
0x396: {  	v48 =	vand.u32 $0xFFFFFF80, v54;
	v19 =	vsub.f32 v19, v39;
	v4 =	vadd.f32 v28, v4;
	v33 =	vld.idx.msk [tilespmem:v33+s20+$0x0], $0xffff  }
0x397: {  	v16 =	vadd.s32 $0x45, v21;
	v21 =	vadd.s32 $0x42, v13;
	v27 =	vsub.f32 v34, v27;
	v42 =	vld.idx.msk [tilespmem:v36+s24+$0x0], $0xffff  }
0x398: {  	v43 =	vadd.s32 v1, v43;
	v48 =	vadd.s32 v1, v48;
	v45 =	vor.u32 $0x4, v36;
	v44 =	vld.idx.msk [tilespmem:v36+s22+$0x0], $0xffff  }
0x399: {  	v38 =	vand.u32 $0x7D, v16;
	v9 =	vand.u32 $0xFFFFFF80, v35;
	v16 =	vand.u32 $0xFFFFFF80, v16;
	v55 =	vld.idx.msk [tilespmem:v36+s20+$0x0], $0xffff  }
0x39a: {  	v41 =	vor.u32 $0x3, v36;
	v20 =	vsub.f32 v25, v20;
	v25 =	vand.u32 $0xFFFFFF80, v21;
	v47 =	vld.idx.msk [tilespmem:v52+s24+$0x0], $0xffff  }
0x39b: {  	v57 =	vor.u32 $0x5, v36;
	v21 =	vand.u32 $0x7A, v21;
	v25 =	vadd.s32 v1, v25;
	v56 =	vld.idx.msk [tilespmem:v52+s22+$0x0], $0xffff  }
0x39c: {  	v35 =	vand.u32 $0x7C, v54;
	v16 =	vadd.s32 v1, v16;
	v21 =	vor.u32 v21, v25;
	v25 =	vld.idx.msk [tilespmem:v52+s20+$0x0], $0xffff  }
0x39d: {  	v9 =	vadd.s32 v1, v9;
	v5 =	vadd.f32 v14, v5;
	v16 =	vor.u32 v38, v16;
	v22 =	vld.idx.msk [tilespmem:v45+s24+$0x0], $0xffff  }
0x39e: {  	v6 =	vor.u32 $0x2, v36;
	v11 =	vmul.f32 v17, v2;
	v12 =	vmul.f32 v12, v2;
	v58 =	vld.idx.msk [tilespmem:v45+s22+$0x0], $0xffff  }
0x39f: {  	v35 =	vor.u32 v35, v48;
	v34 =	vor.u32 v53, v9;
	v14 =	vadd.f32 v18, v5;
	v59 =	vld.idx.msk [tilespmem:v41+s22+$0x0], $0xffff  }
0x3a0: {  	v11 =	vadd.f32 v23, v11;
	v12 =	vadd.f32 v27, v12;
	v27 =	vmul.f32 v29, v3;
	v29 =	vld.idx.msk [tilespmem:v57+s22+$0x0], $0xffff  }
0x3a1: {  	v17 =	vand.u32 $0x7E, v46;
	v9 =	vmul.f32 v26, v2;
	v26 =	vand.u32 $0x7B, v40;
	v60 =	vld.idx.msk [tilespmem:v41+s24+$0x0], $0xffff  }
0x3a2: {  	v28 =	vand.u32 $0x7FFFFFFF, v14;
	v11 =	vadd.f32 v24, v11;
	v40 =	vor.u32 v26, v43;
	v18 =	vld.idx.msk [tilespmem:v16+s20+$0x0], $0xffff  }
0x3a3: {  	v61 =	vld.idx.msk [tilespmem:v41+s20+$0x0], $0xffff;
	v16 =	vand.u32 $0xFFFFFF80, v46;
	v26 =	vadd.f32 v19, v9;
	v19 =	vadd.f32 v20, v32  }
0x3a4: {  	v62 =	vld.idx.msk [tilespmem:v45+s20+$0x0], $0xffff;
	v9 =	vor.u32 $0x6, v36;
	v7 =	vadd.s32 v1, v16;
	v11 =	vand.u32 $0x7FFFFFFF, v11  }
0x3a5: {  	v20 =	vld.idx.msk [tilespmem:v57+s24+$0x0], $0xffff;
	v16 =	vor.u32 v17, v7;
	v5 =	vmul.f32 v42, v3;
	v23 =	vadd.f32 v31, v19  }
0x3a6: {  	v19 =	vor.u32 $0x7, v36;
	v21 =	vld.idx.msk [tilespmem:v21+s20+$0x0], $0xffff;
	v7 =	vmul.f32 v22, v3;
	v22 =	vmul.f32 v30, v3  }
0x3a7: {  	v14 =	vsub.f32 v25, v56;
	v25 =	vld.idx.msk [tilespmem:v57+s20+$0x0], $0xffff;
	v18 =	vmul.f32 v18, v2;
	v23 =	vand.u32 $0x7FFFFFFF, v23  }
0x3a8: {  	v24 =	vld.idx.msk [tilespmem:v34+s20+$0x0], $0xffff;
	v27 =	vadd.f32 v27, v26;
	v8 =	vmul.f32 v47, v3;
	v30 =	vadd.f32 v23, v4  }
0x3a9: {  	v17 =	vld.idx.msk [tilespmem:v9+s22+$0x0], $0xffff;
	v15 =	vadd.f32 v15, v18;
	v18 =	vadd.f32 v22, v12;
	v12 =	vadd.s32 $0x47, v13  }
0x3aa: {  	v23 =	vld.idx.msk [tilespmem:v35+s20+$0x0], $0xffff;
	v4 =	vmul.f32 v20, v3;
	v20 =	vand.u32 $0xFFFFFF80, v12;
	v31 =	vadd.f32 v11, v30  }
0x3ab: {  	v26 =	vld.idx.msk [tilespmem:v9+s20+$0x0], $0xffff;
	v11 =	vmul.f32 v60, v3;
	v63 =	vadd.f32 v10, v15;
	v15 =	vmul.f32 v21, v2  }
0x3ac: {  	v22 =	vld.idx.msk [tilespmem:v6+s24+$0x0], $0xffff;
	v21 =	vand.u32 $0x7F, v12;
	v20 =	vadd.s32 v1, v20;
	v10 =	vsub.f32 v25, v29  }
0x3ad: {  	v12 =	vld.idx.msk [tilespmem:v19+s24+$0x0], $0xffff;
	v32 =	vand.u32 $0x7FFFFFFF, v18;
	v29 =	vsub.f32 v55, v44;
	v18 =	vadd.f32 v28, v31  }
0x3ae: {  	v30 =	vor.u32 v21, v20;
	v28 =	vmul.f32 v33, v2;
	v31 =	vld.idx.msk [tilespmem:v6+s22+$0x0], $0xffff;
	v25 =	vand.u32 $0x7FFFFFFF, v63  }
0x3af: {  	v21 =	vld.idx.msk [tilespmem:v40+s20+$0x0], $0xffff;
	v20 =	vsub.f32 v62, v58;
	v33 =	vadd.s32 $0x45, v13;
	v34 =	vadd.f32 v25, v18  }
0x3b0: {  	s30 =	simm.s32 $0x6;
	v13 =	vadd.s32 $0x8, v13;
	v25 =	vmul.f32 v24, v2;
	v18 =	vsub.f32 v61, v59;
	v24 =	vld.idx.msk [tilespmem:v19+s22+$0x0], $0xffff  }
.LBB2_23:
0x3b1: {  	v35 =	vand.u32 $0x78, v13;
	v36 =	vadd.s32 $0x42, v13;
	p0 =	sne.s32 s30, $0x1;
	s30 =	sadd.s32 $0xFFFFFFFF, s30;
	v6 =	vld.idx.msk [tilespmem:v6+s20+$0x0], $0xffff;
	v32 =	vadd.f32 v32, v34  }
0x3b2: {  	v34 =	vadd.s32 $0x40, v13;
	v37 =	vadd.s32 $0x41, v13;
	v27 =	vand.u32 $0x7FFFFFFF, v27  }
0x3b3: {  	v39 =	vand.u32 $0xFFFFFF80, v13;
	v40 =	vand.u32 $0x7D, v33;
	v38 =	vand.u32 $0xFFFFFF80, v34;
	v30 =	vld.idx.msk [tilespmem:v30+s20+$0x0], $0xffff  }
0x3b4: {  	v34 =	vand.u32 $0x78, v34;
	v38 =	vadd.s32 v1, v38;
	v27 =	vadd.f32 v27, v32  }
0x3b5: {  	v23 =	vmul.f32 v23, v2;
	v32 =	vor.u32 v34, v38;
	v34 =	vadd.s32 v1, v39  }
0x3b6: {  	v33 =	vand.u32 $0xFFFFFF80, v33;
	v34 =	vor.u32 v35, v34;
	v35 =	vand.u32 $0xFFFFFF80, v37  }
0x3b7: {  	v35 =	vadd.s32 v1, v35;
	v38 =	vor.u32 $0x1, v34;
	v31 =	vsub.f32 v6, v31;
	v19 =	vld.idx.msk [tilespmem:v19+s20+$0x0], $0xffff  }
0x3b8: {  	v17 =	vsub.f32 v26, v17;
	v39 =	vand.u32 $0xFFFFFF80, v36;
	v36 =	vand.u32 $0x7A, v36;
	v41 =	vld.idx.msk [tilespmem:v9+s24+$0x0], $0xffff  }
0x3b9: {  	v28 =	vadd.f32 v29, v28;
	v26 =	vadd.s32 $0x44, v13;
	v9 =	vand.u32 $0x79, v37;
	v16 =	vld.idx.msk [tilespmem:v16+s20+$0x0], $0xffff  }
0x3ba: {  	v22 =	vmul.f32 v22, v3;
	v37 =	vor.u32 $0x3, v34;
	v29 =	vld.idx.msk [tilespmem:v32+s20+$0x0], $0xffff;
	v32 =	vadd.s32 $0x43, v13  }
0x3bb: {  	v33 =	vadd.s32 v1, v33;
	v6 =	vor.u32 $0x2, v34;
	v42 =	vld.idx.msk [tilespmem:v34+s24+$0x0], $0xffff;
	v43 =	vand.u32 $0xFFFFFF80, v32  }
0x3bc: {  	v46 =	vadd.s32 $0x46, v13;
	v45 =	vor.u32 $0x4, v34;
	v44 =	vld.idx.msk [tilespmem:v34+s22+$0x0], $0xffff;
	v43 =	vadd.s32 v1, v43  }
0x3bd: {  	v48 =	vand.u32 $0xFFFFFF80, v26;
	v26 =	vand.u32 $0x7C, v26;
	v19 =	vsub.f32 v19, v24;
	v47 =	vld.idx.msk [tilespmem:v38+s24+$0x0], $0xffff  }
0x3be: {  	v33 =	vor.u32 v40, v33;
	v48 =	vadd.s32 v1, v48;
	v39 =	vadd.s32 v1, v39;
	v24 =	vld.idx.msk [tilespmem:v34+s20+$0x0], $0xffff  }
0x3bf: {  	v36 =	vor.u32 v36, v39;
	v35 =	vor.u32 v9, v35;
	v9 =	vmul.f32 v30, v2;
	v40 =	vld.idx.msk [tilespmem:v38+s22+$0x0], $0xffff  }
0x3c0: {  	v14 =	vadd.f32 v14, v25;
	v26 =	vor.u32 v26, v48;
	v32 =	vand.u32 $0x7B, v32;
	v30 =	vld.idx.msk [tilespmem:v38+s20+$0x0], $0xffff  }
0x3c1: {  	v5 =	vadd.f32 v5, v28;
	v20 =	vadd.f32 v20, v23;
	v38 =	vor.u32 $0x5, v34;
	v25 =	vld.idx.msk [tilespmem:v45+s24+$0x0], $0xffff  }
0x3c2: {  	v21 =	vmul.f32 v21, v2;
	v39 =	vor.u32 v32, v43;
	v23 =	vadd.f32 v19, v9;
	v43 =	vld.idx.msk [tilespmem:v45+s22+$0x0], $0xffff  }
0x3c3: {  	v20 =	vadd.f32 v7, v20;
	v19 =	vand.u32 $0x7FFFFFFF, v5;
	v7 =	vmul.f32 v16, v2;
	v28 =	vld.idx.msk [tilespmem:v33+s20+$0x0], $0xffff  }
0x3c4: {  	v8 =	vadd.f32 v8, v14;
	v9 =	vor.u32 $0x6, v34;
	v5 =	vmul.f32 v42, v3;
	v42 =	vld.idx.msk [tilespmem:v37+s22+$0x0], $0xffff  }
0x3c5: {  	v14 =	vand.u32 $0xFFFFFF80, v46;
	v15 =	vadd.f32 v31, v15;
	v16 =	vand.u32 $0x7E, v46;
	v32 =	vld.idx.msk [tilespmem:v36+s20+$0x0], $0xffff  }
0x3c6: {  	v12 =	vmul.f32 v12, v3;
	v33 =	vand.u32 $0x7FFFFFFF, v8;
	v36 =	vadd.f32 v17, v7;
	v31 =	vld.idx.msk [tilespmem:v38+s24+$0x0], $0xffff  }
0x3c7: {  	v18 =	vadd.f32 v18, v21;
	v7 =	vadd.s32 v1, v14;
	v14 =	vadd.f32 v19, v27;
	v46 =	vld.idx.msk [tilespmem:v38+s22+$0x0], $0xffff  }
0x3c8: {  	v15 =	vadd.f32 v22, v15;
	v8 =	vmul.f32 v47, v3;
	v16 =	vor.u32 v16, v7;
	v21 =	vld.idx.msk [tilespmem:v37+s24+$0x0], $0xffff  }
0x3c9: {  	v11 =	vadd.f32 v11, v18;
	v7 =	vmul.f32 v25, v3;
	v18 =	vmul.f32 v28, v2;
	v17 =	vld.idx.msk [tilespmem:v9+s22+$0x0], $0xffff  }
0x3ca: {  	v20 =	vand.u32 $0x7FFFFFFF, v20;
	v27 =	vmul.f32 v41, v3;
	v22 =	vadd.f32 v33, v14;
	v25 =	vld.idx.msk [tilespmem:v35+s20+$0x0], $0xffff  }
0x3cb: {  	v11 =	vand.u32 $0x7FFFFFFF, v11;
	v19 =	vor.u32 $0x7, v34;
	v14 =	vsub.f32 v30, v40;
	v28 =	vld.idx.msk [tilespmem:v38+s20+$0x0], $0xffff  }
0x3cc: {  	v15 =	vand.u32 $0x7FFFFFFF, v15;
	v10 =	vadd.f32 v10, v18;
	v18 =	vadd.f32 v27, v36;
	v35 =	vld.idx.msk [tilespmem:v37+s20+$0x0], $0xffff  }
0x3cd: {  	v30 =	vadd.s32 $0x47, v13;
	v34 =	vadd.f32 v15, v22;
	v27 =	vadd.f32 v12, v23;
	v33 =	vld.idx.msk [tilespmem:v45+s20+$0x0], $0xffff  }
0x3ce: {  	v12 =	vand.u32 $0xFFFFFF80, v30;
	v36 =	vadd.f32 v4, v10;
	v4 =	vmul.f32 v31, v3;
	v23 =	vld.idx.msk [tilespmem:v26+s20+$0x0], $0xffff  }
0x3cf: {  	v15 =	vmul.f32 v32, v2;
	v30 =	vand.u32 $0x7F, v30;
	v31 =	vadd.f32 v11, v34;
	v22 =	vld.idx.msk [tilespmem:v6+s24+$0x0], $0xffff  }
.Ltmp10:
0x3d0: {  	v32 =	vand.u32 $0x7FFFFFFF, v18;
	v11 =	vmul.f32 v21, v3;
	v21 =	vadd.s32 v1, v12;
	v12 =	vld.idx.msk [tilespmem:v19+s24+$0x0], $0xffff;
	(pc) =	sbr.rel @p0 .LBB2_23-.Ltmp10, $4  }
0x3d1: {  	v30 =	vor.u32 v30, v21;
	v18 =	vadd.f32 v20, v31;
	v10 =	vsub.f32 v28, v46;
	v26 =	vld.idx.msk [tilespmem:v9+s20+$0x0], $0xffff  }
0x3d2: {  	v28 =	vmul.f32 v29, v2;
	v29 =	vsub.f32 v24, v44;
	v24 =	vand.u32 $0x7FFFFFFF, v36;
	v31 =	vld.idx.msk [tilespmem:v6+s22+$0x0], $0xffff  }
0x3d3: {  	v34 =	vadd.f32 v24, v18;
	v20 =	vsub.f32 v33, v43;
	v33 =	vadd.s32 $0x45, v13;
	v21 =	vld.idx.msk [tilespmem:v39+s20+$0x0], $0xffff  }
0x3d4: {  	v25 =	vmul.f32 v25, v2;
	v18 =	vsub.f32 v35, v42;
	v13 =	vadd.s32 $0x8, v13;
	v24 =	vld.idx.msk [tilespmem:v19+s22+$0x0], $0xffff  }
0x3d5: {  	_ =	sdelay $0x2  }
0x3d6: {  	v13 =	vand.u32 $0xFFFFFF80, v33  }
0x3d7: {  	v6 =	vld.idx.msk [tilespmem:v6+s20+$0x0], $0xffff;
	v48 =	vand.u32 $0x7D, v33;
	v1 =	vadd.s32 v1, v13  }
0x3d8: {  	v1 =	vor.u32 v48, v1;
	_ =	sdelay $0x1  }
0x3d9: {  	v49 =	vadd.f32 v29, v28  }
0x3da: {  	v50 =	vadd.f32 v32, v34;
	v14 =	vadd.f32 v14, v25  }
0x3db: {  	v27 =	vand.u32 $0x7FFFFFFF, v27;
	v19 =	vld.idx.msk [tilespmem:v19+s20+$0x0], $0xffff;
	v5 =	vadd.f32 v5, v49;
	v6 =	vsub.f32 v6, v31  }
0x3dc: {  	v22 =	vmul.f32 v22, v3;
	v51 =	vadd.f32 v27, v50;
	v21 =	vmul.f32 v21, v2;
	v1 =	vld.idx.msk [tilespmem:v1+s20+$0x0], $0xffff  }
0x3dd: {  	v16 =	vld.idx.msk [tilespmem:v16+s20+$0x0], $0xffff;
	v8 =	vadd.f32 v8, v14;
	v5 =	vand.u32 $0x7FFFFFFF, v5;
	v6 =	vadd.f32 v6, v15  }
0x3de: {  	v52 =	vmul.f32 v23, v2;
	v53 =	vsub.f32 v26, v17;
	v5 =	vadd.f32 v5, v51  }
0x3df: {  	v9 =	vld.idx.msk [tilespmem:v9+s24+$0x0], $0xffff;
	v8 =	vand.u32 $0x7FFFFFFF, v8;
	v55 =	vadd.f32 v18, v21;
	v6 =	vadd.f32 v22, v6  }
0x3e0: {  	v54 =	vld.idx.msk [tilespmem:v30+s20+$0x0], $0xffff;
	v14 =	vadd.f32 v20, v52;
	v5 =	vadd.f32 v8, v5  }
0x3e1: {  	v56 =	vadd.f32 v11, v55;
	v6 =	vand.u32 $0x7FFFFFFF, v6;
	v1 =	vmul.f32 v1, v2  }
0x3e2: {  	v57 =	vsub.f32 v19, v24;
	v16 =	vmul.f32 v16, v2;
	v5 =	vadd.f32 v6, v5  }
0x3e3: {  	v58 =	vadd.f32 v7, v14;
	v59 =	vand.u32 $0x7FFFFFFF, v56;
	v1 =	vadd.f32 v10, v1  }
0x3e4: {  	v61 =	vmul.f32 v9, v3;
	v60 =	vadd.f32 v53, v16;
	v5 =	vadd.f32 v59, v5  }
0x3e5: {  	v2 =	vmul.f32 v54, v2;
	v6 =	vand.u32 $0x7FFFFFFF, v58;
	v1 =	vadd.f32 v4, v1  }
0x3e6: {  	v3 =	vmul.f32 v12, v3;
	v62 =	vadd.f32 v6, v5  }
0x3e7: {  	v63 =	vadd.f32 v61, v60;
	v2 =	vadd.f32 v57, v2;
	v1 =	vand.u32 $0x7FFFFFFF, v1  }
0x3e8: {  	v1 =	vadd.f32 v1, v62  }
0x3e9: {  	v2 =	vadd.f32 v3, v2;
	v3 =	vand.u32 $0x7FFFFFFF, v63  }
0x3ea: {  	s28 =	sadd.s32 $0x1, s28;
	v1 =	vadd.f32 v3, v1  }
0x3eb: {  	p0 =	sne.s32 s28, $0x8;
	v2 =	vand.u32 $0x7FFFFFFF, v2  }
.Ltmp11:
0x3ec: {  	v1 =	vadd.f32 v2, v1;
	(pc) =	sbr.rel @p0 .LBB2_20-.Ltmp11, $3  }
0x3ed: {  	_ = 	snop  }
0x3ee: {  	v1 =	vadd.f32 $-1.200000000e+01, v1;
	_ =	sdelay $0x1  }
0x3ef: {  	[tilespmem:s29+$0x18600] =	vst v1  }
0x3f0: {  	s23 =	sadd.s32 $0x1, s23  }
0x3f1: {  	p0 =	sne.s32 s23, s12  }
.Ltmp12:
0x3f2: {  	_ = 	snop;
	(pc) =	sbr.rel @p0 .LBB2_1-.Ltmp12, $4  }
0x3f3: {  	[hbm4b:s11+s2] =	stream.linear.scatter [tilespmem:s26], [sflag:$0x3], $0x80, $0x38;
	[tilespmem:$0x18680] =	vst v63  }
0x3f4: {  	_ =	swait.ge [sflag:s13], $0x80  }
0x3f5: {  	[sflag:s13] =	ssyncset.done $0x0  }
0x3f6: {  	[sflag:s13] =	ssyncadd.s32 $0xFFFFFF80  }
0x3f7: {  	_ =	sfence.sel $0x180000  }
0x3f8: {  	[bflag:$0x0] =	sbarrier.arrive $0xFFFF  }
0x3f9: {  	_ =	strace $0x90000047  }
0x3fa: {  	s0 =	stileid.u32;
	[bflag:$0x2] =	sbarrier.arrive $0xFFFF  }
0x3fb: {  	p0 =	sne.s32 s0, $0x0;
	s0 =	rddreg [dreg:$0x2]  }
0x3fc: {  	s0 =	sadd.s32 @!p0 $0x100000, s0  }
0x3fd: {  	[sflag:s0] =	ssyncadd.tile.s32 @!p0 $0x1;
	_ =	shalt  }
.Lfunc_end2:
_tile_overlayer_lowered:
.L_overlay_start_2:
0x3fe: {  	(tag) =	ssettag $0x2  }
0x3ff: {  	s0 =	rddreg [dreg:$0x0];
	s2 =	stileid.u32  }
0x400: {  	s1 =	rddreg [dreg:$0x1];
	p0 =	sne.s32 s2, $0x0  }
0x401: {  	s3 =	rddreg [dreg:$0x2];
	[bflag:$0x3] =	sbarrier.arrive $0xFFFF;
	s2 =	simm.s32 @!p0 $0x1C03  }
0x402: {  	[timem:s3], [sflag:s2] =	dma.local @!p0 [hbm:s0], s1  }
0x403: {  	s0 =	simm.s32 @!p0 $0x3  }
0x404: {  	_ =	swait.ge @!p0 [sflag:s0], s1  }
0x405: {  	s1 =	ssub.s32 @!p0 $0x0, s1;
	[sflag:s0] =	ssyncset.done @!p0 $0x0  }
0x406: {  	[sflag:s0] =	ssyncadd.s32 @!p0 s1  }
0x407: {  	[bflag:$0x3] =	sbarrier.arrive $0xFFFF  }
0x408: {  	_ =	shalt  }

</sc_bundles>
